<compile_context>
chip_gen: v7x
topology: tpu7x:2x2x1
jax: 0.10.2.dev20260603
libtpu: 0.0.44.dev20260713+nightly
codegen_flags: <defaults>
</compile_context>

<pallas_src>
import functools

import jax
import jax.numpy as jnp
from jax import lax
from jax.experimental import pallas as pl
from jax.experimental.pallas import tpu as pltpu
import jax.experimental.pallas.tpu_sc as plsc

N = 2048
D = 384
NS = 16
L = 16
RPT = N // NS
GPT = RPT // L
CPD = D // L
KCAP = 10
NCAND = NS * L
BIG = 2 ** 30


def _sigm(v):
    return 1.0 / (1.0 + jnp.exp(-v))


def _gate_sc(emb_hbm, sit_hbm, meta_hbm, sclr_hbm, mask_hbm, scores_hbm,
             emb_v, sit_v, meta_v, sclr_v, sco_v, wrk_v, cs_v, ci_v,
             allc_v, alli_v, mask_v, sh_s, sh_i):
    cid = lax.axis_index("c")
    sid = lax.axis_index("s")

    @pl.when(cid == 0)
    def _():
        base = sid * RPT
        pltpu.sync_copy(emb_hbm.at[pl.ds(base, RPT)], emb_v)
        pltpu.sync_copy(sit_hbm, sit_v)
        pltpu.sync_copy(meta_hbm.at[pl.ds(base * 4, RPT * 4)], meta_v)
        pltpu.sync_copy(sclr_hbm, sclr_v)

        lanes = lax.iota(jnp.int32, L)
        sclr = sclr_v[...]
        sig = _sigm(sclr)
        c_rec = sig[0]
        c_dec = sig[1]
        omg = 1.0 - sig[2]
        thr = sig[3]
        meta_b = sclr[4]
        w0, w1, w2, w3 = sclr[5], sclr[6], sclr[7], sclr[8]
        cap_k = sclr[9].astype(jnp.int32)
        min_k = sclr[10].astype(jnp.int32)

        sit = [sit_v[pl.ds(c * L, L)] for c in range(CPD)]

        def group_body(g, _):
            rawv = jnp.zeros((L,), jnp.float32)
            for i in range(L):
                r = g * L + i
                acc = jnp.zeros((L,), jnp.float32)
                for c in range(CPD):
                    acc = acc + emb_v[r, pl.ds(c * L, L)] * sit[c]
                rawv = jnp.where(lanes == i, jnp.sum(acc), rawv)
            rows = g * L + lanes
            gidx = rows * 4
            m0 = plsc.load_gather(meta_v, [gidx])
            m1 = plsc.load_gather(meta_v, [gidx + 1])
            m2 = plsc.load_gather(meta_v, [gidx + 2])
            m3 = plsc.load_gather(meta_v, [gidx + 3])
            mbias = (m0 * w0 + m1 * w1 + m2 * w2 + m3 * w3) + meta_b
            rec = (base + rows).astype(jnp.float32) / jnp.float32(N - 1)
            x = omg * (((rawv + c_rec * rec) + mbias) - c_dec * (1.0 - rec))
            sv = _sigm(x)
            sco_v[pl.ds(g * L, L)] = sv
            wrk_v[pl.ds(g * L, L)] = sv
            return 0

        lax.fori_loop(0, GPT, group_body, 0)

        def round_body(t, carry):
            cs, ci = carry
            m = jnp.full((L,), -2.0, jnp.float32)
            for c in range(GPT):
                m = jnp.maximum(m, wrk_v[pl.ds(c * L, L)])
            smax = jnp.max(m)
            im = jnp.full((L,), BIG, jnp.int32)
            for c in range(GPT):
                v = wrk_v[pl.ds(c * L, L)]
                im = jnp.minimum(im, jnp.where(v == smax, lanes + c * L, BIG))
            li = jnp.min(im)
            cs = jnp.where(lanes == t, smax, cs)
            ci = jnp.where(lanes == t, base + li, ci)
            ch = li // L
            ln = li - ch * L
            old = wrk_v[pl.ds(ch * L, L)]
            wrk_v[pl.ds(ch * L, L)] = jnp.where(lanes == ln, -1.0, old)
            return cs, ci

        cs, ci = lax.fori_loop(
            0, KCAP, round_body,
            (jnp.full((L,), -1.0, jnp.float32), jnp.full((L,), BIG, jnp.int32)))
        cs_v[pl.ds(0, L)] = cs
        ci_v[pl.ds(0, L)] = ci
        cs_v[pl.ds(L, L)] = jnp.full((L,), -1.0, jnp.float32)
        ci_v[pl.ds(L, L)] = jnp.full((L,), BIG, jnp.int32)

        pltpu.sync_copy(cs_v.at[pl.ds(0, L)], sh_s.at[pl.ds(sid * L, L)])
        pltpu.sync_copy(ci_v.at[pl.ds(0, L)], sh_i.at[pl.ds(sid * L, L)])
        plsc.subcore_barrier()
        pltpu.sync_copy(sh_s, allc_v)
        pltpu.sync_copy(sh_i, alli_v)

        for c in range(GPT):
            mask_v[pl.ds(c * L, L)] = jnp.zeros((L,), jnp.int32)

        def rank_body(t, _):
            s_c = cs_v[pl.ds(t, L)][0]
            i_c = ci_v[pl.ds(t, L)][0]
            acc = jnp.zeros((L,), jnp.int32)
            for c in range(NCAND // L):
                v = allc_v[pl.ds(c * L, L)]
                vi = alli_v[pl.ds(c * L, L)]
                gt = v > s_c
                eq = jnp.logical_and(v == s_c, vi < i_c)
                acc = acc + gt.astype(jnp.int32) + eq.astype(jnp.int32)
            rank = jnp.sum(acc)
            sel = jnp.logical_or(
                jnp.logical_and(s_c > thr, rank < cap_k), rank < min_k)
            val = sel.astype(jnp.int32)
            off = i_c - base
            ch = off // L
            ln = off - ch * L
            old = mask_v[pl.ds(ch * L, L)]
            mask_v[pl.ds(ch * L, L)] = jnp.where(lanes == ln, val, old)
            return 0

        lax.fori_loop(0, KCAP, rank_body, 0)
        pltpu.sync_copy(mask_v, mask_hbm.at[pl.ds(base, RPT)])
        pltpu.sync_copy(sco_v, scores_hbm.at[pl.ds(base, RPT)])


@functools.cache
def _gate_kernel():
    return functools.partial(
        pl.kernel,
        out_type=(jax.ShapeDtypeStruct((N,), jnp.int32),
                  jax.ShapeDtypeStruct((N,), jnp.float32)),
        mesh=plsc.VectorSubcoreMesh(
            core_axis_name="c", subcore_axis_name="s",
            num_cores=1, num_subcores=NS),
        scratch_types=[
            pltpu.VMEM((RPT, D), jnp.float32),
            pltpu.VMEM((D,), jnp.float32),
            pltpu.VMEM((RPT * 4,), jnp.float32),
            pltpu.VMEM((L,), jnp.float32),
            pltpu.VMEM((RPT,), jnp.float32),
            pltpu.VMEM((RPT,), jnp.float32),
            pltpu.VMEM((2 * L,), jnp.float32),
            pltpu.VMEM((2 * L,), jnp.int32),
            pltpu.VMEM((NCAND,), jnp.float32),
            pltpu.VMEM((NCAND,), jnp.int32),
            pltpu.VMEM((RPT,), jnp.int32),
            pltpu.VMEM_SHARED((NCAND,), jnp.float32),
            pltpu.VMEM_SHARED((NCAND,), jnp.int32),
        ],
        compiler_params=pltpu.CompilerParams(needs_layout_passes=False),
    )(_gate_sc)


def kernel(situation, turn_embeddings, turn_metadata, params, min_turns,
           max_select):
    p = params
    sb = lax.optimization_barrier(
        situation.astype(jnp.bfloat16)).astype(jnp.float32)
    wb = lax.optimization_barrier(
        p['W'].astype(jnp.bfloat16)).astype(jnp.float32)
    proj = jnp.sum(wb * sb[:, None], axis=0)
    embb = lax.optimization_barrier(
        turn_embeddings.astype(jnp.bfloat16)).astype(jnp.float32)

    cap_k = jnp.minimum(jnp.int32(KCAP), max_select)
    min_k = jnp.minimum(jnp.int32(2), min_turns)
    sclr = jnp.stack([
        p['recency_weight'], p['decay_rate'], p['residual_gate'],
        p['threshold_logit'], p['meta_b'][0], p['meta_w'][0, 0],
        p['meta_w'][0, 1], p['meta_w'][0, 2], p['meta_w'][0, 3],
        cap_k.astype(jnp.float32), min_k.astype(jnp.float32),
        jnp.float32(0), jnp.float32(0), jnp.float32(0), jnp.float32(0),
        jnp.float32(0)])

    mask_i, scores = _gate_kernel()(
        embb, proj, turn_metadata.reshape(N * 4), sclr)
    return mask_i.astype(bool), scores

# --- scband reference (transcript-rebuilt; emitter-appended) ---
"""Pipeline reference for scband-conversation-gate-25443386262337 (READ-ONLY COPY).

The authoritative reference and input builder live on the scoring server;
editing this copy changes nothing except your own understanding.
"""

import jax, jax.numpy as jnp
import numpy as np

DIM = 384
HEAD_DIM = 64
N_TURNS = 2048
TURN_META_DIM = 4


def _linear_params(key, in_dim, out_dim, zero=False):
    if zero:
        return jnp.zeros((out_dim, in_dim), jnp.float32), jnp.zeros((out_dim,), jnp.float32)
    k1, k2 = jax.random.split(key)
    w = jax.random.normal(k1, (out_dim, in_dim), jnp.float32) * 0.05
    b = jax.random.normal(k2, (out_dim,), jnp.float32) * 0.05
    return w, b


def setup_inputs(seed: int = 0) -> dict:
    key = jax.random.key(seed)
    ks = jax.random.split(key, 16)
    situation = jax.random.normal(ks[0], (DIM,), jnp.float32)
    turn_embeddings = jax.random.normal(ks[1], (N_TURNS, DIM), jnp.float32)
    turn_metadata = jax.random.uniform(ks[2], (N_TURNS, TURN_META_DIM), dtype=jnp.float32)
    params = {}
    params['W'] = jnp.eye(DIM, dtype=jnp.float32)
    params['recency_weight'] = jnp.float32(0.3)
    params['decay_rate'] = jnp.float32(0.5)
    params['meta_w'], params['meta_b'] = _linear_params(ks[3], TURN_META_DIM, 1, zero=True)
    params['turn_proj_w'], params['turn_proj_b'] = _linear_params(ks[4], DIM + 1 + TURN_META_DIM, HEAD_DIM)
    params['sit_proj_w'], params['sit_proj_b'] = _linear_params(ks[5], DIM, HEAD_DIM)
    params['sa_q_w'], params['sa_q_b'] = _linear_params(ks[6], HEAD_DIM, HEAD_DIM)
    params['sa_k_w'], params['sa_k_b'] = _linear_params(ks[7], HEAD_DIM, HEAD_DIM)
    params['sa_v_w'], params['sa_v_b'] = _linear_params(ks[8], HEAD_DIM, HEAD_DIM)
    params['ca_q_w'], params['ca_q_b'] = _linear_params(ks[9], HEAD_DIM, HEAD_DIM)
    params['ca_k_w'], params['ca_k_b'] = _linear_params(ks[10], HEAD_DIM, HEAD_DIM)
    params['ca_v_w'], params['ca_v_b'] = _linear_params(ks[11], HEAD_DIM, HEAD_DIM)
    params['score_w'], params['score_b'] = _linear_params(ks[12], HEAD_DIM, 1, zero=True)
    params['residual_gate'] = jnp.float32(-5.0)
    params['threshold_logit'] = jnp.float32(0.0)
    return {"situation": situation, "turn_embeddings": turn_embeddings, "turn_metadata": turn_metadata, "params": params, "min_turns": 2, "max_select": 10}


def _score_turns(situation, turn_embeddings, turn_metadata, p):
    N = turn_embeddings.shape[0]
    # BilinearScorer
    projected = situation @ p['W']
    raw_scores = turn_embeddings @ projected
    positions = jnp.arange(N, dtype=jnp.float32)
    recency = positions / max(N - 1, 1)
    recency_bias = jax.nn.sigmoid(p['recency_weight']) * recency
    scores = raw_scores + recency_bias
    meta_bias = (turn_metadata @ p['meta_w'].T + p['meta_b'])[:, 0]
    scores = scores + meta_bias
    age = 1.0 - recency
    scores = scores - jax.nn.sigmoid(p['decay_rate']) * age
    bilinear = scores
    # ContextualAttention (dropout=0.0 -> identity)
    scale = HEAD_DIM ** 0.5
    turn_features = jnp.concatenate([turn_embeddings, bilinear[:, None], turn_metadata], axis=-1)
    turn_hidden = turn_features @ p['turn_proj_w'].T + p['turn_proj_b']
    sa_q = turn_hidden @ p['sa_q_w'].T + p['sa_q_b']
    sa_k = turn_hidden @ p['sa_k_w'].T + p['sa_k_b']
    sa_v = turn_hidden @ p['sa_v_w'].T + p['sa_v_b']
    sa_weights = jax.nn.softmax(sa_q @ sa_k.T / scale, axis=-1)
    turn_hidden = turn_hidden + sa_weights @ sa_v
    sit_hidden = (situation @ p['sit_proj_w'].T + p['sit_proj_b'])[None, :]
    ca_q = turn_hidden @ p['ca_q_w'].T + p['ca_q_b']
    ca_k = sit_hidden @ p['ca_k_w'].T + p['ca_k_b']
    ca_v = sit_hidden @ p['ca_v_w'].T + p['ca_v_b']
    ca_weights = jax.nn.sigmoid(ca_q @ ca_k.T / scale)
    combined = turn_hidden + ca_weights * ca_v
    attention_scores = (combined @ p['score_w'].T + p['score_b'])[:, 0]
    gate = jax.nn.sigmoid(p['residual_gate'])
    refined = (1.0 - gate) * bilinear + gate * attention_scores
    return jax.nn.sigmoid(refined)


def reference(situation, turn_embeddings, turn_metadata, params, min_turns, max_select):
    scores = _score_turns(situation, turn_embeddings, turn_metadata, params)
    n = scores.shape[0]
    threshold = jax.nn.sigmoid(params['threshold_logit'])
    mask = scores > threshold
    # cap at max_select: keep only global top max_select among thresholded
    k_cap = min(10, n)
    _, top_idx = jax.lax.top_k(scores, k_cap)
    cap_mask = jnp.zeros((n,), dtype=bool).at[top_idx].set(jnp.arange(k_cap) < max_select)
    mask = mask & cap_mask
    # ensure at least min_turns selected
    k_min = min(2, n)
    _, min_idx = jax.lax.top_k(scores, k_min)
    min_mask = jnp.zeros((n,), dtype=bool).at[min_idx].set(jnp.arange(k_min) < min_turns)
    mask = mask | min_mask
    return mask, scores

if __name__ == "__main__":
    import jax
    _d = setup_inputs()
    print(jax.jit(kernel)(*tuple(_d.values())))

</pallas_src>

<mosaic_0001>
#map = affine_map<(d0, d1) -> (0, 0)>
#map1 = affine_map<(d0, d1) -> (0)>
module attributes {stable_mosaic.version = 14 : i64} {
  func.func @_gate_sc(%arg0: i32, %arg1: i32, %arg2: memref<2048x384xf32, #tpu.memory_space<hbm>>, %arg3: memref<384xf32, #tpu.memory_space<hbm>>, %arg4: memref<8192xf32, #tpu.memory_space<hbm>>, %arg5: memref<16xf32, #tpu.memory_space<hbm>>, %arg6: memref<2048xi32, #tpu.memory_space<hbm>>, %arg7: memref<2048xf32, #tpu.memory_space<hbm>>, %arg8: memref<128x384xf32, #tpu.memory_space<vmem>>, %arg9: memref<384xf32, #tpu.memory_space<vmem>>, %arg10: memref<512xf32, #tpu.memory_space<vmem>>, %arg11: memref<16xf32, #tpu.memory_space<vmem>>, %arg12: memref<128xf32, #tpu.memory_space<vmem>>, %arg13: memref<128xf32, #tpu.memory_space<vmem>>, %arg14: memref<32xf32, #tpu.memory_space<vmem>>, %arg15: memref<32xi32, #tpu.memory_space<vmem>>, %arg16: memref<256xf32, #tpu.memory_space<vmem>>, %arg17: memref<256xi32, #tpu.memory_space<vmem>>, %arg18: memref<128xi32, #tpu.memory_space<vmem>>, %arg19: memref<256xf32, #tpu.memory_space<vmem_shared>>, %arg20: memref<256xi32, #tpu.memory_space<vmem_shared>>) attributes {dimension_semantics = [#tpu.dimension_semantics<core_parallel>, #tpu.dimension_semantics<subcore_parallel>], iteration_bounds = array<i64: 1, 16>, scalar_prefetch = 0 : i64, scratch_operands = 13 : i64, tpu.core_type = #tpu.core_type<sc_vector_subcore>, window_params = [{transform_indices = #map}, {transform_indices = #map1}, {transform_indices = #map1}, {transform_indices = #map1}, {transform_indices = #map1}, {transform_indices = #map1}]} {
    %eq3A = arith.constant 0 : i32
    %eq3A_0 = arith.cmpi eq, %arg0, %eq3A : i32
    %convert_element_type3A = arith.extui %eq3A_0 : i1 to i32
    %cond3A = arith.constant 0 : i32
    %cond3A_1 = arith.cmpi ne, %convert_element_type3A, %cond3A : i32
    scf.if %cond3A_1 {
      %mul3A = arith.constant 128 : i32
      %mul3A_2 = arith.muli %arg1, %mul3A : i32
      "tpu.region"() ({
        %run_scoped3A = tpu.sem_alloc : memref<!tpu.dma_semaphore, #tpu.memory_space<semaphore_mem>>
        %dma_start3A = arith.constant 0 : i32
        %dma_start3A_152 = tpu.memref_slice %arg2[%mul3A_2, %dma_start3A] : memref<2048x384xf32, #tpu.memory_space<hbm>> -> memref<128x384xf32, #tpu.memory_space<hbm>>
        %dma_start3A_153 = arith.constant 0 : i32
        %dma_start3A_154 = tpu.memref_slice %arg2[%mul3A_2, %dma_start3A_153] : memref<2048x384xf32, #tpu.memory_space<hbm>> -> memref<128x384xf32, #tpu.memory_space<hbm>>
        tpu.enqueue_dma source(%dma_start3A_154 : memref<128x384xf32, #tpu.memory_space<hbm>>) target(%arg8 : memref<128x384xf32, #tpu.memory_space<vmem>>) target_semaphore(%run_scoped3A : memref<!tpu.dma_semaphore, #tpu.memory_space<semaphore_mem>>)
        %dma_wait3A = arith.constant 0 : i32
        %dma_wait3A_155 = tpu.memref_slice %arg2[%mul3A_2, %dma_wait3A] : memref<2048x384xf32, #tpu.memory_space<hbm>> -> memref<128x384xf32, #tpu.memory_space<hbm>>
        %dma_wait3A_156 = arith.constant 0 : i32
        %dma_wait3A_157 = tpu.memref_slice %arg2[%mul3A_2, %dma_wait3A_156] : memref<2048x384xf32, #tpu.memory_space<hbm>> -> memref<128x384xf32, #tpu.memory_space<hbm>>
        tpu.wait_dma2 semaphore(%run_scoped3A : memref<!tpu.dma_semaphore, #tpu.memory_space<semaphore_mem>>) src(%dma_wait3A_157 : memref<128x384xf32, #tpu.memory_space<hbm>>) dst(%arg8 : memref<128x384xf32, #tpu.memory_space<vmem>>)
        tpu.yield
      }) : () -> ()
      "tpu.region"() ({
        %run_scoped3A = tpu.sem_alloc : memref<!tpu.dma_semaphore, #tpu.memory_space<semaphore_mem>>
        tpu.enqueue_dma source(%arg3 : memref<384xf32, #tpu.memory_space<hbm>>) target(%arg9 : memref<384xf32, #tpu.memory_space<vmem>>) target_semaphore(%run_scoped3A : memref<!tpu.dma_semaphore, #tpu.memory_space<semaphore_mem>>)
        tpu.wait_dma2 semaphore(%run_scoped3A : memref<!tpu.dma_semaphore, #tpu.memory_space<semaphore_mem>>) src(%arg3 : memref<384xf32, #tpu.memory_space<hbm>>) dst(%arg9 : memref<384xf32, #tpu.memory_space<vmem>>)
        tpu.yield
      }) : () -> ()
      %mul3A_3 = arith.constant 4 : i32
      %mul3A_4 = arith.muli %mul3A_2, %mul3A_3 : i32
      "tpu.region"() ({
        %run_scoped3A = tpu.sem_alloc : memref<!tpu.dma_semaphore, #tpu.memory_space<semaphore_mem>>
        %dma_start3A = tpu.memref_slice %arg4[%mul3A_4] : memref<8192xf32, #tpu.memory_space<hbm>> -> memref<512xf32, #tpu.memory_space<hbm>>
        %dma_start3A_152 = tpu.memref_slice %arg4[%mul3A_4] : memref<8192xf32, #tpu.memory_space<hbm>> -> memref<512xf32, #tpu.memory_space<hbm>>
        tpu.enqueue_dma source(%dma_start3A_152 : memref<512xf32, #tpu.memory_space<hbm>>) target(%arg10 : memref<512xf32, #tpu.memory_space<vmem>>) target_semaphore(%run_scoped3A : memref<!tpu.dma_semaphore, #tpu.memory_space<semaphore_mem>>)
        %dma_wait3A = tpu.memref_slice %arg4[%mul3A_4] : memref<8192xf32, #tpu.memory_space<hbm>> -> memref<512xf32, #tpu.memory_space<hbm>>
        %dma_wait3A_153 = tpu.memref_slice %arg4[%mul3A_4] : memref<8192xf32, #tpu.memory_space<hbm>> -> memref<512xf32, #tpu.memory_space<hbm>>
        tpu.wait_dma2 semaphore(%run_scoped3A : memref<!tpu.dma_semaphore, #tpu.memory_space<semaphore_mem>>) src(%dma_wait3A_153 : memref<512xf32, #tpu.memory_space<hbm>>) dst(%arg10 : memref<512xf32, #tpu.memory_space<vmem>>)
        tpu.yield
      }) : () -> ()
      "tpu.region"() ({
        %run_scoped3A = tpu.sem_alloc : memref<!tpu.dma_semaphore, #tpu.memory_space<semaphore_mem>>
        tpu.enqueue_dma source(%arg5 : memref<16xf32, #tpu.memory_space<hbm>>) target(%arg11 : memref<16xf32, #tpu.memory_space<vmem>>) target_semaphore(%run_scoped3A : memref<!tpu.dma_semaphore, #tpu.memory_space<semaphore_mem>>)
        tpu.wait_dma2 semaphore(%run_scoped3A : memref<!tpu.dma_semaphore, #tpu.memory_space<semaphore_mem>>) src(%arg5 : memref<16xf32, #tpu.memory_space<hbm>>) dst(%arg11 : memref<16xf32, #tpu.memory_space<vmem>>)
        tpu.yield
      }) : () -> ()
      %iota3A = tpu.iota {dimensions = array<i32: 0>} : vector<16xi32>
      %get3A = arith.constant 0 : index
      %get3A_5 = tpu.vector_load %arg11[%get3A] {strides = array<i32>} : memref<16xf32, #tpu.memory_space<vmem>>, vector<16xf32>,
      %neg3A = arith.constant 0.000000e+00 : f32
      %neg3A_6 = vector.broadcast %neg3A : f32 to vector<16xf32>
      %neg3A_7 = arith.subf %neg3A_6, %get3A_5 : vector<16xf32>
      %exp3A = math.exp %neg3A_7 : vector<16xf32>
      %add3A = arith.constant 1.000000e+00 : f32
      %add3A_8 = vector.broadcast %add3A : f32 to vector<16xf32>
      %add3A_9 = arith.addf %add3A_8, %exp3A : vector<16xf32>
      %div3A = arith.constant 1.000000e+00 : f32
      %div3A_10 = vector.broadcast %div3A : f32 to vector<16xf32>
      %div3A_11 = arith.divf %div3A_10, %add3A_9 : vector<16xf32>
      %slice3A = vector.extract_strided_slice %div3A_11 {offsets = [0], sizes = [1], strides = [1]} : vector<16xf32> to vector<1xf32>
      %squeeze3A = vector.extract %slice3A[0] : f32 from vector<1xf32>
      %slice3A_12 = vector.extract_strided_slice %div3A_11 {offsets = [1], sizes = [1], strides = [1]} : vector<16xf32> to vector<1xf32>
      %squeeze3A_13 = vector.extract %slice3A_12[0] : f32 from vector<1xf32>
      %slice3A_14 = vector.extract_strided_slice %div3A_11 {offsets = [2], sizes = [1], strides = [1]} : vector<16xf32> to vector<1xf32>
      %squeeze3A_15 = vector.extract %slice3A_14[0] : f32 from vector<1xf32>
      %sub3A = arith.constant 1.000000e+00 : f32
      %sub3A_16 = arith.subf %sub3A, %squeeze3A_15 : f32
      %slice3A_17 = vector.extract_strided_slice %div3A_11 {offsets = [3], sizes = [1], strides = [1]} : vector<16xf32> to vector<1xf32>
      %squeeze3A_18 = vector.extract %slice3A_17[0] : f32 from vector<1xf32>
      %slice3A_19 = vector.extract_strided_slice %get3A_5 {offsets = [4], sizes = [1], strides = [1]} : vector<16xf32> to vector<1xf32>
      %squeeze3A_20 = vector.extract %slice3A_19[0] : f32 from vector<1xf32>
      %slice3A_21 = vector.extract_strided_slice %get3A_5 {offsets = [5], sizes = [1], strides = [1]} : vector<16xf32> to vector<1xf32>
      %squeeze3A_22 = vector.extract %slice3A_21[0] : f32 from vector<1xf32>
      %slice3A_23 = vector.extract_strided_slice %get3A_5 {offsets = [6], sizes = [1], strides = [1]} : vector<16xf32> to vector<1xf32>
      %squeeze3A_24 = vector.extract %slice3A_23[0] : f32 from vector<1xf32>
      %slice3A_25 = vector.extract_strided_slice %get3A_5 {offsets = [7], sizes = [1], strides = [1]} : vector<16xf32> to vector<1xf32>
      %squeeze3A_26 = vector.extract %slice3A_25[0] : f32 from vector<1xf32>
      %slice3A_27 = vector.extract_strided_slice %get3A_5 {offsets = [8], sizes = [1], strides = [1]} : vector<16xf32> to vector<1xf32>
      %squeeze3A_28 = vector.extract %slice3A_27[0] : f32 from vector<1xf32>
      %slice3A_29 = vector.extract_strided_slice %get3A_5 {offsets = [9], sizes = [1], strides = [1]} : vector<16xf32> to vector<1xf32>
      %squeeze3A_30 = vector.extract %slice3A_29[0] : f32 from vector<1xf32>
      %convert_element_type3A_31 = arith.fptosi %squeeze3A_30 : f32 to i32
      %slice3A_32 = vector.extract_strided_slice %get3A_5 {offsets = [10], sizes = [1], strides = [1]} : vector<16xf32> to vector<1xf32>
      %squeeze3A_33 = vector.extract %slice3A_32[0] : f32 from vector<1xf32>
      %convert_element_type3A_34 = arith.fptosi %squeeze3A_33 : f32 to i32
      %get3A_35 = arith.constant 0 : index
      %get3A_36 = tpu.vector_load %arg9[%get3A_35] {strides = array<i32>} : memref<384xf32, #tpu.memory_space<vmem>>, vector<16xf32>,
      %get3A_37 = arith.constant 16 : index
      %get3A_38 = tpu.vector_load %arg9[%get3A_37] {strides = array<i32>} : memref<384xf32, #tpu.memory_space<vmem>>, vector<16xf32>,
      %get3A_39 = arith.constant 32 : index
      %get3A_40 = tpu.vector_load %arg9[%get3A_39] {strides = array<i32>} : memref<384xf32, #tpu.memory_space<vmem>>, vector<16xf32>,
      %get3A_41 = arith.constant 48 : index
      %get3A_42 = tpu.vector_load %arg9[%get3A_41] {strides = array<i32>} : memref<384xf32, #tpu.memory_space<vmem>>, vector<16xf32>,
      %get3A_43 = arith.constant 64 : index
      %get3A_44 = tpu.vector_load %arg9[%get3A_43] {strides = array<i32>} : memref<384xf32, #tpu.memory_space<vmem>>, vector<16xf32>,
      %get3A_45 = arith.constant 80 : index
      %get3A_46 = tpu.vector_load %arg9[%get3A_45] {strides = array<i32>} : memref<384xf32, #tpu.memory_space<vmem>>, vector<16xf32>,
      %get3A_47 = arith.constant 96 : index
      %get3A_48 = tpu.vector_load %arg9[%get3A_47] {strides = array<i32>} : memref<384xf32, #tpu.memory_space<vmem>>, vector<16xf32>,
      %get3A_49 = arith.constant 112 : index
      %get3A_50 = tpu.vector_load %arg9[%get3A_49] {strides = array<i32>} : memref<384xf32, #tpu.memory_space<vmem>>, vector<16xf32>,
      %get3A_51 = arith.constant 128 : index
      %get3A_52 = tpu.vector_load %arg9[%get3A_51] {strides = array<i32>} : memref<384xf32, #tpu.memory_space<vmem>>, vector<16xf32>,
      %get3A_53 = arith.constant 144 : index
      %get3A_54 = tpu.vector_load %arg9[%get3A_53] {strides = array<i32>} : memref<384xf32, #tpu.memory_space<vmem>>, vector<16xf32>,
      %get3A_55 = arith.constant 160 : index
      %get3A_56 = tpu.vector_load %arg9[%get3A_55] {strides = array<i32>} : memref<384xf32, #tpu.memory_space<vmem>>, vector<16xf32>,
      %get3A_57 = arith.constant 176 : index
      %get3A_58 = tpu.vector_load %arg9[%get3A_57] {strides = array<i32>} : memref<384xf32, #tpu.memory_space<vmem>>, vector<16xf32>,
      %get3A_59 = arith.constant 192 : index
      %get3A_60 = tpu.vector_load %arg9[%get3A_59] {strides = array<i32>} : memref<384xf32, #tpu.memory_space<vmem>>, vector<16xf32>,
      %get3A_61 = arith.constant 208 : index
      %get3A_62 = tpu.vector_load %arg9[%get3A_61] {strides = array<i32>} : memref<384xf32, #tpu.memory_space<vmem>>, vector<16xf32>,
      %get3A_63 = arith.constant 224 : index
      %get3A_64 = tpu.vector_load %arg9[%get3A_63] {strides = array<i32>} : memref<384xf32, #tpu.memory_space<vmem>>, vector<16xf32>,
      %get3A_65 = arith.constant 240 : index
      %get3A_66 = tpu.vector_load %arg9[%get3A_65] {strides = array<i32>} : memref<384xf32, #tpu.memory_space<vmem>>, vector<16xf32>,
      %get3A_67 = arith.constant 256 : index
      %get3A_68 = tpu.vector_load %arg9[%get3A_67] {strides = array<i32>} : memref<384xf32, #tpu.memory_space<vmem>>, vector<16xf32>,
      %get3A_69 = arith.constant 272 : index
      %get3A_70 = tpu.vector_load %arg9[%get3A_69] {strides = array<i32>} : memref<384xf32, #tpu.memory_space<vmem>>, vector<16xf32>,
      %get3A_71 = arith.constant 288 : index
      %get3A_72 = tpu.vector_load %arg9[%get3A_71] {strides = array<i32>} : memref<384xf32, #tpu.memory_space<vmem>>, vector<16xf32>,
      %get3A_73 = arith.constant 304 : index
      %get3A_74 = tpu.vector_load %arg9[%get3A_73] {strides = array<i32>} : memref<384xf32, #tpu.memory_space<vmem>>, vector<16xf32>,
      %get3A_75 = arith.constant 320 : index
      %get3A_76 = tpu.vector_load %arg9[%get3A_75] {strides = array<i32>} : memref<384xf32, #tpu.memory_space<vmem>>, vector<16xf32>,
      %get3A_77 = arith.constant 336 : index
      %get3A_78 = tpu.vector_load %arg9[%get3A_77] {strides = array<i32>} : memref<384xf32, #tpu.memory_space<vmem>>, vector<16xf32>,
      %get3A_79 = arith.constant 352 : index
      %get3A_80 = tpu.vector_load %arg9[%get3A_79] {strides = array<i32>} : memref<384xf32, #tpu.memory_space<vmem>>, vector<16xf32>,
      %get3A_81 = arith.constant 368 : index
      %get3A_82 = tpu.vector_load %arg9[%get3A_81] {strides = array<i32>} : memref<384xf32, #tpu.memory_space<vmem>>, vector<16xf32>,
      %scan3A = arith.constant 0 : i32
      %scan3A_83 = arith.constant 0 : i32
      %scan3A_84 = arith.constant 8 : i32
      %scan3A_85 = arith.addi %scan3A_83, %scan3A_84 : i32
      %scan3A_86 = arith.constant 1 : i32
      %scan3A_87 = scf.for %scan3A_152 = %scan3A_83 to %scan3A_85 step %scan3A_86 iter_args(%scan3A_153 = %scan3A) -> (i32)  : i32 {
        %broadcast_in_dim3A_154 = arith.constant 0.000000e+00 : f32
        %broadcast_in_dim3A_155 = vector.broadcast %broadcast_in_dim3A_154 : f32 to vector<16xf32>
        %mul3A_156 = arith.constant 16 : i32
        %mul3A_157 = arith.muli %scan3A_152, %mul3A_156 : i32
        %add3A_158 = arith.constant 0 : i32
        %add3A_159 = arith.addi %mul3A_157, %add3A_158 : i32
        %broadcast_in_dim3A_160 = arith.constant 0.000000e+00 : f32
        %broadcast_in_dim3A_161 = vector.broadcast %broadcast_in_dim3A_160 : f32 to vector<16xf32>
        %get3A_162 = arith.index_cast %add3A_159 : i32 to index
        %get3A_163 = arith.constant 0 : index
        %get3A_164 = tpu.vector_load %arg8[%get3A_162, %get3A_163] {strides = array<i32>} : memref<128x384xf32, #tpu.memory_space<vmem>>, vector<16xf32>,
        %mul3A_165 = arith.mulf %get3A_164, %get3A_36 : vector<16xf32>
        %add3A_166 = arith.addf %broadcast_in_dim3A_161, %mul3A_165 : vector<16xf32>
        %get3A_167 = arith.index_cast %add3A_159 : i32 to index
        %get3A_168 = arith.constant 16 : index
        %get3A_169 = tpu.vector_load %arg8[%get3A_167, %get3A_168] {strides = array<i32>} : memref<128x384xf32, #tpu.memory_space<vmem>>, vector<16xf32>,
        %mul3A_170 = arith.mulf %get3A_169, %get3A_38 : vector<16xf32>
        %add3A_171 = arith.addf %add3A_166, %mul3A_170 : vector<16xf32>
        %get3A_172 = arith.index_cast %add3A_159 : i32 to index
        %get3A_173 = arith.constant 32 : index
        %get3A_174 = tpu.vector_load %arg8[%get3A_172, %get3A_173] {strides = array<i32>} : memref<128x384xf32, #tpu.memory_space<vmem>>, vector<16xf32>,
        %mul3A_175 = arith.mulf %get3A_174, %get3A_40 : vector<16xf32>
        %add3A_176 = arith.addf %add3A_171, %mul3A_175 : vector<16xf32>
        %get3A_177 = arith.index_cast %add3A_159 : i32 to index
        %get3A_178 = arith.constant 48 : index
        %get3A_179 = tpu.vector_load %arg8[%get3A_177, %get3A_178] {strides = array<i32>} : memref<128x384xf32, #tpu.memory_space<vmem>>, vector<16xf32>,
        %mul3A_180 = arith.mulf %get3A_179, %get3A_42 : vector<16xf32>
        %add3A_181 = arith.addf %add3A_176, %mul3A_180 : vector<16xf32>
        %get3A_182 = arith.index_cast %add3A_159 : i32 to index
        %get3A_183 = arith.constant 64 : index
        %get3A_184 = tpu.vector_load %arg8[%get3A_182, %get3A_183] {strides = array<i32>} : memref<128x384xf32, #tpu.memory_space<vmem>>, vector<16xf32>,
        %mul3A_185 = arith.mulf %get3A_184, %get3A_44 : vector<16xf32>
        %add3A_186 = arith.addf %add3A_181, %mul3A_185 : vector<16xf32>
        %get3A_187 = arith.index_cast %add3A_159 : i32 to index
        %get3A_188 = arith.constant 80 : index
        %get3A_189 = tpu.vector_load %arg8[%get3A_187, %get3A_188] {strides = array<i32>} : memref<128x384xf32, #tpu.memory_space<vmem>>, vector<16xf32>,
        %mul3A_190 = arith.mulf %get3A_189, %get3A_46 : vector<16xf32>
        %add3A_191 = arith.addf %add3A_186, %mul3A_190 : vector<16xf32>
        %get3A_192 = arith.index_cast %add3A_159 : i32 to index
        %get3A_193 = arith.constant 96 : index
        %get3A_194 = tpu.vector_load %arg8[%get3A_192, %get3A_193] {strides = array<i32>} : memref<128x384xf32, #tpu.memory_space<vmem>>, vector<16xf32>,
        %mul3A_195 = arith.mulf %get3A_194, %get3A_48 : vector<16xf32>
        %add3A_196 = arith.addf %add3A_191, %mul3A_195 : vector<16xf32>
        %get3A_197 = arith.index_cast %add3A_159 : i32 to index
        %get3A_198 = arith.constant 112 : index
        %get3A_199 = tpu.vector_load %arg8[%get3A_197, %get3A_198] {strides = array<i32>} : memref<128x384xf32, #tpu.memory_space<vmem>>, vector<16xf32>,
        %mul3A_200 = arith.mulf %get3A_199, %get3A_50 : vector<16xf32>
        %add3A_201 = arith.addf %add3A_196, %mul3A_200 : vector<16xf32>
        %get3A_202 = arith.index_cast %add3A_159 : i32 to index
        %get3A_203 = arith.constant 128 : index
        %get3A_204 = tpu.vector_load %arg8[%get3A_202, %get3A_203] {strides = array<i32>} : memref<128x384xf32, #tpu.memory_space<vmem>>, vector<16xf32>,
        %mul3A_205 = arith.mulf %get3A_204, %get3A_52 : vector<16xf32>
        %add3A_206 = arith.addf %add3A_201, %mul3A_205 : vector<16xf32>
        %get3A_207 = arith.index_cast %add3A_159 : i32 to index
        %get3A_208 = arith.constant 144 : index
        %get3A_209 = tpu.vector_load %arg8[%get3A_207, %get3A_208] {strides = array<i32>} : memref<128x384xf32, #tpu.memory_space<vmem>>, vector<16xf32>,
        %mul3A_210 = arith.mulf %get3A_209, %get3A_54 : vector<16xf32>
        %add3A_211 = arith.addf %add3A_206, %mul3A_210 : vector<16xf32>
        %get3A_212 = arith.index_cast %add3A_159 : i32 to index
        %get3A_213 = arith.constant 160 : index
        %get3A_214 = tpu.vector_load %arg8[%get3A_212, %get3A_213] {strides = array<i32>} : memref<128x384xf32, #tpu.memory_space<vmem>>, vector<16xf32>,
        %mul3A_215 = arith.mulf %get3A_214, %get3A_56 : vector<16xf32>
        %add3A_216 = arith.addf %add3A_211, %mul3A_215 : vector<16xf32>
        %get3A_217 = arith.index_cast %add3A_159 : i32 to index
        %get3A_218 = arith.constant 176 : index
        %get3A_219 = tpu.vector_load %arg8[%get3A_217, %get3A_218] {strides = array<i32>} : memref<128x384xf32, #tpu.memory_space<vmem>>, vector<16xf32>,
        %mul3A_220 = arith.mulf %get3A_219, %get3A_58 : vector<16xf32>
        %add3A_221 = arith.addf %add3A_216, %mul3A_220 : vector<16xf32>
        %get3A_222 = arith.index_cast %add3A_159 : i32 to index
        %get3A_223 = arith.constant 192 : index
        %get3A_224 = tpu.vector_load %arg8[%get3A_222, %get3A_223] {strides = array<i32>} : memref<128x384xf32, #tpu.memory_space<vmem>>, vector<16xf32>,
        %mul3A_225 = arith.mulf %get3A_224, %get3A_60 : vector<16xf32>
        %add3A_226 = arith.addf %add3A_221, %mul3A_225 : vector<16xf32>
        %get3A_227 = arith.index_cast %add3A_159 : i32 to index
        %get3A_228 = arith.constant 208 : index
        %get3A_229 = tpu.vector_load %arg8[%get3A_227, %get3A_228] {strides = array<i32>} : memref<128x384xf32, #tpu.memory_space<vmem>>, vector<16xf32>,
        %mul3A_230 = arith.mulf %get3A_229, %get3A_62 : vector<16xf32>
        %add3A_231 = arith.addf %add3A_226, %mul3A_230 : vector<16xf32>
        %get3A_232 = arith.index_cast %add3A_159 : i32 to index
        %get3A_233 = arith.constant 224 : index
        %get3A_234 = tpu.vector_load %arg8[%get3A_232, %get3A_233] {strides = array<i32>} : memref<128x384xf32, #tpu.memory_space<vmem>>, vector<16xf32>,
        %mul3A_235 = arith.mulf %get3A_234, %get3A_64 : vector<16xf32>
        %add3A_236 = arith.addf %add3A_231, %mul3A_235 : vector<16xf32>
        %get3A_237 = arith.index_cast %add3A_159 : i32 to index
        %get3A_238 = arith.constant 240 : index
        %get3A_239 = tpu.vector_load %arg8[%get3A_237, %get3A_238] {strides = array<i32>} : memref<128x384xf32, #tpu.memory_space<vmem>>, vector<16xf32>,
        %mul3A_240 = arith.mulf %get3A_239, %get3A_66 : vector<16xf32>
        %add3A_241 = arith.addf %add3A_236, %mul3A_240 : vector<16xf32>
        %get3A_242 = arith.index_cast %add3A_159 : i32 to index
        %get3A_243 = arith.constant 256 : index
        %get3A_244 = tpu.vector_load %arg8[%get3A_242, %get3A_243] {strides = array<i32>} : memref<128x384xf32, #tpu.memory_space<vmem>>, vector<16xf32>,
        %mul3A_245 = arith.mulf %get3A_244, %get3A_68 : vector<16xf32>
        %add3A_246 = arith.addf %add3A_241, %mul3A_245 : vector<16xf32>
        %get3A_247 = arith.index_cast %add3A_159 : i32 to index
        %get3A_248 = arith.constant 272 : index
        %get3A_249 = tpu.vector_load %arg8[%get3A_247, %get3A_248] {strides = array<i32>} : memref<128x384xf32, #tpu.memory_space<vmem>>, vector<16xf32>,
        %mul3A_250 = arith.mulf %get3A_249, %get3A_70 : vector<16xf32>
        %add3A_251 = arith.addf %add3A_246, %mul3A_250 : vector<16xf32>
        %get3A_252 = arith.index_cast %add3A_159 : i32 to index
        %get3A_253 = arith.constant 288 : index
        %get3A_254 = tpu.vector_load %arg8[%get3A_252, %get3A_253] {strides = array<i32>} : memref<128x384xf32, #tpu.memory_space<vmem>>, vector<16xf32>,
        %mul3A_255 = arith.mulf %get3A_254, %get3A_72 : vector<16xf32>
        %add3A_256 = arith.addf %add3A_251, %mul3A_255 : vector<16xf32>
        %get3A_257 = arith.index_cast %add3A_159 : i32 to index
        %get3A_258 = arith.constant 304 : index
        %get3A_259 = tpu.vector_load %arg8[%get3A_257, %get3A_258] {strides = array<i32>} : memref<128x384xf32, #tpu.memory_space<vmem>>, vector<16xf32>,
        %mul3A_260 = arith.mulf %get3A_259, %get3A_74 : vector<16xf32>
        %add3A_261 = arith.addf %add3A_256, %mul3A_260 : vector<16xf32>
        %get3A_262 = arith.index_cast %add3A_159 : i32 to index
        %get3A_263 = arith.constant 320 : index
        %get3A_264 = tpu.vector_load %arg8[%get3A_262, %get3A_263] {strides = array<i32>} : memref<128x384xf32, #tpu.memory_space<vmem>>, vector<16xf32>,
        %mul3A_265 = arith.mulf %get3A_264, %get3A_76 : vector<16xf32>
        %add3A_266 = arith.addf %add3A_261, %mul3A_265 : vector<16xf32>
        %get3A_267 = arith.index_cast %add3A_159 : i32 to index
        %get3A_268 = arith.constant 336 : index
        %get3A_269 = tpu.vector_load %arg8[%get3A_267, %get3A_268] {strides = array<i32>} : memref<128x384xf32, #tpu.memory_space<vmem>>, vector<16xf32>,
        %mul3A_270 = arith.mulf %get3A_269, %get3A_78 : vector<16xf32>
        %add3A_271 = arith.addf %add3A_266, %mul3A_270 : vector<16xf32>
        %get3A_272 = arith.index_cast %add3A_159 : i32 to index
        %get3A_273 = arith.constant 352 : index
        %get3A_274 = tpu.vector_load %arg8[%get3A_272, %get3A_273] {strides = array<i32>} : memref<128x384xf32, #tpu.memory_space<vmem>>, vector<16xf32>,
        %mul3A_275 = arith.mulf %get3A_274, %get3A_80 : vector<16xf32>
        %add3A_276 = arith.addf %add3A_271, %mul3A_275 : vector<16xf32>
        %get3A_277 = arith.index_cast %add3A_159 : i32 to index
        %get3A_278 = arith.constant 368 : index
        %get3A_279 = tpu.vector_load %arg8[%get3A_277, %get3A_278] {strides = array<i32>} : memref<128x384xf32, #tpu.memory_space<vmem>>, vector<16xf32>,
        %mul3A_280 = arith.mulf %get3A_279, %get3A_82 : vector<16xf32>
        %add3A_281 = arith.addf %add3A_276, %mul3A_280 : vector<16xf32>
        %eq3A_282 = arith.constant 0 : i32
        %eq3A_283 = vector.broadcast %eq3A_282 : i32 to vector<16xi32>
        %eq3A_284 = arith.cmpi eq, %iota3A, %eq3A_283 : vector<16xi32>
        %reduce_sum3A = arith.constant true
        %reduce_sum3A_285 = vector.broadcast %reduce_sum3A : i1 to vector<16xi1>
        %reduce_sum3A_286 = tpu.scan <sum>, %add3A_281 masked %reduce_sum3A_285 : vector<16xf32>, vector<16xi1> -> vector<16xf32>
        %reduce_sum3A_287 = vector.extract %reduce_sum3A_286[15] : f32 from vector<16xf32>
        %broadcast_in_dim3A_288 = vector.broadcast %reduce_sum3A_287 : f32 to vector<16xf32>
        %select_n3A = arith.select %eq3A_284, %broadcast_in_dim3A_288, %broadcast_in_dim3A_155 : vector<16xi1>, vector<16xf32>
        %mul3A_289 = arith.constant 16 : i32
        %mul3A_290 = arith.muli %scan3A_152, %mul3A_289 : i32
        %add3A_291 = arith.constant 1 : i32
        %add3A_292 = arith.addi %mul3A_290, %add3A_291 : i32
        %broadcast_in_dim3A_293 = arith.constant 0.000000e+00 : f32
        %broadcast_in_dim3A_294 = vector.broadcast %broadcast_in_dim3A_293 : f32 to vector<16xf32>
        %get3A_295 = arith.index_cast %add3A_292 : i32 to index
        %get3A_296 = arith.constant 0 : index
        %get3A_297 = tpu.vector_load %arg8[%get3A_295, %get3A_296] {strides = array<i32>} : memref<128x384xf32, #tpu.memory_space<vmem>>, vector<16xf32>,
        %mul3A_298 = arith.mulf %get3A_297, %get3A_36 : vector<16xf32>
        %add3A_299 = arith.addf %broadcast_in_dim3A_294, %mul3A_298 : vector<16xf32>
        %get3A_300 = arith.index_cast %add3A_292 : i32 to index
        %get3A_301 = arith.constant 16 : index
        %get3A_302 = tpu.vector_load %arg8[%get3A_300, %get3A_301] {strides = array<i32>} : memref<128x384xf32, #tpu.memory_space<vmem>>, vector<16xf32>,
        %mul3A_303 = arith.mulf %get3A_302, %get3A_38 : vector<16xf32>
        %add3A_304 = arith.addf %add3A_299, %mul3A_303 : vector<16xf32>
        %get3A_305 = arith.index_cast %add3A_292 : i32 to index
        %get3A_306 = arith.constant 32 : index
        %get3A_307 = tpu.vector_load %arg8[%get3A_305, %get3A_306] {strides = array<i32>} : memref<128x384xf32, #tpu.memory_space<vmem>>, vector<16xf32>,
        %mul3A_308 = arith.mulf %get3A_307, %get3A_40 : vector<16xf32>
        %add3A_309 = arith.addf %add3A_304, %mul3A_308 : vector<16xf32>
        %get3A_310 = arith.index_cast %add3A_292 : i32 to index
        %get3A_311 = arith.constant 48 : index
        %get3A_312 = tpu.vector_load %arg8[%get3A_310, %get3A_311] {strides = array<i32>} : memref<128x384xf32, #tpu.memory_space<vmem>>, vector<16xf32>,
        %mul3A_313 = arith.mulf %get3A_312, %get3A_42 : vector<16xf32>
        %add3A_314 = arith.addf %add3A_309, %mul3A_313 : vector<16xf32>
        %get3A_315 = arith.index_cast %add3A_292 : i32 to index
        %get3A_316 = arith.constant 64 : index
        %get3A_317 = tpu.vector_load %arg8[%get3A_315, %get3A_316] {strides = array<i32>} : memref<128x384xf32, #tpu.memory_space<vmem>>, vector<16xf32>,
        %mul3A_318 = arith.mulf %get3A_317, %get3A_44 : vector<16xf32>
        %add3A_319 = arith.addf %add3A_314, %mul3A_318 : vector<16xf32>
        %get3A_320 = arith.index_cast %add3A_292 : i32 to index
        %get3A_321 = arith.constant 80 : index
        %get3A_322 = tpu.vector_load %arg8[%get3A_320, %get3A_321] {strides = array<i32>} : memref<128x384xf32, #tpu.memory_space<vmem>>, vector<16xf32>,
        %mul3A_323 = arith.mulf %get3A_322, %get3A_46 : vector<16xf32>
        %add3A_324 = arith.addf %add3A_319, %mul3A_323 : vector<16xf32>
        %get3A_325 = arith.index_cast %add3A_292 : i32 to index
        %get3A_326 = arith.constant 96 : index
        %get3A_327 = tpu.vector_load %arg8[%get3A_325, %get3A_326] {strides = array<i32>} : memref<128x384xf32, #tpu.memory_space<vmem>>, vector<16xf32>,
        %mul3A_328 = arith.mulf %get3A_327, %get3A_48 : vector<16xf32>
        %add3A_329 = arith.addf %add3A_324, %mul3A_328 : vector<16xf32>
        %get3A_330 = arith.index_cast %add3A_292 : i32 to index
        %get3A_331 = arith.constant 112 : index
        %get3A_332 = tpu.vector_load %arg8[%get3A_330, %get3A_331] {strides = array<i32>} : memref<128x384xf32, #tpu.memory_space<vmem>>, vector<16xf32>,
        %mul3A_333 = arith.mulf %get3A_332, %get3A_50 : vector<16xf32>
        %add3A_334 = arith.addf %add3A_329, %mul3A_333 : vector<16xf32>
        %get3A_335 = arith.index_cast %add3A_292 : i32 to index
        %get3A_336 = arith.constant 128 : index
        %get3A_337 = tpu.vector_load %arg8[%get3A_335, %get3A_336] {strides = array<i32>} : memref<128x384xf32, #tpu.memory_space<vmem>>, vector<16xf32>,
        %mul3A_338 = arith.mulf %get3A_337, %get3A_52 : vector<16xf32>
        %add3A_339 = arith.addf %add3A_334, %mul3A_338 : vector<16xf32>
        %get3A_340 = arith.index_cast %add3A_292 : i32 to index
        %get3A_341 = arith.constant 144 : index
        %get3A_342 = tpu.vector_load %arg8[%get3A_340, %get3A_341] {strides = array<i32>} : memref<128x384xf32, #tpu.memory_space<vmem>>, vector<16xf32>,
        %mul3A_343 = arith.mulf %get3A_342, %get3A_54 : vector<16xf32>
        %add3A_344 = arith.addf %add3A_339, %mul3A_343 : vector<16xf32>
        %get3A_345 = arith.index_cast %add3A_292 : i32 to index
        %get3A_346 = arith.constant 160 : index
        %get3A_347 = tpu.vector_load %arg8[%get3A_345, %get3A_346] {strides = array<i32>} : memref<128x384xf32, #tpu.memory_space<vmem>>, vector<16xf32>,
        %mul3A_348 = arith.mulf %get3A_347, %get3A_56 : vector<16xf32>
        %add3A_349 = arith.addf %add3A_344, %mul3A_348 : vector<16xf32>
        %get3A_350 = arith.index_cast %add3A_292 : i32 to index
        %get3A_351 = arith.constant 176 : index
        %get3A_352 = tpu.vector_load %arg8[%get3A_350, %get3A_351] {strides = array<i32>} : memref<128x384xf32, #tpu.memory_space<vmem>>, vector<16xf32>,
        %mul3A_353 = arith.mulf %get3A_352, %get3A_58 : vector<16xf32>
        %add3A_354 = arith.addf %add3A_349, %mul3A_353 : vector<16xf32>
        %get3A_355 = arith.index_cast %add3A_292 : i32 to index
        %get3A_356 = arith.constant 192 : index
        %get3A_357 = tpu.vector_load %arg8[%get3A_355, %get3A_356] {strides = array<i32>} : memref<128x384xf32, #tpu.memory_space<vmem>>, vector<16xf32>,
        %mul3A_358 = arith.mulf %get3A_357, %get3A_60 : vector<16xf32>
        %add3A_359 = arith.addf %add3A_354, %mul3A_358 : vector<16xf32>
        %get3A_360 = arith.index_cast %add3A_292 : i32 to index
        %get3A_361 = arith.constant 208 : index
        %get3A_362 = tpu.vector_load %arg8[%get3A_360, %get3A_361] {strides = array<i32>} : memref<128x384xf32, #tpu.memory_space<vmem>>, vector<16xf32>,
        %mul3A_363 = arith.mulf %get3A_362, %get3A_62 : vector<16xf32>
        %add3A_364 = arith.addf %add3A_359, %mul3A_363 : vector<16xf32>
        %get3A_365 = arith.index_cast %add3A_292 : i32 to index
        %get3A_366 = arith.constant 224 : index
        %get3A_367 = tpu.vector_load %arg8[%get3A_365, %get3A_366] {strides = array<i32>} : memref<128x384xf32, #tpu.memory_space<vmem>>, vector<16xf32>,
        %mul3A_368 = arith.mulf %get3A_367, %get3A_64 : vector<16xf32>
        %add3A_369 = arith.addf %add3A_364, %mul3A_368 : vector<16xf32>
        %get3A_370 = arith.index_cast %add3A_292 : i32 to index
        %get3A_371 = arith.constant 240 : index
        %get3A_372 = tpu.vector_load %arg8[%get3A_370, %get3A_371] {strides = array<i32>} : memref<128x384xf32, #tpu.memory_space<vmem>>, vector<16xf32>,
        %mul3A_373 = arith.mulf %get3A_372, %get3A_66 : vector<16xf32>
        %add3A_374 = arith.addf %add3A_369, %mul3A_373 : vector<16xf32>
        %get3A_375 = arith.index_cast %add3A_292 : i32 to index
        %get3A_376 = arith.constant 256 : index
        %get3A_377 = tpu.vector_load %arg8[%get3A_375, %get3A_376] {strides = array<i32>} : memref<128x384xf32, #tpu.memory_space<vmem>>, vector<16xf32>,
        %mul3A_378 = arith.mulf %get3A_377, %get3A_68 : vector<16xf32>
        %add3A_379 = arith.addf %add3A_374, %mul3A_378 : vector<16xf32>
        %get3A_380 = arith.index_cast %add3A_292 : i32 to index
        %get3A_381 = arith.constant 272 : index
        %get3A_382 = tpu.vector_load %arg8[%get3A_380, %get3A_381] {strides = array<i32>} : memref<128x384xf32, #tpu.memory_space<vmem>>, vector<16xf32>,
        %mul3A_383 = arith.mulf %get3A_382, %get3A_70 : vector<16xf32>
        %add3A_384 = arith.addf %add3A_379, %mul3A_383 : vector<16xf32>
        %get3A_385 = arith.index_cast %add3A_292 : i32 to index
        %get3A_386 = arith.constant 288 : index
        %get3A_387 = tpu.vector_load %arg8[%get3A_385, %get3A_386] {strides = array<i32>} : memref<128x384xf32, #tpu.memory_space<vmem>>, vector<16xf32>,
        %mul3A_388 = arith.mulf %get3A_387, %get3A_72 : vector<16xf32>
        %add3A_389 = arith.addf %add3A_384, %mul3A_388 : vector<16xf32>
        %get3A_390 = arith.index_cast %add3A_292 : i32 to index
        %get3A_391 = arith.constant 304 : index
        %get3A_392 = tpu.vector_load %arg8[%get3A_390, %get3A_391] {strides = array<i32>} : memref<128x384xf32, #tpu.memory_space<vmem>>, vector<16xf32>,
        %mul3A_393 = arith.mulf %get3A_392, %get3A_74 : vector<16xf32>
        %add3A_394 = arith.addf %add3A_389, %mul3A_393 : vector<16xf32>
        %get3A_395 = arith.index_cast %add3A_292 : i32 to index
        %get3A_396 = arith.constant 320 : index
        %get3A_397 = tpu.vector_load %arg8[%get3A_395, %get3A_396] {strides = array<i32>} : memref<128x384xf32, #tpu.memory_space<vmem>>, vector<16xf32>,
        %mul3A_398 = arith.mulf %get3A_397, %get3A_76 : vector<16xf32>
        %add3A_399 = arith.addf %add3A_394, %mul3A_398 : vector<16xf32>
        %get3A_400 = arith.index_cast %add3A_292 : i32 to index
        %get3A_401 = arith.constant 336 : index
        %get3A_402 = tpu.vector_load %arg8[%get3A_400, %get3A_401] {strides = array<i32>} : memref<128x384xf32, #tpu.memory_space<vmem>>, vector<16xf32>,
        %mul3A_403 = arith.mulf %get3A_402, %get3A_78 : vector<16xf32>
        %add3A_404 = arith.addf %add3A_399, %mul3A_403 : vector<16xf32>
        %get3A_405 = arith.index_cast %add3A_292 : i32 to index
        %get3A_406 = arith.constant 352 : index
        %get3A_407 = tpu.vector_load %arg8[%get3A_405, %get3A_406] {strides = array<i32>} : memref<128x384xf32, #tpu.memory_space<vmem>>, vector<16xf32>,
        %mul3A_408 = arith.mulf %get3A_407, %get3A_80 : vector<16xf32>
        %add3A_409 = arith.addf %add3A_404, %mul3A_408 : vector<16xf32>
        %get3A_410 = arith.index_cast %add3A_292 : i32 to index
        %get3A_411 = arith.constant 368 : index
        %get3A_412 = tpu.vector_load %arg8[%get3A_410, %get3A_411] {strides = array<i32>} : memref<128x384xf32, #tpu.memory_space<vmem>>, vector<16xf32>,
        %mul3A_413 = arith.mulf %get3A_412, %get3A_82 : vector<16xf32>
        %add3A_414 = arith.addf %add3A_409, %mul3A_413 : vector<16xf32>
        %eq3A_415 = arith.constant 1 : i32
        %eq3A_416 = vector.broadcast %eq3A_415 : i32 to vector<16xi32>
        %eq3A_417 = arith.cmpi eq, %iota3A, %eq3A_416 : vector<16xi32>
        %reduce_sum3A_418 = arith.constant true
        %reduce_sum3A_419 = vector.broadcast %reduce_sum3A_418 : i1 to vector<16xi1>
        %reduce_sum3A_420 = tpu.scan <sum>, %add3A_414 masked %reduce_sum3A_419 : vector<16xf32>, vector<16xi1> -> vector<16xf32>
        %reduce_sum3A_421 = vector.extract %reduce_sum3A_420[15] : f32 from vector<16xf32>
        %broadcast_in_dim3A_422 = vector.broadcast %reduce_sum3A_421 : f32 to vector<16xf32>
        %select_n3A_423 = arith.select %eq3A_417, %broadcast_in_dim3A_422, %select_n3A : vector<16xi1>, vector<16xf32>
        %mul3A_424 = arith.constant 16 : i32
        %mul3A_425 = arith.muli %scan3A_152, %mul3A_424 : i32
        %add3A_426 = arith.constant 2 : i32
        %add3A_427 = arith.addi %mul3A_425, %add3A_426 : i32
        %broadcast_in_dim3A_428 = arith.constant 0.000000e+00 : f32
        %broadcast_in_dim3A_429 = vector.broadcast %broadcast_in_dim3A_428 : f32 to vector<16xf32>
        %get3A_430 = arith.index_cast %add3A_427 : i32 to index
        %get3A_431 = arith.constant 0 : index
        %get3A_432 = tpu.vector_load %arg8[%get3A_430, %get3A_431] {strides = array<i32>} : memref<128x384xf32, #tpu.memory_space<vmem>>, vector<16xf32>,
        %mul3A_433 = arith.mulf %get3A_432, %get3A_36 : vector<16xf32>
        %add3A_434 = arith.addf %broadcast_in_dim3A_429, %mul3A_433 : vector<16xf32>
        %get3A_435 = arith.index_cast %add3A_427 : i32 to index
        %get3A_436 = arith.constant 16 : index
        %get3A_437 = tpu.vector_load %arg8[%get3A_435, %get3A_436] {strides = array<i32>} : memref<128x384xf32, #tpu.memory_space<vmem>>, vector<16xf32>,
        %mul3A_438 = arith.mulf %get3A_437, %get3A_38 : vector<16xf32>
        %add3A_439 = arith.addf %add3A_434, %mul3A_438 : vector<16xf32>
        %get3A_440 = arith.index_cast %add3A_427 : i32 to index
        %get3A_441 = arith.constant 32 : index
        %get3A_442 = tpu.vector_load %arg8[%get3A_440, %get3A_441] {strides = array<i32>} : memref<128x384xf32, #tpu.memory_space<vmem>>, vector<16xf32>,
        %mul3A_443 = arith.mulf %get3A_442, %get3A_40 : vector<16xf32>
        %add3A_444 = arith.addf %add3A_439, %mul3A_443 : vector<16xf32>
        %get3A_445 = arith.index_cast %add3A_427 : i32 to index
        %get3A_446 = arith.constant 48 : index
        %get3A_447 = tpu.vector_load %arg8[%get3A_445, %get3A_446] {strides = array<i32>} : memref<128x384xf32, #tpu.memory_space<vmem>>, vector<16xf32>,
        %mul3A_448 = arith.mulf %get3A_447, %get3A_42 : vector<16xf32>
        %add3A_449 = arith.addf %add3A_444, %mul3A_448 : vector<16xf32>
        %get3A_450 = arith.index_cast %add3A_427 : i32 to index
        %get3A_451 = arith.constant 64 : index
        %get3A_452 = tpu.vector_load %arg8[%get3A_450, %get3A_451] {strides = array<i32>} : memref<128x384xf32, #tpu.memory_space<vmem>>, vector<16xf32>,
        %mul3A_453 = arith.mulf %get3A_452, %get3A_44 : vector<16xf32>
        %add3A_454 = arith.addf %add3A_449, %mul3A_453 : vector<16xf32>
        %get3A_455 = arith.index_cast %add3A_427 : i32 to index
        %get3A_456 = arith.constant 80 : index
        %get3A_457 = tpu.vector_load %arg8[%get3A_455, %get3A_456] {strides = array<i32>} : memref<128x384xf32, #tpu.memory_space<vmem>>, vector<16xf32>,
        %mul3A_458 = arith.mulf %get3A_457, %get3A_46 : vector<16xf32>
        %add3A_459 = arith.addf %add3A_454, %mul3A_458 : vector<16xf32>
        %get3A_460 = arith.index_cast %add3A_427 : i32 to index
        %get3A_461 = arith.constant 96 : index
        %get3A_462 = tpu.vector_load %arg8[%get3A_460, %get3A_461] {strides = array<i32>} : memref<128x384xf32, #tpu.memory_space<vmem>>, vector<16xf32>,
        %mul3A_463 = arith.mulf %get3A_462, %get3A_48 : vector<16xf32>
        %add3A_464 = arith.addf %add3A_459, %mul3A_463 : vector<16xf32>
        %get3A_465 = arith.index_cast %add3A_427 : i32 to index
        %get3A_466 = arith.constant 112 : index
        %get3A_467 = tpu.vector_load %arg8[%get3A_465, %get3A_466] {strides = array<i32>} : memref<128x384xf32, #tpu.memory_space<vmem>>, vector<16xf32>,
        %mul3A_468 = arith.mulf %get3A_467, %get3A_50 : vector<16xf32>
        %add3A_469 = arith.addf %add3A_464, %mul3A_468 : vector<16xf32>
        %get3A_470 = arith.index_cast %add3A_427 : i32 to index
        %get3A_471 = arith.constant 128 : index
        %get3A_472 = tpu.vector_load %arg8[%get3A_470, %get3A_471] {strides = array<i32>} : memref<128x384xf32, #tpu.memory_space<vmem>>, vector<16xf32>,
        %mul3A_473 = arith.mulf %get3A_472, %get3A_52 : vector<16xf32>
        %add3A_474 = arith.addf %add3A_469, %mul3A_473 : vector<16xf32>
        %get3A_475 = arith.index_cast %add3A_427 : i32 to index
        %get3A_476 = arith.constant 144 : index
        %get3A_477 = tpu.vector_load %arg8[%get3A_475, %get3A_476] {strides = array<i32>} : memref<128x384xf32, #tpu.memory_space<vmem>>, vector<16xf32>,
        %mul3A_478 = arith.mulf %get3A_477, %get3A_54 : vector<16xf32>
        %add3A_479 = arith.addf %add3A_474, %mul3A_478 : vector<16xf32>
        %get3A_480 = arith.index_cast %add3A_427 : i32 to index
        %get3A_481 = arith.constant 160 : index
        %get3A_482 = tpu.vector_load %arg8[%get3A_480, %get3A_481] {strides = array<i32>} : memref<128x384xf32, #tpu.memory_space<vmem>>, vector<16xf32>,
        %mul3A_483 = arith.mulf %get3A_482, %get3A_56 : vector<16xf32>
        %add3A_484 = arith.addf %add3A_479, %mul3A_483 : vector<16xf32>
        %get3A_485 = arith.index_cast %add3A_427 : i32 to index
        %get3A_486 = arith.constant 176 : index
        %get3A_487 = tpu.vector_load %arg8[%get3A_485, %get3A_486] {strides = array<i32>} : memref<128x384xf32, #tpu.memory_space<vmem>>, vector<16xf32>,
        %mul3A_488 = arith.mulf %get3A_487, %get3A_58 : vector<16xf32>
        %add3A_489 = arith.addf %add3A_484, %mul3A_488 : vector<16xf32>
        %get3A_490 = arith.index_cast %add3A_427 : i32 to index
        %get3A_491 = arith.constant 192 : index
        %get3A_492 = tpu.vector_load %arg8[%get3A_490, %get3A_491] {strides = array<i32>} : memref<128x384xf32, #tpu.memory_space<vmem>>, vector<16xf32>,
        %mul3A_493 = arith.mulf %get3A_492, %get3A_60 : vector<16xf32>
        %add3A_494 = arith.addf %add3A_489, %mul3A_493 : vector<16xf32>
        %get3A_495 = arith.index_cast %add3A_427 : i32 to index
        %get3A_496 = arith.constant 208 : index
        %get3A_497 = tpu.vector_load %arg8[%get3A_495, %get3A_496] {strides = array<i32>} : memref<128x384xf32, #tpu.memory_space<vmem>>, vector<16xf32>,
        %mul3A_498 = arith.mulf %get3A_497, %get3A_62 : vector<16xf32>
        %add3A_499 = arith.addf %add3A_494, %mul3A_498 : vector<16xf32>
        %get3A_500 = arith.index_cast %add3A_427 : i32 to index
        %get3A_501 = arith.constant 224 : index
        %get3A_502 = tpu.vector_load %arg8[%get3A_500, %get3A_501] {strides = array<i32>} : memref<128x384xf32, #tpu.memory_space<vmem>>, vector<16xf32>,
        %mul3A_503 = arith.mulf %get3A_502, %get3A_64 : vector<16xf32>
        %add3A_504 = arith.addf %add3A_499, %mul3A_503 : vector<16xf32>
        %get3A_505 = arith.index_cast %add3A_427 : i32 to index
        %get3A_506 = arith.constant 240 : index
        %get3A_507 = tpu.vector_load %arg8[%get3A_505, %get3A_506] {strides = array<i32>} : memref<128x384xf32, #tpu.memory_space<vmem>>, vector<16xf32>,
        %mul3A_508 = arith.mulf %get3A_507, %get3A_66 : vector<16xf32>
        %add3A_509 = arith.addf %add3A_504, %mul3A_508 : vector<16xf32>
        %get3A_510 = arith.index_cast %add3A_427 : i32 to index
        %get3A_511 = arith.constant 256 : index
        %get3A_512 = tpu.vector_load %arg8[%get3A_510, %get3A_511] {strides = array<i32>} : memref<128x384xf32, #tpu.memory_space<vmem>>, vector<16xf32>,
        %mul3A_513 = arith.mulf %get3A_512, %get3A_68 : vector<16xf32>
        %add3A_514 = arith.addf %add3A_509, %mul3A_513 : vector<16xf32>
        %get3A_515 = arith.index_cast %add3A_427 : i32 to index
        %get3A_516 = arith.constant 272 : index
        %get3A_517 = tpu.vector_load %arg8[%get3A_515, %get3A_516] {strides = array<i32>} : memref<128x384xf32, #tpu.memory_space<vmem>>, vector<16xf32>,
        %mul3A_518 = arith.mulf %get3A_517, %get3A_70 : vector<16xf32>
        %add3A_519 = arith.addf %add3A_514, %mul3A_518 : vector<16xf32>
        %get3A_520 = arith.index_cast %add3A_427 : i32 to index
        %get3A_521 = arith.constant 288 : index
        %get3A_522 = tpu.vector_load %arg8[%get3A_520, %get3A_521] {strides = array<i32>} : memref<128x384xf32, #tpu.memory_space<vmem>>, vector<16xf32>,
        %mul3A_523 = arith.mulf %get3A_522, %get3A_72 : vector<16xf32>
        %add3A_524 = arith.addf %add3A_519, %mul3A_523 : vector<16xf32>
        %get3A_525 = arith.index_cast %add3A_427 : i32 to index
        %get3A_526 = arith.constant 304 : index
        %get3A_527 = tpu.vector_load %arg8[%get3A_525, %get3A_526] {strides = array<i32>} : memref<128x384xf32, #tpu.memory_space<vmem>>, vector<16xf32>,
        %mul3A_528 = arith.mulf %get3A_527, %get3A_74 : vector<16xf32>
        %add3A_529 = arith.addf %add3A_524, %mul3A_528 : vector<16xf32>
        %get3A_530 = arith.index_cast %add3A_427 : i32 to index
        %get3A_531 = arith.constant 320 : index
        %get3A_532 = tpu.vector_load %arg8[%get3A_530, %get3A_531] {strides = array<i32>} : memref<128x384xf32, #tpu.memory_space<vmem>>, vector<16xf32>,
        %mul3A_533 = arith.mulf %get3A_532, %get3A_76 : vector<16xf32>
        %add3A_534 = arith.addf %add3A_529, %mul3A_533 : vector<16xf32>
        %get3A_535 = arith.index_cast %add3A_427 : i32 to index
        %get3A_536 = arith.constant 336 : index
        %get3A_537 = tpu.vector_load %arg8[%get3A_535, %get3A_536] {strides = array<i32>} : memref<128x384xf32, #tpu.memory_space<vmem>>, vector<16xf32>,
        %mul3A_538 = arith.mulf %get3A_537, %get3A_78 : vector<16xf32>
        %add3A_539 = arith.addf %add3A_534, %mul3A_538 : vector<16xf32>
        %get3A_540 = arith.index_cast %add3A_427 : i32 to index
        %get3A_541 = arith.constant 352 : index
        %get3A_542 = tpu.vector_load %arg8[%get3A_540, %get3A_541] {strides = array<i32>} : memref<128x384xf32, #tpu.memory_space<vmem>>, vector<16xf32>,
        %mul3A_543 = arith.mulf %get3A_542, %get3A_80 : vector<16xf32>
        %add3A_544 = arith.addf %add3A_539, %mul3A_543 : vector<16xf32>
        %get3A_545 = arith.index_cast %add3A_427 : i32 to index
        %get3A_546 = arith.constant 368 : index
        %get3A_547 = tpu.vector_load %arg8[%get3A_545, %get3A_546] {strides = array<i32>} : memref<128x384xf32, #tpu.memory_space<vmem>>, vector<16xf32>,
        %mul3A_548 = arith.mulf %get3A_547, %get3A_82 : vector<16xf32>
        %add3A_549 = arith.addf %add3A_544, %mul3A_548 : vector<16xf32>
        %eq3A_550 = arith.constant 2 : i32
        %eq3A_551 = vector.broadcast %eq3A_550 : i32 to vector<16xi32>
        %eq3A_552 = arith.cmpi eq, %iota3A, %eq3A_551 : vector<16xi32>
        %reduce_sum3A_553 = arith.constant true
        %reduce_sum3A_554 = vector.broadcast %reduce_sum3A_553 : i1 to vector<16xi1>
        %reduce_sum3A_555 = tpu.scan <sum>, %add3A_549 masked %reduce_sum3A_554 : vector<16xf32>, vector<16xi1> -> vector<16xf32>
        %reduce_sum3A_556 = vector.extract %reduce_sum3A_555[15] : f32 from vector<16xf32>
        %broadcast_in_dim3A_557 = vector.broadcast %reduce_sum3A_556 : f32 to vector<16xf32>
        %select_n3A_558 = arith.select %eq3A_552, %broadcast_in_dim3A_557, %select_n3A_423 : vector<16xi1>, vector<16xf32>
        %mul3A_559 = arith.constant 16 : i32
        %mul3A_560 = arith.muli %scan3A_152, %mul3A_559 : i32
        %add3A_561 = arith.constant 3 : i32
        %add3A_562 = arith.addi %mul3A_560, %add3A_561 : i32
        %broadcast_in_dim3A_563 = arith.constant 0.000000e+00 : f32
        %broadcast_in_dim3A_564 = vector.broadcast %broadcast_in_dim3A_563 : f32 to vector<16xf32>
        %get3A_565 = arith.index_cast %add3A_562 : i32 to index
        %get3A_566 = arith.constant 0 : index
        %get3A_567 = tpu.vector_load %arg8[%get3A_565, %get3A_566] {strides = array<i32>} : memref<128x384xf32, #tpu.memory_space<vmem>>, vector<16xf32>,
        %mul3A_568 = arith.mulf %get3A_567, %get3A_36 : vector<16xf32>
        %add3A_569 = arith.addf %broadcast_in_dim3A_564, %mul3A_568 : vector<16xf32>
        %get3A_570 = arith.index_cast %add3A_562 : i32 to index
        %get3A_571 = arith.constant 16 : index
        %get3A_572 = tpu.vector_load %arg8[%get3A_570, %get3A_571] {strides = array<i32>} : memref<128x384xf32, #tpu.memory_space<vmem>>, vector<16xf32>,
        %mul3A_573 = arith.mulf %get3A_572, %get3A_38 : vector<16xf32>
        %add3A_574 = arith.addf %add3A_569, %mul3A_573 : vector<16xf32>
        %get3A_575 = arith.index_cast %add3A_562 : i32 to index
        %get3A_576 = arith.constant 32 : index
        %get3A_577 = tpu.vector_load %arg8[%get3A_575, %get3A_576] {strides = array<i32>} : memref<128x384xf32, #tpu.memory_space<vmem>>, vector<16xf32>,
        %mul3A_578 = arith.mulf %get3A_577, %get3A_40 : vector<16xf32>
        %add3A_579 = arith.addf %add3A_574, %mul3A_578 : vector<16xf32>
        %get3A_580 = arith.index_cast %add3A_562 : i32 to index
        %get3A_581 = arith.constant 48 : index
        %get3A_582 = tpu.vector_load %arg8[%get3A_580, %get3A_581] {strides = array<i32>} : memref<128x384xf32, #tpu.memory_space<vmem>>, vector<16xf32>,
        %mul3A_583 = arith.mulf %get3A_582, %get3A_42 : vector<16xf32>
        %add3A_584 = arith.addf %add3A_579, %mul3A_583 : vector<16xf32>
        %get3A_585 = arith.index_cast %add3A_562 : i32 to index
        %get3A_586 = arith.constant 64 : index
        %get3A_587 = tpu.vector_load %arg8[%get3A_585, %get3A_586] {strides = array<i32>} : memref<128x384xf32, #tpu.memory_space<vmem>>, vector<16xf32>,
        %mul3A_588 = arith.mulf %get3A_587, %get3A_44 : vector<16xf32>
        %add3A_589 = arith.addf %add3A_584, %mul3A_588 : vector<16xf32>
        %get3A_590 = arith.index_cast %add3A_562 : i32 to index
        %get3A_591 = arith.constant 80 : index
        %get3A_592 = tpu.vector_load %arg8[%get3A_590, %get3A_591] {strides = array<i32>} : memref<128x384xf32, #tpu.memory_space<vmem>>, vector<16xf32>,
        %mul3A_593 = arith.mulf %get3A_592, %get3A_46 : vector<16xf32>
        %add3A_594 = arith.addf %add3A_589, %mul3A_593 : vector<16xf32>
        %get3A_595 = arith.index_cast %add3A_562 : i32 to index
        %get3A_596 = arith.constant 96 : index
        %get3A_597 = tpu.vector_load %arg8[%get3A_595, %get3A_596] {strides = array<i32>} : memref<128x384xf32, #tpu.memory_space<vmem>>, vector<16xf32>,
        %mul3A_598 = arith.mulf %get3A_597, %get3A_48 : vector<16xf32>
        %add3A_599 = arith.addf %add3A_594, %mul3A_598 : vector<16xf32>
        %get3A_600 = arith.index_cast %add3A_562 : i32 to index
        %get3A_601 = arith.constant 112 : index
        %get3A_602 = tpu.vector_load %arg8[%get3A_600, %get3A_601] {strides = array<i32>} : memref<128x384xf32, #tpu.memory_space<vmem>>, vector<16xf32>,
        %mul3A_603 = arith.mulf %get3A_602, %get3A_50 : vector<16xf32>
        %add3A_604 = arith.addf %add3A_599, %mul3A_603 : vector<16xf32>
        %get3A_605 = arith.index_cast %add3A_562 : i32 to index
        %get3A_606 = arith.constant 128 : index
        %get3A_607 = tpu.vector_load %arg8[%get3A_605, %get3A_606] {strides = array<i32>} : memref<128x384xf32, #tpu.memory_space<vmem>>, vector<16xf32>,
        %mul3A_608 = arith.mulf %get3A_607, %get3A_52 : vector<16xf32>
        %add3A_609 = arith.addf %add3A_604, %mul3A_608 : vector<16xf32>
        %get3A_610 = arith.index_cast %add3A_562 : i32 to index
        %get3A_611 = arith.constant 144 : index
        %get3A_612 = tpu.vector_load %arg8[%get3A_610, %get3A_611] {strides = array<i32>} : memref<128x384xf32, #tpu.memory_space<vmem>>, vector<16xf32>,
        %mul3A_613 = arith.mulf %get3A_612, %get3A_54 : vector<16xf32>
        %add3A_614 = arith.addf %add3A_609, %mul3A_613 : vector<16xf32>
        %get3A_615 = arith.index_cast %add3A_562 : i32 to index
        %get3A_616 = arith.constant 160 : index
        %get3A_617 = tpu.vector_load %arg8[%get3A_615, %get3A_616] {strides = array<i32>} : memref<128x384xf32, #tpu.memory_space<vmem>>, vector<16xf32>,
        %mul3A_618 = arith.mulf %get3A_617, %get3A_56 : vector<16xf32>
        %add3A_619 = arith.addf %add3A_614, %mul3A_618 : vector<16xf32>
        %get3A_620 = arith.index_cast %add3A_562 : i32 to index
        %get3A_621 = arith.constant 176 : index
        %get3A_622 = tpu.vector_load %arg8[%get3A_620, %get3A_621] {strides = array<i32>} : memref<128x384xf32, #tpu.memory_space<vmem>>, vector<16xf32>,
        %mul3A_623 = arith.mulf %get3A_622, %get3A_58 : vector<16xf32>
        %add3A_624 = arith.addf %add3A_619, %mul3A_623 : vector<16xf32>
        %get3A_625 = arith.index_cast %add3A_562 : i32 to index
        %get3A_626 = arith.constant 192 : index
        %get3A_627 = tpu.vector_load %arg8[%get3A_625, %get3A_626] {strides = array<i32>} : memref<128x384xf32, #tpu.memory_space<vmem>>, vector<16xf32>,
        %mul3A_628 = arith.mulf %get3A_627, %get3A_60 : vector<16xf32>
        %add3A_629 = arith.addf %add3A_624, %mul3A_628 : vector<16xf32>
        %get3A_630 = arith.index_cast %add3A_562 : i32 to index
        %get3A_631 = arith.constant 208 : index
        %get3A_632 = tpu.vector_load %arg8[%get3A_630, %get3A_631] {strides = array<i32>} : memref<128x384xf32, #tpu.memory_space<vmem>>, vector<16xf32>,
        %mul3A_633 = arith.mulf %get3A_632, %get3A_62 : vector<16xf32>
        %add3A_634 = arith.addf %add3A_629, %mul3A_633 : vector<16xf32>
        %get3A_635 = arith.index_cast %add3A_562 : i32 to index
        %get3A_636 = arith.constant 224 : index
        %get3A_637 = tpu.vector_load %arg8[%get3A_635, %get3A_636] {strides = array<i32>} : memref<128x384xf32, #tpu.memory_space<vmem>>, vector<16xf32>,
        %mul3A_638 = arith.mulf %get3A_637, %get3A_64 : vector<16xf32>
        %add3A_639 = arith.addf %add3A_634, %mul3A_638 : vector<16xf32>
        %get3A_640 = arith.index_cast %add3A_562 : i32 to index
        %get3A_641 = arith.constant 240 : index
        %get3A_642 = tpu.vector_load %arg8[%get3A_640, %get3A_641] {strides = array<i32>} : memref<128x384xf32, #tpu.memory_space<vmem>>, vector<16xf32>,
        %mul3A_643 = arith.mulf %get3A_642, %get3A_66 : vector<16xf32>
        %add3A_644 = arith.addf %add3A_639, %mul3A_643 : vector<16xf32>
        %get3A_645 = arith.index_cast %add3A_562 : i32 to index
        %get3A_646 = arith.constant 256 : index
        %get3A_647 = tpu.vector_load %arg8[%get3A_645, %get3A_646] {strides = array<i32>} : memref<128x384xf32, #tpu.memory_space<vmem>>, vector<16xf32>,
        %mul3A_648 = arith.mulf %get3A_647, %get3A_68 : vector<16xf32>
        %add3A_649 = arith.addf %add3A_644, %mul3A_648 : vector<16xf32>
        %get3A_650 = arith.index_cast %add3A_562 : i32 to index
        %get3A_651 = arith.constant 272 : index
        %get3A_652 = tpu.vector_load %arg8[%get3A_650, %get3A_651] {strides = array<i32>} : memref<128x384xf32, #tpu.memory_space<vmem>>, vector<16xf32>,
        %mul3A_653 = arith.mulf %get3A_652, %get3A_70 : vector<16xf32>
        %add3A_654 = arith.addf %add3A_649, %mul3A_653 : vector<16xf32>
        %get3A_655 = arith.index_cast %add3A_562 : i32 to index
        %get3A_656 = arith.constant 288 : index
        %get3A_657 = tpu.vector_load %arg8[%get3A_655, %get3A_656] {strides = array<i32>} : memref<128x384xf32, #tpu.memory_space<vmem>>, vector<16xf32>,
        %mul3A_658 = arith.mulf %get3A_657, %get3A_72 : vector<16xf32>
        %add3A_659 = arith.addf %add3A_654, %mul3A_658 : vector<16xf32>
        %get3A_660 = arith.index_cast %add3A_562 : i32 to index
        %get3A_661 = arith.constant 304 : index
        %get3A_662 = tpu.vector_load %arg8[%get3A_660, %get3A_661] {strides = array<i32>} : memref<128x384xf32, #tpu.memory_space<vmem>>, vector<16xf32>,
        %mul3A_663 = arith.mulf %get3A_662, %get3A_74 : vector<16xf32>
        %add3A_664 = arith.addf %add3A_659, %mul3A_663 : vector<16xf32>
        %get3A_665 = arith.index_cast %add3A_562 : i32 to index
        %get3A_666 = arith.constant 320 : index
        %get3A_667 = tpu.vector_load %arg8[%get3A_665, %get3A_666] {strides = array<i32>} : memref<128x384xf32, #tpu.memory_space<vmem>>, vector<16xf32>,
        %mul3A_668 = arith.mulf %get3A_667, %get3A_76 : vector<16xf32>
        %add3A_669 = arith.addf %add3A_664, %mul3A_668 : vector<16xf32>
        %get3A_670 = arith.index_cast %add3A_562 : i32 to index
        %get3A_671 = arith.constant 336 : index
        %get3A_672 = tpu.vector_load %arg8[%get3A_670, %get3A_671] {strides = array<i32>} : memref<128x384xf32, #tpu.memory_space<vmem>>, vector<16xf32>,
        %mul3A_673 = arith.mulf %get3A_672, %get3A_78 : vector<16xf32>
        %add3A_674 = arith.addf %add3A_669, %mul3A_673 : vector<16xf32>
        %get3A_675 = arith.index_cast %add3A_562 : i32 to index
        %get3A_676 = arith.constant 352 : index
        %get3A_677 = tpu.vector_load %arg8[%get3A_675, %get3A_676] {strides = array<i32>} : memref<128x384xf32, #tpu.memory_space<vmem>>, vector<16xf32>,
        %mul3A_678 = arith.mulf %get3A_677, %get3A_80 : vector<16xf32>
        %add3A_679 = arith.addf %add3A_674, %mul3A_678 : vector<16xf32>
        %get3A_680 = arith.index_cast %add3A_562 : i32 to index
        %get3A_681 = arith.constant 368 : index
        %get3A_682 = tpu.vector_load %arg8[%get3A_680, %get3A_681] {strides = array<i32>} : memref<128x384xf32, #tpu.memory_space<vmem>>, vector<16xf32>,
        %mul3A_683 = arith.mulf %get3A_682, %get3A_82 : vector<16xf32>
        %add3A_684 = arith.addf %add3A_679, %mul3A_683 : vector<16xf32>
        %eq3A_685 = arith.constant 3 : i32
        %eq3A_686 = vector.broadcast %eq3A_685 : i32 to vector<16xi32>
        %eq3A_687 = arith.cmpi eq, %iota3A, %eq3A_686 : vector<16xi32>
        %reduce_sum3A_688 = arith.constant true
        %reduce_sum3A_689 = vector.broadcast %reduce_sum3A_688 : i1 to vector<16xi1>
        %reduce_sum3A_690 = tpu.scan <sum>, %add3A_684 masked %reduce_sum3A_689 : vector<16xf32>, vector<16xi1> -> vector<16xf32>
        %reduce_sum3A_691 = vector.extract %reduce_sum3A_690[15] : f32 from vector<16xf32>
        %broadcast_in_dim3A_692 = vector.broadcast %reduce_sum3A_691 : f32 to vector<16xf32>
        %select_n3A_693 = arith.select %eq3A_687, %broadcast_in_dim3A_692, %select_n3A_558 : vector<16xi1>, vector<16xf32>
        %mul3A_694 = arith.constant 16 : i32
        %mul3A_695 = arith.muli %scan3A_152, %mul3A_694 : i32
        %add3A_696 = arith.constant 4 : i32
        %add3A_697 = arith.addi %mul3A_695, %add3A_696 : i32
        %broadcast_in_dim3A_698 = arith.constant 0.000000e+00 : f32
        %broadcast_in_dim3A_699 = vector.broadcast %broadcast_in_dim3A_698 : f32 to vector<16xf32>
        %get3A_700 = arith.index_cast %add3A_697 : i32 to index
        %get3A_701 = arith.constant 0 : index
        %get3A_702 = tpu.vector_load %arg8[%get3A_700, %get3A_701] {strides = array<i32>} : memref<128x384xf32, #tpu.memory_space<vmem>>, vector<16xf32>,
        %mul3A_703 = arith.mulf %get3A_702, %get3A_36 : vector<16xf32>
        %add3A_704 = arith.addf %broadcast_in_dim3A_699, %mul3A_703 : vector<16xf32>
        %get3A_705 = arith.index_cast %add3A_697 : i32 to index
        %get3A_706 = arith.constant 16 : index
        %get3A_707 = tpu.vector_load %arg8[%get3A_705, %get3A_706] {strides = array<i32>} : memref<128x384xf32, #tpu.memory_space<vmem>>, vector<16xf32>,
        %mul3A_708 = arith.mulf %get3A_707, %get3A_38 : vector<16xf32>
        %add3A_709 = arith.addf %add3A_704, %mul3A_708 : vector<16xf32>
        %get3A_710 = arith.index_cast %add3A_697 : i32 to index
        %get3A_711 = arith.constant 32 : index
        %get3A_712 = tpu.vector_load %arg8[%get3A_710, %get3A_711] {strides = array<i32>} : memref<128x384xf32, #tpu.memory_space<vmem>>, vector<16xf32>,
        %mul3A_713 = arith.mulf %get3A_712, %get3A_40 : vector<16xf32>
        %add3A_714 = arith.addf %add3A_709, %mul3A_713 : vector<16xf32>
        %get3A_715 = arith.index_cast %add3A_697 : i32 to index
        %get3A_716 = arith.constant 48 : index
        %get3A_717 = tpu.vector_load %arg8[%get3A_715, %get3A_716] {strides = array<i32>} : memref<128x384xf32, #tpu.memory_space<vmem>>, vector<16xf32>,
        %mul3A_718 = arith.mulf %get3A_717, %get3A_42 : vector<16xf32>
        %add3A_719 = arith.addf %add3A_714, %mul3A_718 : vector<16xf32>
        %get3A_720 = arith.index_cast %add3A_697 : i32 to index
        %get3A_721 = arith.constant 64 : index
        %get3A_722 = tpu.vector_load %arg8[%get3A_720, %get3A_721] {strides = array<i32>} : memref<128x384xf32, #tpu.memory_space<vmem>>, vector<16xf32>,
        %mul3A_723 = arith.mulf %get3A_722, %get3A_44 : vector<16xf32>
        %add3A_724 = arith.addf %add3A_719, %mul3A_723 : vector<16xf32>
        %get3A_725 = arith.index_cast %add3A_697 : i32 to index
        %get3A_726 = arith.constant 80 : index
        %get3A_727 = tpu.vector_load %arg8[%get3A_725, %get3A_726] {strides = array<i32>} : memref<128x384xf32, #tpu.memory_space<vmem>>, vector<16xf32>,
        %mul3A_728 = arith.mulf %get3A_727, %get3A_46 : vector<16xf32>
        %add3A_729 = arith.addf %add3A_724, %mul3A_728 : vector<16xf32>
        %get3A_730 = arith.index_cast %add3A_697 : i32 to index
        %get3A_731 = arith.constant 96 : index
        %get3A_732 = tpu.vector_load %arg8[%get3A_730, %get3A_731] {strides = array<i32>} : memref<128x384xf32, #tpu.memory_space<vmem>>, vector<16xf32>,
        %mul3A_733 = arith.mulf %get3A_732, %get3A_48 : vector<16xf32>
        %add3A_734 = arith.addf %add3A_729, %mul3A_733 : vector<16xf32>
        %get3A_735 = arith.index_cast %add3A_697 : i32 to index
        %get3A_736 = arith.constant 112 : index
        %get3A_737 = tpu.vector_load %arg8[%get3A_735, %get3A_736] {strides = array<i32>} : memref<128x384xf32, #tpu.memory_space<vmem>>, vector<16xf32>,
        %mul3A_738 = arith.mulf %get3A_737, %get3A_50 : vector<16xf32>
        %add3A_739 = arith.addf %add3A_734, %mul3A_738 : vector<16xf32>
        %get3A_740 = arith.index_cast %add3A_697 : i32 to index
        %get3A_741 = arith.constant 128 : index
        %get3A_742 = tpu.vector_load %arg8[%get3A_740, %get3A_741] {strides = array<i32>} : memref<128x384xf32, #tpu.memory_space<vmem>>, vector<16xf32>,
        %mul3A_743 = arith.mulf %get3A_742, %get3A_52 : vector<16xf32>
        %add3A_744 = arith.addf %add3A_739, %mul3A_743 : vector<16xf32>
        %get3A_745 = arith.index_cast %add3A_697 : i32 to index
        %get3A_746 = arith.constant 144 : index
        %get3A_747 = tpu.vector_load %arg8[%get3A_745, %get3A_746] {strides = array<i32>} : memref<128x384xf32, #tpu.memory_space<vmem>>, vector<16xf32>,
        %mul3A_748 = arith.mulf %get3A_747, %get3A_54 : vector<16xf32>
        %add3A_749 = arith.addf %add3A_744, %mul3A_748 : vector<16xf32>
        %get3A_750 = arith.index_cast %add3A_697 : i32 to index
        %get3A_751 = arith.constant 160 : index
        %get3A_752 = tpu.vector_load %arg8[%get3A_750, %get3A_751] {strides = array<i32>} : memref<128x384xf32, #tpu.memory_space<vmem>>, vector<16xf32>,
        %mul3A_753 = arith.mulf %get3A_752, %get3A_56 : vector<16xf32>
        %add3A_754 = arith.addf %add3A_749, %mul3A_753 : vector<16xf32>
        %get3A_755 = arith.index_cast %add3A_697 : i32 to index
        %get3A_756 = arith.constant 176 : index
        %get3A_757 = tpu.vector_load %arg8[%get3A_755, %get3A_756] {strides = array<i32>} : memref<128x384xf32, #tpu.memory_space<vmem>>, vector<16xf32>,
        %mul3A_758 = arith.mulf %get3A_757, %get3A_58 : vector<16xf32>
        %add3A_759 = arith.addf %add3A_754, %mul3A_758 : vector<16xf32>
        %get3A_760 = arith.index_cast %add3A_697 : i32 to index
        %get3A_761 = arith.constant 192 : index
        %get3A_762 = tpu.vector_load %arg8[%get3A_760, %get3A_761] {strides = array<i32>} : memref<128x384xf32, #tpu.memory_space<vmem>>, vector<16xf32>,
        %mul3A_763 = arith.mulf %get3A_762, %get3A_60 : vector<16xf32>
        %add3A_764 = arith.addf %add3A_759, %mul3A_763 : vector<16xf32>
        %get3A_765 = arith.index_cast %add3A_697 : i32 to index
        %get3A_766 = arith.constant 208 : index
        %get3A_767 = tpu.vector_load %arg8[%get3A_765, %get3A_766] {strides = array<i32>} : memref<128x384xf32, #tpu.memory_space<vmem>>, vector<16xf32>,
        %mul3A_768 = arith.mulf %get3A_767, %get3A_62 : vector<16xf32>
        %add3A_769 = arith.addf %add3A_764, %mul3A_768 : vector<16xf32>
        %get3A_770 = arith.index_cast %add3A_697 : i32 to index
        %get3A_771 = arith.constant 224 : index
        %get3A_772 = tpu.vector_load %arg8[%get3A_770, %get3A_771] {strides = array<i32>} : memref<128x384xf32, #tpu.memory_space<vmem>>, vector<16xf32>,
        %mul3A_773 = arith.mulf %get3A_772, %get3A_64 : vector<16xf32>
        %add3A_774 = arith.addf %add3A_769, %mul3A_773 : vector<16xf32>
        %get3A_775 = arith.index_cast %add3A_697 : i32 to index
        %get3A_776 = arith.constant 240 : index
        %get3A_777 = tpu.vector_load %arg8[%get3A_775, %get3A_776] {strides = array<i32>} : memref<128x384xf32, #tpu.memory_space<vmem>>, vector<16xf32>,
        %mul3A_778 = arith.mulf %get3A_777, %get3A_66 : vector<16xf32>
        %add3A_779 = arith.addf %add3A_774, %mul3A_778 : vector<16xf32>
        %get3A_780 = arith.index_cast %add3A_697 : i32 to index
        %get3A_781 = arith.constant 256 : index
        %get3A_782 = tpu.vector_load %arg8[%get3A_780, %get3A_781] {strides = array<i32>} : memref<128x384xf32, #tpu.memory_space<vmem>>, vector<16xf32>,
        %mul3A_783 = arith.mulf %get3A_782, %get3A_68 : vector<16xf32>
        %add3A_784 = arith.addf %add3A_779, %mul3A_783 : vector<16xf32>
        %get3A_785 = arith.index_cast %add3A_697 : i32 to index
        %get3A_786 = arith.constant 272 : index
        %get3A_787 = tpu.vector_load %arg8[%get3A_785, %get3A_786] {strides = array<i32>} : memref<128x384xf32, #tpu.memory_space<vmem>>, vector<16xf32>,
        %mul3A_788 = arith.mulf %get3A_787, %get3A_70 : vector<16xf32>
        %add3A_789 = arith.addf %add3A_784, %mul3A_788 : vector<16xf32>
        %get3A_790 = arith.index_cast %add3A_697 : i32 to index
        %get3A_791 = arith.constant 288 : index
        %get3A_792 = tpu.vector_load %arg8[%get3A_790, %get3A_791] {strides = array<i32>} : memref<128x384xf32, #tpu.memory_space<vmem>>, vector<16xf32>,
        %mul3A_793 = arith.mulf %get3A_792, %get3A_72 : vector<16xf32>
        %add3A_794 = arith.addf %add3A_789, %mul3A_793 : vector<16xf32>
        %get3A_795 = arith.index_cast %add3A_697 : i32 to index
        %get3A_796 = arith.constant 304 : index
        %get3A_797 = tpu.vector_load %arg8[%get3A_795, %get3A_796] {strides = array<i32>} : memref<128x384xf32, #tpu.memory_space<vmem>>, vector<16xf32>,
        %mul3A_798 = arith.mulf %get3A_797, %get3A_74 : vector<16xf32>
        %add3A_799 = arith.addf %add3A_794, %mul3A_798 : vector<16xf32>
        %get3A_800 = arith.index_cast %add3A_697 : i32 to index
        %get3A_801 = arith.constant 320 : index
        %get3A_802 = tpu.vector_load %arg8[%get3A_800, %get3A_801] {strides = array<i32>} : memref<128x384xf32, #tpu.memory_space<vmem>>, vector<16xf32>,
        %mul3A_803 = arith.mulf %get3A_802, %get3A_76 : vector<16xf32>
        %add3A_804 = arith.addf %add3A_799, %mul3A_803 : vector<16xf32>
        %get3A_805 = arith.index_cast %add3A_697 : i32 to index
        %get3A_806 = arith.constant 336 : index
        %get3A_807 = tpu.vector_load %arg8[%get3A_805, %get3A_806] {strides = array<i32>} : memref<128x384xf32, #tpu.memory_space<vmem>>, vector<16xf32>,
        %mul3A_808 = arith.mulf %get3A_807, %get3A_78 : vector<16xf32>
        %add3A_809 = arith.addf %add3A_804, %mul3A_808 : vector<16xf32>
        %get3A_810 = arith.index_cast %add3A_697 : i32 to index
        %get3A_811 = arith.constant 352 : index
        %get3A_812 = tpu.vector_load %arg8[%get3A_810, %get3A_811] {strides = array<i32>} : memref<128x384xf32, #tpu.memory_space<vmem>>, vector<16xf32>,
        %mul3A_813 = arith.mulf %get3A_812, %get3A_80 : vector<16xf32>
        %add3A_814 = arith.addf %add3A_809, %mul3A_813 : vector<16xf32>
        %get3A_815 = arith.index_cast %add3A_697 : i32 to index
        %get3A_816 = arith.constant 368 : index
        %get3A_817 = tpu.vector_load %arg8[%get3A_815, %get3A_816] {strides = array<i32>} : memref<128x384xf32, #tpu.memory_space<vmem>>, vector<16xf32>,
        %mul3A_818 = arith.mulf %get3A_817, %get3A_82 : vector<16xf32>
        %add3A_819 = arith.addf %add3A_814, %mul3A_818 : vector<16xf32>
        %eq3A_820 = arith.constant 4 : i32
        %eq3A_821 = vector.broadcast %eq3A_820 : i32 to vector<16xi32>
        %eq3A_822 = arith.cmpi eq, %iota3A, %eq3A_821 : vector<16xi32>
        %reduce_sum3A_823 = arith.constant true
        %reduce_sum3A_824 = vector.broadcast %reduce_sum3A_823 : i1 to vector<16xi1>
        %reduce_sum3A_825 = tpu.scan <sum>, %add3A_819 masked %reduce_sum3A_824 : vector<16xf32>, vector<16xi1> -> vector<16xf32>
        %reduce_sum3A_826 = vector.extract %reduce_sum3A_825[15] : f32 from vector<16xf32>
        %broadcast_in_dim3A_827 = vector.broadcast %reduce_sum3A_826 : f32 to vector<16xf32>
        %select_n3A_828 = arith.select %eq3A_822, %broadcast_in_dim3A_827, %select_n3A_693 : vector<16xi1>, vector<16xf32>
        %mul3A_829 = arith.constant 16 : i32
        %mul3A_830 = arith.muli %scan3A_152, %mul3A_829 : i32
        %add3A_831 = arith.constant 5 : i32
        %add3A_832 = arith.addi %mul3A_830, %add3A_831 : i32
        %broadcast_in_dim3A_833 = arith.constant 0.000000e+00 : f32
        %broadcast_in_dim3A_834 = vector.broadcast %broadcast_in_dim3A_833 : f32 to vector<16xf32>
        %get3A_835 = arith.index_cast %add3A_832 : i32 to index
        %get3A_836 = arith.constant 0 : index
        %get3A_837 = tpu.vector_load %arg8[%get3A_835, %get3A_836] {strides = array<i32>} : memref<128x384xf32, #tpu.memory_space<vmem>>, vector<16xf32>,
        %mul3A_838 = arith.mulf %get3A_837, %get3A_36 : vector<16xf32>
        %add3A_839 = arith.addf %broadcast_in_dim3A_834, %mul3A_838 : vector<16xf32>
        %get3A_840 = arith.index_cast %add3A_832 : i32 to index
        %get3A_841 = arith.constant 16 : index
        %get3A_842 = tpu.vector_load %arg8[%get3A_840, %get3A_841] {strides = array<i32>} : memref<128x384xf32, #tpu.memory_space<vmem>>, vector<16xf32>,
        %mul3A_843 = arith.mulf %get3A_842, %get3A_38 : vector<16xf32>
        %add3A_844 = arith.addf %add3A_839, %mul3A_843 : vector<16xf32>
        %get3A_845 = arith.index_cast %add3A_832 : i32 to index
        %get3A_846 = arith.constant 32 : index
        %get3A_847 = tpu.vector_load %arg8[%get3A_845, %get3A_846] {strides = array<i32>} : memref<128x384xf32, #tpu.memory_space<vmem>>, vector<16xf32>,
        %mul3A_848 = arith.mulf %get3A_847, %get3A_40 : vector<16xf32>
        %add3A_849 = arith.addf %add3A_844, %mul3A_848 : vector<16xf32>
        %get3A_850 = arith.index_cast %add3A_832 : i32 to index
        %get3A_851 = arith.constant 48 : index
        %get3A_852 = tpu.vector_load %arg8[%get3A_850, %get3A_851] {strides = array<i32>} : memref<128x384xf32, #tpu.memory_space<vmem>>, vector<16xf32>,
        %mul3A_853 = arith.mulf %get3A_852, %get3A_42 : vector<16xf32>
        %add3A_854 = arith.addf %add3A_849, %mul3A_853 : vector<16xf32>
        %get3A_855 = arith.index_cast %add3A_832 : i32 to index
        %get3A_856 = arith.constant 64 : index
        %get3A_857 = tpu.vector_load %arg8[%get3A_855, %get3A_856] {strides = array<i32>} : memref<128x384xf32, #tpu.memory_space<vmem>>, vector<16xf32>,
        %mul3A_858 = arith.mulf %get3A_857, %get3A_44 : vector<16xf32>
        %add3A_859 = arith.addf %add3A_854, %mul3A_858 : vector<16xf32>
        %get3A_860 = arith.index_cast %add3A_832 : i32 to index
        %get3A_861 = arith.constant 80 : index
        %get3A_862 = tpu.vector_load %arg8[%get3A_860, %get3A_861] {strides = array<i32>} : memref<128x384xf32, #tpu.memory_space<vmem>>, vector<16xf32>,
        %mul3A_863 = arith.mulf %get3A_862, %get3A_46 : vector<16xf32>
        %add3A_864 = arith.addf %add3A_859, %mul3A_863 : vector<16xf32>
        %get3A_865 = arith.index_cast %add3A_832 : i32 to index
        %get3A_866 = arith.constant 96 : index
        %get3A_867 = tpu.vector_load %arg8[%get3A_865, %get3A_866] {strides = array<i32>} : memref<128x384xf32, #tpu.memory_space<vmem>>, vector<16xf32>,
        %mul3A_868 = arith.mulf %get3A_867, %get3A_48 : vector<16xf32>
        %add3A_869 = arith.addf %add3A_864, %mul3A_868 : vector<16xf32>
        %get3A_870 = arith.index_cast %add3A_832 : i32 to index
        %get3A_871 = arith.constant 112 : index
        %get3A_872 = tpu.vector_load %arg8[%get3A_870, %get3A_871] {strides = array<i32>} : memref<128x384xf32, #tpu.memory_space<vmem>>, vector<16xf32>,
        %mul3A_873 = arith.mulf %get3A_872, %get3A_50 : vector<16xf32>
        %add3A_874 = arith.addf %add3A_869, %mul3A_873 : vector<16xf32>
        %get3A_875 = arith.index_cast %add3A_832 : i32 to index
        %get3A_876 = arith.constant 128 : index
        %get3A_877 = tpu.vector_load %arg8[%get3A_875, %get3A_876] {strides = array<i32>} : memref<128x384xf32, #tpu.memory_space<vmem>>, vector<16xf32>,
        %mul3A_878 = arith.mulf %get3A_877, %get3A_52 : vector<16xf32>
        %add3A_879 = arith.addf %add3A_874, %mul3A_878 : vector<16xf32>
        %get3A_880 = arith.index_cast %add3A_832 : i32 to index
        %get3A_881 = arith.constant 144 : index
        %get3A_882 = tpu.vector_load %arg8[%get3A_880, %get3A_881] {strides = array<i32>} : memref<128x384xf32, #tpu.memory_space<vmem>>, vector<16xf32>,
        %mul3A_883 = arith.mulf %get3A_882, %get3A_54 : vector<16xf32>
        %add3A_884 = arith.addf %add3A_879, %mul3A_883 : vector<16xf32>
        %get3A_885 = arith.index_cast %add3A_832 : i32 to index
        %get3A_886 = arith.constant 160 : index
        %get3A_887 = tpu.vector_load %arg8[%get3A_885, %get3A_886] {strides = array<i32>} : memref<128x384xf32, #tpu.memory_space<vmem>>, vector<16xf32>,
        %mul3A_888 = arith.mulf %get3A_887, %get3A_56 : vector<16xf32>
        %add3A_889 = arith.addf %add3A_884, %mul3A_888 : vector<16xf32>
        %get3A_890 = arith.index_cast %add3A_832 : i32 to index
        %get3A_891 = arith.constant 176 : index
        %get3A_892 = tpu.vector_load %arg8[%get3A_890, %get3A_891] {strides = array<i32>} : memref<128x384xf32, #tpu.memory_space<vmem>>, vector<16xf32>,
        %mul3A_893 = arith.mulf %get3A_892, %get3A_58 : vector<16xf32>
        %add3A_894 = arith.addf %add3A_889, %mul3A_893 : vector<16xf32>
        %get3A_895 = arith.index_cast %add3A_832 : i32 to index
        %get3A_896 = arith.constant 192 : index
        %get3A_897 = tpu.vector_load %arg8[%get3A_895, %get3A_896] {strides = array<i32>} : memref<128x384xf32, #tpu.memory_space<vmem>>, vector<16xf32>,
        %mul3A_898 = arith.mulf %get3A_897, %get3A_60 : vector<16xf32>
        %add3A_899 = arith.addf %add3A_894, %mul3A_898 : vector<16xf32>
        %get3A_900 = arith.index_cast %add3A_832 : i32 to index
        %get3A_901 = arith.constant 208 : index
        %get3A_902 = tpu.vector_load %arg8[%get3A_900, %get3A_901] {strides = array<i32>} : memref<128x384xf32, #tpu.memory_space<vmem>>, vector<16xf32>,
        %mul3A_903 = arith.mulf %get3A_902, %get3A_62 : vector<16xf32>
        %add3A_904 = arith.addf %add3A_899, %mul3A_903 : vector<16xf32>
        %get3A_905 = arith.index_cast %add3A_832 : i32 to index
        %get3A_906 = arith.constant 224 : index
        %get3A_907 = tpu.vector_load %arg8[%get3A_905, %get3A_906] {strides = array<i32>} : memref<128x384xf32, #tpu.memory_space<vmem>>, vector<16xf32>,
        %mul3A_908 = arith.mulf %get3A_907, %get3A_64 : vector<16xf32>
        %add3A_909 = arith.addf %add3A_904, %mul3A_908 : vector<16xf32>
        %get3A_910 = arith.index_cast %add3A_832 : i32 to index
        %get3A_911 = arith.constant 240 : index
        %get3A_912 = tpu.vector_load %arg8[%get3A_910, %get3A_911] {strides = array<i32>} : memref<128x384xf32, #tpu.memory_space<vmem>>, vector<16xf32>,
        %mul3A_913 = arith.mulf %get3A_912, %get3A_66 : vector<16xf32>
        %add3A_914 = arith.addf %add3A_909, %mul3A_913 : vector<16xf32>
        %get3A_915 = arith.index_cast %add3A_832 : i32 to index
        %get3A_916 = arith.constant 256 : index
        %get3A_917 = tpu.vector_load %arg8[%get3A_915, %get3A_916] {strides = array<i32>} : memref<128x384xf32, #tpu.memory_space<vmem>>, vector<16xf32>,
        %mul3A_918 = arith.mulf %get3A_917, %get3A_68 : vector<16xf32>
        %add3A_919 = arith.addf %add3A_914, %mul3A_918 : vector<16xf32>
        %get3A_920 = arith.index_cast %add3A_832 : i32 to index
        %get3A_921 = arith.constant 272 : index
        %get3A_922 = tpu.vector_load %arg8[%get3A_920, %get3A_921] {strides = array<i32>} : memref<128x384xf32, #tpu.memory_space<vmem>>, vector<16xf32>,
        %mul3A_923 = arith.mulf %get3A_922, %get3A_70 : vector<16xf32>
        %add3A_924 = arith.addf %add3A_919, %mul3A_923 : vector<16xf32>
        %get3A_925 = arith.index_cast %add3A_832 : i32 to index
        %get3A_926 = arith.constant 288 : index
        %get3A_927 = tpu.vector_load %arg8[%get3A_925, %get3A_926] {strides = array<i32>} : memref<128x384xf32, #tpu.memory_space<vmem>>, vector<16xf32>,
        %mul3A_928 = arith.mulf %get3A_927, %get3A_72 : vector<16xf32>
        %add3A_929 = arith.addf %add3A_924, %mul3A_928 : vector<16xf32>
        %get3A_930 = arith.index_cast %add3A_832 : i32 to index
        %get3A_931 = arith.constant 304 : index
        %get3A_932 = tpu.vector_load %arg8[%get3A_930, %get3A_931] {strides = array<i32>} : memref<128x384xf32, #tpu.memory_space<vmem>>, vector<16xf32>,
        %mul3A_933 = arith.mulf %get3A_932, %get3A_74 : vector<16xf32>
        %add3A_934 = arith.addf %add3A_929, %mul3A_933 : vector<16xf32>
        %get3A_935 = arith.index_cast %add3A_832 : i32 to index
        %get3A_936 = arith.constant 320 : index
        %get3A_937 = tpu.vector_load %arg8[%get3A_935, %get3A_936] {strides = array<i32>} : memref<128x384xf32, #tpu.memory_space<vmem>>, vector<16xf32>,
        %mul3A_938 = arith.mulf %get3A_937, %get3A_76 : vector<16xf32>
        %add3A_939 = arith.addf %add3A_934, %mul3A_938 : vector<16xf32>
        %get3A_940 = arith.index_cast %add3A_832 : i32 to index
        %get3A_941 = arith.constant 336 : index
        %get3A_942 = tpu.vector_load %arg8[%get3A_940, %get3A_941] {strides = array<i32>} : memref<128x384xf32, #tpu.memory_space<vmem>>, vector<16xf32>,
        %mul3A_943 = arith.mulf %get3A_942, %get3A_78 : vector<16xf32>
        %add3A_944 = arith.addf %add3A_939, %mul3A_943 : vector<16xf32>
        %get3A_945 = arith.index_cast %add3A_832 : i32 to index
        %get3A_946 = arith.constant 352 : index
        %get3A_947 = tpu.vector_load %arg8[%get3A_945, %get3A_946] {strides = array<i32>} : memref<128x384xf32, #tpu.memory_space<vmem>>, vector<16xf32>,
        %mul3A_948 = arith.mulf %get3A_947, %get3A_80 : vector<16xf32>
        %add3A_949 = arith.addf %add3A_944, %mul3A_948 : vector<16xf32>
        %get3A_950 = arith.index_cast %add3A_832 : i32 to index
        %get3A_951 = arith.constant 368 : index
        %get3A_952 = tpu.vector_load %arg8[%get3A_950, %get3A_951] {strides = array<i32>} : memref<128x384xf32, #tpu.memory_space<vmem>>, vector<16xf32>,
        %mul3A_953 = arith.mulf %get3A_952, %get3A_82 : vector<16xf32>
        %add3A_954 = arith.addf %add3A_949, %mul3A_953 : vector<16xf32>
        %eq3A_955 = arith.constant 5 : i32
        %eq3A_956 = vector.broadcast %eq3A_955 : i32 to vector<16xi32>
        %eq3A_957 = arith.cmpi eq, %iota3A, %eq3A_956 : vector<16xi32>
        %reduce_sum3A_958 = arith.constant true
        %reduce_sum3A_959 = vector.broadcast %reduce_sum3A_958 : i1 to vector<16xi1>
        %reduce_sum3A_960 = tpu.scan <sum>, %add3A_954 masked %reduce_sum3A_959 : vector<16xf32>, vector<16xi1> -> vector<16xf32>
        %reduce_sum3A_961 = vector.extract %reduce_sum3A_960[15] : f32 from vector<16xf32>
        %broadcast_in_dim3A_962 = vector.broadcast %reduce_sum3A_961 : f32 to vector<16xf32>
        %select_n3A_963 = arith.select %eq3A_957, %broadcast_in_dim3A_962, %select_n3A_828 : vector<16xi1>, vector<16xf32>
        %mul3A_964 = arith.constant 16 : i32
        %mul3A_965 = arith.muli %scan3A_152, %mul3A_964 : i32
        %add3A_966 = arith.constant 6 : i32
        %add3A_967 = arith.addi %mul3A_965, %add3A_966 : i32
        %broadcast_in_dim3A_968 = arith.constant 0.000000e+00 : f32
        %broadcast_in_dim3A_969 = vector.broadcast %broadcast_in_dim3A_968 : f32 to vector<16xf32>
        %get3A_970 = arith.index_cast %add3A_967 : i32 to index
        %get3A_971 = arith.constant 0 : index
        %get3A_972 = tpu.vector_load %arg8[%get3A_970, %get3A_971] {strides = array<i32>} : memref<128x384xf32, #tpu.memory_space<vmem>>, vector<16xf32>,
        %mul3A_973 = arith.mulf %get3A_972, %get3A_36 : vector<16xf32>
        %add3A_974 = arith.addf %broadcast_in_dim3A_969, %mul3A_973 : vector<16xf32>
        %get3A_975 = arith.index_cast %add3A_967 : i32 to index
        %get3A_976 = arith.constant 16 : index
        %get3A_977 = tpu.vector_load %arg8[%get3A_975, %get3A_976] {strides = array<i32>} : memref<128x384xf32, #tpu.memory_space<vmem>>, vector<16xf32>,
        %mul3A_978 = arith.mulf %get3A_977, %get3A_38 : vector<16xf32>
        %add3A_979 = arith.addf %add3A_974, %mul3A_978 : vector<16xf32>
        %get3A_980 = arith.index_cast %add3A_967 : i32 to index
        %get3A_981 = arith.constant 32 : index
        %get3A_982 = tpu.vector_load %arg8[%get3A_980, %get3A_981] {strides = array<i32>} : memref<128x384xf32, #tpu.memory_space<vmem>>, vector<16xf32>,
        %mul3A_983 = arith.mulf %get3A_982, %get3A_40 : vector<16xf32>
        %add3A_984 = arith.addf %add3A_979, %mul3A_983 : vector<16xf32>
        %get3A_985 = arith.index_cast %add3A_967 : i32 to index
        %get3A_986 = arith.constant 48 : index
        %get3A_987 = tpu.vector_load %arg8[%get3A_985, %get3A_986] {strides = array<i32>} : memref<128x384xf32, #tpu.memory_space<vmem>>, vector<16xf32>,
        %mul3A_988 = arith.mulf %get3A_987, %get3A_42 : vector<16xf32>
        %add3A_989 = arith.addf %add3A_984, %mul3A_988 : vector<16xf32>
        %get3A_990 = arith.index_cast %add3A_967 : i32 to index
        %get3A_991 = arith.constant 64 : index
        %get3A_992 = tpu.vector_load %arg8[%get3A_990, %get3A_991] {strides = array<i32>} : memref<128x384xf32, #tpu.memory_space<vmem>>, vector<16xf32>,
        %mul3A_993 = arith.mulf %get3A_992, %get3A_44 : vector<16xf32>
        %add3A_994 = arith.addf %add3A_989, %mul3A_993 : vector<16xf32>
        %get3A_995 = arith.index_cast %add3A_967 : i32 to index
        %get3A_996 = arith.constant 80 : index
        %get3A_997 = tpu.vector_load %arg8[%get3A_995, %get3A_996] {strides = array<i32>} : memref<128x384xf32, #tpu.memory_space<vmem>>, vector<16xf32>,
        %mul3A_998 = arith.mulf %get3A_997, %get3A_46 : vector<16xf32>
        %add3A_999 = arith.addf %add3A_994, %mul3A_998 : vector<16xf32>
        %get3A_1000 = arith.index_cast %add3A_967 : i32 to index
        %get3A_1001 = arith.constant 96 : index
        %get3A_1002 = tpu.vector_load %arg8[%get3A_1000, %get3A_1001] {strides = array<i32>} : memref<128x384xf32, #tpu.memory_space<vmem>>, vector<16xf32>,
        %mul3A_1003 = arith.mulf %get3A_1002, %get3A_48 : vector<16xf32>
        %add3A_1004 = arith.addf %add3A_999, %mul3A_1003 : vector<16xf32>
        %get3A_1005 = arith.index_cast %add3A_967 : i32 to index
        %get3A_1006 = arith.constant 112 : index
        %get3A_1007 = tpu.vector_load %arg8[%get3A_1005, %get3A_1006] {strides = array<i32>} : memref<128x384xf32, #tpu.memory_space<vmem>>, vector<16xf32>,
        %mul3A_1008 = arith.mulf %get3A_1007, %get3A_50 : vector<16xf32>
        %add3A_1009 = arith.addf %add3A_1004, %mul3A_1008 : vector<16xf32>
        %get3A_1010 = arith.index_cast %add3A_967 : i32 to index
        %get3A_1011 = arith.constant 128 : index
        %get3A_1012 = tpu.vector_load %arg8[%get3A_1010, %get3A_1011] {strides = array<i32>} : memref<128x384xf32, #tpu.memory_space<vmem>>, vector<16xf32>,
        %mul3A_1013 = arith.mulf %get3A_1012, %get3A_52 : vector<16xf32>
        %add3A_1014 = arith.addf %add3A_1009, %mul3A_1013 : vector<16xf32>
        %get3A_1015 = arith.index_cast %add3A_967 : i32 to index
        %get3A_1016 = arith.constant 144 : index
        %get3A_1017 = tpu.vector_load %arg8[%get3A_1015, %get3A_1016] {strides = array<i32>} : memref<128x384xf32, #tpu.memory_space<vmem>>, vector<16xf32>,
        %mul3A_1018 = arith.mulf %get3A_1017, %get3A_54 : vector<16xf32>
        %add3A_1019 = arith.addf %add3A_1014, %mul3A_1018 : vector<16xf32>
        %get3A_1020 = arith.index_cast %add3A_967 : i32 to index
        %get3A_1021 = arith.constant 160 : index
        %get3A_1022 = tpu.vector_load %arg8[%get3A_1020, %get3A_1021] {strides = array<i32>} : memref<128x384xf32, #tpu.memory_space<vmem>>, vector<16xf32>,
        %mul3A_1023 = arith.mulf %get3A_1022, %get3A_56 : vector<16xf32>
        %add3A_1024 = arith.addf %add3A_1019, %mul3A_1023 : vector<16xf32>
        %get3A_1025 = arith.index_cast %add3A_967 : i32 to index
        %get3A_1026 = arith.constant 176 : index
        %get3A_1027 = tpu.vector_load %arg8[%get3A_1025, %get3A_1026] {strides = array<i32>} : memref<128x384xf32, #tpu.memory_space<vmem>>, vector<16xf32>,
        %mul3A_1028 = arith.mulf %get3A_1027, %get3A_58 : vector<16xf32>
        %add3A_1029 = arith.addf %add3A_1024, %mul3A_1028 : vector<16xf32>
        %get3A_1030 = arith.index_cast %add3A_967 : i32 to index
        %get3A_1031 = arith.constant 192 : index
        %get3A_1032 = tpu.vector_load %arg8[%get3A_1030, %get3A_1031] {strides = array<i32>} : memref<128x384xf32, #tpu.memory_space<vmem>>, vector<16xf32>,
        %mul3A_1033 = arith.mulf %get3A_1032, %get3A_60 : vector<16xf32>
        %add3A_1034 = arith.addf %add3A_1029, %mul3A_1033 : vector<16xf32>
        %get3A_1035 = arith.index_cast %add3A_967 : i32 to index
        %get3A_1036 = arith.constant 208 : index
        %get3A_1037 = tpu.vector_load %arg8[%get3A_1035, %get3A_1036] {strides = array<i32>} : memref<128x384xf32, #tpu.memory_space<vmem>>, vector<16xf32>,
        %mul3A_1038 = arith.mulf %get3A_1037, %get3A_62 : vector<16xf32>
        %add3A_1039 = arith.addf %add3A_1034, %mul3A_1038 : vector<16xf32>
        %get3A_1040 = arith.index_cast %add3A_967 : i32 to index
        %get3A_1041 = arith.constant 224 : index
        %get3A_1042 = tpu.vector_load %arg8[%get3A_1040, %get3A_1041] {strides = array<i32>} : memref<128x384xf32, #tpu.memory_space<vmem>>, vector<16xf32>,
        %mul3A_1043 = arith.mulf %get3A_1042, %get3A_64 : vector<16xf32>
        %add3A_1044 = arith.addf %add3A_1039, %mul3A_1043 : vector<16xf32>
        %get3A_1045 = arith.index_cast %add3A_967 : i32 to index
        %get3A_1046 = arith.constant 240 : index
        %get3A_1047 = tpu.vector_load %arg8[%get3A_1045, %get3A_1046] {strides = array<i32>} : memref<128x384xf32, #tpu.memory_space<vmem>>, vector<16xf32>,
        %mul3A_1048 = arith.mulf %get3A_1047, %get3A_66 : vector<16xf32>
        %add3A_1049 = arith.addf %add3A_1044, %mul3A_1048 : vector<16xf32>
        %get3A_1050 = arith.index_cast %add3A_967 : i32 to index
        %get3A_1051 = arith.constant 256 : index
        %get3A_1052 = tpu.vector_load %arg8[%get3A_1050, %get3A_1051] {strides = array<i32>} : memref<128x384xf32, #tpu.memory_space<vmem>>, vector<16xf32>,
        %mul3A_1053 = arith.mulf %get3A_1052, %get3A_68 : vector<16xf32>
        %add3A_1054 = arith.addf %add3A_1049, %mul3A_1053 : vector<16xf32>
        %get3A_1055 = arith.index_cast %add3A_967 : i32 to index
        %get3A_1056 = arith.constant 272 : index
        %get3A_1057 = tpu.vector_load %arg8[%get3A_1055, %get3A_1056] {strides = array<i32>} : memref<128x384xf32, #tpu.memory_space<vmem>>, vector<16xf32>,
        %mul3A_1058 = arith.mulf %get3A_1057, %get3A_70 : vector<16xf32>
        %add3A_1059 = arith.addf %add3A_1054, %mul3A_1058 : vector<16xf32>
        %get3A_1060 = arith.index_cast %add3A_967 : i32 to index
        %get3A_1061 = arith.constant 288 : index
        %get3A_1062 = tpu.vector_load %arg8[%get3A_1060, %get3A_1061] {strides = array<i32>} : memref<128x384xf32, #tpu.memory_space<vmem>>, vector<16xf32>,
        %mul3A_1063 = arith.mulf %get3A_1062, %get3A_72 : vector<16xf32>
        %add3A_1064 = arith.addf %add3A_1059, %mul3A_1063 : vector<16xf32>
        %get3A_1065 = arith.index_cast %add3A_967 : i32 to index
        %get3A_1066 = arith.constant 304 : index
        %get3A_1067 = tpu.vector_load %arg8[%get3A_1065, %get3A_1066] {strides = array<i32>} : memref<128x384xf32, #tpu.memory_space<vmem>>, vector<16xf32>,
        %mul3A_1068 = arith.mulf %get3A_1067, %get3A_74 : vector<16xf32>
        %add3A_1069 = arith.addf %add3A_1064, %mul3A_1068 : vector<16xf32>
        %get3A_1070 = arith.index_cast %add3A_967 : i32 to index
        %get3A_1071 = arith.constant 320 : index
        %get3A_1072 = tpu.vector_load %arg8[%get3A_1070, %get3A_1071] {strides = array<i32>} : memref<128x384xf32, #tpu.memory_space<vmem>>, vector<16xf32>,
        %mul3A_1073 = arith.mulf %get3A_1072, %get3A_76 : vector<16xf32>
        %add3A_1074 = arith.addf %add3A_1069, %mul3A_1073 : vector<16xf32>
        %get3A_1075 = arith.index_cast %add3A_967 : i32 to index
        %get3A_1076 = arith.constant 336 : index
        %get3A_1077 = tpu.vector_load %arg8[%get3A_1075, %get3A_1076] {strides = array<i32>} : memref<128x384xf32, #tpu.memory_space<vmem>>, vector<16xf32>,
        %mul3A_1078 = arith.mulf %get3A_1077, %get3A_78 : vector<16xf32>
        %add3A_1079 = arith.addf %add3A_1074, %mul3A_1078 : vector<16xf32>
        %get3A_1080 = arith.index_cast %add3A_967 : i32 to index
        %get3A_1081 = arith.constant 352 : index
        %get3A_1082 = tpu.vector_load %arg8[%get3A_1080, %get3A_1081] {strides = array<i32>} : memref<128x384xf32, #tpu.memory_space<vmem>>, vector<16xf32>,
        %mul3A_1083 = arith.mulf %get3A_1082, %get3A_80 : vector<16xf32>
        %add3A_1084 = arith.addf %add3A_1079, %mul3A_1083 : vector<16xf32>
        %get3A_1085 = arith.index_cast %add3A_967 : i32 to index
        %get3A_1086 = arith.constant 368 : index
        %get3A_1087 = tpu.vector_load %arg8[%get3A_1085, %get3A_1086] {strides = array<i32>} : memref<128x384xf32, #tpu.memory_space<vmem>>, vector<16xf32>,
        %mul3A_1088 = arith.mulf %get3A_1087, %get3A_82 : vector<16xf32>
        %add3A_1089 = arith.addf %add3A_1084, %mul3A_1088 : vector<16xf32>
        %eq3A_1090 = arith.constant 6 : i32
        %eq3A_1091 = vector.broadcast %eq3A_1090 : i32 to vector<16xi32>
        %eq3A_1092 = arith.cmpi eq, %iota3A, %eq3A_1091 : vector<16xi32>
        %reduce_sum3A_1093 = arith.constant true
        %reduce_sum3A_1094 = vector.broadcast %reduce_sum3A_1093 : i1 to vector<16xi1>
        %reduce_sum3A_1095 = tpu.scan <sum>, %add3A_1089 masked %reduce_sum3A_1094 : vector<16xf32>, vector<16xi1> -> vector<16xf32>
        %reduce_sum3A_1096 = vector.extract %reduce_sum3A_1095[15] : f32 from vector<16xf32>
        %broadcast_in_dim3A_1097 = vector.broadcast %reduce_sum3A_1096 : f32 to vector<16xf32>
        %select_n3A_1098 = arith.select %eq3A_1092, %broadcast_in_dim3A_1097, %select_n3A_963 : vector<16xi1>, vector<16xf32>
        %mul3A_1099 = arith.constant 16 : i32
        %mul3A_1100 = arith.muli %scan3A_152, %mul3A_1099 : i32
        %add3A_1101 = arith.constant 7 : i32
        %add3A_1102 = arith.addi %mul3A_1100, %add3A_1101 : i32
        %broadcast_in_dim3A_1103 = arith.constant 0.000000e+00 : f32
        %broadcast_in_dim3A_1104 = vector.broadcast %broadcast_in_dim3A_1103 : f32 to vector<16xf32>
        %get3A_1105 = arith.index_cast %add3A_1102 : i32 to index
        %get3A_1106 = arith.constant 0 : index
        %get3A_1107 = tpu.vector_load %arg8[%get3A_1105, %get3A_1106] {strides = array<i32>} : memref<128x384xf32, #tpu.memory_space<vmem>>, vector<16xf32>,
        %mul3A_1108 = arith.mulf %get3A_1107, %get3A_36 : vector<16xf32>
        %add3A_1109 = arith.addf %broadcast_in_dim3A_1104, %mul3A_1108 : vector<16xf32>
        %get3A_1110 = arith.index_cast %add3A_1102 : i32 to index
        %get3A_1111 = arith.constant 16 : index
        %get3A_1112 = tpu.vector_load %arg8[%get3A_1110, %get3A_1111] {strides = array<i32>} : memref<128x384xf32, #tpu.memory_space<vmem>>, vector<16xf32>,
        %mul3A_1113 = arith.mulf %get3A_1112, %get3A_38 : vector<16xf32>
        %add3A_1114 = arith.addf %add3A_1109, %mul3A_1113 : vector<16xf32>
        %get3A_1115 = arith.index_cast %add3A_1102 : i32 to index
        %get3A_1116 = arith.constant 32 : index
        %get3A_1117 = tpu.vector_load %arg8[%get3A_1115, %get3A_1116] {strides = array<i32>} : memref<128x384xf32, #tpu.memory_space<vmem>>, vector<16xf32>,
        %mul3A_1118 = arith.mulf %get3A_1117, %get3A_40 : vector<16xf32>
        %add3A_1119 = arith.addf %add3A_1114, %mul3A_1118 : vector<16xf32>
        %get3A_1120 = arith.index_cast %add3A_1102 : i32 to index
        %get3A_1121 = arith.constant 48 : index
        %get3A_1122 = tpu.vector_load %arg8[%get3A_1120, %get3A_1121] {strides = array<i32>} : memref<128x384xf32, #tpu.memory_space<vmem>>, vector<16xf32>,
        %mul3A_1123 = arith.mulf %get3A_1122, %get3A_42 : vector<16xf32>
        %add3A_1124 = arith.addf %add3A_1119, %mul3A_1123 : vector<16xf32>
        %get3A_1125 = arith.index_cast %add3A_1102 : i32 to index
        %get3A_1126 = arith.constant 64 : index
        %get3A_1127 = tpu.vector_load %arg8[%get3A_1125, %get3A_1126] {strides = array<i32>} : memref<128x384xf32, #tpu.memory_space<vmem>>, vector<16xf32>,
        %mul3A_1128 = arith.mulf %get3A_1127, %get3A_44 : vector<16xf32>
        %add3A_1129 = arith.addf %add3A_1124, %mul3A_1128 : vector<16xf32>
        %get3A_1130 = arith.index_cast %add3A_1102 : i32 to index
        %get3A_1131 = arith.constant 80 : index
        %get3A_1132 = tpu.vector_load %arg8[%get3A_1130, %get3A_1131] {strides = array<i32>} : memref<128x384xf32, #tpu.memory_space<vmem>>, vector<16xf32>,
        %mul3A_1133 = arith.mulf %get3A_1132, %get3A_46 : vector<16xf32>
        %add3A_1134 = arith.addf %add3A_1129, %mul3A_1133 : vector<16xf32>
        %get3A_1135 = arith.index_cast %add3A_1102 : i32 to index
        %get3A_1136 = arith.constant 96 : index
        %get3A_1137 = tpu.vector_load %arg8[%get3A_1135, %get3A_1136] {strides = array<i32>} : memref<128x384xf32, #tpu.memory_space<vmem>>, vector<16xf32>,
        %mul3A_1138 = arith.mulf %get3A_1137, %get3A_48 : vector<16xf32>
        %add3A_1139 = arith.addf %add3A_1134, %mul3A_1138 : vector<16xf32>
        %get3A_1140 = arith.index_cast %add3A_1102 : i32 to index
        %get3A_1141 = arith.constant 112 : index
        %get3A_1142 = tpu.vector_load %arg8[%get3A_1140, %get3A_1141] {strides = array<i32>} : memref<128x384xf32, #tpu.memory_space<vmem>>, vector<16xf32>,
        %mul3A_1143 = arith.mulf %get3A_1142, %get3A_50 : vector<16xf32>
        %add3A_1144 = arith.addf %add3A_1139, %mul3A_1143 : vector<16xf32>
        %get3A_1145 = arith.index_cast %add3A_1102 : i32 to index
        %get3A_1146 = arith.constant 128 : index
        %get3A_1147 = tpu.vector_load %arg8[%get3A_1145, %get3A_1146] {strides = array<i32>} : memref<128x384xf32, #tpu.memory_space<vmem>>, vector<16xf32>,
        %mul3A_1148 = arith.mulf %get3A_1147, %get3A_52 : vector<16xf32>
        %add3A_1149 = arith.addf %add3A_1144, %mul3A_1148 : vector<16xf32>
        %get3A_1150 = arith.index_cast %add3A_1102 : i32 to index
        %get3A_1151 = arith.constant 144 : index
        %get3A_1152 = tpu.vector_load %arg8[%get3A_1150, %get3A_1151] {strides = array<i32>} : memref<128x384xf32, #tpu.memory_space<vmem>>, vector<16xf32>,
        %mul3A_1153 = arith.mulf %get3A_1152, %get3A_54 : vector<16xf32>
        %add3A_1154 = arith.addf %add3A_1149, %mul3A_1153 : vector<16xf32>
        %get3A_1155 = arith.index_cast %add3A_1102 : i32 to index
        %get3A_1156 = arith.constant 160 : index
        %get3A_1157 = tpu.vector_load %arg8[%get3A_1155, %get3A_1156] {strides = array<i32>} : memref<128x384xf32, #tpu.memory_space<vmem>>, vector<16xf32>,
        %mul3A_1158 = arith.mulf %get3A_1157, %get3A_56 : vector<16xf32>
        %add3A_1159 = arith.addf %add3A_1154, %mul3A_1158 : vector<16xf32>
        %get3A_1160 = arith.index_cast %add3A_1102 : i32 to index
        %get3A_1161 = arith.constant 176 : index
        %get3A_1162 = tpu.vector_load %arg8[%get3A_1160, %get3A_1161] {strides = array<i32>} : memref<128x384xf32, #tpu.memory_space<vmem>>, vector<16xf32>,
        %mul3A_1163 = arith.mulf %get3A_1162, %get3A_58 : vector<16xf32>
        %add3A_1164 = arith.addf %add3A_1159, %mul3A_1163 : vector<16xf32>
        %get3A_1165 = arith.index_cast %add3A_1102 : i32 to index
        %get3A_1166 = arith.constant 192 : index
        %get3A_1167 = tpu.vector_load %arg8[%get3A_1165, %get3A_1166] {strides = array<i32>} : memref<128x384xf32, #tpu.memory_space<vmem>>, vector<16xf32>,
        %mul3A_1168 = arith.mulf %get3A_1167, %get3A_60 : vector<16xf32>
        %add3A_1169 = arith.addf %add3A_1164, %mul3A_1168 : vector<16xf32>
        %get3A_1170 = arith.index_cast %add3A_1102 : i32 to index
        %get3A_1171 = arith.constant 208 : index
        %get3A_1172 = tpu.vector_load %arg8[%get3A_1170, %get3A_1171] {strides = array<i32>} : memref<128x384xf32, #tpu.memory_space<vmem>>, vector<16xf32>,
        %mul3A_1173 = arith.mulf %get3A_1172, %get3A_62 : vector<16xf32>
        %add3A_1174 = arith.addf %add3A_1169, %mul3A_1173 : vector<16xf32>
        %get3A_1175 = arith.index_cast %add3A_1102 : i32 to index
        %get3A_1176 = arith.constant 224 : index
        %get3A_1177 = tpu.vector_load %arg8[%get3A_1175, %get3A_1176] {strides = array<i32>} : memref<128x384xf32, #tpu.memory_space<vmem>>, vector<16xf32>,
        %mul3A_1178 = arith.mulf %get3A_1177, %get3A_64 : vector<16xf32>
        %add3A_1179 = arith.addf %add3A_1174, %mul3A_1178 : vector<16xf32>
        %get3A_1180 = arith.index_cast %add3A_1102 : i32 to index
        %get3A_1181 = arith.constant 240 : index
        %get3A_1182 = tpu.vector_load %arg8[%get3A_1180, %get3A_1181] {strides = array<i32>} : memref<128x384xf32, #tpu.memory_space<vmem>>, vector<16xf32>,
        %mul3A_1183 = arith.mulf %get3A_1182, %get3A_66 : vector<16xf32>
        %add3A_1184 = arith.addf %add3A_1179, %mul3A_1183 : vector<16xf32>
        %get3A_1185 = arith.index_cast %add3A_1102 : i32 to index
        %get3A_1186 = arith.constant 256 : index
        %get3A_1187 = tpu.vector_load %arg8[%get3A_1185, %get3A_1186] {strides = array<i32>} : memref<128x384xf32, #tpu.memory_space<vmem>>, vector<16xf32>,
        %mul3A_1188 = arith.mulf %get3A_1187, %get3A_68 : vector<16xf32>
        %add3A_1189 = arith.addf %add3A_1184, %mul3A_1188 : vector<16xf32>
        %get3A_1190 = arith.index_cast %add3A_1102 : i32 to index
        %get3A_1191 = arith.constant 272 : index
        %get3A_1192 = tpu.vector_load %arg8[%get3A_1190, %get3A_1191] {strides = array<i32>} : memref<128x384xf32, #tpu.memory_space<vmem>>, vector<16xf32>,
        %mul3A_1193 = arith.mulf %get3A_1192, %get3A_70 : vector<16xf32>
        %add3A_1194 = arith.addf %add3A_1189, %mul3A_1193 : vector<16xf32>
        %get3A_1195 = arith.index_cast %add3A_1102 : i32 to index
        %get3A_1196 = arith.constant 288 : index
        %get3A_1197 = tpu.vector_load %arg8[%get3A_1195, %get3A_1196] {strides = array<i32>} : memref<128x384xf32, #tpu.memory_space<vmem>>, vector<16xf32>,
        %mul3A_1198 = arith.mulf %get3A_1197, %get3A_72 : vector<16xf32>
        %add3A_1199 = arith.addf %add3A_1194, %mul3A_1198 : vector<16xf32>
        %get3A_1200 = arith.index_cast %add3A_1102 : i32 to index
        %get3A_1201 = arith.constant 304 : index
        %get3A_1202 = tpu.vector_load %arg8[%get3A_1200, %get3A_1201] {strides = array<i32>} : memref<128x384xf32, #tpu.memory_space<vmem>>, vector<16xf32>,
        %mul3A_1203 = arith.mulf %get3A_1202, %get3A_74 : vector<16xf32>
        %add3A_1204 = arith.addf %add3A_1199, %mul3A_1203 : vector<16xf32>
        %get3A_1205 = arith.index_cast %add3A_1102 : i32 to index
        %get3A_1206 = arith.constant 320 : index
        %get3A_1207 = tpu.vector_load %arg8[%get3A_1205, %get3A_1206] {strides = array<i32>} : memref<128x384xf32, #tpu.memory_space<vmem>>, vector<16xf32>,
        %mul3A_1208 = arith.mulf %get3A_1207, %get3A_76 : vector<16xf32>
        %add3A_1209 = arith.addf %add3A_1204, %mul3A_1208 : vector<16xf32>
        %get3A_1210 = arith.index_cast %add3A_1102 : i32 to index
        %get3A_1211 = arith.constant 336 : index
        %get3A_1212 = tpu.vector_load %arg8[%get3A_1210, %get3A_1211] {strides = array<i32>} : memref<128x384xf32, #tpu.memory_space<vmem>>, vector<16xf32>,
        %mul3A_1213 = arith.mulf %get3A_1212, %get3A_78 : vector<16xf32>
        %add3A_1214 = arith.addf %add3A_1209, %mul3A_1213 : vector<16xf32>
        %get3A_1215 = arith.index_cast %add3A_1102 : i32 to index
        %get3A_1216 = arith.constant 352 : index
        %get3A_1217 = tpu.vector_load %arg8[%get3A_1215, %get3A_1216] {strides = array<i32>} : memref<128x384xf32, #tpu.memory_space<vmem>>, vector<16xf32>,
        %mul3A_1218 = arith.mulf %get3A_1217, %get3A_80 : vector<16xf32>
        %add3A_1219 = arith.addf %add3A_1214, %mul3A_1218 : vector<16xf32>
        %get3A_1220 = arith.index_cast %add3A_1102 : i32 to index
        %get3A_1221 = arith.constant 368 : index
        %get3A_1222 = tpu.vector_load %arg8[%get3A_1220, %get3A_1221] {strides = array<i32>} : memref<128x384xf32, #tpu.memory_space<vmem>>, vector<16xf32>,
        %mul3A_1223 = arith.mulf %get3A_1222, %get3A_82 : vector<16xf32>
        %add3A_1224 = arith.addf %add3A_1219, %mul3A_1223 : vector<16xf32>
        %eq3A_1225 = arith.constant 7 : i32
        %eq3A_1226 = vector.broadcast %eq3A_1225 : i32 to vector<16xi32>
        %eq3A_1227 = arith.cmpi eq, %iota3A, %eq3A_1226 : vector<16xi32>
        %reduce_sum3A_1228 = arith.constant true
        %reduce_sum3A_1229 = vector.broadcast %reduce_sum3A_1228 : i1 to vector<16xi1>
        %reduce_sum3A_1230 = tpu.scan <sum>, %add3A_1224 masked %reduce_sum3A_1229 : vector<16xf32>, vector<16xi1> -> vector<16xf32>
        %reduce_sum3A_1231 = vector.extract %reduce_sum3A_1230[15] : f32 from vector<16xf32>
        %broadcast_in_dim3A_1232 = vector.broadcast %reduce_sum3A_1231 : f32 to vector<16xf32>
        %select_n3A_1233 = arith.select %eq3A_1227, %broadcast_in_dim3A_1232, %select_n3A_1098 : vector<16xi1>, vector<16xf32>
        %mul3A_1234 = arith.constant 16 : i32
        %mul3A_1235 = arith.muli %scan3A_152, %mul3A_1234 : i32
        %add3A_1236 = arith.constant 8 : i32
        %add3A_1237 = arith.addi %mul3A_1235, %add3A_1236 : i32
        %broadcast_in_dim3A_1238 = arith.constant 0.000000e+00 : f32
        %broadcast_in_dim3A_1239 = vector.broadcast %broadcast_in_dim3A_1238 : f32 to vector<16xf32>
        %get3A_1240 = arith.index_cast %add3A_1237 : i32 to index
        %get3A_1241 = arith.constant 0 : index
        %get3A_1242 = tpu.vector_load %arg8[%get3A_1240, %get3A_1241] {strides = array<i32>} : memref<128x384xf32, #tpu.memory_space<vmem>>, vector<16xf32>,
        %mul3A_1243 = arith.mulf %get3A_1242, %get3A_36 : vector<16xf32>
        %add3A_1244 = arith.addf %broadcast_in_dim3A_1239, %mul3A_1243 : vector<16xf32>
        %get3A_1245 = arith.index_cast %add3A_1237 : i32 to index
        %get3A_1246 = arith.constant 16 : index
        %get3A_1247 = tpu.vector_load %arg8[%get3A_1245, %get3A_1246] {strides = array<i32>} : memref<128x384xf32, #tpu.memory_space<vmem>>, vector<16xf32>,
        %mul3A_1248 = arith.mulf %get3A_1247, %get3A_38 : vector<16xf32>
        %add3A_1249 = arith.addf %add3A_1244, %mul3A_1248 : vector<16xf32>
        %get3A_1250 = arith.index_cast %add3A_1237 : i32 to index
        %get3A_1251 = arith.constant 32 : index
        %get3A_1252 = tpu.vector_load %arg8[%get3A_1250, %get3A_1251] {strides = array<i32>} : memref<128x384xf32, #tpu.memory_space<vmem>>, vector<16xf32>,
        %mul3A_1253 = arith.mulf %get3A_1252, %get3A_40 : vector<16xf32>
        %add3A_1254 = arith.addf %add3A_1249, %mul3A_1253 : vector<16xf32>
        %get3A_1255 = arith.index_cast %add3A_1237 : i32 to index
        %get3A_1256 = arith.constant 48 : index
        %get3A_1257 = tpu.vector_load %arg8[%get3A_1255, %get3A_1256] {strides = array<i32>} : memref<128x384xf32, #tpu.memory_space<vmem>>, vector<16xf32>,
        %mul3A_1258 = arith.mulf %get3A_1257, %get3A_42 : vector<16xf32>
        %add3A_1259 = arith.addf %add3A_1254, %mul3A_1258 : vector<16xf32>
        %get3A_1260 = arith.index_cast %add3A_1237 : i32 to index
        %get3A_1261 = arith.constant 64 : index
        %get3A_1262 = tpu.vector_load %arg8[%get3A_1260, %get3A_1261] {strides = array<i32>} : memref<128x384xf32, #tpu.memory_space<vmem>>, vector<16xf32>,
        %mul3A_1263 = arith.mulf %get3A_1262, %get3A_44 : vector<16xf32>
        %add3A_1264 = arith.addf %add3A_1259, %mul3A_1263 : vector<16xf32>
        %get3A_1265 = arith.index_cast %add3A_1237 : i32 to index
        %get3A_1266 = arith.constant 80 : index
        %get3A_1267 = tpu.vector_load %arg8[%get3A_1265, %get3A_1266] {strides = array<i32>} : memref<128x384xf32, #tpu.memory_space<vmem>>, vector<16xf32>,
        %mul3A_1268 = arith.mulf %get3A_1267, %get3A_46 : vector<16xf32>
        %add3A_1269 = arith.addf %add3A_1264, %mul3A_1268 : vector<16xf32>
        %get3A_1270 = arith.index_cast %add3A_1237 : i32 to index
        %get3A_1271 = arith.constant 96 : index
        %get3A_1272 = tpu.vector_load %arg8[%get3A_1270, %get3A_1271] {strides = array<i32>} : memref<128x384xf32, #tpu.memory_space<vmem>>, vector<16xf32>,
        %mul3A_1273 = arith.mulf %get3A_1272, %get3A_48 : vector<16xf32>
        %add3A_1274 = arith.addf %add3A_1269, %mul3A_1273 : vector<16xf32>
        %get3A_1275 = arith.index_cast %add3A_1237 : i32 to index
        %get3A_1276 = arith.constant 112 : index
        %get3A_1277 = tpu.vector_load %arg8[%get3A_1275, %get3A_1276] {strides = array<i32>} : memref<128x384xf32, #tpu.memory_space<vmem>>, vector<16xf32>,
        %mul3A_1278 = arith.mulf %get3A_1277, %get3A_50 : vector<16xf32>
        %add3A_1279 = arith.addf %add3A_1274, %mul3A_1278 : vector<16xf32>
        %get3A_1280 = arith.index_cast %add3A_1237 : i32 to index
        %get3A_1281 = arith.constant 128 : index
        %get3A_1282 = tpu.vector_load %arg8[%get3A_1280, %get3A_1281] {strides = array<i32>} : memref<128x384xf32, #tpu.memory_space<vmem>>, vector<16xf32>,
        %mul3A_1283 = arith.mulf %get3A_1282, %get3A_52 : vector<16xf32>
        %add3A_1284 = arith.addf %add3A_1279, %mul3A_1283 : vector<16xf32>
        %get3A_1285 = arith.index_cast %add3A_1237 : i32 to index
        %get3A_1286 = arith.constant 144 : index
        %get3A_1287 = tpu.vector_load %arg8[%get3A_1285, %get3A_1286] {strides = array<i32>} : memref<128x384xf32, #tpu.memory_space<vmem>>, vector<16xf32>,
        %mul3A_1288 = arith.mulf %get3A_1287, %get3A_54 : vector<16xf32>
        %add3A_1289 = arith.addf %add3A_1284, %mul3A_1288 : vector<16xf32>
        %get3A_1290 = arith.index_cast %add3A_1237 : i32 to index
        %get3A_1291 = arith.constant 160 : index
        %get3A_1292 = tpu.vector_load %arg8[%get3A_1290, %get3A_1291] {strides = array<i32>} : memref<128x384xf32, #tpu.memory_space<vmem>>, vector<16xf32>,
        %mul3A_1293 = arith.mulf %get3A_1292, %get3A_56 : vector<16xf32>
        %add3A_1294 = arith.addf %add3A_1289, %mul3A_1293 : vector<16xf32>
        %get3A_1295 = arith.index_cast %add3A_1237 : i32 to index
        %get3A_1296 = arith.constant 176 : index
        %get3A_1297 = tpu.vector_load %arg8[%get3A_1295, %get3A_1296] {strides = array<i32>} : memref<128x384xf32, #tpu.memory_space<vmem>>, vector<16xf32>,
        %mul3A_1298 = arith.mulf %get3A_1297, %get3A_58 : vector<16xf32>
        %add3A_1299 = arith.addf %add3A_1294, %mul3A_1298 : vector<16xf32>
        %get3A_1300 = arith.index_cast %add3A_1237 : i32 to index
        %get3A_1301 = arith.constant 192 : index
        %get3A_1302 = tpu.vector_load %arg8[%get3A_1300, %get3A_1301] {strides = array<i32>} : memref<128x384xf32, #tpu.memory_space<vmem>>, vector<16xf32>,
        %mul3A_1303 = arith.mulf %get3A_1302, %get3A_60 : vector<16xf32>
        %add3A_1304 = arith.addf %add3A_1299, %mul3A_1303 : vector<16xf32>
        %get3A_1305 = arith.index_cast %add3A_1237 : i32 to index
        %get3A_1306 = arith.constant 208 : index
        %get3A_1307 = tpu.vector_load %arg8[%get3A_1305, %get3A_1306] {strides = array<i32>} : memref<128x384xf32, #tpu.memory_space<vmem>>, vector<16xf32>,
        %mul3A_1308 = arith.mulf %get3A_1307, %get3A_62 : vector<16xf32>
        %add3A_1309 = arith.addf %add3A_1304, %mul3A_1308 : vector<16xf32>
        %get3A_1310 = arith.index_cast %add3A_1237 : i32 to index
        %get3A_1311 = arith.constant 224 : index
        %get3A_1312 = tpu.vector_load %arg8[%get3A_1310, %get3A_1311] {strides = array<i32>} : memref<128x384xf32, #tpu.memory_space<vmem>>, vector<16xf32>,
        %mul3A_1313 = arith.mulf %get3A_1312, %get3A_64 : vector<16xf32>
        %add3A_1314 = arith.addf %add3A_1309, %mul3A_1313 : vector<16xf32>
        %get3A_1315 = arith.index_cast %add3A_1237 : i32 to index
        %get3A_1316 = arith.constant 240 : index
        %get3A_1317 = tpu.vector_load %arg8[%get3A_1315, %get3A_1316] {strides = array<i32>} : memref<128x384xf32, #tpu.memory_space<vmem>>, vector<16xf32>,
        %mul3A_1318 = arith.mulf %get3A_1317, %get3A_66 : vector<16xf32>
        %add3A_1319 = arith.addf %add3A_1314, %mul3A_1318 : vector<16xf32>
        %get3A_1320 = arith.index_cast %add3A_1237 : i32 to index
        %get3A_1321 = arith.constant 256 : index
        %get3A_1322 = tpu.vector_load %arg8[%get3A_1320, %get3A_1321] {strides = array<i32>} : memref<128x384xf32, #tpu.memory_space<vmem>>, vector<16xf32>,
        %mul3A_1323 = arith.mulf %get3A_1322, %get3A_68 : vector<16xf32>
        %add3A_1324 = arith.addf %add3A_1319, %mul3A_1323 : vector<16xf32>
        %get3A_1325 = arith.index_cast %add3A_1237 : i32 to index
        %get3A_1326 = arith.constant 272 : index
        %get3A_1327 = tpu.vector_load %arg8[%get3A_1325, %get3A_1326] {strides = array<i32>} : memref<128x384xf32, #tpu.memory_space<vmem>>, vector<16xf32>,
        %mul3A_1328 = arith.mulf %get3A_1327, %get3A_70 : vector<16xf32>
        %add3A_1329 = arith.addf %add3A_1324, %mul3A_1328 : vector<16xf32>
        %get3A_1330 = arith.index_cast %add3A_1237 : i32 to index
        %get3A_1331 = arith.constant 288 : index
        %get3A_1332 = tpu.vector_load %arg8[%get3A_1330, %get3A_1331] {strides = array<i32>} : memref<128x384xf32, #tpu.memory_space<vmem>>, vector<16xf32>,
        %mul3A_1333 = arith.mulf %get3A_1332, %get3A_72 : vector<16xf32>
        %add3A_1334 = arith.addf %add3A_1329, %mul3A_1333 : vector<16xf32>
        %get3A_1335 = arith.index_cast %add3A_1237 : i32 to index
        %get3A_1336 = arith.constant 304 : index
        %get3A_1337 = tpu.vector_load %arg8[%get3A_1335, %get3A_1336] {strides = array<i32>} : memref<128x384xf32, #tpu.memory_space<vmem>>, vector<16xf32>,
        %mul3A_1338 = arith.mulf %get3A_1337, %get3A_74 : vector<16xf32>
        %add3A_1339 = arith.addf %add3A_1334, %mul3A_1338 : vector<16xf32>
        %get3A_1340 = arith.index_cast %add3A_1237 : i32 to index
        %get3A_1341 = arith.constant 320 : index
        %get3A_1342 = tpu.vector_load %arg8[%get3A_1340, %get3A_1341] {strides = array<i32>} : memref<128x384xf32, #tpu.memory_space<vmem>>, vector<16xf32>,
        %mul3A_1343 = arith.mulf %get3A_1342, %get3A_76 : vector<16xf32>
        %add3A_1344 = arith.addf %add3A_1339, %mul3A_1343 : vector<16xf32>
        %get3A_1345 = arith.index_cast %add3A_1237 : i32 to index
        %get3A_1346 = arith.constant 336 : index
        %get3A_1347 = tpu.vector_load %arg8[%get3A_1345, %get3A_1346] {strides = array<i32>} : memref<128x384xf32, #tpu.memory_space<vmem>>, vector<16xf32>,
        %mul3A_1348 = arith.mulf %get3A_1347, %get3A_78 : vector<16xf32>
        %add3A_1349 = arith.addf %add3A_1344, %mul3A_1348 : vector<16xf32>
        %get3A_1350 = arith.index_cast %add3A_1237 : i32 to index
        %get3A_1351 = arith.constant 352 : index
        %get3A_1352 = tpu.vector_load %arg8[%get3A_1350, %get3A_1351] {strides = array<i32>} : memref<128x384xf32, #tpu.memory_space<vmem>>, vector<16xf32>,
        %mul3A_1353 = arith.mulf %get3A_1352, %get3A_80 : vector<16xf32>
        %add3A_1354 = arith.addf %add3A_1349, %mul3A_1353 : vector<16xf32>
        %get3A_1355 = arith.index_cast %add3A_1237 : i32 to index
        %get3A_1356 = arith.constant 368 : index
        %get3A_1357 = tpu.vector_load %arg8[%get3A_1355, %get3A_1356] {strides = array<i32>} : memref<128x384xf32, #tpu.memory_space<vmem>>, vector<16xf32>,
        %mul3A_1358 = arith.mulf %get3A_1357, %get3A_82 : vector<16xf32>
        %add3A_1359 = arith.addf %add3A_1354, %mul3A_1358 : vector<16xf32>
        %eq3A_1360 = arith.constant 8 : i32
        %eq3A_1361 = vector.broadcast %eq3A_1360 : i32 to vector<16xi32>
        %eq3A_1362 = arith.cmpi eq, %iota3A, %eq3A_1361 : vector<16xi32>
        %reduce_sum3A_1363 = arith.constant true
        %reduce_sum3A_1364 = vector.broadcast %reduce_sum3A_1363 : i1 to vector<16xi1>
        %reduce_sum3A_1365 = tpu.scan <sum>, %add3A_1359 masked %reduce_sum3A_1364 : vector<16xf32>, vector<16xi1> -> vector<16xf32>
        %reduce_sum3A_1366 = vector.extract %reduce_sum3A_1365[15] : f32 from vector<16xf32>
        %broadcast_in_dim3A_1367 = vector.broadcast %reduce_sum3A_1366 : f32 to vector<16xf32>
        %select_n3A_1368 = arith.select %eq3A_1362, %broadcast_in_dim3A_1367, %select_n3A_1233 : vector<16xi1>, vector<16xf32>
        %mul3A_1369 = arith.constant 16 : i32
        %mul3A_1370 = arith.muli %scan3A_152, %mul3A_1369 : i32
        %add3A_1371 = arith.constant 9 : i32
        %add3A_1372 = arith.addi %mul3A_1370, %add3A_1371 : i32
        %broadcast_in_dim3A_1373 = arith.constant 0.000000e+00 : f32
        %broadcast_in_dim3A_1374 = vector.broadcast %broadcast_in_dim3A_1373 : f32 to vector<16xf32>
        %get3A_1375 = arith.index_cast %add3A_1372 : i32 to index
        %get3A_1376 = arith.constant 0 : index
        %get3A_1377 = tpu.vector_load %arg8[%get3A_1375, %get3A_1376] {strides = array<i32>} : memref<128x384xf32, #tpu.memory_space<vmem>>, vector<16xf32>,
        %mul3A_1378 = arith.mulf %get3A_1377, %get3A_36 : vector<16xf32>
        %add3A_1379 = arith.addf %broadcast_in_dim3A_1374, %mul3A_1378 : vector<16xf32>
        %get3A_1380 = arith.index_cast %add3A_1372 : i32 to index
        %get3A_1381 = arith.constant 16 : index
        %get3A_1382 = tpu.vector_load %arg8[%get3A_1380, %get3A_1381] {strides = array<i32>} : memref<128x384xf32, #tpu.memory_space<vmem>>, vector<16xf32>,
        %mul3A_1383 = arith.mulf %get3A_1382, %get3A_38 : vector<16xf32>
        %add3A_1384 = arith.addf %add3A_1379, %mul3A_1383 : vector<16xf32>
        %get3A_1385 = arith.index_cast %add3A_1372 : i32 to index
        %get3A_1386 = arith.constant 32 : index
        %get3A_1387 = tpu.vector_load %arg8[%get3A_1385, %get3A_1386] {strides = array<i32>} : memref<128x384xf32, #tpu.memory_space<vmem>>, vector<16xf32>,
        %mul3A_1388 = arith.mulf %get3A_1387, %get3A_40 : vector<16xf32>
        %add3A_1389 = arith.addf %add3A_1384, %mul3A_1388 : vector<16xf32>
        %get3A_1390 = arith.index_cast %add3A_1372 : i32 to index
        %get3A_1391 = arith.constant 48 : index
        %get3A_1392 = tpu.vector_load %arg8[%get3A_1390, %get3A_1391] {strides = array<i32>} : memref<128x384xf32, #tpu.memory_space<vmem>>, vector<16xf32>,
        %mul3A_1393 = arith.mulf %get3A_1392, %get3A_42 : vector<16xf32>
        %add3A_1394 = arith.addf %add3A_1389, %mul3A_1393 : vector<16xf32>
        %get3A_1395 = arith.index_cast %add3A_1372 : i32 to index
        %get3A_1396 = arith.constant 64 : index
        %get3A_1397 = tpu.vector_load %arg8[%get3A_1395, %get3A_1396] {strides = array<i32>} : memref<128x384xf32, #tpu.memory_space<vmem>>, vector<16xf32>,
        %mul3A_1398 = arith.mulf %get3A_1397, %get3A_44 : vector<16xf32>
        %add3A_1399 = arith.addf %add3A_1394, %mul3A_1398 : vector<16xf32>
        %get3A_1400 = arith.index_cast %add3A_1372 : i32 to index
        %get3A_1401 = arith.constant 80 : index
        %get3A_1402 = tpu.vector_load %arg8[%get3A_1400, %get3A_1401] {strides = array<i32>} : memref<128x384xf32, #tpu.memory_space<vmem>>, vector<16xf32>,
        %mul3A_1403 = arith.mulf %get3A_1402, %get3A_46 : vector<16xf32>
        %add3A_1404 = arith.addf %add3A_1399, %mul3A_1403 : vector<16xf32>
        %get3A_1405 = arith.index_cast %add3A_1372 : i32 to index
        %get3A_1406 = arith.constant 96 : index
        %get3A_1407 = tpu.vector_load %arg8[%get3A_1405, %get3A_1406] {strides = array<i32>} : memref<128x384xf32, #tpu.memory_space<vmem>>, vector<16xf32>,
        %mul3A_1408 = arith.mulf %get3A_1407, %get3A_48 : vector<16xf32>
        %add3A_1409 = arith.addf %add3A_1404, %mul3A_1408 : vector<16xf32>
        %get3A_1410 = arith.index_cast %add3A_1372 : i32 to index
        %get3A_1411 = arith.constant 112 : index
        %get3A_1412 = tpu.vector_load %arg8[%get3A_1410, %get3A_1411] {strides = array<i32>} : memref<128x384xf32, #tpu.memory_space<vmem>>, vector<16xf32>,
        %mul3A_1413 = arith.mulf %get3A_1412, %get3A_50 : vector<16xf32>
        %add3A_1414 = arith.addf %add3A_1409, %mul3A_1413 : vector<16xf32>
        %get3A_1415 = arith.index_cast %add3A_1372 : i32 to index
        %get3A_1416 = arith.constant 128 : index
        %get3A_1417 = tpu.vector_load %arg8[%get3A_1415, %get3A_1416] {strides = array<i32>} : memref<128x384xf32, #tpu.memory_space<vmem>>, vector<16xf32>,
        %mul3A_1418 = arith.mulf %get3A_1417, %get3A_52 : vector<16xf32>
        %add3A_1419 = arith.addf %add3A_1414, %mul3A_1418 : vector<16xf32>
        %get3A_1420 = arith.index_cast %add3A_1372 : i32 to index
        %get3A_1421 = arith.constant 144 : index
        %get3A_1422 = tpu.vector_load %arg8[%get3A_1420, %get3A_1421] {strides = array<i32>} : memref<128x384xf32, #tpu.memory_space<vmem>>, vector<16xf32>,
        %mul3A_1423 = arith.mulf %get3A_1422, %get3A_54 : vector<16xf32>
        %add3A_1424 = arith.addf %add3A_1419, %mul3A_1423 : vector<16xf32>
        %get3A_1425 = arith.index_cast %add3A_1372 : i32 to index
        %get3A_1426 = arith.constant 160 : index
        %get3A_1427 = tpu.vector_load %arg8[%get3A_1425, %get3A_1426] {strides = array<i32>} : memref<128x384xf32, #tpu.memory_space<vmem>>, vector<16xf32>,
        %mul3A_1428 = arith.mulf %get3A_1427, %get3A_56 : vector<16xf32>
        %add3A_1429 = arith.addf %add3A_1424, %mul3A_1428 : vector<16xf32>
        %get3A_1430 = arith.index_cast %add3A_1372 : i32 to index
        %get3A_1431 = arith.constant 176 : index
        %get3A_1432 = tpu.vector_load %arg8[%get3A_1430, %get3A_1431] {strides = array<i32>} : memref<128x384xf32, #tpu.memory_space<vmem>>, vector<16xf32>,
        %mul3A_1433 = arith.mulf %get3A_1432, %get3A_58 : vector<16xf32>
        %add3A_1434 = arith.addf %add3A_1429, %mul3A_1433 : vector<16xf32>
        %get3A_1435 = arith.index_cast %add3A_1372 : i32 to index
        %get3A_1436 = arith.constant 192 : index
        %get3A_1437 = tpu.vector_load %arg8[%get3A_1435, %get3A_1436] {strides = array<i32>} : memref<128x384xf32, #tpu.memory_space<vmem>>, vector<16xf32>,
        %mul3A_1438 = arith.mulf %get3A_1437, %get3A_60 : vector<16xf32>
        %add3A_1439 = arith.addf %add3A_1434, %mul3A_1438 : vector<16xf32>
        %get3A_1440 = arith.index_cast %add3A_1372 : i32 to index
        %get3A_1441 = arith.constant 208 : index
        %get3A_1442 = tpu.vector_load %arg8[%get3A_1440, %get3A_1441] {strides = array<i32>} : memref<128x384xf32, #tpu.memory_space<vmem>>, vector<16xf32>,
        %mul3A_1443 = arith.mulf %get3A_1442, %get3A_62 : vector<16xf32>
        %add3A_1444 = arith.addf %add3A_1439, %mul3A_1443 : vector<16xf32>
        %get3A_1445 = arith.index_cast %add3A_1372 : i32 to index
        %get3A_1446 = arith.constant 224 : index
        %get3A_1447 = tpu.vector_load %arg8[%get3A_1445, %get3A_1446] {strides = array<i32>} : memref<128x384xf32, #tpu.memory_space<vmem>>, vector<16xf32>,
        %mul3A_1448 = arith.mulf %get3A_1447, %get3A_64 : vector<16xf32>
        %add3A_1449 = arith.addf %add3A_1444, %mul3A_1448 : vector<16xf32>
        %get3A_1450 = arith.index_cast %add3A_1372 : i32 to index
        %get3A_1451 = arith.constant 240 : index
        %get3A_1452 = tpu.vector_load %arg8[%get3A_1450, %get3A_1451] {strides = array<i32>} : memref<128x384xf32, #tpu.memory_space<vmem>>, vector<16xf32>,
        %mul3A_1453 = arith.mulf %get3A_1452, %get3A_66 : vector<16xf32>
        %add3A_1454 = arith.addf %add3A_1449, %mul3A_1453 : vector<16xf32>
        %get3A_1455 = arith.index_cast %add3A_1372 : i32 to index
        %get3A_1456 = arith.constant 256 : index
        %get3A_1457 = tpu.vector_load %arg8[%get3A_1455, %get3A_1456] {strides = array<i32>} : memref<128x384xf32, #tpu.memory_space<vmem>>, vector<16xf32>,
        %mul3A_1458 = arith.mulf %get3A_1457, %get3A_68 : vector<16xf32>
        %add3A_1459 = arith.addf %add3A_1454, %mul3A_1458 : vector<16xf32>
        %get3A_1460 = arith.index_cast %add3A_1372 : i32 to index
        %get3A_1461 = arith.constant 272 : index
        %get3A_1462 = tpu.vector_load %arg8[%get3A_1460, %get3A_1461] {strides = array<i32>} : memref<128x384xf32, #tpu.memory_space<vmem>>, vector<16xf32>,
        %mul3A_1463 = arith.mulf %get3A_1462, %get3A_70 : vector<16xf32>
        %add3A_1464 = arith.addf %add3A_1459, %mul3A_1463 : vector<16xf32>
        %get3A_1465 = arith.index_cast %add3A_1372 : i32 to index
        %get3A_1466 = arith.constant 288 : index
        %get3A_1467 = tpu.vector_load %arg8[%get3A_1465, %get3A_1466] {strides = array<i32>} : memref<128x384xf32, #tpu.memory_space<vmem>>, vector<16xf32>,
        %mul3A_1468 = arith.mulf %get3A_1467, %get3A_72 : vector<16xf32>
        %add3A_1469 = arith.addf %add3A_1464, %mul3A_1468 : vector<16xf32>
        %get3A_1470 = arith.index_cast %add3A_1372 : i32 to index
        %get3A_1471 = arith.constant 304 : index
        %get3A_1472 = tpu.vector_load %arg8[%get3A_1470, %get3A_1471] {strides = array<i32>} : memref<128x384xf32, #tpu.memory_space<vmem>>, vector<16xf32>,
        %mul3A_1473 = arith.mulf %get3A_1472, %get3A_74 : vector<16xf32>
        %add3A_1474 = arith.addf %add3A_1469, %mul3A_1473 : vector<16xf32>
        %get3A_1475 = arith.index_cast %add3A_1372 : i32 to index
        %get3A_1476 = arith.constant 320 : index
        %get3A_1477 = tpu.vector_load %arg8[%get3A_1475, %get3A_1476] {strides = array<i32>} : memref<128x384xf32, #tpu.memory_space<vmem>>, vector<16xf32>,
        %mul3A_1478 = arith.mulf %get3A_1477, %get3A_76 : vector<16xf32>
        %add3A_1479 = arith.addf %add3A_1474, %mul3A_1478 : vector<16xf32>
        %get3A_1480 = arith.index_cast %add3A_1372 : i32 to index
        %get3A_1481 = arith.constant 336 : index
        %get3A_1482 = tpu.vector_load %arg8[%get3A_1480, %get3A_1481] {strides = array<i32>} : memref<128x384xf32, #tpu.memory_space<vmem>>, vector<16xf32>,
        %mul3A_1483 = arith.mulf %get3A_1482, %get3A_78 : vector<16xf32>
        %add3A_1484 = arith.addf %add3A_1479, %mul3A_1483 : vector<16xf32>
        %get3A_1485 = arith.index_cast %add3A_1372 : i32 to index
        %get3A_1486 = arith.constant 352 : index
        %get3A_1487 = tpu.vector_load %arg8[%get3A_1485, %get3A_1486] {strides = array<i32>} : memref<128x384xf32, #tpu.memory_space<vmem>>, vector<16xf32>,
        %mul3A_1488 = arith.mulf %get3A_1487, %get3A_80 : vector<16xf32>
        %add3A_1489 = arith.addf %add3A_1484, %mul3A_1488 : vector<16xf32>
        %get3A_1490 = arith.index_cast %add3A_1372 : i32 to index
        %get3A_1491 = arith.constant 368 : index
        %get3A_1492 = tpu.vector_load %arg8[%get3A_1490, %get3A_1491] {strides = array<i32>} : memref<128x384xf32, #tpu.memory_space<vmem>>, vector<16xf32>,
        %mul3A_1493 = arith.mulf %get3A_1492, %get3A_82 : vector<16xf32>
        %add3A_1494 = arith.addf %add3A_1489, %mul3A_1493 : vector<16xf32>
        %eq3A_1495 = arith.constant 9 : i32
        %eq3A_1496 = vector.broadcast %eq3A_1495 : i32 to vector<16xi32>
        %eq3A_1497 = arith.cmpi eq, %iota3A, %eq3A_1496 : vector<16xi32>
        %reduce_sum3A_1498 = arith.constant true
        %reduce_sum3A_1499 = vector.broadcast %reduce_sum3A_1498 : i1 to vector<16xi1>
        %reduce_sum3A_1500 = tpu.scan <sum>, %add3A_1494 masked %reduce_sum3A_1499 : vector<16xf32>, vector<16xi1> -> vector<16xf32>
        %reduce_sum3A_1501 = vector.extract %reduce_sum3A_1500[15] : f32 from vector<16xf32>
        %broadcast_in_dim3A_1502 = vector.broadcast %reduce_sum3A_1501 : f32 to vector<16xf32>
        %select_n3A_1503 = arith.select %eq3A_1497, %broadcast_in_dim3A_1502, %select_n3A_1368 : vector<16xi1>, vector<16xf32>
        %mul3A_1504 = arith.constant 16 : i32
        %mul3A_1505 = arith.muli %scan3A_152, %mul3A_1504 : i32
        %add3A_1506 = arith.constant 10 : i32
        %add3A_1507 = arith.addi %mul3A_1505, %add3A_1506 : i32
        %broadcast_in_dim3A_1508 = arith.constant 0.000000e+00 : f32
        %broadcast_in_dim3A_1509 = vector.broadcast %broadcast_in_dim3A_1508 : f32 to vector<16xf32>
        %get3A_1510 = arith.index_cast %add3A_1507 : i32 to index
        %get3A_1511 = arith.constant 0 : index
        %get3A_1512 = tpu.vector_load %arg8[%get3A_1510, %get3A_1511] {strides = array<i32>} : memref<128x384xf32, #tpu.memory_space<vmem>>, vector<16xf32>,
        %mul3A_1513 = arith.mulf %get3A_1512, %get3A_36 : vector<16xf32>
        %add3A_1514 = arith.addf %broadcast_in_dim3A_1509, %mul3A_1513 : vector<16xf32>
        %get3A_1515 = arith.index_cast %add3A_1507 : i32 to index
        %get3A_1516 = arith.constant 16 : index
        %get3A_1517 = tpu.vector_load %arg8[%get3A_1515, %get3A_1516] {strides = array<i32>} : memref<128x384xf32, #tpu.memory_space<vmem>>, vector<16xf32>,
        %mul3A_1518 = arith.mulf %get3A_1517, %get3A_38 : vector<16xf32>
        %add3A_1519 = arith.addf %add3A_1514, %mul3A_1518 : vector<16xf32>
        %get3A_1520 = arith.index_cast %add3A_1507 : i32 to index
        %get3A_1521 = arith.constant 32 : index
        %get3A_1522 = tpu.vector_load %arg8[%get3A_1520, %get3A_1521] {strides = array<i32>} : memref<128x384xf32, #tpu.memory_space<vmem>>, vector<16xf32>,
        %mul3A_1523 = arith.mulf %get3A_1522, %get3A_40 : vector<16xf32>
        %add3A_1524 = arith.addf %add3A_1519, %mul3A_1523 : vector<16xf32>
        %get3A_1525 = arith.index_cast %add3A_1507 : i32 to index
        %get3A_1526 = arith.constant 48 : index
        %get3A_1527 = tpu.vector_load %arg8[%get3A_1525, %get3A_1526] {strides = array<i32>} : memref<128x384xf32, #tpu.memory_space<vmem>>, vector<16xf32>,
        %mul3A_1528 = arith.mulf %get3A_1527, %get3A_42 : vector<16xf32>
        %add3A_1529 = arith.addf %add3A_1524, %mul3A_1528 : vector<16xf32>
        %get3A_1530 = arith.index_cast %add3A_1507 : i32 to index
        %get3A_1531 = arith.constant 64 : index
        %get3A_1532 = tpu.vector_load %arg8[%get3A_1530, %get3A_1531] {strides = array<i32>} : memref<128x384xf32, #tpu.memory_space<vmem>>, vector<16xf32>,
        %mul3A_1533 = arith.mulf %get3A_1532, %get3A_44 : vector<16xf32>
        %add3A_1534 = arith.addf %add3A_1529, %mul3A_1533 : vector<16xf32>
        %get3A_1535 = arith.index_cast %add3A_1507 : i32 to index
        %get3A_1536 = arith.constant 80 : index
        %get3A_1537 = tpu.vector_load %arg8[%get3A_1535, %get3A_1536] {strides = array<i32>} : memref<128x384xf32, #tpu.memory_space<vmem>>, vector<16xf32>,
        %mul3A_1538 = arith.mulf %get3A_1537, %get3A_46 : vector<16xf32>
        %add3A_1539 = arith.addf %add3A_1534, %mul3A_1538 : vector<16xf32>
        %get3A_1540 = arith.index_cast %add3A_1507 : i32 to index
        %get3A_1541 = arith.constant 96 : index
        %get3A_1542 = tpu.vector_load %arg8[%get3A_1540, %get3A_1541] {strides = array<i32>} : memref<128x384xf32, #tpu.memory_space<vmem>>, vector<16xf32>,
        %mul3A_1543 = arith.mulf %get3A_1542, %get3A_48 : vector<16xf32>
        %add3A_1544 = arith.addf %add3A_1539, %mul3A_1543 : vector<16xf32>
        %get3A_1545 = arith.index_cast %add3A_1507 : i32 to index
        %get3A_1546 = arith.constant 112 : index
        %get3A_1547 = tpu.vector_load %arg8[%get3A_1545, %get3A_1546] {strides = array<i32>} : memref<128x384xf32, #tpu.memory_space<vmem>>, vector<16xf32>,
        %mul3A_1548 = arith.mulf %get3A_1547, %get3A_50 : vector<16xf32>
        %add3A_1549 = arith.addf %add3A_1544, %mul3A_1548 : vector<16xf32>
        %get3A_1550 = arith.index_cast %add3A_1507 : i32 to index
        %get3A_1551 = arith.constant 128 : index
        %get3A_1552 = tpu.vector_load %arg8[%get3A_1550, %get3A_1551] {strides = array<i32>} : memref<128x384xf32, #tpu.memory_space<vmem>>, vector<16xf32>,
        %mul3A_1553 = arith.mulf %get3A_1552, %get3A_52 : vector<16xf32>
        %add3A_1554 = arith.addf %add3A_1549, %mul3A_1553 : vector<16xf32>
        %get3A_1555 = arith.index_cast %add3A_1507 : i32 to index
        %get3A_1556 = arith.constant 144 : index
        %get3A_1557 = tpu.vector_load %arg8[%get3A_1555, %get3A_1556] {strides = array<i32>} : memref<128x384xf32, #tpu.memory_space<vmem>>, vector<16xf32>,
        %mul3A_1558 = arith.mulf %get3A_1557, %get3A_54 : vector<16xf32>
        %add3A_1559 = arith.addf %add3A_1554, %mul3A_1558 : vector<16xf32>
        %get3A_1560 = arith.index_cast %add3A_1507 : i32 to index
        %get3A_1561 = arith.constant 160 : index
        %get3A_1562 = tpu.vector_load %arg8[%get3A_1560, %get3A_1561] {strides = array<i32>} : memref<128x384xf32, #tpu.memory_space<vmem>>, vector<16xf32>,
        %mul3A_1563 = arith.mulf %get3A_1562, %get3A_56 : vector<16xf32>
        %add3A_1564 = arith.addf %add3A_1559, %mul3A_1563 : vector<16xf32>
        %get3A_1565 = arith.index_cast %add3A_1507 : i32 to index
        %get3A_1566 = arith.constant 176 : index
        %get3A_1567 = tpu.vector_load %arg8[%get3A_1565, %get3A_1566] {strides = array<i32>} : memref<128x384xf32, #tpu.memory_space<vmem>>, vector<16xf32>,
        %mul3A_1568 = arith.mulf %get3A_1567, %get3A_58 : vector<16xf32>
        %add3A_1569 = arith.addf %add3A_1564, %mul3A_1568 : vector<16xf32>
        %get3A_1570 = arith.index_cast %add3A_1507 : i32 to index
        %get3A_1571 = arith.constant 192 : index
        %get3A_1572 = tpu.vector_load %arg8[%get3A_1570, %get3A_1571] {strides = array<i32>} : memref<128x384xf32, #tpu.memory_space<vmem>>, vector<16xf32>,
        %mul3A_1573 = arith.mulf %get3A_1572, %get3A_60 : vector<16xf32>
        %add3A_1574 = arith.addf %add3A_1569, %mul3A_1573 : vector<16xf32>
        %get3A_1575 = arith.index_cast %add3A_1507 : i32 to index
        %get3A_1576 = arith.constant 208 : index
        %get3A_1577 = tpu.vector_load %arg8[%get3A_1575, %get3A_1576] {strides = array<i32>} : memref<128x384xf32, #tpu.memory_space<vmem>>, vector<16xf32>,
        %mul3A_1578 = arith.mulf %get3A_1577, %get3A_62 : vector<16xf32>
        %add3A_1579 = arith.addf %add3A_1574, %mul3A_1578 : vector<16xf32>
        %get3A_1580 = arith.index_cast %add3A_1507 : i32 to index
        %get3A_1581 = arith.constant 224 : index
        %get3A_1582 = tpu.vector_load %arg8[%get3A_1580, %get3A_1581] {strides = array<i32>} : memref<128x384xf32, #tpu.memory_space<vmem>>, vector<16xf32>,
        %mul3A_1583 = arith.mulf %get3A_1582, %get3A_64 : vector<16xf32>
        %add3A_1584 = arith.addf %add3A_1579, %mul3A_1583 : vector<16xf32>
        %get3A_1585 = arith.index_cast %add3A_1507 : i32 to index
        %get3A_1586 = arith.constant 240 : index
        %get3A_1587 = tpu.vector_load %arg8[%get3A_1585, %get3A_1586] {strides = array<i32>} : memref<128x384xf32, #tpu.memory_space<vmem>>, vector<16xf32>,
        %mul3A_1588 = arith.mulf %get3A_1587, %get3A_66 : vector<16xf32>
        %add3A_1589 = arith.addf %add3A_1584, %mul3A_1588 : vector<16xf32>
        %get3A_1590 = arith.index_cast %add3A_1507 : i32 to index
        %get3A_1591 = arith.constant 256 : index
        %get3A_1592 = tpu.vector_load %arg8[%get3A_1590, %get3A_1591] {strides = array<i32>} : memref<128x384xf32, #tpu.memory_space<vmem>>, vector<16xf32>,
        %mul3A_1593 = arith.mulf %get3A_1592, %get3A_68 : vector<16xf32>
        %add3A_1594 = arith.addf %add3A_1589, %mul3A_1593 : vector<16xf32>
        %get3A_1595 = arith.index_cast %add3A_1507 : i32 to index
        %get3A_1596 = arith.constant 272 : index
        %get3A_1597 = tpu.vector_load %arg8[%get3A_1595, %get3A_1596] {strides = array<i32>} : memref<128x384xf32, #tpu.memory_space<vmem>>, vector<16xf32>,
        %mul3A_1598 = arith.mulf %get3A_1597, %get3A_70 : vector<16xf32>
        %add3A_1599 = arith.addf %add3A_1594, %mul3A_1598 : vector<16xf32>
        %get3A_1600 = arith.index_cast %add3A_1507 : i32 to index
        %get3A_1601 = arith.constant 288 : index
        %get3A_1602 = tpu.vector_load %arg8[%get3A_1600, %get3A_1601] {strides = array<i32>} : memref<128x384xf32, #tpu.memory_space<vmem>>, vector<16xf32>,
        %mul3A_1603 = arith.mulf %get3A_1602, %get3A_72 : vector<16xf32>
        %add3A_1604 = arith.addf %add3A_1599, %mul3A_1603 : vector<16xf32>
        %get3A_1605 = arith.index_cast %add3A_1507 : i32 to index
        %get3A_1606 = arith.constant 304 : index
        %get3A_1607 = tpu.vector_load %arg8[%get3A_1605, %get3A_1606] {strides = array<i32>} : memref<128x384xf32, #tpu.memory_space<vmem>>, vector<16xf32>,
        %mul3A_1608 = arith.mulf %get3A_1607, %get3A_74 : vector<16xf32>
        %add3A_1609 = arith.addf %add3A_1604, %mul3A_1608 : vector<16xf32>
        %get3A_1610 = arith.index_cast %add3A_1507 : i32 to index
        %get3A_1611 = arith.constant 320 : index
        %get3A_1612 = tpu.vector_load %arg8[%get3A_1610, %get3A_1611] {strides = array<i32>} : memref<128x384xf32, #tpu.memory_space<vmem>>, vector<16xf32>,
        %mul3A_1613 = arith.mulf %get3A_1612, %get3A_76 : vector<16xf32>
        %add3A_1614 = arith.addf %add3A_1609, %mul3A_1613 : vector<16xf32>
        %get3A_1615 = arith.index_cast %add3A_1507 : i32 to index
        %get3A_1616 = arith.constant 336 : index
        %get3A_1617 = tpu.vector_load %arg8[%get3A_1615, %get3A_1616] {strides = array<i32>} : memref<128x384xf32, #tpu.memory_space<vmem>>, vector<16xf32>,
        %mul3A_1618 = arith.mulf %get3A_1617, %get3A_78 : vector<16xf32>
        %add3A_1619 = arith.addf %add3A_1614, %mul3A_1618 : vector<16xf32>
        %get3A_1620 = arith.index_cast %add3A_1507 : i32 to index
        %get3A_1621 = arith.constant 352 : index
        %get3A_1622 = tpu.vector_load %arg8[%get3A_1620, %get3A_1621] {strides = array<i32>} : memref<128x384xf32, #tpu.memory_space<vmem>>, vector<16xf32>,
        %mul3A_1623 = arith.mulf %get3A_1622, %get3A_80 : vector<16xf32>
        %add3A_1624 = arith.addf %add3A_1619, %mul3A_1623 : vector<16xf32>
        %get3A_1625 = arith.index_cast %add3A_1507 : i32 to index
        %get3A_1626 = arith.constant 368 : index
        %get3A_1627 = tpu.vector_load %arg8[%get3A_1625, %get3A_1626] {strides = array<i32>} : memref<128x384xf32, #tpu.memory_space<vmem>>, vector<16xf32>,
        %mul3A_1628 = arith.mulf %get3A_1627, %get3A_82 : vector<16xf32>
        %add3A_1629 = arith.addf %add3A_1624, %mul3A_1628 : vector<16xf32>
        %eq3A_1630 = arith.constant 10 : i32
        %eq3A_1631 = vector.broadcast %eq3A_1630 : i32 to vector<16xi32>
        %eq3A_1632 = arith.cmpi eq, %iota3A, %eq3A_1631 : vector<16xi32>
        %reduce_sum3A_1633 = arith.constant true
        %reduce_sum3A_1634 = vector.broadcast %reduce_sum3A_1633 : i1 to vector<16xi1>
        %reduce_sum3A_1635 = tpu.scan <sum>, %add3A_1629 masked %reduce_sum3A_1634 : vector<16xf32>, vector<16xi1> -> vector<16xf32>
        %reduce_sum3A_1636 = vector.extract %reduce_sum3A_1635[15] : f32 from vector<16xf32>
        %broadcast_in_dim3A_1637 = vector.broadcast %reduce_sum3A_1636 : f32 to vector<16xf32>
        %select_n3A_1638 = arith.select %eq3A_1632, %broadcast_in_dim3A_1637, %select_n3A_1503 : vector<16xi1>, vector<16xf32>
        %mul3A_1639 = arith.constant 16 : i32
        %mul3A_1640 = arith.muli %scan3A_152, %mul3A_1639 : i32
        %add3A_1641 = arith.constant 11 : i32
        %add3A_1642 = arith.addi %mul3A_1640, %add3A_1641 : i32
        %broadcast_in_dim3A_1643 = arith.constant 0.000000e+00 : f32
        %broadcast_in_dim3A_1644 = vector.broadcast %broadcast_in_dim3A_1643 : f32 to vector<16xf32>
        %get3A_1645 = arith.index_cast %add3A_1642 : i32 to index
        %get3A_1646 = arith.constant 0 : index
        %get3A_1647 = tpu.vector_load %arg8[%get3A_1645, %get3A_1646] {strides = array<i32>} : memref<128x384xf32, #tpu.memory_space<vmem>>, vector<16xf32>,
        %mul3A_1648 = arith.mulf %get3A_1647, %get3A_36 : vector<16xf32>
        %add3A_1649 = arith.addf %broadcast_in_dim3A_1644, %mul3A_1648 : vector<16xf32>
        %get3A_1650 = arith.index_cast %add3A_1642 : i32 to index
        %get3A_1651 = arith.constant 16 : index
        %get3A_1652 = tpu.vector_load %arg8[%get3A_1650, %get3A_1651] {strides = array<i32>} : memref<128x384xf32, #tpu.memory_space<vmem>>, vector<16xf32>,
        %mul3A_1653 = arith.mulf %get3A_1652, %get3A_38 : vector<16xf32>
        %add3A_1654 = arith.addf %add3A_1649, %mul3A_1653 : vector<16xf32>
        %get3A_1655 = arith.index_cast %add3A_1642 : i32 to index
        %get3A_1656 = arith.constant 32 : index
        %get3A_1657 = tpu.vector_load %arg8[%get3A_1655, %get3A_1656] {strides = array<i32>} : memref<128x384xf32, #tpu.memory_space<vmem>>, vector<16xf32>,
        %mul3A_1658 = arith.mulf %get3A_1657, %get3A_40 : vector<16xf32>
        %add3A_1659 = arith.addf %add3A_1654, %mul3A_1658 : vector<16xf32>
        %get3A_1660 = arith.index_cast %add3A_1642 : i32 to index
        %get3A_1661 = arith.constant 48 : index
        %get3A_1662 = tpu.vector_load %arg8[%get3A_1660, %get3A_1661] {strides = array<i32>} : memref<128x384xf32, #tpu.memory_space<vmem>>, vector<16xf32>,
        %mul3A_1663 = arith.mulf %get3A_1662, %get3A_42 : vector<16xf32>
        %add3A_1664 = arith.addf %add3A_1659, %mul3A_1663 : vector<16xf32>
        %get3A_1665 = arith.index_cast %add3A_1642 : i32 to index
        %get3A_1666 = arith.constant 64 : index
        %get3A_1667 = tpu.vector_load %arg8[%get3A_1665, %get3A_1666] {strides = array<i32>} : memref<128x384xf32, #tpu.memory_space<vmem>>, vector<16xf32>,
        %mul3A_1668 = arith.mulf %get3A_1667, %get3A_44 : vector<16xf32>
        %add3A_1669 = arith.addf %add3A_1664, %mul3A_1668 : vector<16xf32>
        %get3A_1670 = arith.index_cast %add3A_1642 : i32 to index
        %get3A_1671 = arith.constant 80 : index
        %get3A_1672 = tpu.vector_load %arg8[%get3A_1670, %get3A_1671] {strides = array<i32>} : memref<128x384xf32, #tpu.memory_space<vmem>>, vector<16xf32>,
        %mul3A_1673 = arith.mulf %get3A_1672, %get3A_46 : vector<16xf32>
        %add3A_1674 = arith.addf %add3A_1669, %mul3A_1673 : vector<16xf32>
        %get3A_1675 = arith.index_cast %add3A_1642 : i32 to index
        %get3A_1676 = arith.constant 96 : index
        %get3A_1677 = tpu.vector_load %arg8[%get3A_1675, %get3A_1676] {strides = array<i32>} : memref<128x384xf32, #tpu.memory_space<vmem>>, vector<16xf32>,
        %mul3A_1678 = arith.mulf %get3A_1677, %get3A_48 : vector<16xf32>
        %add3A_1679 = arith.addf %add3A_1674, %mul3A_1678 : vector<16xf32>
        %get3A_1680 = arith.index_cast %add3A_1642 : i32 to index
        %get3A_1681 = arith.constant 112 : index
        %get3A_1682 = tpu.vector_load %arg8[%get3A_1680, %get3A_1681] {strides = array<i32>} : memref<128x384xf32, #tpu.memory_space<vmem>>, vector<16xf32>,
        %mul3A_1683 = arith.mulf %get3A_1682, %get3A_50 : vector<16xf32>
        %add3A_1684 = arith.addf %add3A_1679, %mul3A_1683 : vector<16xf32>
        %get3A_1685 = arith.index_cast %add3A_1642 : i32 to index
        %get3A_1686 = arith.constant 128 : index
        %get3A_1687 = tpu.vector_load %arg8[%get3A_1685, %get3A_1686] {strides = array<i32>} : memref<128x384xf32, #tpu.memory_space<vmem>>, vector<16xf32>,
        %mul3A_1688 = arith.mulf %get3A_1687, %get3A_52 : vector<16xf32>
        %add3A_1689 = arith.addf %add3A_1684, %mul3A_1688 : vector<16xf32>
        %get3A_1690 = arith.index_cast %add3A_1642 : i32 to index
        %get3A_1691 = arith.constant 144 : index
        %get3A_1692 = tpu.vector_load %arg8[%get3A_1690, %get3A_1691] {strides = array<i32>} : memref<128x384xf32, #tpu.memory_space<vmem>>, vector<16xf32>,
        %mul3A_1693 = arith.mulf %get3A_1692, %get3A_54 : vector<16xf32>
        %add3A_1694 = arith.addf %add3A_1689, %mul3A_1693 : vector<16xf32>
        %get3A_1695 = arith.index_cast %add3A_1642 : i32 to index
        %get3A_1696 = arith.constant 160 : index
        %get3A_1697 = tpu.vector_load %arg8[%get3A_1695, %get3A_1696] {strides = array<i32>} : memref<128x384xf32, #tpu.memory_space<vmem>>, vector<16xf32>,
        %mul3A_1698 = arith.mulf %get3A_1697, %get3A_56 : vector<16xf32>
        %add3A_1699 = arith.addf %add3A_1694, %mul3A_1698 : vector<16xf32>
        %get3A_1700 = arith.index_cast %add3A_1642 : i32 to index
        %get3A_1701 = arith.constant 176 : index
        %get3A_1702 = tpu.vector_load %arg8[%get3A_1700, %get3A_1701] {strides = array<i32>} : memref<128x384xf32, #tpu.memory_space<vmem>>, vector<16xf32>,
        %mul3A_1703 = arith.mulf %get3A_1702, %get3A_58 : vector<16xf32>
        %add3A_1704 = arith.addf %add3A_1699, %mul3A_1703 : vector<16xf32>
        %get3A_1705 = arith.index_cast %add3A_1642 : i32 to index
        %get3A_1706 = arith.constant 192 : index
        %get3A_1707 = tpu.vector_load %arg8[%get3A_1705, %get3A_1706] {strides = array<i32>} : memref<128x384xf32, #tpu.memory_space<vmem>>, vector<16xf32>,
        %mul3A_1708 = arith.mulf %get3A_1707, %get3A_60 : vector<16xf32>
        %add3A_1709 = arith.addf %add3A_1704, %mul3A_1708 : vector<16xf32>
        %get3A_1710 = arith.index_cast %add3A_1642 : i32 to index
        %get3A_1711 = arith.constant 208 : index
        %get3A_1712 = tpu.vector_load %arg8[%get3A_1710, %get3A_1711] {strides = array<i32>} : memref<128x384xf32, #tpu.memory_space<vmem>>, vector<16xf32>,
        %mul3A_1713 = arith.mulf %get3A_1712, %get3A_62 : vector<16xf32>
        %add3A_1714 = arith.addf %add3A_1709, %mul3A_1713 : vector<16xf32>
        %get3A_1715 = arith.index_cast %add3A_1642 : i32 to index
        %get3A_1716 = arith.constant 224 : index
        %get3A_1717 = tpu.vector_load %arg8[%get3A_1715, %get3A_1716] {strides = array<i32>} : memref<128x384xf32, #tpu.memory_space<vmem>>, vector<16xf32>,
        %mul3A_1718 = arith.mulf %get3A_1717, %get3A_64 : vector<16xf32>
        %add3A_1719 = arith.addf %add3A_1714, %mul3A_1718 : vector<16xf32>
        %get3A_1720 = arith.index_cast %add3A_1642 : i32 to index
        %get3A_1721 = arith.constant 240 : index
        %get3A_1722 = tpu.vector_load %arg8[%get3A_1720, %get3A_1721] {strides = array<i32>} : memref<128x384xf32, #tpu.memory_space<vmem>>, vector<16xf32>,
        %mul3A_1723 = arith.mulf %get3A_1722, %get3A_66 : vector<16xf32>
        %add3A_1724 = arith.addf %add3A_1719, %mul3A_1723 : vector<16xf32>
        %get3A_1725 = arith.index_cast %add3A_1642 : i32 to index
        %get3A_1726 = arith.constant 256 : index
        %get3A_1727 = tpu.vector_load %arg8[%get3A_1725, %get3A_1726] {strides = array<i32>} : memref<128x384xf32, #tpu.memory_space<vmem>>, vector<16xf32>,
        %mul3A_1728 = arith.mulf %get3A_1727, %get3A_68 : vector<16xf32>
        %add3A_1729 = arith.addf %add3A_1724, %mul3A_1728 : vector<16xf32>
        %get3A_1730 = arith.index_cast %add3A_1642 : i32 to index
        %get3A_1731 = arith.constant 272 : index
        %get3A_1732 = tpu.vector_load %arg8[%get3A_1730, %get3A_1731] {strides = array<i32>} : memref<128x384xf32, #tpu.memory_space<vmem>>, vector<16xf32>,
        %mul3A_1733 = arith.mulf %get3A_1732, %get3A_70 : vector<16xf32>
        %add3A_1734 = arith.addf %add3A_1729, %mul3A_1733 : vector<16xf32>
        %get3A_1735 = arith.index_cast %add3A_1642 : i32 to index
        %get3A_1736 = arith.constant 288 : index
        %get3A_1737 = tpu.vector_load %arg8[%get3A_1735, %get3A_1736] {strides = array<i32>} : memref<128x384xf32, #tpu.memory_space<vmem>>, vector<16xf32>,
        %mul3A_1738 = arith.mulf %get3A_1737, %get3A_72 : vector<16xf32>
        %add3A_1739 = arith.addf %add3A_1734, %mul3A_1738 : vector<16xf32>
        %get3A_1740 = arith.index_cast %add3A_1642 : i32 to index
        %get3A_1741 = arith.constant 304 : index
        %get3A_1742 = tpu.vector_load %arg8[%get3A_1740, %get3A_1741] {strides = array<i32>} : memref<128x384xf32, #tpu.memory_space<vmem>>, vector<16xf32>,
        %mul3A_1743 = arith.mulf %get3A_1742, %get3A_74 : vector<16xf32>
        %add3A_1744 = arith.addf %add3A_1739, %mul3A_1743 : vector<16xf32>
        %get3A_1745 = arith.index_cast %add3A_1642 : i32 to index
        %get3A_1746 = arith.constant 320 : index
        %get3A_1747 = tpu.vector_load %arg8[%get3A_1745, %get3A_1746] {strides = array<i32>} : memref<128x384xf32, #tpu.memory_space<vmem>>, vector<16xf32>,
        %mul3A_1748 = arith.mulf %get3A_1747, %get3A_76 : vector<16xf32>
        %add3A_1749 = arith.addf %add3A_1744, %mul3A_1748 : vector<16xf32>
        %get3A_1750 = arith.index_cast %add3A_1642 : i32 to index
        %get3A_1751 = arith.constant 336 : index
        %get3A_1752 = tpu.vector_load %arg8[%get3A_1750, %get3A_1751] {strides = array<i32>} : memref<128x384xf32, #tpu.memory_space<vmem>>, vector<16xf32>,
        %mul3A_1753 = arith.mulf %get3A_1752, %get3A_78 : vector<16xf32>
        %add3A_1754 = arith.addf %add3A_1749, %mul3A_1753 : vector<16xf32>
        %get3A_1755 = arith.index_cast %add3A_1642 : i32 to index
        %get3A_1756 = arith.constant 352 : index
        %get3A_1757 = tpu.vector_load %arg8[%get3A_1755, %get3A_1756] {strides = array<i32>} : memref<128x384xf32, #tpu.memory_space<vmem>>, vector<16xf32>,
        %mul3A_1758 = arith.mulf %get3A_1757, %get3A_80 : vector<16xf32>
        %add3A_1759 = arith.addf %add3A_1754, %mul3A_1758 : vector<16xf32>
        %get3A_1760 = arith.index_cast %add3A_1642 : i32 to index
        %get3A_1761 = arith.constant 368 : index
        %get3A_1762 = tpu.vector_load %arg8[%get3A_1760, %get3A_1761] {strides = array<i32>} : memref<128x384xf32, #tpu.memory_space<vmem>>, vector<16xf32>,
        %mul3A_1763 = arith.mulf %get3A_1762, %get3A_82 : vector<16xf32>
        %add3A_1764 = arith.addf %add3A_1759, %mul3A_1763 : vector<16xf32>
        %eq3A_1765 = arith.constant 11 : i32
        %eq3A_1766 = vector.broadcast %eq3A_1765 : i32 to vector<16xi32>
        %eq3A_1767 = arith.cmpi eq, %iota3A, %eq3A_1766 : vector<16xi32>
        %reduce_sum3A_1768 = arith.constant true
        %reduce_sum3A_1769 = vector.broadcast %reduce_sum3A_1768 : i1 to vector<16xi1>
        %reduce_sum3A_1770 = tpu.scan <sum>, %add3A_1764 masked %reduce_sum3A_1769 : vector<16xf32>, vector<16xi1> -> vector<16xf32>
        %reduce_sum3A_1771 = vector.extract %reduce_sum3A_1770[15] : f32 from vector<16xf32>
        %broadcast_in_dim3A_1772 = vector.broadcast %reduce_sum3A_1771 : f32 to vector<16xf32>
        %select_n3A_1773 = arith.select %eq3A_1767, %broadcast_in_dim3A_1772, %select_n3A_1638 : vector<16xi1>, vector<16xf32>
        %mul3A_1774 = arith.constant 16 : i32
        %mul3A_1775 = arith.muli %scan3A_152, %mul3A_1774 : i32
        %add3A_1776 = arith.constant 12 : i32
        %add3A_1777 = arith.addi %mul3A_1775, %add3A_1776 : i32
        %broadcast_in_dim3A_1778 = arith.constant 0.000000e+00 : f32
        %broadcast_in_dim3A_1779 = vector.broadcast %broadcast_in_dim3A_1778 : f32 to vector<16xf32>
        %get3A_1780 = arith.index_cast %add3A_1777 : i32 to index
        %get3A_1781 = arith.constant 0 : index
        %get3A_1782 = tpu.vector_load %arg8[%get3A_1780, %get3A_1781] {strides = array<i32>} : memref<128x384xf32, #tpu.memory_space<vmem>>, vector<16xf32>,
        %mul3A_1783 = arith.mulf %get3A_1782, %get3A_36 : vector<16xf32>
        %add3A_1784 = arith.addf %broadcast_in_dim3A_1779, %mul3A_1783 : vector<16xf32>
        %get3A_1785 = arith.index_cast %add3A_1777 : i32 to index
        %get3A_1786 = arith.constant 16 : index
        %get3A_1787 = tpu.vector_load %arg8[%get3A_1785, %get3A_1786] {strides = array<i32>} : memref<128x384xf32, #tpu.memory_space<vmem>>, vector<16xf32>,
        %mul3A_1788 = arith.mulf %get3A_1787, %get3A_38 : vector<16xf32>
        %add3A_1789 = arith.addf %add3A_1784, %mul3A_1788 : vector<16xf32>
        %get3A_1790 = arith.index_cast %add3A_1777 : i32 to index
        %get3A_1791 = arith.constant 32 : index
        %get3A_1792 = tpu.vector_load %arg8[%get3A_1790, %get3A_1791] {strides = array<i32>} : memref<128x384xf32, #tpu.memory_space<vmem>>, vector<16xf32>,
        %mul3A_1793 = arith.mulf %get3A_1792, %get3A_40 : vector<16xf32>
        %add3A_1794 = arith.addf %add3A_1789, %mul3A_1793 : vector<16xf32>
        %get3A_1795 = arith.index_cast %add3A_1777 : i32 to index
        %get3A_1796 = arith.constant 48 : index
        %get3A_1797 = tpu.vector_load %arg8[%get3A_1795, %get3A_1796] {strides = array<i32>} : memref<128x384xf32, #tpu.memory_space<vmem>>, vector<16xf32>,
        %mul3A_1798 = arith.mulf %get3A_1797, %get3A_42 : vector<16xf32>
        %add3A_1799 = arith.addf %add3A_1794, %mul3A_1798 : vector<16xf32>
        %get3A_1800 = arith.index_cast %add3A_1777 : i32 to index
        %get3A_1801 = arith.constant 64 : index
        %get3A_1802 = tpu.vector_load %arg8[%get3A_1800, %get3A_1801] {strides = array<i32>} : memref<128x384xf32, #tpu.memory_space<vmem>>, vector<16xf32>,
        %mul3A_1803 = arith.mulf %get3A_1802, %get3A_44 : vector<16xf32>
        %add3A_1804 = arith.addf %add3A_1799, %mul3A_1803 : vector<16xf32>
        %get3A_1805 = arith.index_cast %add3A_1777 : i32 to index
        %get3A_1806 = arith.constant 80 : index
        %get3A_1807 = tpu.vector_load %arg8[%get3A_1805, %get3A_1806] {strides = array<i32>} : memref<128x384xf32, #tpu.memory_space<vmem>>, vector<16xf32>,
        %mul3A_1808 = arith.mulf %get3A_1807, %get3A_46 : vector<16xf32>
        %add3A_1809 = arith.addf %add3A_1804, %mul3A_1808 : vector<16xf32>
        %get3A_1810 = arith.index_cast %add3A_1777 : i32 to index
        %get3A_1811 = arith.constant 96 : index
        %get3A_1812 = tpu.vector_load %arg8[%get3A_1810, %get3A_1811] {strides = array<i32>} : memref<128x384xf32, #tpu.memory_space<vmem>>, vector<16xf32>,
        %mul3A_1813 = arith.mulf %get3A_1812, %get3A_48 : vector<16xf32>
        %add3A_1814 = arith.addf %add3A_1809, %mul3A_1813 : vector<16xf32>
        %get3A_1815 = arith.index_cast %add3A_1777 : i32 to index
        %get3A_1816 = arith.constant 112 : index
        %get3A_1817 = tpu.vector_load %arg8[%get3A_1815, %get3A_1816] {strides = array<i32>} : memref<128x384xf32, #tpu.memory_space<vmem>>, vector<16xf32>,
        %mul3A_1818 = arith.mulf %get3A_1817, %get3A_50 : vector<16xf32>
        %add3A_1819 = arith.addf %add3A_1814, %mul3A_1818 : vector<16xf32>
        %get3A_1820 = arith.index_cast %add3A_1777 : i32 to index
        %get3A_1821 = arith.constant 128 : index
        %get3A_1822 = tpu.vector_load %arg8[%get3A_1820, %get3A_1821] {strides = array<i32>} : memref<128x384xf32, #tpu.memory_space<vmem>>, vector<16xf32>,
        %mul3A_1823 = arith.mulf %get3A_1822, %get3A_52 : vector<16xf32>
        %add3A_1824 = arith.addf %add3A_1819, %mul3A_1823 : vector<16xf32>
        %get3A_1825 = arith.index_cast %add3A_1777 : i32 to index
        %get3A_1826 = arith.constant 144 : index
        %get3A_1827 = tpu.vector_load %arg8[%get3A_1825, %get3A_1826] {strides = array<i32>} : memref<128x384xf32, #tpu.memory_space<vmem>>, vector<16xf32>,
        %mul3A_1828 = arith.mulf %get3A_1827, %get3A_54 : vector<16xf32>
        %add3A_1829 = arith.addf %add3A_1824, %mul3A_1828 : vector<16xf32>
        %get3A_1830 = arith.index_cast %add3A_1777 : i32 to index
        %get3A_1831 = arith.constant 160 : index
        %get3A_1832 = tpu.vector_load %arg8[%get3A_1830, %get3A_1831] {strides = array<i32>} : memref<128x384xf32, #tpu.memory_space<vmem>>, vector<16xf32>,
        %mul3A_1833 = arith.mulf %get3A_1832, %get3A_56 : vector<16xf32>
        %add3A_1834 = arith.addf %add3A_1829, %mul3A_1833 : vector<16xf32>
        %get3A_1835 = arith.index_cast %add3A_1777 : i32 to index
        %get3A_1836 = arith.constant 176 : index
        %get3A_1837 = tpu.vector_load %arg8[%get3A_1835, %get3A_1836] {strides = array<i32>} : memref<128x384xf32, #tpu.memory_space<vmem>>, vector<16xf32>,
        %mul3A_1838 = arith.mulf %get3A_1837, %get3A_58 : vector<16xf32>
        %add3A_1839 = arith.addf %add3A_1834, %mul3A_1838 : vector<16xf32>
        %get3A_1840 = arith.index_cast %add3A_1777 : i32 to index
        %get3A_1841 = arith.constant 192 : index
        %get3A_1842 = tpu.vector_load %arg8[%get3A_1840, %get3A_1841] {strides = array<i32>} : memref<128x384xf32, #tpu.memory_space<vmem>>, vector<16xf32>,
        %mul3A_1843 = arith.mulf %get3A_1842, %get3A_60 : vector<16xf32>
        %add3A_1844 = arith.addf %add3A_1839, %mul3A_1843 : vector<16xf32>
        %get3A_1845 = arith.index_cast %add3A_1777 : i32 to index
        %get3A_1846 = arith.constant 208 : index
        %get3A_1847 = tpu.vector_load %arg8[%get3A_1845, %get3A_1846] {strides = array<i32>} : memref<128x384xf32, #tpu.memory_space<vmem>>, vector<16xf32>,
        %mul3A_1848 = arith.mulf %get3A_1847, %get3A_62 : vector<16xf32>
        %add3A_1849 = arith.addf %add3A_1844, %mul3A_1848 : vector<16xf32>
        %get3A_1850 = arith.index_cast %add3A_1777 : i32 to index
        %get3A_1851 = arith.constant 224 : index
        %get3A_1852 = tpu.vector_load %arg8[%get3A_1850, %get3A_1851] {strides = array<i32>} : memref<128x384xf32, #tpu.memory_space<vmem>>, vector<16xf32>,
        %mul3A_1853 = arith.mulf %get3A_1852, %get3A_64 : vector<16xf32>
        %add3A_1854 = arith.addf %add3A_1849, %mul3A_1853 : vector<16xf32>
        %get3A_1855 = arith.index_cast %add3A_1777 : i32 to index
        %get3A_1856 = arith.constant 240 : index
        %get3A_1857 = tpu.vector_load %arg8[%get3A_1855, %get3A_1856] {strides = array<i32>} : memref<128x384xf32, #tpu.memory_space<vmem>>, vector<16xf32>,
        %mul3A_1858 = arith.mulf %get3A_1857, %get3A_66 : vector<16xf32>
        %add3A_1859 = arith.addf %add3A_1854, %mul3A_1858 : vector<16xf32>
        %get3A_1860 = arith.index_cast %add3A_1777 : i32 to index
        %get3A_1861 = arith.constant 256 : index
        %get3A_1862 = tpu.vector_load %arg8[%get3A_1860, %get3A_1861] {strides = array<i32>} : memref<128x384xf32, #tpu.memory_space<vmem>>, vector<16xf32>,
        %mul3A_1863 = arith.mulf %get3A_1862, %get3A_68 : vector<16xf32>
        %add3A_1864 = arith.addf %add3A_1859, %mul3A_1863 : vector<16xf32>
        %get3A_1865 = arith.index_cast %add3A_1777 : i32 to index
        %get3A_1866 = arith.constant 272 : index
        %get3A_1867 = tpu.vector_load %arg8[%get3A_1865, %get3A_1866] {strides = array<i32>} : memref<128x384xf32, #tpu.memory_space<vmem>>, vector<16xf32>,
        %mul3A_1868 = arith.mulf %get3A_1867, %get3A_70 : vector<16xf32>
        %add3A_1869 = arith.addf %add3A_1864, %mul3A_1868 : vector<16xf32>
        %get3A_1870 = arith.index_cast %add3A_1777 : i32 to index
        %get3A_1871 = arith.constant 288 : index
        %get3A_1872 = tpu.vector_load %arg8[%get3A_1870, %get3A_1871] {strides = array<i32>} : memref<128x384xf32, #tpu.memory_space<vmem>>, vector<16xf32>,
        %mul3A_1873 = arith.mulf %get3A_1872, %get3A_72 : vector<16xf32>
        %add3A_1874 = arith.addf %add3A_1869, %mul3A_1873 : vector<16xf32>
        %get3A_1875 = arith.index_cast %add3A_1777 : i32 to index
        %get3A_1876 = arith.constant 304 : index
        %get3A_1877 = tpu.vector_load %arg8[%get3A_1875, %get3A_1876] {strides = array<i32>} : memref<128x384xf32, #tpu.memory_space<vmem>>, vector<16xf32>,
        %mul3A_1878 = arith.mulf %get3A_1877, %get3A_74 : vector<16xf32>
        %add3A_1879 = arith.addf %add3A_1874, %mul3A_1878 : vector<16xf32>
        %get3A_1880 = arith.index_cast %add3A_1777 : i32 to index
        %get3A_1881 = arith.constant 320 : index
        %get3A_1882 = tpu.vector_load %arg8[%get3A_1880, %get3A_1881] {strides = array<i32>} : memref<128x384xf32, #tpu.memory_space<vmem>>, vector<16xf32>,
        %mul3A_1883 = arith.mulf %get3A_1882, %get3A_76 : vector<16xf32>
        %add3A_1884 = arith.addf %add3A_1879, %mul3A_1883 : vector<16xf32>
        %get3A_1885 = arith.index_cast %add3A_1777 : i32 to index
        %get3A_1886 = arith.constant 336 : index
        %get3A_1887 = tpu.vector_load %arg8[%get3A_1885, %get3A_1886] {strides = array<i32>} : memref<128x384xf32, #tpu.memory_space<vmem>>, vector<16xf32>,
        %mul3A_1888 = arith.mulf %get3A_1887, %get3A_78 : vector<16xf32>
        %add3A_1889 = arith.addf %add3A_1884, %mul3A_1888 : vector<16xf32>
        %get3A_1890 = arith.index_cast %add3A_1777 : i32 to index
        %get3A_1891 = arith.constant 352 : index
        %get3A_1892 = tpu.vector_load %arg8[%get3A_1890, %get3A_1891] {strides = array<i32>} : memref<128x384xf32, #tpu.memory_space<vmem>>, vector<16xf32>,
        %mul3A_1893 = arith.mulf %get3A_1892, %get3A_80 : vector<16xf32>
        %add3A_1894 = arith.addf %add3A_1889, %mul3A_1893 : vector<16xf32>
        %get3A_1895 = arith.index_cast %add3A_1777 : i32 to index
        %get3A_1896 = arith.constant 368 : index
        %get3A_1897 = tpu.vector_load %arg8[%get3A_1895, %get3A_1896] {strides = array<i32>} : memref<128x384xf32, #tpu.memory_space<vmem>>, vector<16xf32>,
        %mul3A_1898 = arith.mulf %get3A_1897, %get3A_82 : vector<16xf32>
        %add3A_1899 = arith.addf %add3A_1894, %mul3A_1898 : vector<16xf32>
        %eq3A_1900 = arith.constant 12 : i32
        %eq3A_1901 = vector.broadcast %eq3A_1900 : i32 to vector<16xi32>
        %eq3A_1902 = arith.cmpi eq, %iota3A, %eq3A_1901 : vector<16xi32>
        %reduce_sum3A_1903 = arith.constant true
        %reduce_sum3A_1904 = vector.broadcast %reduce_sum3A_1903 : i1 to vector<16xi1>
        %reduce_sum3A_1905 = tpu.scan <sum>, %add3A_1899 masked %reduce_sum3A_1904 : vector<16xf32>, vector<16xi1> -> vector<16xf32>
        %reduce_sum3A_1906 = vector.extract %reduce_sum3A_1905[15] : f32 from vector<16xf32>
        %broadcast_in_dim3A_1907 = vector.broadcast %reduce_sum3A_1906 : f32 to vector<16xf32>
        %select_n3A_1908 = arith.select %eq3A_1902, %broadcast_in_dim3A_1907, %select_n3A_1773 : vector<16xi1>, vector<16xf32>
        %mul3A_1909 = arith.constant 16 : i32
        %mul3A_1910 = arith.muli %scan3A_152, %mul3A_1909 : i32
        %add3A_1911 = arith.constant 13 : i32
        %add3A_1912 = arith.addi %mul3A_1910, %add3A_1911 : i32
        %broadcast_in_dim3A_1913 = arith.constant 0.000000e+00 : f32
        %broadcast_in_dim3A_1914 = vector.broadcast %broadcast_in_dim3A_1913 : f32 to vector<16xf32>
        %get3A_1915 = arith.index_cast %add3A_1912 : i32 to index
        %get3A_1916 = arith.constant 0 : index
        %get3A_1917 = tpu.vector_load %arg8[%get3A_1915, %get3A_1916] {strides = array<i32>} : memref<128x384xf32, #tpu.memory_space<vmem>>, vector<16xf32>,
        %mul3A_1918 = arith.mulf %get3A_1917, %get3A_36 : vector<16xf32>
        %add3A_1919 = arith.addf %broadcast_in_dim3A_1914, %mul3A_1918 : vector<16xf32>
        %get3A_1920 = arith.index_cast %add3A_1912 : i32 to index
        %get3A_1921 = arith.constant 16 : index
        %get3A_1922 = tpu.vector_load %arg8[%get3A_1920, %get3A_1921] {strides = array<i32>} : memref<128x384xf32, #tpu.memory_space<vmem>>, vector<16xf32>,
        %mul3A_1923 = arith.mulf %get3A_1922, %get3A_38 : vector<16xf32>
        %add3A_1924 = arith.addf %add3A_1919, %mul3A_1923 : vector<16xf32>
        %get3A_1925 = arith.index_cast %add3A_1912 : i32 to index
        %get3A_1926 = arith.constant 32 : index
        %get3A_1927 = tpu.vector_load %arg8[%get3A_1925, %get3A_1926] {strides = array<i32>} : memref<128x384xf32, #tpu.memory_space<vmem>>, vector<16xf32>,
        %mul3A_1928 = arith.mulf %get3A_1927, %get3A_40 : vector<16xf32>
        %add3A_1929 = arith.addf %add3A_1924, %mul3A_1928 : vector<16xf32>
        %get3A_1930 = arith.index_cast %add3A_1912 : i32 to index
        %get3A_1931 = arith.constant 48 : index
        %get3A_1932 = tpu.vector_load %arg8[%get3A_1930, %get3A_1931] {strides = array<i32>} : memref<128x384xf32, #tpu.memory_space<vmem>>, vector<16xf32>,
        %mul3A_1933 = arith.mulf %get3A_1932, %get3A_42 : vector<16xf32>
        %add3A_1934 = arith.addf %add3A_1929, %mul3A_1933 : vector<16xf32>
        %get3A_1935 = arith.index_cast %add3A_1912 : i32 to index
        %get3A_1936 = arith.constant 64 : index
        %get3A_1937 = tpu.vector_load %arg8[%get3A_1935, %get3A_1936] {strides = array<i32>} : memref<128x384xf32, #tpu.memory_space<vmem>>, vector<16xf32>,
        %mul3A_1938 = arith.mulf %get3A_1937, %get3A_44 : vector<16xf32>
        %add3A_1939 = arith.addf %add3A_1934, %mul3A_1938 : vector<16xf32>
        %get3A_1940 = arith.index_cast %add3A_1912 : i32 to index
        %get3A_1941 = arith.constant 80 : index
        %get3A_1942 = tpu.vector_load %arg8[%get3A_1940, %get3A_1941] {strides = array<i32>} : memref<128x384xf32, #tpu.memory_space<vmem>>, vector<16xf32>,
        %mul3A_1943 = arith.mulf %get3A_1942, %get3A_46 : vector<16xf32>
        %add3A_1944 = arith.addf %add3A_1939, %mul3A_1943 : vector<16xf32>
        %get3A_1945 = arith.index_cast %add3A_1912 : i32 to index
        %get3A_1946 = arith.constant 96 : index
        %get3A_1947 = tpu.vector_load %arg8[%get3A_1945, %get3A_1946] {strides = array<i32>} : memref<128x384xf32, #tpu.memory_space<vmem>>, vector<16xf32>,
        %mul3A_1948 = arith.mulf %get3A_1947, %get3A_48 : vector<16xf32>
        %add3A_1949 = arith.addf %add3A_1944, %mul3A_1948 : vector<16xf32>
        %get3A_1950 = arith.index_cast %add3A_1912 : i32 to index
        %get3A_1951 = arith.constant 112 : index
        %get3A_1952 = tpu.vector_load %arg8[%get3A_1950, %get3A_1951] {strides = array<i32>} : memref<128x384xf32, #tpu.memory_space<vmem>>, vector<16xf32>,
        %mul3A_1953 = arith.mulf %get3A_1952, %get3A_50 : vector<16xf32>
        %add3A_1954 = arith.addf %add3A_1949, %mul3A_1953 : vector<16xf32>
        %get3A_1955 = arith.index_cast %add3A_1912 : i32 to index
        %get3A_1956 = arith.constant 128 : index
        %get3A_1957 = tpu.vector_load %arg8[%get3A_1955, %get3A_1956] {strides = array<i32>} : memref<128x384xf32, #tpu.memory_space<vmem>>, vector<16xf32>,
        %mul3A_1958 = arith.mulf %get3A_1957, %get3A_52 : vector<16xf32>
        %add3A_1959 = arith.addf %add3A_1954, %mul3A_1958 : vector<16xf32>
        %get3A_1960 = arith.index_cast %add3A_1912 : i32 to index
        %get3A_1961 = arith.constant 144 : index
        %get3A_1962 = tpu.vector_load %arg8[%get3A_1960, %get3A_1961] {strides = array<i32>} : memref<128x384xf32, #tpu.memory_space<vmem>>, vector<16xf32>,
        %mul3A_1963 = arith.mulf %get3A_1962, %get3A_54 : vector<16xf32>
        %add3A_1964 = arith.addf %add3A_1959, %mul3A_1963 : vector<16xf32>
        %get3A_1965 = arith.index_cast %add3A_1912 : i32 to index
        %get3A_1966 = arith.constant 160 : index
        %get3A_1967 = tpu.vector_load %arg8[%get3A_1965, %get3A_1966] {strides = array<i32>} : memref<128x384xf32, #tpu.memory_space<vmem>>, vector<16xf32>,
        %mul3A_1968 = arith.mulf %get3A_1967, %get3A_56 : vector<16xf32>
        %add3A_1969 = arith.addf %add3A_1964, %mul3A_1968 : vector<16xf32>
        %get3A_1970 = arith.index_cast %add3A_1912 : i32 to index
        %get3A_1971 = arith.constant 176 : index
        %get3A_1972 = tpu.vector_load %arg8[%get3A_1970, %get3A_1971] {strides = array<i32>} : memref<128x384xf32, #tpu.memory_space<vmem>>, vector<16xf32>,
        %mul3A_1973 = arith.mulf %get3A_1972, %get3A_58 : vector<16xf32>
        %add3A_1974 = arith.addf %add3A_1969, %mul3A_1973 : vector<16xf32>
        %get3A_1975 = arith.index_cast %add3A_1912 : i32 to index
        %get3A_1976 = arith.constant 192 : index
        %get3A_1977 = tpu.vector_load %arg8[%get3A_1975, %get3A_1976] {strides = array<i32>} : memref<128x384xf32, #tpu.memory_space<vmem>>, vector<16xf32>,
        %mul3A_1978 = arith.mulf %get3A_1977, %get3A_60 : vector<16xf32>
        %add3A_1979 = arith.addf %add3A_1974, %mul3A_1978 : vector<16xf32>
        %get3A_1980 = arith.index_cast %add3A_1912 : i32 to index
        %get3A_1981 = arith.constant 208 : index
        %get3A_1982 = tpu.vector_load %arg8[%get3A_1980, %get3A_1981] {strides = array<i32>} : memref<128x384xf32, #tpu.memory_space<vmem>>, vector<16xf32>,
        %mul3A_1983 = arith.mulf %get3A_1982, %get3A_62 : vector<16xf32>
        %add3A_1984 = arith.addf %add3A_1979, %mul3A_1983 : vector<16xf32>
        %get3A_1985 = arith.index_cast %add3A_1912 : i32 to index
        %get3A_1986 = arith.constant 224 : index
        %get3A_1987 = tpu.vector_load %arg8[%get3A_1985, %get3A_1986] {strides = array<i32>} : memref<128x384xf32, #tpu.memory_space<vmem>>, vector<16xf32>,
        %mul3A_1988 = arith.mulf %get3A_1987, %get3A_64 : vector<16xf32>
        %add3A_1989 = arith.addf %add3A_1984, %mul3A_1988 : vector<16xf32>
        %get3A_1990 = arith.index_cast %add3A_1912 : i32 to index
        %get3A_1991 = arith.constant 240 : index
        %get3A_1992 = tpu.vector_load %arg8[%get3A_1990, %get3A_1991] {strides = array<i32>} : memref<128x384xf32, #tpu.memory_space<vmem>>, vector<16xf32>,
        %mul3A_1993 = arith.mulf %get3A_1992, %get3A_66 : vector<16xf32>
        %add3A_1994 = arith.addf %add3A_1989, %mul3A_1993 : vector<16xf32>
        %get3A_1995 = arith.index_cast %add3A_1912 : i32 to index
        %get3A_1996 = arith.constant 256 : index
        %get3A_1997 = tpu.vector_load %arg8[%get3A_1995, %get3A_1996] {strides = array<i32>} : memref<128x384xf32, #tpu.memory_space<vmem>>, vector<16xf32>,
        %mul3A_1998 = arith.mulf %get3A_1997, %get3A_68 : vector<16xf32>
        %add3A_1999 = arith.addf %add3A_1994, %mul3A_1998 : vector<16xf32>
        %get3A_2000 = arith.index_cast %add3A_1912 : i32 to index
        %get3A_2001 = arith.constant 272 : index
        %get3A_2002 = tpu.vector_load %arg8[%get3A_2000, %get3A_2001] {strides = array<i32>} : memref<128x384xf32, #tpu.memory_space<vmem>>, vector<16xf32>,
        %mul3A_2003 = arith.mulf %get3A_2002, %get3A_70 : vector<16xf32>
        %add3A_2004 = arith.addf %add3A_1999, %mul3A_2003 : vector<16xf32>
        %get3A_2005 = arith.index_cast %add3A_1912 : i32 to index
        %get3A_2006 = arith.constant 288 : index
        %get3A_2007 = tpu.vector_load %arg8[%get3A_2005, %get3A_2006] {strides = array<i32>} : memref<128x384xf32, #tpu.memory_space<vmem>>, vector<16xf32>,
        %mul3A_2008 = arith.mulf %get3A_2007, %get3A_72 : vector<16xf32>
        %add3A_2009 = arith.addf %add3A_2004, %mul3A_2008 : vector<16xf32>
        %get3A_2010 = arith.index_cast %add3A_1912 : i32 to index
        %get3A_2011 = arith.constant 304 : index
        %get3A_2012 = tpu.vector_load %arg8[%get3A_2010, %get3A_2011] {strides = array<i32>} : memref<128x384xf32, #tpu.memory_space<vmem>>, vector<16xf32>,
        %mul3A_2013 = arith.mulf %get3A_2012, %get3A_74 : vector<16xf32>
        %add3A_2014 = arith.addf %add3A_2009, %mul3A_2013 : vector<16xf32>
        %get3A_2015 = arith.index_cast %add3A_1912 : i32 to index
        %get3A_2016 = arith.constant 320 : index
        %get3A_2017 = tpu.vector_load %arg8[%get3A_2015, %get3A_2016] {strides = array<i32>} : memref<128x384xf32, #tpu.memory_space<vmem>>, vector<16xf32>,
        %mul3A_2018 = arith.mulf %get3A_2017, %get3A_76 : vector<16xf32>
        %add3A_2019 = arith.addf %add3A_2014, %mul3A_2018 : vector<16xf32>
        %get3A_2020 = arith.index_cast %add3A_1912 : i32 to index
        %get3A_2021 = arith.constant 336 : index
        %get3A_2022 = tpu.vector_load %arg8[%get3A_2020, %get3A_2021] {strides = array<i32>} : memref<128x384xf32, #tpu.memory_space<vmem>>, vector<16xf32>,
        %mul3A_2023 = arith.mulf %get3A_2022, %get3A_78 : vector<16xf32>
        %add3A_2024 = arith.addf %add3A_2019, %mul3A_2023 : vector<16xf32>
        %get3A_2025 = arith.index_cast %add3A_1912 : i32 to index
        %get3A_2026 = arith.constant 352 : index
        %get3A_2027 = tpu.vector_load %arg8[%get3A_2025, %get3A_2026] {strides = array<i32>} : memref<128x384xf32, #tpu.memory_space<vmem>>, vector<16xf32>,
        %mul3A_2028 = arith.mulf %get3A_2027, %get3A_80 : vector<16xf32>
        %add3A_2029 = arith.addf %add3A_2024, %mul3A_2028 : vector<16xf32>
        %get3A_2030 = arith.index_cast %add3A_1912 : i32 to index
        %get3A_2031 = arith.constant 368 : index
        %get3A_2032 = tpu.vector_load %arg8[%get3A_2030, %get3A_2031] {strides = array<i32>} : memref<128x384xf32, #tpu.memory_space<vmem>>, vector<16xf32>,
        %mul3A_2033 = arith.mulf %get3A_2032, %get3A_82 : vector<16xf32>
        %add3A_2034 = arith.addf %add3A_2029, %mul3A_2033 : vector<16xf32>
        %eq3A_2035 = arith.constant 13 : i32
        %eq3A_2036 = vector.broadcast %eq3A_2035 : i32 to vector<16xi32>
        %eq3A_2037 = arith.cmpi eq, %iota3A, %eq3A_2036 : vector<16xi32>
        %reduce_sum3A_2038 = arith.constant true
        %reduce_sum3A_2039 = vector.broadcast %reduce_sum3A_2038 : i1 to vector<16xi1>
        %reduce_sum3A_2040 = tpu.scan <sum>, %add3A_2034 masked %reduce_sum3A_2039 : vector<16xf32>, vector<16xi1> -> vector<16xf32>
        %reduce_sum3A_2041 = vector.extract %reduce_sum3A_2040[15] : f32 from vector<16xf32>
        %broadcast_in_dim3A_2042 = vector.broadcast %reduce_sum3A_2041 : f32 to vector<16xf32>
        %select_n3A_2043 = arith.select %eq3A_2037, %broadcast_in_dim3A_2042, %select_n3A_1908 : vector<16xi1>, vector<16xf32>
        %mul3A_2044 = arith.constant 16 : i32
        %mul3A_2045 = arith.muli %scan3A_152, %mul3A_2044 : i32
        %add3A_2046 = arith.constant 14 : i32
        %add3A_2047 = arith.addi %mul3A_2045, %add3A_2046 : i32
        %broadcast_in_dim3A_2048 = arith.constant 0.000000e+00 : f32
        %broadcast_in_dim3A_2049 = vector.broadcast %broadcast_in_dim3A_2048 : f32 to vector<16xf32>
        %get3A_2050 = arith.index_cast %add3A_2047 : i32 to index
        %get3A_2051 = arith.constant 0 : index
        %get3A_2052 = tpu.vector_load %arg8[%get3A_2050, %get3A_2051] {strides = array<i32>} : memref<128x384xf32, #tpu.memory_space<vmem>>, vector<16xf32>,
        %mul3A_2053 = arith.mulf %get3A_2052, %get3A_36 : vector<16xf32>
        %add3A_2054 = arith.addf %broadcast_in_dim3A_2049, %mul3A_2053 : vector<16xf32>
        %get3A_2055 = arith.index_cast %add3A_2047 : i32 to index
        %get3A_2056 = arith.constant 16 : index
        %get3A_2057 = tpu.vector_load %arg8[%get3A_2055, %get3A_2056] {strides = array<i32>} : memref<128x384xf32, #tpu.memory_space<vmem>>, vector<16xf32>,
        %mul3A_2058 = arith.mulf %get3A_2057, %get3A_38 : vector<16xf32>
        %add3A_2059 = arith.addf %add3A_2054, %mul3A_2058 : vector<16xf32>
        %get3A_2060 = arith.index_cast %add3A_2047 : i32 to index
        %get3A_2061 = arith.constant 32 : index
        %get3A_2062 = tpu.vector_load %arg8[%get3A_2060, %get3A_2061] {strides = array<i32>} : memref<128x384xf32, #tpu.memory_space<vmem>>, vector<16xf32>,
        %mul3A_2063 = arith.mulf %get3A_2062, %get3A_40 : vector<16xf32>
        %add3A_2064 = arith.addf %add3A_2059, %mul3A_2063 : vector<16xf32>
        %get3A_2065 = arith.index_cast %add3A_2047 : i32 to index
        %get3A_2066 = arith.constant 48 : index
        %get3A_2067 = tpu.vector_load %arg8[%get3A_2065, %get3A_2066] {strides = array<i32>} : memref<128x384xf32, #tpu.memory_space<vmem>>, vector<16xf32>,
        %mul3A_2068 = arith.mulf %get3A_2067, %get3A_42 : vector<16xf32>
        %add3A_2069 = arith.addf %add3A_2064, %mul3A_2068 : vector<16xf32>
        %get3A_2070 = arith.index_cast %add3A_2047 : i32 to index
        %get3A_2071 = arith.constant 64 : index
        %get3A_2072 = tpu.vector_load %arg8[%get3A_2070, %get3A_2071] {strides = array<i32>} : memref<128x384xf32, #tpu.memory_space<vmem>>, vector<16xf32>,
        %mul3A_2073 = arith.mulf %get3A_2072, %get3A_44 : vector<16xf32>
        %add3A_2074 = arith.addf %add3A_2069, %mul3A_2073 : vector<16xf32>
        %get3A_2075 = arith.index_cast %add3A_2047 : i32 to index
        %get3A_2076 = arith.constant 80 : index
        %get3A_2077 = tpu.vector_load %arg8[%get3A_2075, %get3A_2076] {strides = array<i32>} : memref<128x384xf32, #tpu.memory_space<vmem>>, vector<16xf32>,
        %mul3A_2078 = arith.mulf %get3A_2077, %get3A_46 : vector<16xf32>
        %add3A_2079 = arith.addf %add3A_2074, %mul3A_2078 : vector<16xf32>
        %get3A_2080 = arith.index_cast %add3A_2047 : i32 to index
        %get3A_2081 = arith.constant 96 : index
        %get3A_2082 = tpu.vector_load %arg8[%get3A_2080, %get3A_2081] {strides = array<i32>} : memref<128x384xf32, #tpu.memory_space<vmem>>, vector<16xf32>,
        %mul3A_2083 = arith.mulf %get3A_2082, %get3A_48 : vector<16xf32>
        %add3A_2084 = arith.addf %add3A_2079, %mul3A_2083 : vector<16xf32>
        %get3A_2085 = arith.index_cast %add3A_2047 : i32 to index
        %get3A_2086 = arith.constant 112 : index
        %get3A_2087 = tpu.vector_load %arg8[%get3A_2085, %get3A_2086] {strides = array<i32>} : memref<128x384xf32, #tpu.memory_space<vmem>>, vector<16xf32>,
        %mul3A_2088 = arith.mulf %get3A_2087, %get3A_50 : vector<16xf32>
        %add3A_2089 = arith.addf %add3A_2084, %mul3A_2088 : vector<16xf32>
        %get3A_2090 = arith.index_cast %add3A_2047 : i32 to index
        %get3A_2091 = arith.constant 128 : index
        %get3A_2092 = tpu.vector_load %arg8[%get3A_2090, %get3A_2091] {strides = array<i32>} : memref<128x384xf32, #tpu.memory_space<vmem>>, vector<16xf32>,
        %mul3A_2093 = arith.mulf %get3A_2092, %get3A_52 : vector<16xf32>
        %add3A_2094 = arith.addf %add3A_2089, %mul3A_2093 : vector<16xf32>
        %get3A_2095 = arith.index_cast %add3A_2047 : i32 to index
        %get3A_2096 = arith.constant 144 : index
        %get3A_2097 = tpu.vector_load %arg8[%get3A_2095, %get3A_2096] {strides = array<i32>} : memref<128x384xf32, #tpu.memory_space<vmem>>, vector<16xf32>,
        %mul3A_2098 = arith.mulf %get3A_2097, %get3A_54 : vector<16xf32>
        %add3A_2099 = arith.addf %add3A_2094, %mul3A_2098 : vector<16xf32>
        %get3A_2100 = arith.index_cast %add3A_2047 : i32 to index
        %get3A_2101 = arith.constant 160 : index
        %get3A_2102 = tpu.vector_load %arg8[%get3A_2100, %get3A_2101] {strides = array<i32>} : memref<128x384xf32, #tpu.memory_space<vmem>>, vector<16xf32>,
        %mul3A_2103 = arith.mulf %get3A_2102, %get3A_56 : vector<16xf32>
        %add3A_2104 = arith.addf %add3A_2099, %mul3A_2103 : vector<16xf32>
        %get3A_2105 = arith.index_cast %add3A_2047 : i32 to index
        %get3A_2106 = arith.constant 176 : index
        %get3A_2107 = tpu.vector_load %arg8[%get3A_2105, %get3A_2106] {strides = array<i32>} : memref<128x384xf32, #tpu.memory_space<vmem>>, vector<16xf32>,
        %mul3A_2108 = arith.mulf %get3A_2107, %get3A_58 : vector<16xf32>
        %add3A_2109 = arith.addf %add3A_2104, %mul3A_2108 : vector<16xf32>
        %get3A_2110 = arith.index_cast %add3A_2047 : i32 to index
        %get3A_2111 = arith.constant 192 : index
        %get3A_2112 = tpu.vector_load %arg8[%get3A_2110, %get3A_2111] {strides = array<i32>} : memref<128x384xf32, #tpu.memory_space<vmem>>, vector<16xf32>,
        %mul3A_2113 = arith.mulf %get3A_2112, %get3A_60 : vector<16xf32>
        %add3A_2114 = arith.addf %add3A_2109, %mul3A_2113 : vector<16xf32>
        %get3A_2115 = arith.index_cast %add3A_2047 : i32 to index
        %get3A_2116 = arith.constant 208 : index
        %get3A_2117 = tpu.vector_load %arg8[%get3A_2115, %get3A_2116] {strides = array<i32>} : memref<128x384xf32, #tpu.memory_space<vmem>>, vector<16xf32>,
        %mul3A_2118 = arith.mulf %get3A_2117, %get3A_62 : vector<16xf32>
        %add3A_2119 = arith.addf %add3A_2114, %mul3A_2118 : vector<16xf32>
        %get3A_2120 = arith.index_cast %add3A_2047 : i32 to index
        %get3A_2121 = arith.constant 224 : index
        %get3A_2122 = tpu.vector_load %arg8[%get3A_2120, %get3A_2121] {strides = array<i32>} : memref<128x384xf32, #tpu.memory_space<vmem>>, vector<16xf32>,
        %mul3A_2123 = arith.mulf %get3A_2122, %get3A_64 : vector<16xf32>
        %add3A_2124 = arith.addf %add3A_2119, %mul3A_2123 : vector<16xf32>
        %get3A_2125 = arith.index_cast %add3A_2047 : i32 to index
        %get3A_2126 = arith.constant 240 : index
        %get3A_2127 = tpu.vector_load %arg8[%get3A_2125, %get3A_2126] {strides = array<i32>} : memref<128x384xf32, #tpu.memory_space<vmem>>, vector<16xf32>,
        %mul3A_2128 = arith.mulf %get3A_2127, %get3A_66 : vector<16xf32>
        %add3A_2129 = arith.addf %add3A_2124, %mul3A_2128 : vector<16xf32>
        %get3A_2130 = arith.index_cast %add3A_2047 : i32 to index
        %get3A_2131 = arith.constant 256 : index
        %get3A_2132 = tpu.vector_load %arg8[%get3A_2130, %get3A_2131] {strides = array<i32>} : memref<128x384xf32, #tpu.memory_space<vmem>>, vector<16xf32>,
        %mul3A_2133 = arith.mulf %get3A_2132, %get3A_68 : vector<16xf32>
        %add3A_2134 = arith.addf %add3A_2129, %mul3A_2133 : vector<16xf32>
        %get3A_2135 = arith.index_cast %add3A_2047 : i32 to index
        %get3A_2136 = arith.constant 272 : index
        %get3A_2137 = tpu.vector_load %arg8[%get3A_2135, %get3A_2136] {strides = array<i32>} : memref<128x384xf32, #tpu.memory_space<vmem>>, vector<16xf32>,
        %mul3A_2138 = arith.mulf %get3A_2137, %get3A_70 : vector<16xf32>
        %add3A_2139 = arith.addf %add3A_2134, %mul3A_2138 : vector<16xf32>
        %get3A_2140 = arith.index_cast %add3A_2047 : i32 to index
        %get3A_2141 = arith.constant 288 : index
        %get3A_2142 = tpu.vector_load %arg8[%get3A_2140, %get3A_2141] {strides = array<i32>} : memref<128x384xf32, #tpu.memory_space<vmem>>, vector<16xf32>,
        %mul3A_2143 = arith.mulf %get3A_2142, %get3A_72 : vector<16xf32>
        %add3A_2144 = arith.addf %add3A_2139, %mul3A_2143 : vector<16xf32>
        %get3A_2145 = arith.index_cast %add3A_2047 : i32 to index
        %get3A_2146 = arith.constant 304 : index
        %get3A_2147 = tpu.vector_load %arg8[%get3A_2145, %get3A_2146] {strides = array<i32>} : memref<128x384xf32, #tpu.memory_space<vmem>>, vector<16xf32>,
        %mul3A_2148 = arith.mulf %get3A_2147, %get3A_74 : vector<16xf32>
        %add3A_2149 = arith.addf %add3A_2144, %mul3A_2148 : vector<16xf32>
        %get3A_2150 = arith.index_cast %add3A_2047 : i32 to index
        %get3A_2151 = arith.constant 320 : index
        %get3A_2152 = tpu.vector_load %arg8[%get3A_2150, %get3A_2151] {strides = array<i32>} : memref<128x384xf32, #tpu.memory_space<vmem>>, vector<16xf32>,
        %mul3A_2153 = arith.mulf %get3A_2152, %get3A_76 : vector<16xf32>
        %add3A_2154 = arith.addf %add3A_2149, %mul3A_2153 : vector<16xf32>
        %get3A_2155 = arith.index_cast %add3A_2047 : i32 to index
        %get3A_2156 = arith.constant 336 : index
        %get3A_2157 = tpu.vector_load %arg8[%get3A_2155, %get3A_2156] {strides = array<i32>} : memref<128x384xf32, #tpu.memory_space<vmem>>, vector<16xf32>,
        %mul3A_2158 = arith.mulf %get3A_2157, %get3A_78 : vector<16xf32>
        %add3A_2159 = arith.addf %add3A_2154, %mul3A_2158 : vector<16xf32>
        %get3A_2160 = arith.index_cast %add3A_2047 : i32 to index
        %get3A_2161 = arith.constant 352 : index
        %get3A_2162 = tpu.vector_load %arg8[%get3A_2160, %get3A_2161] {strides = array<i32>} : memref<128x384xf32, #tpu.memory_space<vmem>>, vector<16xf32>,
        %mul3A_2163 = arith.mulf %get3A_2162, %get3A_80 : vector<16xf32>
        %add3A_2164 = arith.addf %add3A_2159, %mul3A_2163 : vector<16xf32>
        %get3A_2165 = arith.index_cast %add3A_2047 : i32 to index
        %get3A_2166 = arith.constant 368 : index
        %get3A_2167 = tpu.vector_load %arg8[%get3A_2165, %get3A_2166] {strides = array<i32>} : memref<128x384xf32, #tpu.memory_space<vmem>>, vector<16xf32>,
        %mul3A_2168 = arith.mulf %get3A_2167, %get3A_82 : vector<16xf32>
        %add3A_2169 = arith.addf %add3A_2164, %mul3A_2168 : vector<16xf32>
        %eq3A_2170 = arith.constant 14 : i32
        %eq3A_2171 = vector.broadcast %eq3A_2170 : i32 to vector<16xi32>
        %eq3A_2172 = arith.cmpi eq, %iota3A, %eq3A_2171 : vector<16xi32>
        %reduce_sum3A_2173 = arith.constant true
        %reduce_sum3A_2174 = vector.broadcast %reduce_sum3A_2173 : i1 to vector<16xi1>
        %reduce_sum3A_2175 = tpu.scan <sum>, %add3A_2169 masked %reduce_sum3A_2174 : vector<16xf32>, vector<16xi1> -> vector<16xf32>
        %reduce_sum3A_2176 = vector.extract %reduce_sum3A_2175[15] : f32 from vector<16xf32>
        %broadcast_in_dim3A_2177 = vector.broadcast %reduce_sum3A_2176 : f32 to vector<16xf32>
        %select_n3A_2178 = arith.select %eq3A_2172, %broadcast_in_dim3A_2177, %select_n3A_2043 : vector<16xi1>, vector<16xf32>
        %mul3A_2179 = arith.constant 16 : i32
        %mul3A_2180 = arith.muli %scan3A_152, %mul3A_2179 : i32
        %add3A_2181 = arith.constant 15 : i32
        %add3A_2182 = arith.addi %mul3A_2180, %add3A_2181 : i32
        %broadcast_in_dim3A_2183 = arith.constant 0.000000e+00 : f32
        %broadcast_in_dim3A_2184 = vector.broadcast %broadcast_in_dim3A_2183 : f32 to vector<16xf32>
        %get3A_2185 = arith.index_cast %add3A_2182 : i32 to index
        %get3A_2186 = arith.constant 0 : index
        %get3A_2187 = tpu.vector_load %arg8[%get3A_2185, %get3A_2186] {strides = array<i32>} : memref<128x384xf32, #tpu.memory_space<vmem>>, vector<16xf32>,
        %mul3A_2188 = arith.mulf %get3A_2187, %get3A_36 : vector<16xf32>
        %add3A_2189 = arith.addf %broadcast_in_dim3A_2184, %mul3A_2188 : vector<16xf32>
        %get3A_2190 = arith.index_cast %add3A_2182 : i32 to index
        %get3A_2191 = arith.constant 16 : index
        %get3A_2192 = tpu.vector_load %arg8[%get3A_2190, %get3A_2191] {strides = array<i32>} : memref<128x384xf32, #tpu.memory_space<vmem>>, vector<16xf32>,
        %mul3A_2193 = arith.mulf %get3A_2192, %get3A_38 : vector<16xf32>
        %add3A_2194 = arith.addf %add3A_2189, %mul3A_2193 : vector<16xf32>
        %get3A_2195 = arith.index_cast %add3A_2182 : i32 to index
        %get3A_2196 = arith.constant 32 : index
        %get3A_2197 = tpu.vector_load %arg8[%get3A_2195, %get3A_2196] {strides = array<i32>} : memref<128x384xf32, #tpu.memory_space<vmem>>, vector<16xf32>,
        %mul3A_2198 = arith.mulf %get3A_2197, %get3A_40 : vector<16xf32>
        %add3A_2199 = arith.addf %add3A_2194, %mul3A_2198 : vector<16xf32>
        %get3A_2200 = arith.index_cast %add3A_2182 : i32 to index
        %get3A_2201 = arith.constant 48 : index
        %get3A_2202 = tpu.vector_load %arg8[%get3A_2200, %get3A_2201] {strides = array<i32>} : memref<128x384xf32, #tpu.memory_space<vmem>>, vector<16xf32>,
        %mul3A_2203 = arith.mulf %get3A_2202, %get3A_42 : vector<16xf32>
        %add3A_2204 = arith.addf %add3A_2199, %mul3A_2203 : vector<16xf32>
        %get3A_2205 = arith.index_cast %add3A_2182 : i32 to index
        %get3A_2206 = arith.constant 64 : index
        %get3A_2207 = tpu.vector_load %arg8[%get3A_2205, %get3A_2206] {strides = array<i32>} : memref<128x384xf32, #tpu.memory_space<vmem>>, vector<16xf32>,
        %mul3A_2208 = arith.mulf %get3A_2207, %get3A_44 : vector<16xf32>
        %add3A_2209 = arith.addf %add3A_2204, %mul3A_2208 : vector<16xf32>
        %get3A_2210 = arith.index_cast %add3A_2182 : i32 to index
        %get3A_2211 = arith.constant 80 : index
        %get3A_2212 = tpu.vector_load %arg8[%get3A_2210, %get3A_2211] {strides = array<i32>} : memref<128x384xf32, #tpu.memory_space<vmem>>, vector<16xf32>,
        %mul3A_2213 = arith.mulf %get3A_2212, %get3A_46 : vector<16xf32>
        %add3A_2214 = arith.addf %add3A_2209, %mul3A_2213 : vector<16xf32>
        %get3A_2215 = arith.index_cast %add3A_2182 : i32 to index
        %get3A_2216 = arith.constant 96 : index
        %get3A_2217 = tpu.vector_load %arg8[%get3A_2215, %get3A_2216] {strides = array<i32>} : memref<128x384xf32, #tpu.memory_space<vmem>>, vector<16xf32>,
        %mul3A_2218 = arith.mulf %get3A_2217, %get3A_48 : vector<16xf32>
        %add3A_2219 = arith.addf %add3A_2214, %mul3A_2218 : vector<16xf32>
        %get3A_2220 = arith.index_cast %add3A_2182 : i32 to index
        %get3A_2221 = arith.constant 112 : index
        %get3A_2222 = tpu.vector_load %arg8[%get3A_2220, %get3A_2221] {strides = array<i32>} : memref<128x384xf32, #tpu.memory_space<vmem>>, vector<16xf32>,
        %mul3A_2223 = arith.mulf %get3A_2222, %get3A_50 : vector<16xf32>
        %add3A_2224 = arith.addf %add3A_2219, %mul3A_2223 : vector<16xf32>
        %get3A_2225 = arith.index_cast %add3A_2182 : i32 to index
        %get3A_2226 = arith.constant 128 : index
        %get3A_2227 = tpu.vector_load %arg8[%get3A_2225, %get3A_2226] {strides = array<i32>} : memref<128x384xf32, #tpu.memory_space<vmem>>, vector<16xf32>,
        %mul3A_2228 = arith.mulf %get3A_2227, %get3A_52 : vector<16xf32>
        %add3A_2229 = arith.addf %add3A_2224, %mul3A_2228 : vector<16xf32>
        %get3A_2230 = arith.index_cast %add3A_2182 : i32 to index
        %get3A_2231 = arith.constant 144 : index
        %get3A_2232 = tpu.vector_load %arg8[%get3A_2230, %get3A_2231] {strides = array<i32>} : memref<128x384xf32, #tpu.memory_space<vmem>>, vector<16xf32>,
        %mul3A_2233 = arith.mulf %get3A_2232, %get3A_54 : vector<16xf32>
        %add3A_2234 = arith.addf %add3A_2229, %mul3A_2233 : vector<16xf32>
        %get3A_2235 = arith.index_cast %add3A_2182 : i32 to index
        %get3A_2236 = arith.constant 160 : index
        %get3A_2237 = tpu.vector_load %arg8[%get3A_2235, %get3A_2236] {strides = array<i32>} : memref<128x384xf32, #tpu.memory_space<vmem>>, vector<16xf32>,
        %mul3A_2238 = arith.mulf %get3A_2237, %get3A_56 : vector<16xf32>
        %add3A_2239 = arith.addf %add3A_2234, %mul3A_2238 : vector<16xf32>
        %get3A_2240 = arith.index_cast %add3A_2182 : i32 to index
        %get3A_2241 = arith.constant 176 : index
        %get3A_2242 = tpu.vector_load %arg8[%get3A_2240, %get3A_2241] {strides = array<i32>} : memref<128x384xf32, #tpu.memory_space<vmem>>, vector<16xf32>,
        %mul3A_2243 = arith.mulf %get3A_2242, %get3A_58 : vector<16xf32>
        %add3A_2244 = arith.addf %add3A_2239, %mul3A_2243 : vector<16xf32>
        %get3A_2245 = arith.index_cast %add3A_2182 : i32 to index
        %get3A_2246 = arith.constant 192 : index
        %get3A_2247 = tpu.vector_load %arg8[%get3A_2245, %get3A_2246] {strides = array<i32>} : memref<128x384xf32, #tpu.memory_space<vmem>>, vector<16xf32>,
        %mul3A_2248 = arith.mulf %get3A_2247, %get3A_60 : vector<16xf32>
        %add3A_2249 = arith.addf %add3A_2244, %mul3A_2248 : vector<16xf32>
        %get3A_2250 = arith.index_cast %add3A_2182 : i32 to index
        %get3A_2251 = arith.constant 208 : index
        %get3A_2252 = tpu.vector_load %arg8[%get3A_2250, %get3A_2251] {strides = array<i32>} : memref<128x384xf32, #tpu.memory_space<vmem>>, vector<16xf32>,
        %mul3A_2253 = arith.mulf %get3A_2252, %get3A_62 : vector<16xf32>
        %add3A_2254 = arith.addf %add3A_2249, %mul3A_2253 : vector<16xf32>
        %get3A_2255 = arith.index_cast %add3A_2182 : i32 to index
        %get3A_2256 = arith.constant 224 : index
        %get3A_2257 = tpu.vector_load %arg8[%get3A_2255, %get3A_2256] {strides = array<i32>} : memref<128x384xf32, #tpu.memory_space<vmem>>, vector<16xf32>,
        %mul3A_2258 = arith.mulf %get3A_2257, %get3A_64 : vector<16xf32>
        %add3A_2259 = arith.addf %add3A_2254, %mul3A_2258 : vector<16xf32>
        %get3A_2260 = arith.index_cast %add3A_2182 : i32 to index
        %get3A_2261 = arith.constant 240 : index
        %get3A_2262 = tpu.vector_load %arg8[%get3A_2260, %get3A_2261] {strides = array<i32>} : memref<128x384xf32, #tpu.memory_space<vmem>>, vector<16xf32>,
        %mul3A_2263 = arith.mulf %get3A_2262, %get3A_66 : vector<16xf32>
        %add3A_2264 = arith.addf %add3A_2259, %mul3A_2263 : vector<16xf32>
        %get3A_2265 = arith.index_cast %add3A_2182 : i32 to index
        %get3A_2266 = arith.constant 256 : index
        %get3A_2267 = tpu.vector_load %arg8[%get3A_2265, %get3A_2266] {strides = array<i32>} : memref<128x384xf32, #tpu.memory_space<vmem>>, vector<16xf32>,
        %mul3A_2268 = arith.mulf %get3A_2267, %get3A_68 : vector<16xf32>
        %add3A_2269 = arith.addf %add3A_2264, %mul3A_2268 : vector<16xf32>
        %get3A_2270 = arith.index_cast %add3A_2182 : i32 to index
        %get3A_2271 = arith.constant 272 : index
        %get3A_2272 = tpu.vector_load %arg8[%get3A_2270, %get3A_2271] {strides = array<i32>} : memref<128x384xf32, #tpu.memory_space<vmem>>, vector<16xf32>,
        %mul3A_2273 = arith.mulf %get3A_2272, %get3A_70 : vector<16xf32>
        %add3A_2274 = arith.addf %add3A_2269, %mul3A_2273 : vector<16xf32>
        %get3A_2275 = arith.index_cast %add3A_2182 : i32 to index
        %get3A_2276 = arith.constant 288 : index
        %get3A_2277 = tpu.vector_load %arg8[%get3A_2275, %get3A_2276] {strides = array<i32>} : memref<128x384xf32, #tpu.memory_space<vmem>>, vector<16xf32>,
        %mul3A_2278 = arith.mulf %get3A_2277, %get3A_72 : vector<16xf32>
        %add3A_2279 = arith.addf %add3A_2274, %mul3A_2278 : vector<16xf32>
        %get3A_2280 = arith.index_cast %add3A_2182 : i32 to index
        %get3A_2281 = arith.constant 304 : index
        %get3A_2282 = tpu.vector_load %arg8[%get3A_2280, %get3A_2281] {strides = array<i32>} : memref<128x384xf32, #tpu.memory_space<vmem>>, vector<16xf32>,
        %mul3A_2283 = arith.mulf %get3A_2282, %get3A_74 : vector<16xf32>
        %add3A_2284 = arith.addf %add3A_2279, %mul3A_2283 : vector<16xf32>
        %get3A_2285 = arith.index_cast %add3A_2182 : i32 to index
        %get3A_2286 = arith.constant 320 : index
        %get3A_2287 = tpu.vector_load %arg8[%get3A_2285, %get3A_2286] {strides = array<i32>} : memref<128x384xf32, #tpu.memory_space<vmem>>, vector<16xf32>,
        %mul3A_2288 = arith.mulf %get3A_2287, %get3A_76 : vector<16xf32>
        %add3A_2289 = arith.addf %add3A_2284, %mul3A_2288 : vector<16xf32>
        %get3A_2290 = arith.index_cast %add3A_2182 : i32 to index
        %get3A_2291 = arith.constant 336 : index
        %get3A_2292 = tpu.vector_load %arg8[%get3A_2290, %get3A_2291] {strides = array<i32>} : memref<128x384xf32, #tpu.memory_space<vmem>>, vector<16xf32>,
        %mul3A_2293 = arith.mulf %get3A_2292, %get3A_78 : vector<16xf32>
        %add3A_2294 = arith.addf %add3A_2289, %mul3A_2293 : vector<16xf32>
        %get3A_2295 = arith.index_cast %add3A_2182 : i32 to index
        %get3A_2296 = arith.constant 352 : index
        %get3A_2297 = tpu.vector_load %arg8[%get3A_2295, %get3A_2296] {strides = array<i32>} : memref<128x384xf32, #tpu.memory_space<vmem>>, vector<16xf32>,
        %mul3A_2298 = arith.mulf %get3A_2297, %get3A_80 : vector<16xf32>
        %add3A_2299 = arith.addf %add3A_2294, %mul3A_2298 : vector<16xf32>
        %get3A_2300 = arith.index_cast %add3A_2182 : i32 to index
        %get3A_2301 = arith.constant 368 : index
        %get3A_2302 = tpu.vector_load %arg8[%get3A_2300, %get3A_2301] {strides = array<i32>} : memref<128x384xf32, #tpu.memory_space<vmem>>, vector<16xf32>,
        %mul3A_2303 = arith.mulf %get3A_2302, %get3A_82 : vector<16xf32>
        %add3A_2304 = arith.addf %add3A_2299, %mul3A_2303 : vector<16xf32>
        %eq3A_2305 = arith.constant 15 : i32
        %eq3A_2306 = vector.broadcast %eq3A_2305 : i32 to vector<16xi32>
        %eq3A_2307 = arith.cmpi eq, %iota3A, %eq3A_2306 : vector<16xi32>
        %reduce_sum3A_2308 = arith.constant true
        %reduce_sum3A_2309 = vector.broadcast %reduce_sum3A_2308 : i1 to vector<16xi1>
        %reduce_sum3A_2310 = tpu.scan <sum>, %add3A_2304 masked %reduce_sum3A_2309 : vector<16xf32>, vector<16xi1> -> vector<16xf32>
        %reduce_sum3A_2311 = vector.extract %reduce_sum3A_2310[15] : f32 from vector<16xf32>
        %broadcast_in_dim3A_2312 = vector.broadcast %reduce_sum3A_2311 : f32 to vector<16xf32>
        %select_n3A_2313 = arith.select %eq3A_2307, %broadcast_in_dim3A_2312, %select_n3A_2178 : vector<16xi1>, vector<16xf32>
        %mul3A_2314 = arith.constant 16 : i32
        %mul3A_2315 = arith.muli %scan3A_152, %mul3A_2314 : i32
        %add3A_2316 = vector.broadcast %mul3A_2315 : i32 to vector<16xi32>
        %add3A_2317 = arith.addi %add3A_2316, %iota3A : vector<16xi32>
        %mul3A_2318 = arith.constant 4 : i32
        %mul3A_2319 = vector.broadcast %mul3A_2318 : i32 to vector<16xi32>
        %mul3A_2320 = arith.muli %add3A_2317, %mul3A_2319 : vector<16xi32>
        %gather3A = tpu.vector_load_idx %arg10[%mul3A_2320] : memref<512xf32, #tpu.memory_space<vmem>>[vector<16xi32>], vector<16xf32>,
        %add3A_2321 = arith.constant 1 : i32
        %add3A_2322 = vector.broadcast %add3A_2321 : i32 to vector<16xi32>
        %add3A_2323 = arith.addi %mul3A_2320, %add3A_2322 : vector<16xi32>
        %gather3A_2324 = tpu.vector_load_idx %arg10[%add3A_2323] : memref<512xf32, #tpu.memory_space<vmem>>[vector<16xi32>], vector<16xf32>,
        %add3A_2325 = arith.constant 2 : i32
        %add3A_2326 = vector.broadcast %add3A_2325 : i32 to vector<16xi32>
        %add3A_2327 = arith.addi %mul3A_2320, %add3A_2326 : vector<16xi32>
        %gather3A_2328 = tpu.vector_load_idx %arg10[%add3A_2327] : memref<512xf32, #tpu.memory_space<vmem>>[vector<16xi32>], vector<16xf32>,
        %add3A_2329 = arith.constant 3 : i32
        %add3A_2330 = vector.broadcast %add3A_2329 : i32 to vector<16xi32>
        %add3A_2331 = arith.addi %mul3A_2320, %add3A_2330 : vector<16xi32>
        %gather3A_2332 = tpu.vector_load_idx %arg10[%add3A_2331] : memref<512xf32, #tpu.memory_space<vmem>>[vector<16xi32>], vector<16xf32>,
        %mul3A_2333 = vector.broadcast %squeeze3A_22 : f32 to vector<16xf32>
        %mul3A_2334 = arith.mulf %gather3A, %mul3A_2333 : vector<16xf32>
        %mul3A_2335 = vector.broadcast %squeeze3A_24 : f32 to vector<16xf32>
        %mul3A_2336 = arith.mulf %gather3A_2324, %mul3A_2335 : vector<16xf32>
        %add3A_2337 = arith.addf %mul3A_2334, %mul3A_2336 : vector<16xf32>
        %mul3A_2338 = vector.broadcast %squeeze3A_26 : f32 to vector<16xf32>
        %mul3A_2339 = arith.mulf %gather3A_2328, %mul3A_2338 : vector<16xf32>
        %add3A_2340 = arith.addf %add3A_2337, %mul3A_2339 : vector<16xf32>
        %mul3A_2341 = vector.broadcast %squeeze3A_28 : f32 to vector<16xf32>
        %mul3A_2342 = arith.mulf %gather3A_2332, %mul3A_2341 : vector<16xf32>
        %add3A_2343 = arith.addf %add3A_2340, %mul3A_2342 : vector<16xf32>
        %add3A_2344 = vector.broadcast %squeeze3A_20 : f32 to vector<16xf32>
        %add3A_2345 = arith.addf %add3A_2343, %add3A_2344 : vector<16xf32>
        %add3A_2346 = vector.broadcast %mul3A_2 : i32 to vector<16xi32>
        %add3A_2347 = arith.addi %add3A_2346, %add3A_2317 : vector<16xi32>
        %convert_element_type3A_2348 = arith.sitofp %add3A_2347 : vector<16xi32> to vector<16xf32>
        %div3A_2349 = arith.constant 2.047000e+03 : f32
        %div3A_2350 = vector.broadcast %div3A_2349 : f32 to vector<16xf32>
        %div3A_2351 = arith.divf %convert_element_type3A_2348, %div3A_2350 : vector<16xf32>
        %mul3A_2352 = vector.broadcast %squeeze3A : f32 to vector<16xf32>
        %mul3A_2353 = arith.mulf %mul3A_2352, %div3A_2351 : vector<16xf32>
        %add3A_2354 = arith.addf %select_n3A_2313, %mul3A_2353 : vector<16xf32>
        %add3A_2355 = arith.addf %add3A_2354, %add3A_2345 : vector<16xf32>
        %sub3A_2356 = arith.constant 1.000000e+00 : f32
        %sub3A_2357 = vector.broadcast %sub3A_2356 : f32 to vector<16xf32>
        %sub3A_2358 = arith.subf %sub3A_2357, %div3A_2351 : vector<16xf32>
        %mul3A_2359 = vector.broadcast %squeeze3A_13 : f32 to vector<16xf32>
        %mul3A_2360 = arith.mulf %mul3A_2359, %sub3A_2358 : vector<16xf32>
        %sub3A_2361 = arith.subf %add3A_2355, %mul3A_2360 : vector<16xf32>
        %mul3A_2362 = vector.broadcast %sub3A_16 : f32 to vector<16xf32>
        %mul3A_2363 = arith.mulf %mul3A_2362, %sub3A_2361 : vector<16xf32>
        %neg3A_2364 = arith.constant 0.000000e+00 : f32
        %neg3A_2365 = vector.broadcast %neg3A_2364 : f32 to vector<16xf32>
        %neg3A_2366 = arith.subf %neg3A_2365, %mul3A_2363 : vector<16xf32>
        %exp3A_2367 = math.exp %neg3A_2366 : vector<16xf32>
        %add3A_2368 = arith.constant 1.000000e+00 : f32
        %add3A_2369 = vector.broadcast %add3A_2368 : f32 to vector<16xf32>
        %add3A_2370 = arith.addf %add3A_2369, %exp3A_2367 : vector<16xf32>
        %div3A_2371 = arith.constant 1.000000e+00 : f32
        %div3A_2372 = vector.broadcast %div3A_2371 : f32 to vector<16xf32>
        %div3A_2373 = arith.divf %div3A_2372, %add3A_2370 : vector<16xf32>
        %mul3A_2374 = arith.constant 16 : i32
        %mul3A_2375 = arith.muli %scan3A_152, %mul3A_2374 : i32
        %swap3A_2376 = arith.index_cast %mul3A_2375 : i32 to index
        %swap3A_2377 = tpu.vector_load %arg12[%swap3A_2376] {strides = array<i32>} : memref<128xf32, #tpu.memory_space<vmem>>, vector<16xf32>,
        tpu.vector_store %arg12[%swap3A_2376], %div3A_2373 {strides = array<i32>} : memref<128xf32, #tpu.memory_space<vmem>>, vector<16xf32>,
        %mul3A_2378 = arith.constant 16 : i32
        %mul3A_2379 = arith.muli %scan3A_152, %mul3A_2378 : i32
        %swap3A_2380 = arith.index_cast %mul3A_2379 : i32 to index
        %swap3A_2381 = tpu.vector_load %arg13[%swap3A_2380] {strides = array<i32>} : memref<128xf32, #tpu.memory_space<vmem>>, vector<16xf32>,
        tpu.vector_store %arg13[%swap3A_2380], %div3A_2373 {strides = array<i32>} : memref<128xf32, #tpu.memory_space<vmem>>, vector<16xf32>,
        %scan3A_2382 = arith.constant 0 : i32
        scf.yield %scan3A_2382 : i32
      }
      %scan3A_88 = arith.constant 8 : i32
      %broadcast_in_dim3A = arith.constant -1.000000e+00 : f32
      %broadcast_in_dim3A_89 = vector.broadcast %broadcast_in_dim3A : f32 to vector<16xf32>
      %broadcast_in_dim3A_90 = arith.constant 1073741824 : i32
      %broadcast_in_dim3A_91 = vector.broadcast %broadcast_in_dim3A_90 : i32 to vector<16xi32>
      %scan3A_92 = arith.constant 0 : i32
      %scan3A_93 = arith.constant 10 : i32
      %scan3A_94 = arith.addi %scan3A_92, %scan3A_93 : i32
      %scan3A_95 = arith.constant 1 : i32
      %scan3A_96:2 = scf.for %scan3A_152 = %scan3A_92 to %scan3A_94 step %scan3A_95 iter_args(%scan3A_153 = %broadcast_in_dim3A_89, %scan3A_154 = %broadcast_in_dim3A_91) -> (vector<16xf32>, vector<16xi32>)  : i32 {
        %broadcast_in_dim3A_155 = arith.constant -2.000000e+00 : f32
        %broadcast_in_dim3A_156 = vector.broadcast %broadcast_in_dim3A_155 : f32 to vector<16xf32>
        %get3A_157 = arith.constant 0 : index
        %get3A_158 = tpu.vector_load %arg13[%get3A_157] {strides = array<i32>} : memref<128xf32, #tpu.memory_space<vmem>>, vector<16xf32>,
        %max3A = arith.maximumf %broadcast_in_dim3A_156, %get3A_158 : vector<16xf32>
        %get3A_159 = arith.constant 16 : index
        %get3A_160 = tpu.vector_load %arg13[%get3A_159] {strides = array<i32>} : memref<128xf32, #tpu.memory_space<vmem>>, vector<16xf32>,
        %max3A_161 = arith.maximumf %max3A, %get3A_160 : vector<16xf32>
        %get3A_162 = arith.constant 32 : index
        %get3A_163 = tpu.vector_load %arg13[%get3A_162] {strides = array<i32>} : memref<128xf32, #tpu.memory_space<vmem>>, vector<16xf32>,
        %max3A_164 = arith.maximumf %max3A_161, %get3A_163 : vector<16xf32>
        %get3A_165 = arith.constant 48 : index
        %get3A_166 = tpu.vector_load %arg13[%get3A_165] {strides = array<i32>} : memref<128xf32, #tpu.memory_space<vmem>>, vector<16xf32>,
        %max3A_167 = arith.maximumf %max3A_164, %get3A_166 : vector<16xf32>
        %get3A_168 = arith.constant 64 : index
        %get3A_169 = tpu.vector_load %arg13[%get3A_168] {strides = array<i32>} : memref<128xf32, #tpu.memory_space<vmem>>, vector<16xf32>,
        %max3A_170 = arith.maximumf %max3A_167, %get3A_169 : vector<16xf32>
        %get3A_171 = arith.constant 80 : index
        %get3A_172 = tpu.vector_load %arg13[%get3A_171] {strides = array<i32>} : memref<128xf32, #tpu.memory_space<vmem>>, vector<16xf32>,
        %max3A_173 = arith.maximumf %max3A_170, %get3A_172 : vector<16xf32>
        %get3A_174 = arith.constant 96 : index
        %get3A_175 = tpu.vector_load %arg13[%get3A_174] {strides = array<i32>} : memref<128xf32, #tpu.memory_space<vmem>>, vector<16xf32>,
        %max3A_176 = arith.maximumf %max3A_173, %get3A_175 : vector<16xf32>
        %get3A_177 = arith.constant 112 : index
        %get3A_178 = tpu.vector_load %arg13[%get3A_177] {strides = array<i32>} : memref<128xf32, #tpu.memory_space<vmem>>, vector<16xf32>,
        %max3A_179 = arith.maximumf %max3A_176, %get3A_178 : vector<16xf32>
        %reduce_max3A = arith.constant true
        %reduce_max3A_180 = vector.broadcast %reduce_max3A : i1 to vector<16xi1>
        %reduce_max3A_181 = tpu.scan <max>, %max3A_179 masked %reduce_max3A_180 : vector<16xf32>, vector<16xi1> -> vector<16xf32>
        %reduce_max3A_182 = vector.extract %reduce_max3A_181[15] : f32 from vector<16xf32>
        %broadcast_in_dim3A_183 = arith.constant 1073741824 : i32
        %broadcast_in_dim3A_184 = vector.broadcast %broadcast_in_dim3A_183 : i32 to vector<16xi32>
        %get3A_185 = arith.constant 0 : index
        %get3A_186 = tpu.vector_load %arg13[%get3A_185] {strides = array<i32>} : memref<128xf32, #tpu.memory_space<vmem>>, vector<16xf32>,
        %eq3A_187 = vector.broadcast %reduce_max3A_182 : f32 to vector<16xf32>
        %eq3A_188 = arith.cmpf oeq, %get3A_186, %eq3A_187 : vector<16xf32>
        %add3A_189 = arith.constant 0 : i32
        %add3A_190 = vector.broadcast %add3A_189 : i32 to vector<16xi32>
        %add3A_191 = arith.addi %iota3A, %add3A_190 : vector<16xi32>
        %jit3A = arith.constant 1073741824 : i32
        %broadcast_in_dim3A_192 = vector.broadcast %jit3A : i32 to vector<16xi32>
        %select_n3A = arith.select %eq3A_188, %add3A_191, %broadcast_in_dim3A_192 : vector<16xi1>, vector<16xi32>
        %min3A = arith.minsi %broadcast_in_dim3A_184, %select_n3A : vector<16xi32>
        %get3A_193 = arith.constant 16 : index
        %get3A_194 = tpu.vector_load %arg13[%get3A_193] {strides = array<i32>} : memref<128xf32, #tpu.memory_space<vmem>>, vector<16xf32>,
        %eq3A_195 = vector.broadcast %reduce_max3A_182 : f32 to vector<16xf32>
        %eq3A_196 = arith.cmpf oeq, %get3A_194, %eq3A_195 : vector<16xf32>
        %add3A_197 = arith.constant 16 : i32
        %add3A_198 = vector.broadcast %add3A_197 : i32 to vector<16xi32>
        %add3A_199 = arith.addi %iota3A, %add3A_198 : vector<16xi32>
        %jit3A_200 = arith.constant 1073741824 : i32
        %broadcast_in_dim3A_201 = vector.broadcast %jit3A_200 : i32 to vector<16xi32>
        %select_n3A_202 = arith.select %eq3A_196, %add3A_199, %broadcast_in_dim3A_201 : vector<16xi1>, vector<16xi32>
        %min3A_203 = arith.minsi %min3A, %select_n3A_202 : vector<16xi32>
        %get3A_204 = arith.constant 32 : index
        %get3A_205 = tpu.vector_load %arg13[%get3A_204] {strides = array<i32>} : memref<128xf32, #tpu.memory_space<vmem>>, vector<16xf32>,
        %eq3A_206 = vector.broadcast %reduce_max3A_182 : f32 to vector<16xf32>
        %eq3A_207 = arith.cmpf oeq, %get3A_205, %eq3A_206 : vector<16xf32>
        %add3A_208 = arith.constant 32 : i32
        %add3A_209 = vector.broadcast %add3A_208 : i32 to vector<16xi32>
        %add3A_210 = arith.addi %iota3A, %add3A_209 : vector<16xi32>
        %jit3A_211 = arith.constant 1073741824 : i32
        %broadcast_in_dim3A_212 = vector.broadcast %jit3A_211 : i32 to vector<16xi32>
        %select_n3A_213 = arith.select %eq3A_207, %add3A_210, %broadcast_in_dim3A_212 : vector<16xi1>, vector<16xi32>
        %min3A_214 = arith.minsi %min3A_203, %select_n3A_213 : vector<16xi32>
        %get3A_215 = arith.constant 48 : index
        %get3A_216 = tpu.vector_load %arg13[%get3A_215] {strides = array<i32>} : memref<128xf32, #tpu.memory_space<vmem>>, vector<16xf32>,
        %eq3A_217 = vector.broadcast %reduce_max3A_182 : f32 to vector<16xf32>
        %eq3A_218 = arith.cmpf oeq, %get3A_216, %eq3A_217 : vector<16xf32>
        %add3A_219 = arith.constant 48 : i32
        %add3A_220 = vector.broadcast %add3A_219 : i32 to vector<16xi32>
        %add3A_221 = arith.addi %iota3A, %add3A_220 : vector<16xi32>
        %jit3A_222 = arith.constant 1073741824 : i32
        %broadcast_in_dim3A_223 = vector.broadcast %jit3A_222 : i32 to vector<16xi32>
        %select_n3A_224 = arith.select %eq3A_218, %add3A_221, %broadcast_in_dim3A_223 : vector<16xi1>, vector<16xi32>
        %min3A_225 = arith.minsi %min3A_214, %select_n3A_224 : vector<16xi32>
        %get3A_226 = arith.constant 64 : index
        %get3A_227 = tpu.vector_load %arg13[%get3A_226] {strides = array<i32>} : memref<128xf32, #tpu.memory_space<vmem>>, vector<16xf32>,
        %eq3A_228 = vector.broadcast %reduce_max3A_182 : f32 to vector<16xf32>
        %eq3A_229 = arith.cmpf oeq, %get3A_227, %eq3A_228 : vector<16xf32>
        %add3A_230 = arith.constant 64 : i32
        %add3A_231 = vector.broadcast %add3A_230 : i32 to vector<16xi32>
        %add3A_232 = arith.addi %iota3A, %add3A_231 : vector<16xi32>
        %jit3A_233 = arith.constant 1073741824 : i32
        %broadcast_in_dim3A_234 = vector.broadcast %jit3A_233 : i32 to vector<16xi32>
        %select_n3A_235 = arith.select %eq3A_229, %add3A_232, %broadcast_in_dim3A_234 : vector<16xi1>, vector<16xi32>
        %min3A_236 = arith.minsi %min3A_225, %select_n3A_235 : vector<16xi32>
        %get3A_237 = arith.constant 80 : index
        %get3A_238 = tpu.vector_load %arg13[%get3A_237] {strides = array<i32>} : memref<128xf32, #tpu.memory_space<vmem>>, vector<16xf32>,
        %eq3A_239 = vector.broadcast %reduce_max3A_182 : f32 to vector<16xf32>
        %eq3A_240 = arith.cmpf oeq, %get3A_238, %eq3A_239 : vector<16xf32>
        %add3A_241 = arith.constant 80 : i32
        %add3A_242 = vector.broadcast %add3A_241 : i32 to vector<16xi32>
        %add3A_243 = arith.addi %iota3A, %add3A_242 : vector<16xi32>
        %jit3A_244 = arith.constant 1073741824 : i32
        %broadcast_in_dim3A_245 = vector.broadcast %jit3A_244 : i32 to vector<16xi32>
        %select_n3A_246 = arith.select %eq3A_240, %add3A_243, %broadcast_in_dim3A_245 : vector<16xi1>, vector<16xi32>
        %min3A_247 = arith.minsi %min3A_236, %select_n3A_246 : vector<16xi32>
        %get3A_248 = arith.constant 96 : index
        %get3A_249 = tpu.vector_load %arg13[%get3A_248] {strides = array<i32>} : memref<128xf32, #tpu.memory_space<vmem>>, vector<16xf32>,
        %eq3A_250 = vector.broadcast %reduce_max3A_182 : f32 to vector<16xf32>
        %eq3A_251 = arith.cmpf oeq, %get3A_249, %eq3A_250 : vector<16xf32>
        %add3A_252 = arith.constant 96 : i32
        %add3A_253 = vector.broadcast %add3A_252 : i32 to vector<16xi32>
        %add3A_254 = arith.addi %iota3A, %add3A_253 : vector<16xi32>
        %jit3A_255 = arith.constant 1073741824 : i32
        %broadcast_in_dim3A_256 = vector.broadcast %jit3A_255 : i32 to vector<16xi32>
        %select_n3A_257 = arith.select %eq3A_251, %add3A_254, %broadcast_in_dim3A_256 : vector<16xi1>, vector<16xi32>
        %min3A_258 = arith.minsi %min3A_247, %select_n3A_257 : vector<16xi32>
        %get3A_259 = arith.constant 112 : index
        %get3A_260 = tpu.vector_load %arg13[%get3A_259] {strides = array<i32>} : memref<128xf32, #tpu.memory_space<vmem>>, vector<16xf32>,
        %eq3A_261 = vector.broadcast %reduce_max3A_182 : f32 to vector<16xf32>
        %eq3A_262 = arith.cmpf oeq, %get3A_260, %eq3A_261 : vector<16xf32>
        %add3A_263 = arith.constant 112 : i32
        %add3A_264 = vector.broadcast %add3A_263 : i32 to vector<16xi32>
        %add3A_265 = arith.addi %iota3A, %add3A_264 : vector<16xi32>
        %jit3A_266 = arith.constant 1073741824 : i32
        %broadcast_in_dim3A_267 = vector.broadcast %jit3A_266 : i32 to vector<16xi32>
        %select_n3A_268 = arith.select %eq3A_262, %add3A_265, %broadcast_in_dim3A_267 : vector<16xi1>, vector<16xi32>
        %min3A_269 = arith.minsi %min3A_258, %select_n3A_268 : vector<16xi32>
        %reduce_min3A = arith.constant true
        %reduce_min3A_270 = vector.broadcast %reduce_min3A : i1 to vector<16xi1>
        %reduce_min3A_271 = arith.constant -2147483648 : i32
        %reduce_min3A_272 = vector.broadcast %reduce_min3A_271 : i32 to vector<16xi32>
        %reduce_min3A_273 = arith.xori %min3A_269, %reduce_min3A_272 : vector<16xi32>
        %reduce_min3A_274 = tpu.scan <min>, %reduce_min3A_273 masked %reduce_min3A_270 : vector<16xi32>, vector<16xi1> -> vector<16xi32>
        %reduce_min3A_275 = arith.xori %reduce_min3A_274, %reduce_min3A_272 : vector<16xi32>
        %reduce_min3A_276 = vector.extract %reduce_min3A_275[15] : i32 from vector<16xi32>
        %eq3A_277 = vector.broadcast %scan3A_152 : i32 to vector<16xi32>
        %eq3A_278 = arith.cmpi eq, %iota3A, %eq3A_277 : vector<16xi32>
        %broadcast_in_dim3A_279 = vector.broadcast %reduce_max3A_182 : f32 to vector<16xf32>
        %select_n3A_280 = arith.select %eq3A_278, %broadcast_in_dim3A_279, %scan3A_153 : vector<16xi1>, vector<16xf32>
        %eq3A_281 = vector.broadcast %scan3A_152 : i32 to vector<16xi32>
        %eq3A_282 = arith.cmpi eq, %iota3A, %eq3A_281 : vector<16xi32>
        %add3A_283 = arith.addi %mul3A_2, %reduce_min3A_276 : i32
        %broadcast_in_dim3A_284 = vector.broadcast %add3A_283 : i32 to vector<16xi32>
        %select_n3A_285 = arith.select %eq3A_282, %broadcast_in_dim3A_284, %scan3A_154 : vector<16xi1>, vector<16xi32>
        %jit3A_286 = arith.constant 16 : i32
        %div3A_287 = arith.divsi %reduce_min3A_276, %jit3A_286 : i32
        %sign3A = arith.constant 0 : i32
        %sign3A_288 = arith.cmpi sgt, %reduce_min3A_276, %sign3A : i32
        %sign3A_289 = arith.extui %sign3A_288 : i1 to i32
        %sign3A_290 = arith.constant 0 : i32
        %sign3A_291 = arith.cmpi slt, %reduce_min3A_276, %sign3A_290 : i32
        %sign3A_292 = arith.extui %sign3A_291 : i1 to i32
        %sign3A_293 = arith.subi %sign3A_289, %sign3A_292 : i32
        %sign3A_294 = arith.constant 0 : i32
        %sign3A_295 = arith.cmpi sgt, %jit3A_286, %sign3A_294 : i32
        %sign3A_296 = arith.extui %sign3A_295 : i1 to i32
        %sign3A_297 = arith.constant 0 : i32
        %sign3A_298 = arith.cmpi slt, %jit3A_286, %sign3A_297 : i32
        %sign3A_299 = arith.extui %sign3A_298 : i1 to i32
        %sign3A_300 = arith.subi %sign3A_296, %sign3A_299 : i32
        %ne3A = arith.cmpi ne, %sign3A_293, %sign3A_300 : i32
        %rem3A = arith.remsi %reduce_min3A_276, %jit3A_286 : i32
        %ne3A_301 = arith.constant 0 : i32
        %ne3A_302 = arith.cmpi ne, %rem3A, %ne3A_301 : i32
        %and3A = arith.andi %ne3A, %ne3A_302 : i1
        %sub3A_303 = arith.constant 1 : i32
        %sub3A_304 = arith.subi %div3A_287, %sub3A_303 : i32
        %select_n3A_305 = arith.select %and3A, %sub3A_304, %div3A_287 : i32
        %mul3A_306 = arith.constant 16 : i32
        %mul3A_307 = arith.muli %select_n3A_305, %mul3A_306 : i32
        %sub3A_308 = arith.subi %reduce_min3A_276, %mul3A_307 : i32
        %mul3A_309 = arith.constant 16 : i32
        %mul3A_310 = arith.muli %select_n3A_305, %mul3A_309 : i32
        %get3A_311 = arith.index_cast %mul3A_310 : i32 to index
        %get3A_312 = tpu.vector_load %arg13[%get3A_311] {strides = array<i32>} : memref<128xf32, #tpu.memory_space<vmem>>, vector<16xf32>,
        %eq3A_313 = vector.broadcast %sub3A_308 : i32 to vector<16xi32>
        %eq3A_314 = arith.cmpi eq, %iota3A, %eq3A_313 : vector<16xi32>
        %jit3A_315 = arith.constant -1.000000e+00 : f32
        %broadcast_in_dim3A_316 = vector.broadcast %jit3A_315 : f32 to vector<16xf32>
        %select_n3A_317 = arith.select %eq3A_314, %broadcast_in_dim3A_316, %get3A_312 : vector<16xi1>, vector<16xf32>
        %mul3A_318 = arith.constant 16 : i32
        %mul3A_319 = arith.muli %select_n3A_305, %mul3A_318 : i32
        %swap3A_320 = arith.index_cast %mul3A_319 : i32 to index
        %swap3A_321 = tpu.vector_load %arg13[%swap3A_320] {strides = array<i32>} : memref<128xf32, #tpu.memory_space<vmem>>, vector<16xf32>,
        tpu.vector_store %arg13[%swap3A_320], %select_n3A_317 {strides = array<i32>} : memref<128xf32, #tpu.memory_space<vmem>>, vector<16xf32>,
        scf.yield %select_n3A_280, %select_n3A_285 : vector<16xf32>, vector<16xi32>
      }
      %scan3A_97 = arith.constant 10 : i32
      %swap3A = arith.constant 0 : index
      %swap3A_98 = tpu.vector_load %arg14[%swap3A] {strides = array<i32>} : memref<32xf32, #tpu.memory_space<vmem>>, vector<16xf32>,
      tpu.vector_store %arg14[%swap3A], %scan3A_96#0 {strides = array<i32>} : memref<32xf32, #tpu.memory_space<vmem>>, vector<16xf32>,
      %swap3A_99 = arith.constant 0 : index
      %swap3A_100 = tpu.vector_load %arg15[%swap3A_99] {strides = array<i32>} : memref<32xi32, #tpu.memory_space<vmem>>, vector<16xi32>,
      tpu.vector_store %arg15[%swap3A_99], %scan3A_96#1 {strides = array<i32>} : memref<32xi32, #tpu.memory_space<vmem>>, vector<16xi32>,
      %broadcast_in_dim3A_101 = arith.constant -1.000000e+00 : f32
      %broadcast_in_dim3A_102 = vector.broadcast %broadcast_in_dim3A_101 : f32 to vector<16xf32>
      %swap3A_103 = arith.constant 16 : index
      %swap3A_104 = tpu.vector_load %arg14[%swap3A_103] {strides = array<i32>} : memref<32xf32, #tpu.memory_space<vmem>>, vector<16xf32>,
      tpu.vector_store %arg14[%swap3A_103], %broadcast_in_dim3A_102 {strides = array<i32>} : memref<32xf32, #tpu.memory_space<vmem>>, vector<16xf32>,
      %broadcast_in_dim3A_105 = arith.constant 1073741824 : i32
      %broadcast_in_dim3A_106 = vector.broadcast %broadcast_in_dim3A_105 : i32 to vector<16xi32>
      %swap3A_107 = arith.constant 16 : index
      %swap3A_108 = tpu.vector_load %arg15[%swap3A_107] {strides = array<i32>} : memref<32xi32, #tpu.memory_space<vmem>>, vector<16xi32>,
      tpu.vector_store %arg15[%swap3A_107], %broadcast_in_dim3A_106 {strides = array<i32>} : memref<32xi32, #tpu.memory_space<vmem>>, vector<16xi32>,
      %mul3A_109 = arith.constant 16 : i32
      %mul3A_110 = arith.muli %arg1, %mul3A_109 : i32
      "tpu.region"() ({
        %run_scoped3A = tpu.sem_alloc : memref<!tpu.dma_semaphore, #tpu.memory_space<semaphore_mem>>
        %dma_start3A = arith.constant 0 : i32
        %dma_start3A_152 = tpu.memref_slice %arg14[%dma_start3A] : memref<32xf32, #tpu.memory_space<vmem>> -> memref<16xf32, #tpu.memory_space<vmem>>
        %dma_start3A_153 = tpu.memref_slice %arg19[%mul3A_110] : memref<256xf32, #tpu.memory_space<vmem_shared>> -> memref<16xf32, #tpu.memory_space<vmem_shared>>
        %dma_start3A_154 = tpu.memref_slice %arg19[%mul3A_110] : memref<256xf32, #tpu.memory_space<vmem_shared>> -> memref<16xf32, #tpu.memory_space<vmem_shared>>
        %dma_start3A_155 = arith.constant 0 : i32
        %dma_start3A_156 = tpu.memref_slice %arg14[%dma_start3A_155] : memref<32xf32, #tpu.memory_space<vmem>> -> memref<16xf32, #tpu.memory_space<vmem>>
        tpu.enqueue_dma source(%dma_start3A_156 : memref<16xf32, #tpu.memory_space<vmem>>) target(%dma_start3A_154 : memref<16xf32, #tpu.memory_space<vmem_shared>>) target_semaphore(%run_scoped3A : memref<!tpu.dma_semaphore, #tpu.memory_space<semaphore_mem>>)
        %dma_wait3A = arith.constant 0 : i32
        %dma_wait3A_157 = tpu.memref_slice %arg14[%dma_wait3A] : memref<32xf32, #tpu.memory_space<vmem>> -> memref<16xf32, #tpu.memory_space<vmem>>
        %dma_wait3A_158 = tpu.memref_slice %arg19[%mul3A_110] : memref<256xf32, #tpu.memory_space<vmem_shared>> -> memref<16xf32, #tpu.memory_space<vmem_shared>>
        %dma_wait3A_159 = tpu.memref_slice %arg19[%mul3A_110] : memref<256xf32, #tpu.memory_space<vmem_shared>> -> memref<16xf32, #tpu.memory_space<vmem_shared>>
        %dma_wait3A_160 = arith.constant 0 : i32
        %dma_wait3A_161 = tpu.memref_slice %arg14[%dma_wait3A_160] : memref<32xf32, #tpu.memory_space<vmem>> -> memref<16xf32, #tpu.memory_space<vmem>>
        tpu.wait_dma2 semaphore(%run_scoped3A : memref<!tpu.dma_semaphore, #tpu.memory_space<semaphore_mem>>) src(%dma_wait3A_161 : memref<16xf32, #tpu.memory_space<vmem>>) dst(%dma_wait3A_159 : memref<16xf32, #tpu.memory_space<vmem_shared>>)
        tpu.yield
      }) : () -> ()
      %mul3A_111 = arith.constant 16 : i32
      %mul3A_112 = arith.muli %arg1, %mul3A_111 : i32
      "tpu.region"() ({
        %run_scoped3A = tpu.sem_alloc : memref<!tpu.dma_semaphore, #tpu.memory_space<semaphore_mem>>
        %dma_start3A = arith.constant 0 : i32
        %dma_start3A_152 = tpu.memref_slice %arg15[%dma_start3A] : memref<32xi32, #tpu.memory_space<vmem>> -> memref<16xi32, #tpu.memory_space<vmem>>
        %dma_start3A_153 = tpu.memref_slice %arg20[%mul3A_112] : memref<256xi32, #tpu.memory_space<vmem_shared>> -> memref<16xi32, #tpu.memory_space<vmem_shared>>
        %dma_start3A_154 = tpu.memref_slice %arg20[%mul3A_112] : memref<256xi32, #tpu.memory_space<vmem_shared>> -> memref<16xi32, #tpu.memory_space<vmem_shared>>
        %dma_start3A_155 = arith.constant 0 : i32
        %dma_start3A_156 = tpu.memref_slice %arg15[%dma_start3A_155] : memref<32xi32, #tpu.memory_space<vmem>> -> memref<16xi32, #tpu.memory_space<vmem>>
        tpu.enqueue_dma source(%dma_start3A_156 : memref<16xi32, #tpu.memory_space<vmem>>) target(%dma_start3A_154 : memref<16xi32, #tpu.memory_space<vmem_shared>>) target_semaphore(%run_scoped3A : memref<!tpu.dma_semaphore, #tpu.memory_space<semaphore_mem>>)
        %dma_wait3A = arith.constant 0 : i32
        %dma_wait3A_157 = tpu.memref_slice %arg15[%dma_wait3A] : memref<32xi32, #tpu.memory_space<vmem>> -> memref<16xi32, #tpu.memory_space<vmem>>
        %dma_wait3A_158 = tpu.memref_slice %arg20[%mul3A_112] : memref<256xi32, #tpu.memory_space<vmem_shared>> -> memref<16xi32, #tpu.memory_space<vmem_shared>>
        %dma_wait3A_159 = tpu.memref_slice %arg20[%mul3A_112] : memref<256xi32, #tpu.memory_space<vmem_shared>> -> memref<16xi32, #tpu.memory_space<vmem_shared>>
        %dma_wait3A_160 = arith.constant 0 : i32
        %dma_wait3A_161 = tpu.memref_slice %arg15[%dma_wait3A_160] : memref<32xi32, #tpu.memory_space<vmem>> -> memref<16xi32, #tpu.memory_space<vmem>>
        tpu.wait_dma2 semaphore(%run_scoped3A : memref<!tpu.dma_semaphore, #tpu.memory_space<semaphore_mem>>) src(%dma_wait3A_161 : memref<16xi32, #tpu.memory_space<vmem>>) dst(%dma_wait3A_159 : memref<16xi32, #tpu.memory_space<vmem_shared>>)
        tpu.yield
      }) : () -> ()
      %barrier3A = arith.constant 0 : index
      tpu.barrier barrier_id(%barrier3A)
      "tpu.region"() ({
        %run_scoped3A = tpu.sem_alloc : memref<!tpu.dma_semaphore, #tpu.memory_space<semaphore_mem>>
        tpu.enqueue_dma source(%arg19 : memref<256xf32, #tpu.memory_space<vmem_shared>>) target(%arg16 : memref<256xf32, #tpu.memory_space<vmem>>) target_semaphore(%run_scoped3A : memref<!tpu.dma_semaphore, #tpu.memory_space<semaphore_mem>>)
        tpu.wait_dma2 semaphore(%run_scoped3A : memref<!tpu.dma_semaphore, #tpu.memory_space<semaphore_mem>>) src(%arg19 : memref<256xf32, #tpu.memory_space<vmem_shared>>) dst(%arg16 : memref<256xf32, #tpu.memory_space<vmem>>)
        tpu.yield
      }) : () -> ()
      "tpu.region"() ({
        %run_scoped3A = tpu.sem_alloc : memref<!tpu.dma_semaphore, #tpu.memory_space<semaphore_mem>>
        tpu.enqueue_dma source(%arg20 : memref<256xi32, #tpu.memory_space<vmem_shared>>) target(%arg17 : memref<256xi32, #tpu.memory_space<vmem>>) target_semaphore(%run_scoped3A : memref<!tpu.dma_semaphore, #tpu.memory_space<semaphore_mem>>)
        tpu.wait_dma2 semaphore(%run_scoped3A : memref<!tpu.dma_semaphore, #tpu.memory_space<semaphore_mem>>) src(%arg20 : memref<256xi32, #tpu.memory_space<vmem_shared>>) dst(%arg17 : memref<256xi32, #tpu.memory_space<vmem>>)
        tpu.yield
      }) : () -> ()
      %broadcast_in_dim3A_113 = arith.constant 0 : i32
      %broadcast_in_dim3A_114 = vector.broadcast %broadcast_in_dim3A_113 : i32 to vector<16xi32>
      %swap3A_115 = arith.constant 0 : index
      %swap3A_116 = tpu.vector_load %arg18[%swap3A_115] {strides = array<i32>} : memref<128xi32, #tpu.memory_space<vmem>>, vector<16xi32>,
      tpu.vector_store %arg18[%swap3A_115], %broadcast_in_dim3A_114 {strides = array<i32>} : memref<128xi32, #tpu.memory_space<vmem>>, vector<16xi32>,
      %broadcast_in_dim3A_117 = arith.constant 0 : i32
      %broadcast_in_dim3A_118 = vector.broadcast %broadcast_in_dim3A_117 : i32 to vector<16xi32>
      %swap3A_119 = arith.constant 16 : index
      %swap3A_120 = tpu.vector_load %arg18[%swap3A_119] {strides = array<i32>} : memref<128xi32, #tpu.memory_space<vmem>>, vector<16xi32>,
      tpu.vector_store %arg18[%swap3A_119], %broadcast_in_dim3A_118 {strides = array<i32>} : memref<128xi32, #tpu.memory_space<vmem>>, vector<16xi32>,
      %broadcast_in_dim3A_121 = arith.constant 0 : i32
      %broadcast_in_dim3A_122 = vector.broadcast %broadcast_in_dim3A_121 : i32 to vector<16xi32>
      %swap3A_123 = arith.constant 32 : index
      %swap3A_124 = tpu.vector_load %arg18[%swap3A_123] {strides = array<i32>} : memref<128xi32, #tpu.memory_space<vmem>>, vector<16xi32>,
      tpu.vector_store %arg18[%swap3A_123], %broadcast_in_dim3A_122 {strides = array<i32>} : memref<128xi32, #tpu.memory_space<vmem>>, vector<16xi32>,
      %broadcast_in_dim3A_125 = arith.constant 0 : i32
      %broadcast_in_dim3A_126 = vector.broadcast %broadcast_in_dim3A_125 : i32 to vector<16xi32>
      %swap3A_127 = arith.constant 48 : index
      %swap3A_128 = tpu.vector_load %arg18[%swap3A_127] {strides = array<i32>} : memref<128xi32, #tpu.memory_space<vmem>>, vector<16xi32>,
      tpu.vector_store %arg18[%swap3A_127], %broadcast_in_dim3A_126 {strides = array<i32>} : memref<128xi32, #tpu.memory_space<vmem>>, vector<16xi32>,
      %broadcast_in_dim3A_129 = arith.constant 0 : i32
      %broadcast_in_dim3A_130 = vector.broadcast %broadcast_in_dim3A_129 : i32 to vector<16xi32>
      %swap3A_131 = arith.constant 64 : index
      %swap3A_132 = tpu.vector_load %arg18[%swap3A_131] {strides = array<i32>} : memref<128xi32, #tpu.memory_space<vmem>>, vector<16xi32>,
      tpu.vector_store %arg18[%swap3A_131], %broadcast_in_dim3A_130 {strides = array<i32>} : memref<128xi32, #tpu.memory_space<vmem>>, vector<16xi32>,
      %broadcast_in_dim3A_133 = arith.constant 0 : i32
      %broadcast_in_dim3A_134 = vector.broadcast %broadcast_in_dim3A_133 : i32 to vector<16xi32>
      %swap3A_135 = arith.constant 80 : index
      %swap3A_136 = tpu.vector_load %arg18[%swap3A_135] {strides = array<i32>} : memref<128xi32, #tpu.memory_space<vmem>>, vector<16xi32>,
      tpu.vector_store %arg18[%swap3A_135], %broadcast_in_dim3A_134 {strides = array<i32>} : memref<128xi32, #tpu.memory_space<vmem>>, vector<16xi32>,
      %broadcast_in_dim3A_137 = arith.constant 0 : i32
      %broadcast_in_dim3A_138 = vector.broadcast %broadcast_in_dim3A_137 : i32 to vector<16xi32>
      %swap3A_139 = arith.constant 96 : index
      %swap3A_140 = tpu.vector_load %arg18[%swap3A_139] {strides = array<i32>} : memref<128xi32, #tpu.memory_space<vmem>>, vector<16xi32>,
      tpu.vector_store %arg18[%swap3A_139], %broadcast_in_dim3A_138 {strides = array<i32>} : memref<128xi32, #tpu.memory_space<vmem>>, vector<16xi32>,
      %broadcast_in_dim3A_141 = arith.constant 0 : i32
      %broadcast_in_dim3A_142 = vector.broadcast %broadcast_in_dim3A_141 : i32 to vector<16xi32>
      %swap3A_143 = arith.constant 112 : index
      %swap3A_144 = tpu.vector_load %arg18[%swap3A_143] {strides = array<i32>} : memref<128xi32, #tpu.memory_space<vmem>>, vector<16xi32>,
      tpu.vector_store %arg18[%swap3A_143], %broadcast_in_dim3A_142 {strides = array<i32>} : memref<128xi32, #tpu.memory_space<vmem>>, vector<16xi32>,
      %scan3A_145 = arith.constant 0 : i32
      %scan3A_146 = arith.constant 0 : i32
      %scan3A_147 = arith.constant 10 : i32
      %scan3A_148 = arith.addi %scan3A_146, %scan3A_147 : i32
      %scan3A_149 = arith.constant 1 : i32
      %scan3A_150 = scf.for %scan3A_152 = %scan3A_146 to %scan3A_148 step %scan3A_149 iter_args(%scan3A_153 = %scan3A_145) -> (i32)  : i32 {
        %get3A_154 = arith.index_cast %scan3A_152 : i32 to index
        %get3A_155 = tpu.vector_load %arg14[%get3A_154] {strides = array<i32>} : memref<32xf32, #tpu.memory_space<vmem>>, vector<16xf32>,
        %slice3A_156 = vector.extract_strided_slice %get3A_155 {offsets = [0], sizes = [1], strides = [1]} : vector<16xf32> to vector<1xf32>
        %squeeze3A_157 = vector.extract %slice3A_156[0] : f32 from vector<1xf32>
        %get3A_158 = arith.index_cast %scan3A_152 : i32 to index
        %get3A_159 = tpu.vector_load %arg15[%get3A_158] {strides = array<i32>} : memref<32xi32, #tpu.memory_space<vmem>>, vector<16xi32>,
        %slice3A_160 = vector.extract_strided_slice %get3A_159 {offsets = [0], sizes = [1], strides = [1]} : vector<16xi32> to vector<1xi32>
        %squeeze3A_161 = vector.extract %slice3A_160[0] : i32 from vector<1xi32>
        %broadcast_in_dim3A_162 = arith.constant 0 : i32
        %broadcast_in_dim3A_163 = vector.broadcast %broadcast_in_dim3A_162 : i32 to vector<16xi32>
        %get3A_164 = arith.constant 0 : index
        %get3A_165 = tpu.vector_load %arg16[%get3A_164] {strides = array<i32>} : memref<256xf32, #tpu.memory_space<vmem>>, vector<16xf32>,
        %get3A_166 = arith.constant 0 : index
        %get3A_167 = tpu.vector_load %arg17[%get3A_166] {strides = array<i32>} : memref<256xi32, #tpu.memory_space<vmem>>, vector<16xi32>,
        %gt3A = vector.broadcast %squeeze3A_157 : f32 to vector<16xf32>
        %gt3A_168 = arith.cmpf ogt, %get3A_165, %gt3A : vector<16xf32>
        %eq3A_169 = vector.broadcast %squeeze3A_157 : f32 to vector<16xf32>
        %eq3A_170 = arith.cmpf oeq, %get3A_165, %eq3A_169 : vector<16xf32>
        %lt3A = vector.broadcast %squeeze3A_161 : i32 to vector<16xi32>
        %lt3A_171 = arith.cmpi slt, %get3A_167, %lt3A : vector<16xi32>
        %and3A = arith.andi %eq3A_170, %lt3A_171 : vector<16xi1>
        %convert_element_type3A_172 = arith.extui %gt3A_168 : vector<16xi1> to vector<16xi32>
        %add3A_173 = arith.addi %broadcast_in_dim3A_163, %convert_element_type3A_172 : vector<16xi32>
        %convert_element_type3A_174 = arith.extui %and3A : vector<16xi1> to vector<16xi32>
        %add3A_175 = arith.addi %add3A_173, %convert_element_type3A_174 : vector<16xi32>
        %get3A_176 = arith.constant 16 : index
        %get3A_177 = tpu.vector_load %arg16[%get3A_176] {strides = array<i32>} : memref<256xf32, #tpu.memory_space<vmem>>, vector<16xf32>,
        %get3A_178 = arith.constant 16 : index
        %get3A_179 = tpu.vector_load %arg17[%get3A_178] {strides = array<i32>} : memref<256xi32, #tpu.memory_space<vmem>>, vector<16xi32>,
        %gt3A_180 = vector.broadcast %squeeze3A_157 : f32 to vector<16xf32>
        %gt3A_181 = arith.cmpf ogt, %get3A_177, %gt3A_180 : vector<16xf32>
        %eq3A_182 = vector.broadcast %squeeze3A_157 : f32 to vector<16xf32>
        %eq3A_183 = arith.cmpf oeq, %get3A_177, %eq3A_182 : vector<16xf32>
        %lt3A_184 = vector.broadcast %squeeze3A_161 : i32 to vector<16xi32>
        %lt3A_185 = arith.cmpi slt, %get3A_179, %lt3A_184 : vector<16xi32>
        %and3A_186 = arith.andi %eq3A_183, %lt3A_185 : vector<16xi1>
        %convert_element_type3A_187 = arith.extui %gt3A_181 : vector<16xi1> to vector<16xi32>
        %add3A_188 = arith.addi %add3A_175, %convert_element_type3A_187 : vector<16xi32>
        %convert_element_type3A_189 = arith.extui %and3A_186 : vector<16xi1> to vector<16xi32>
        %add3A_190 = arith.addi %add3A_188, %convert_element_type3A_189 : vector<16xi32>
        %get3A_191 = arith.constant 32 : index
        %get3A_192 = tpu.vector_load %arg16[%get3A_191] {strides = array<i32>} : memref<256xf32, #tpu.memory_space<vmem>>, vector<16xf32>,
        %get3A_193 = arith.constant 32 : index
        %get3A_194 = tpu.vector_load %arg17[%get3A_193] {strides = array<i32>} : memref<256xi32, #tpu.memory_space<vmem>>, vector<16xi32>,
        %gt3A_195 = vector.broadcast %squeeze3A_157 : f32 to vector<16xf32>
        %gt3A_196 = arith.cmpf ogt, %get3A_192, %gt3A_195 : vector<16xf32>
        %eq3A_197 = vector.broadcast %squeeze3A_157 : f32 to vector<16xf32>
        %eq3A_198 = arith.cmpf oeq, %get3A_192, %eq3A_197 : vector<16xf32>
        %lt3A_199 = vector.broadcast %squeeze3A_161 : i32 to vector<16xi32>
        %lt3A_200 = arith.cmpi slt, %get3A_194, %lt3A_199 : vector<16xi32>
        %and3A_201 = arith.andi %eq3A_198, %lt3A_200 : vector<16xi1>
        %convert_element_type3A_202 = arith.extui %gt3A_196 : vector<16xi1> to vector<16xi32>
        %add3A_203 = arith.addi %add3A_190, %convert_element_type3A_202 : vector<16xi32>
        %convert_element_type3A_204 = arith.extui %and3A_201 : vector<16xi1> to vector<16xi32>
        %add3A_205 = arith.addi %add3A_203, %convert_element_type3A_204 : vector<16xi32>
        %get3A_206 = arith.constant 48 : index
        %get3A_207 = tpu.vector_load %arg16[%get3A_206] {strides = array<i32>} : memref<256xf32, #tpu.memory_space<vmem>>, vector<16xf32>,
        %get3A_208 = arith.constant 48 : index
        %get3A_209 = tpu.vector_load %arg17[%get3A_208] {strides = array<i32>} : memref<256xi32, #tpu.memory_space<vmem>>, vector<16xi32>,
        %gt3A_210 = vector.broadcast %squeeze3A_157 : f32 to vector<16xf32>
        %gt3A_211 = arith.cmpf ogt, %get3A_207, %gt3A_210 : vector<16xf32>
        %eq3A_212 = vector.broadcast %squeeze3A_157 : f32 to vector<16xf32>
        %eq3A_213 = arith.cmpf oeq, %get3A_207, %eq3A_212 : vector<16xf32>
        %lt3A_214 = vector.broadcast %squeeze3A_161 : i32 to vector<16xi32>
        %lt3A_215 = arith.cmpi slt, %get3A_209, %lt3A_214 : vector<16xi32>
        %and3A_216 = arith.andi %eq3A_213, %lt3A_215 : vector<16xi1>
        %convert_element_type3A_217 = arith.extui %gt3A_211 : vector<16xi1> to vector<16xi32>
        %add3A_218 = arith.addi %add3A_205, %convert_element_type3A_217 : vector<16xi32>
        %convert_element_type3A_219 = arith.extui %and3A_216 : vector<16xi1> to vector<16xi32>
        %add3A_220 = arith.addi %add3A_218, %convert_element_type3A_219 : vector<16xi32>
        %get3A_221 = arith.constant 64 : index
        %get3A_222 = tpu.vector_load %arg16[%get3A_221] {strides = array<i32>} : memref<256xf32, #tpu.memory_space<vmem>>, vector<16xf32>,
        %get3A_223 = arith.constant 64 : index
        %get3A_224 = tpu.vector_load %arg17[%get3A_223] {strides = array<i32>} : memref<256xi32, #tpu.memory_space<vmem>>, vector<16xi32>,
        %gt3A_225 = vector.broadcast %squeeze3A_157 : f32 to vector<16xf32>
        %gt3A_226 = arith.cmpf ogt, %get3A_222, %gt3A_225 : vector<16xf32>
        %eq3A_227 = vector.broadcast %squeeze3A_157 : f32 to vector<16xf32>
        %eq3A_228 = arith.cmpf oeq, %get3A_222, %eq3A_227 : vector<16xf32>
        %lt3A_229 = vector.broadcast %squeeze3A_161 : i32 to vector<16xi32>
        %lt3A_230 = arith.cmpi slt, %get3A_224, %lt3A_229 : vector<16xi32>
        %and3A_231 = arith.andi %eq3A_228, %lt3A_230 : vector<16xi1>
        %convert_element_type3A_232 = arith.extui %gt3A_226 : vector<16xi1> to vector<16xi32>
        %add3A_233 = arith.addi %add3A_220, %convert_element_type3A_232 : vector<16xi32>
        %convert_element_type3A_234 = arith.extui %and3A_231 : vector<16xi1> to vector<16xi32>
        %add3A_235 = arith.addi %add3A_233, %convert_element_type3A_234 : vector<16xi32>
        %get3A_236 = arith.constant 80 : index
        %get3A_237 = tpu.vector_load %arg16[%get3A_236] {strides = array<i32>} : memref<256xf32, #tpu.memory_space<vmem>>, vector<16xf32>,
        %get3A_238 = arith.constant 80 : index
        %get3A_239 = tpu.vector_load %arg17[%get3A_238] {strides = array<i32>} : memref<256xi32, #tpu.memory_space<vmem>>, vector<16xi32>,
        %gt3A_240 = vector.broadcast %squeeze3A_157 : f32 to vector<16xf32>
        %gt3A_241 = arith.cmpf ogt, %get3A_237, %gt3A_240 : vector<16xf32>
        %eq3A_242 = vector.broadcast %squeeze3A_157 : f32 to vector<16xf32>
        %eq3A_243 = arith.cmpf oeq, %get3A_237, %eq3A_242 : vector<16xf32>
        %lt3A_244 = vector.broadcast %squeeze3A_161 : i32 to vector<16xi32>
        %lt3A_245 = arith.cmpi slt, %get3A_239, %lt3A_244 : vector<16xi32>
        %and3A_246 = arith.andi %eq3A_243, %lt3A_245 : vector<16xi1>
        %convert_element_type3A_247 = arith.extui %gt3A_241 : vector<16xi1> to vector<16xi32>
        %add3A_248 = arith.addi %add3A_235, %convert_element_type3A_247 : vector<16xi32>
        %convert_element_type3A_249 = arith.extui %and3A_246 : vector<16xi1> to vector<16xi32>
        %add3A_250 = arith.addi %add3A_248, %convert_element_type3A_249 : vector<16xi32>
        %get3A_251 = arith.constant 96 : index
        %get3A_252 = tpu.vector_load %arg16[%get3A_251] {strides = array<i32>} : memref<256xf32, #tpu.memory_space<vmem>>, vector<16xf32>,
        %get3A_253 = arith.constant 96 : index
        %get3A_254 = tpu.vector_load %arg17[%get3A_253] {strides = array<i32>} : memref<256xi32, #tpu.memory_space<vmem>>, vector<16xi32>,
        %gt3A_255 = vector.broadcast %squeeze3A_157 : f32 to vector<16xf32>
        %gt3A_256 = arith.cmpf ogt, %get3A_252, %gt3A_255 : vector<16xf32>
        %eq3A_257 = vector.broadcast %squeeze3A_157 : f32 to vector<16xf32>
        %eq3A_258 = arith.cmpf oeq, %get3A_252, %eq3A_257 : vector<16xf32>
        %lt3A_259 = vector.broadcast %squeeze3A_161 : i32 to vector<16xi32>
        %lt3A_260 = arith.cmpi slt, %get3A_254, %lt3A_259 : vector<16xi32>
        %and3A_261 = arith.andi %eq3A_258, %lt3A_260 : vector<16xi1>
        %convert_element_type3A_262 = arith.extui %gt3A_256 : vector<16xi1> to vector<16xi32>
        %add3A_263 = arith.addi %add3A_250, %convert_element_type3A_262 : vector<16xi32>
        %convert_element_type3A_264 = arith.extui %and3A_261 : vector<16xi1> to vector<16xi32>
        %add3A_265 = arith.addi %add3A_263, %convert_element_type3A_264 : vector<16xi32>
        %get3A_266 = arith.constant 112 : index
        %get3A_267 = tpu.vector_load %arg16[%get3A_266] {strides = array<i32>} : memref<256xf32, #tpu.memory_space<vmem>>, vector<16xf32>,
        %get3A_268 = arith.constant 112 : index
        %get3A_269 = tpu.vector_load %arg17[%get3A_268] {strides = array<i32>} : memref<256xi32, #tpu.memory_space<vmem>>, vector<16xi32>,
        %gt3A_270 = vector.broadcast %squeeze3A_157 : f32 to vector<16xf32>
        %gt3A_271 = arith.cmpf ogt, %get3A_267, %gt3A_270 : vector<16xf32>
        %eq3A_272 = vector.broadcast %squeeze3A_157 : f32 to vector<16xf32>
        %eq3A_273 = arith.cmpf oeq, %get3A_267, %eq3A_272 : vector<16xf32>
        %lt3A_274 = vector.broadcast %squeeze3A_161 : i32 to vector<16xi32>
        %lt3A_275 = arith.cmpi slt, %get3A_269, %lt3A_274 : vector<16xi32>
        %and3A_276 = arith.andi %eq3A_273, %lt3A_275 : vector<16xi1>
        %convert_element_type3A_277 = arith.extui %gt3A_271 : vector<16xi1> to vector<16xi32>
        %add3A_278 = arith.addi %add3A_265, %convert_element_type3A_277 : vector<16xi32>
        %convert_element_type3A_279 = arith.extui %and3A_276 : vector<16xi1> to vector<16xi32>
        %add3A_280 = arith.addi %add3A_278, %convert_element_type3A_279 : vector<16xi32>
        %get3A_281 = arith.constant 128 : index
        %get3A_282 = tpu.vector_load %arg16[%get3A_281] {strides = array<i32>} : memref<256xf32, #tpu.memory_space<vmem>>, vector<16xf32>,
        %get3A_283 = arith.constant 128 : index
        %get3A_284 = tpu.vector_load %arg17[%get3A_283] {strides = array<i32>} : memref<256xi32, #tpu.memory_space<vmem>>, vector<16xi32>,
        %gt3A_285 = vector.broadcast %squeeze3A_157 : f32 to vector<16xf32>
        %gt3A_286 = arith.cmpf ogt, %get3A_282, %gt3A_285 : vector<16xf32>
        %eq3A_287 = vector.broadcast %squeeze3A_157 : f32 to vector<16xf32>
        %eq3A_288 = arith.cmpf oeq, %get3A_282, %eq3A_287 : vector<16xf32>
        %lt3A_289 = vector.broadcast %squeeze3A_161 : i32 to vector<16xi32>
        %lt3A_290 = arith.cmpi slt, %get3A_284, %lt3A_289 : vector<16xi32>
        %and3A_291 = arith.andi %eq3A_288, %lt3A_290 : vector<16xi1>
        %convert_element_type3A_292 = arith.extui %gt3A_286 : vector<16xi1> to vector<16xi32>
        %add3A_293 = arith.addi %add3A_280, %convert_element_type3A_292 : vector<16xi32>
        %convert_element_type3A_294 = arith.extui %and3A_291 : vector<16xi1> to vector<16xi32>
        %add3A_295 = arith.addi %add3A_293, %convert_element_type3A_294 : vector<16xi32>
        %get3A_296 = arith.constant 144 : index
        %get3A_297 = tpu.vector_load %arg16[%get3A_296] {strides = array<i32>} : memref<256xf32, #tpu.memory_space<vmem>>, vector<16xf32>,
        %get3A_298 = arith.constant 144 : index
        %get3A_299 = tpu.vector_load %arg17[%get3A_298] {strides = array<i32>} : memref<256xi32, #tpu.memory_space<vmem>>, vector<16xi32>,
        %gt3A_300 = vector.broadcast %squeeze3A_157 : f32 to vector<16xf32>
        %gt3A_301 = arith.cmpf ogt, %get3A_297, %gt3A_300 : vector<16xf32>
        %eq3A_302 = vector.broadcast %squeeze3A_157 : f32 to vector<16xf32>
        %eq3A_303 = arith.cmpf oeq, %get3A_297, %eq3A_302 : vector<16xf32>
        %lt3A_304 = vector.broadcast %squeeze3A_161 : i32 to vector<16xi32>
        %lt3A_305 = arith.cmpi slt, %get3A_299, %lt3A_304 : vector<16xi32>
        %and3A_306 = arith.andi %eq3A_303, %lt3A_305 : vector<16xi1>
        %convert_element_type3A_307 = arith.extui %gt3A_301 : vector<16xi1> to vector<16xi32>
        %add3A_308 = arith.addi %add3A_295, %convert_element_type3A_307 : vector<16xi32>
        %convert_element_type3A_309 = arith.extui %and3A_306 : vector<16xi1> to vector<16xi32>
        %add3A_310 = arith.addi %add3A_308, %convert_element_type3A_309 : vector<16xi32>
        %get3A_311 = arith.constant 160 : index
        %get3A_312 = tpu.vector_load %arg16[%get3A_311] {strides = array<i32>} : memref<256xf32, #tpu.memory_space<vmem>>, vector<16xf32>,
        %get3A_313 = arith.constant 160 : index
        %get3A_314 = tpu.vector_load %arg17[%get3A_313] {strides = array<i32>} : memref<256xi32, #tpu.memory_space<vmem>>, vector<16xi32>,
        %gt3A_315 = vector.broadcast %squeeze3A_157 : f32 to vector<16xf32>
        %gt3A_316 = arith.cmpf ogt, %get3A_312, %gt3A_315 : vector<16xf32>
        %eq3A_317 = vector.broadcast %squeeze3A_157 : f32 to vector<16xf32>
        %eq3A_318 = arith.cmpf oeq, %get3A_312, %eq3A_317 : vector<16xf32>
        %lt3A_319 = vector.broadcast %squeeze3A_161 : i32 to vector<16xi32>
        %lt3A_320 = arith.cmpi slt, %get3A_314, %lt3A_319 : vector<16xi32>
        %and3A_321 = arith.andi %eq3A_318, %lt3A_320 : vector<16xi1>
        %convert_element_type3A_322 = arith.extui %gt3A_316 : vector<16xi1> to vector<16xi32>
        %add3A_323 = arith.addi %add3A_310, %convert_element_type3A_322 : vector<16xi32>
        %convert_element_type3A_324 = arith.extui %and3A_321 : vector<16xi1> to vector<16xi32>
        %add3A_325 = arith.addi %add3A_323, %convert_element_type3A_324 : vector<16xi32>
        %get3A_326 = arith.constant 176 : index
        %get3A_327 = tpu.vector_load %arg16[%get3A_326] {strides = array<i32>} : memref<256xf32, #tpu.memory_space<vmem>>, vector<16xf32>,
        %get3A_328 = arith.constant 176 : index
        %get3A_329 = tpu.vector_load %arg17[%get3A_328] {strides = array<i32>} : memref<256xi32, #tpu.memory_space<vmem>>, vector<16xi32>,
        %gt3A_330 = vector.broadcast %squeeze3A_157 : f32 to vector<16xf32>
        %gt3A_331 = arith.cmpf ogt, %get3A_327, %gt3A_330 : vector<16xf32>
        %eq3A_332 = vector.broadcast %squeeze3A_157 : f32 to vector<16xf32>
        %eq3A_333 = arith.cmpf oeq, %get3A_327, %eq3A_332 : vector<16xf32>
        %lt3A_334 = vector.broadcast %squeeze3A_161 : i32 to vector<16xi32>
        %lt3A_335 = arith.cmpi slt, %get3A_329, %lt3A_334 : vector<16xi32>
        %and3A_336 = arith.andi %eq3A_333, %lt3A_335 : vector<16xi1>
        %convert_element_type3A_337 = arith.extui %gt3A_331 : vector<16xi1> to vector<16xi32>
        %add3A_338 = arith.addi %add3A_325, %convert_element_type3A_337 : vector<16xi32>
        %convert_element_type3A_339 = arith.extui %and3A_336 : vector<16xi1> to vector<16xi32>
        %add3A_340 = arith.addi %add3A_338, %convert_element_type3A_339 : vector<16xi32>
        %get3A_341 = arith.constant 192 : index
        %get3A_342 = tpu.vector_load %arg16[%get3A_341] {strides = array<i32>} : memref<256xf32, #tpu.memory_space<vmem>>, vector<16xf32>,
        %get3A_343 = arith.constant 192 : index
        %get3A_344 = tpu.vector_load %arg17[%get3A_343] {strides = array<i32>} : memref<256xi32, #tpu.memory_space<vmem>>, vector<16xi32>,
        %gt3A_345 = vector.broadcast %squeeze3A_157 : f32 to vector<16xf32>
        %gt3A_346 = arith.cmpf ogt, %get3A_342, %gt3A_345 : vector<16xf32>
        %eq3A_347 = vector.broadcast %squeeze3A_157 : f32 to vector<16xf32>
        %eq3A_348 = arith.cmpf oeq, %get3A_342, %eq3A_347 : vector<16xf32>
        %lt3A_349 = vector.broadcast %squeeze3A_161 : i32 to vector<16xi32>
        %lt3A_350 = arith.cmpi slt, %get3A_344, %lt3A_349 : vector<16xi32>
        %and3A_351 = arith.andi %eq3A_348, %lt3A_350 : vector<16xi1>
        %convert_element_type3A_352 = arith.extui %gt3A_346 : vector<16xi1> to vector<16xi32>
        %add3A_353 = arith.addi %add3A_340, %convert_element_type3A_352 : vector<16xi32>
        %convert_element_type3A_354 = arith.extui %and3A_351 : vector<16xi1> to vector<16xi32>
        %add3A_355 = arith.addi %add3A_353, %convert_element_type3A_354 : vector<16xi32>
        %get3A_356 = arith.constant 208 : index
        %get3A_357 = tpu.vector_load %arg16[%get3A_356] {strides = array<i32>} : memref<256xf32, #tpu.memory_space<vmem>>, vector<16xf32>,
        %get3A_358 = arith.constant 208 : index
        %get3A_359 = tpu.vector_load %arg17[%get3A_358] {strides = array<i32>} : memref<256xi32, #tpu.memory_space<vmem>>, vector<16xi32>,
        %gt3A_360 = vector.broadcast %squeeze3A_157 : f32 to vector<16xf32>
        %gt3A_361 = arith.cmpf ogt, %get3A_357, %gt3A_360 : vector<16xf32>
        %eq3A_362 = vector.broadcast %squeeze3A_157 : f32 to vector<16xf32>
        %eq3A_363 = arith.cmpf oeq, %get3A_357, %eq3A_362 : vector<16xf32>
        %lt3A_364 = vector.broadcast %squeeze3A_161 : i32 to vector<16xi32>
        %lt3A_365 = arith.cmpi slt, %get3A_359, %lt3A_364 : vector<16xi32>
        %and3A_366 = arith.andi %eq3A_363, %lt3A_365 : vector<16xi1>
        %convert_element_type3A_367 = arith.extui %gt3A_361 : vector<16xi1> to vector<16xi32>
        %add3A_368 = arith.addi %add3A_355, %convert_element_type3A_367 : vector<16xi32>
        %convert_element_type3A_369 = arith.extui %and3A_366 : vector<16xi1> to vector<16xi32>
        %add3A_370 = arith.addi %add3A_368, %convert_element_type3A_369 : vector<16xi32>
        %get3A_371 = arith.constant 224 : index
        %get3A_372 = tpu.vector_load %arg16[%get3A_371] {strides = array<i32>} : memref<256xf32, #tpu.memory_space<vmem>>, vector<16xf32>,
        %get3A_373 = arith.constant 224 : index
        %get3A_374 = tpu.vector_load %arg17[%get3A_373] {strides = array<i32>} : memref<256xi32, #tpu.memory_space<vmem>>, vector<16xi32>,
        %gt3A_375 = vector.broadcast %squeeze3A_157 : f32 to vector<16xf32>
        %gt3A_376 = arith.cmpf ogt, %get3A_372, %gt3A_375 : vector<16xf32>
        %eq3A_377 = vector.broadcast %squeeze3A_157 : f32 to vector<16xf32>
        %eq3A_378 = arith.cmpf oeq, %get3A_372, %eq3A_377 : vector<16xf32>
        %lt3A_379 = vector.broadcast %squeeze3A_161 : i32 to vector<16xi32>
        %lt3A_380 = arith.cmpi slt, %get3A_374, %lt3A_379 : vector<16xi32>
        %and3A_381 = arith.andi %eq3A_378, %lt3A_380 : vector<16xi1>
        %convert_element_type3A_382 = arith.extui %gt3A_376 : vector<16xi1> to vector<16xi32>
        %add3A_383 = arith.addi %add3A_370, %convert_element_type3A_382 : vector<16xi32>
        %convert_element_type3A_384 = arith.extui %and3A_381 : vector<16xi1> to vector<16xi32>
        %add3A_385 = arith.addi %add3A_383, %convert_element_type3A_384 : vector<16xi32>
        %get3A_386 = arith.constant 240 : index
        %get3A_387 = tpu.vector_load %arg16[%get3A_386] {strides = array<i32>} : memref<256xf32, #tpu.memory_space<vmem>>, vector<16xf32>,
        %get3A_388 = arith.constant 240 : index
        %get3A_389 = tpu.vector_load %arg17[%get3A_388] {strides = array<i32>} : memref<256xi32, #tpu.memory_space<vmem>>, vector<16xi32>,
        %gt3A_390 = vector.broadcast %squeeze3A_157 : f32 to vector<16xf32>
        %gt3A_391 = arith.cmpf ogt, %get3A_387, %gt3A_390 : vector<16xf32>
        %eq3A_392 = vector.broadcast %squeeze3A_157 : f32 to vector<16xf32>
        %eq3A_393 = arith.cmpf oeq, %get3A_387, %eq3A_392 : vector<16xf32>
        %lt3A_394 = vector.broadcast %squeeze3A_161 : i32 to vector<16xi32>
        %lt3A_395 = arith.cmpi slt, %get3A_389, %lt3A_394 : vector<16xi32>
        %and3A_396 = arith.andi %eq3A_393, %lt3A_395 : vector<16xi1>
        %convert_element_type3A_397 = arith.extui %gt3A_391 : vector<16xi1> to vector<16xi32>
        %add3A_398 = arith.addi %add3A_385, %convert_element_type3A_397 : vector<16xi32>
        %convert_element_type3A_399 = arith.extui %and3A_396 : vector<16xi1> to vector<16xi32>
        %add3A_400 = arith.addi %add3A_398, %convert_element_type3A_399 : vector<16xi32>
        %reduce_sum3A = arith.constant true
        %reduce_sum3A_401 = vector.broadcast %reduce_sum3A : i1 to vector<16xi1>
        %reduce_sum3A_402 = tpu.scan <sum>, %add3A_400 masked %reduce_sum3A_401 : vector<16xi32>, vector<16xi1> -> vector<16xi32>
        %reduce_sum3A_403 = vector.extract %reduce_sum3A_402[15] : i32 from vector<16xi32>
        %gt3A_404 = arith.cmpf ogt, %squeeze3A_157, %squeeze3A_18 : f32
        %lt3A_405 = arith.cmpi slt, %reduce_sum3A_403, %convert_element_type3A_31 : i32
        %and3A_406 = arith.andi %gt3A_404, %lt3A_405 : i1
        %lt3A_407 = arith.cmpi slt, %reduce_sum3A_403, %convert_element_type3A_34 : i32
        %or3A = arith.ori %and3A_406, %lt3A_407 : i1
        %convert_element_type3A_408 = arith.extui %or3A : i1 to i32
        %sub3A_409 = arith.subi %squeeze3A_161, %mul3A_2 : i32
        %jit3A = arith.constant 16 : i32
        %div3A_410 = arith.divsi %sub3A_409, %jit3A : i32
        %sign3A = arith.constant 0 : i32
        %sign3A_411 = arith.cmpi sgt, %sub3A_409, %sign3A : i32
        %sign3A_412 = arith.extui %sign3A_411 : i1 to i32
        %sign3A_413 = arith.constant 0 : i32
        %sign3A_414 = arith.cmpi slt, %sub3A_409, %sign3A_413 : i32
        %sign3A_415 = arith.extui %sign3A_414 : i1 to i32
        %sign3A_416 = arith.subi %sign3A_412, %sign3A_415 : i32
        %sign3A_417 = arith.constant 0 : i32
        %sign3A_418 = arith.cmpi sgt, %jit3A, %sign3A_417 : i32
        %sign3A_419 = arith.extui %sign3A_418 : i1 to i32
        %sign3A_420 = arith.constant 0 : i32
        %sign3A_421 = arith.cmpi slt, %jit3A, %sign3A_420 : i32
        %sign3A_422 = arith.extui %sign3A_421 : i1 to i32
        %sign3A_423 = arith.subi %sign3A_419, %sign3A_422 : i32
        %ne3A = arith.cmpi ne, %sign3A_416, %sign3A_423 : i32
        %rem3A = arith.remsi %sub3A_409, %jit3A : i32
        %ne3A_424 = arith.constant 0 : i32
        %ne3A_425 = arith.cmpi ne, %rem3A, %ne3A_424 : i32
        %and3A_426 = arith.andi %ne3A, %ne3A_425 : i1
        %sub3A_427 = arith.constant 1 : i32
        %sub3A_428 = arith.subi %div3A_410, %sub3A_427 : i32
        %select_n3A = arith.select %and3A_426, %sub3A_428, %div3A_410 : i32
        %mul3A_429 = arith.constant 16 : i32
        %mul3A_430 = arith.muli %select_n3A, %mul3A_429 : i32
        %sub3A_431 = arith.subi %sub3A_409, %mul3A_430 : i32
        %mul3A_432 = arith.constant 16 : i32
        %mul3A_433 = arith.muli %select_n3A, %mul3A_432 : i32
        %get3A_434 = arith.index_cast %mul3A_433 : i32 to index
        %get3A_435 = tpu.vector_load %arg18[%get3A_434] {strides = array<i32>} : memref<128xi32, #tpu.memory_space<vmem>>, vector<16xi32>,
        %eq3A_436 = vector.broadcast %sub3A_431 : i32 to vector<16xi32>
        %eq3A_437 = arith.cmpi eq, %iota3A, %eq3A_436 : vector<16xi32>
        %broadcast_in_dim3A_438 = vector.broadcast %convert_element_type3A_408 : i32 to vector<16xi32>
        %select_n3A_439 = arith.select %eq3A_437, %broadcast_in_dim3A_438, %get3A_435 : vector<16xi1>, vector<16xi32>
        %mul3A_440 = arith.constant 16 : i32
        %mul3A_441 = arith.muli %select_n3A, %mul3A_440 : i32
        %swap3A_442 = arith.index_cast %mul3A_441 : i32 to index
        %swap3A_443 = tpu.vector_load %arg18[%swap3A_442] {strides = array<i32>} : memref<128xi32, #tpu.memory_space<vmem>>, vector<16xi32>,
        tpu.vector_store %arg18[%swap3A_442], %select_n3A_439 {strides = array<i32>} : memref<128xi32, #tpu.memory_space<vmem>>, vector<16xi32>,
        %scan3A_444 = arith.constant 0 : i32
        scf.yield %scan3A_444 : i32
      }
      %scan3A_151 = arith.constant 10 : i32
      "tpu.region"() ({
        %run_scoped3A = tpu.sem_alloc : memref<!tpu.dma_semaphore, #tpu.memory_space<semaphore_mem>>
        %dma_start3A = tpu.memref_slice %arg6[%mul3A_2] : memref<2048xi32, #tpu.memory_space<hbm>> -> memref<128xi32, #tpu.memory_space<hbm>>
        %dma_start3A_152 = tpu.memref_slice %arg6[%mul3A_2] : memref<2048xi32, #tpu.memory_space<hbm>> -> memref<128xi32, #tpu.memory_space<hbm>>
        tpu.enqueue_dma source(%arg18 : memref<128xi32, #tpu.memory_space<vmem>>) target(%dma_start3A_152 : memref<128xi32, #tpu.memory_space<hbm>>) target_semaphore(%run_scoped3A : memref<!tpu.dma_semaphore, #tpu.memory_space<semaphore_mem>>)
        %dma_wait3A = tpu.memref_slice %arg6[%mul3A_2] : memref<2048xi32, #tpu.memory_space<hbm>> -> memref<128xi32, #tpu.memory_space<hbm>>
        %dma_wait3A_153 = tpu.memref_slice %arg6[%mul3A_2] : memref<2048xi32, #tpu.memory_space<hbm>> -> memref<128xi32, #tpu.memory_space<hbm>>
        tpu.wait_dma2 semaphore(%run_scoped3A : memref<!tpu.dma_semaphore, #tpu.memory_space<semaphore_mem>>) src(%arg18 : memref<128xi32, #tpu.memory_space<vmem>>) dst(%dma_wait3A_153 : memref<128xi32, #tpu.memory_space<hbm>>)
        tpu.yield
      }) : () -> ()
      "tpu.region"() ({
        %run_scoped3A = tpu.sem_alloc : memref<!tpu.dma_semaphore, #tpu.memory_space<semaphore_mem>>
        %dma_start3A = tpu.memref_slice %arg7[%mul3A_2] : memref<2048xf32, #tpu.memory_space<hbm>> -> memref<128xf32, #tpu.memory_space<hbm>>
        %dma_start3A_152 = tpu.memref_slice %arg7[%mul3A_2] : memref<2048xf32, #tpu.memory_space<hbm>> -> memref<128xf32, #tpu.memory_space<hbm>>
        tpu.enqueue_dma source(%arg12 : memref<128xf32, #tpu.memory_space<vmem>>) target(%dma_start3A_152 : memref<128xf32, #tpu.memory_space<hbm>>) target_semaphore(%run_scoped3A : memref<!tpu.dma_semaphore, #tpu.memory_space<semaphore_mem>>)
        %dma_wait3A = tpu.memref_slice %arg7[%mul3A_2] : memref<2048xf32, #tpu.memory_space<hbm>> -> memref<128xf32, #tpu.memory_space<hbm>>
        %dma_wait3A_153 = tpu.memref_slice %arg7[%mul3A_2] : memref<2048xf32, #tpu.memory_space<hbm>> -> memref<128xf32, #tpu.memory_space<hbm>>
        tpu.wait_dma2 semaphore(%run_scoped3A : memref<!tpu.dma_semaphore, #tpu.memory_space<semaphore_mem>>) src(%arg12 : memref<128xf32, #tpu.memory_space<vmem>>) dst(%dma_wait3A_153 : memref<128xf32, #tpu.memory_space<hbm>>)
        tpu.yield
      }) : () -> ()
    } else {
    }
    return
  }
}

</mosaic_0001>

<sc_bundles>
// kernel: kernel.3.cloned.1.call-start
scs
__scs_entry_jumppad:
0x0: {  	(pc) =	sbr.rel $0x88, $3  }
0x1: {  	(tag) =	ssettag $0x0;
	lr =	simm.s32 $0x1  }
0x2: {  	[smem:$0x3F95] =	sst lr;
	_ =	strace $0xD0000000  }
0x3: {  	_ = 	snop  }
0x4: {  	_ = 	snop  }
0x5: {  	_ = 	snop  }
0x6: {  	_ = 	snop  }
0x7: {  	_ = 	snop  }
__scs_overlays_trampoline_lowered:
0x8: {  	[smem:$0x3FA4] =	sst s0  }
0x9: {  	[smem:$0x3FA5] =	sst s1  }
0xa: {  	[smem:$0x3FA6] =	sst s2  }
0xb: {  	[smem:$0x3FA7] =	sst s3  }
0xc: {  	[smem:$0x3FA8] =	sst s4  }
0xd: {  	[smem:$0x3FA9] =	sst s5  }
0xe: {  	[smem:$0x3FAA] =	sst s6  }
0xf: {  	[smem:$0x3FAB] =	sst s7  }
0x10: {  	[smem:$0x3FAC] =	sst s8  }
0x11: {  	[smem:$0x3FAD] =	sst s9;
	s0 =	simm.s32 @!p0 $0x0  }
0x12: {  	s1 =	sld [smem:$0x3F93];
	s0 =	simm.s32 @p0 $0x1  }
0x13: {  	[smem:$0x3FAE] =	sst s0;
	s0 =	simm.s32 @!p1 $0x0  }
0x14: {  	s2 =	sld [smem:$0x3F92];
	s0 =	simm.s32 @p1 $0x1  }
0x15: {  	[smem:$0x3FAF] =	sst s0;
	s0 =	simm.s32 @!p2 $0x0  }
0x16: {  	s3 =	sld [smem:$0x3FDB];
	s0 =	simm.s32 @p2 $0x1  }
0x17: {  	s4 =	simm.s32 $0x1BF5;
	[smem:$0x3FB1] =	sst s0  }
0x18: {  	s0 =	sld [smem:$0x3F94];
	_ =	swait.ge [sflag:s4], $0x0  }
0x19: {  	s7 =	sld [smem:$0x3F95]  }
0x1a: {  	s8 =	sadd.s32 $0xFFFFE003, lr  }
0x1b: {  	s9 =	sadd.s32 $0xFFFFFEF7, lr;
	s5 =	simm.s32 $0xFFFFFFFF;
	p2 =	slt.u32 s8, $0xFFFFF086  }
0x1c: {  	p1 =	slt.u32 s9, $0xF7A;
	s5 =	simm.s32 @!p2 $0x0  }
0x1d: {  	s5 =	simm.s32 @p1 $0x1;
	p0 =	seq.s32 s7, s2  }
0x1e: {  	s7 =	smul.u32 @!p0 $0xF7A, s2;
	p2 =	seq.s32 @!p0 s5, $0x0  }
0x1f: {  	s9 =	smul.u32 $0xF7A, s1;
	s8 =	simm.s32 @!p0 $0x1BF5;
	p2 =	por !p2, p0  }
0x20: {  	[sflag:s8] =	ssyncset.s32 @!p0 $0xFFFFF086;
	s6 =	sadd.s32 @!p0 s3, s7;
	s7 =	simm.s32 @!p0 $0x108  }
0x21: {  	s3 =	sadd.s32 s3, s9;
	s6 =	sadd.s32 @!p0 $0x88, s6;
	s7 =	simm.s32 @p2 $0x1082  }
0x22: {  	[simem:s7], [sflag:s8] =	dma.local @!p0 [hbm:s6], $0xF7A  }
0x23: {  	s9 =	sor.u32 $0xD0000000, s2;
	s6 =	simm.s32 $0x108;
	_ =	swait.ge @!p0 [sflag:s8], $0x0  }
0x24: {  	s3 =	sadd.s32 $0x88, s3;
	s6 =	simm.s32 @!p1 $0x1082;
	[sflag:s4] =	ssyncset.s32 $0xFFFFF086  }
0x25: {  	[simem:s6], [sflag:s4] =	dma.local [hbm:s3], $0xF7A  }
0x26: {  	[smem:$0x3F95] =	sst s1;
	(tag) =	ssettag s2;
	_ =	strace s9  }
0x27: {  	s1 =	sld [smem:$0x3FA5]  }
0x28: {  	s2 =	sld [smem:$0x3FA6]  }
0x29: {  	s4 =	sld [smem:$0x3FA8]  }
0x2a: {  	p0 =	seq.s32 s5, $0x0;
	s5 =	sld [smem:$0x3FA9]  }
0x2b: {  	s6 =	sld [smem:$0x3FAA]  }
0x2c: {  	s7 =	sld [smem:$0x3FAB]  }
0x2d: {  	s3 =	simm.s32 $0x108;
	s8 =	sld [smem:$0x3FAC]  }
0x2e: {  	s3 =	simm.s32 @!p0 $0x1082;
	s9 =	sld [smem:$0x3FAD]  }
0x2f: {  	lr =	sadd.s32 s0, s3;
	s0 =	sld [smem:$0x3FA4]  }
0x30: {  	s3 =	sld [smem:$0x3FA7]  }
0x31: {  	[smem:$0x3FB0] =	sst s10  }
0x32: {  	s10 =	sld [smem:$0x3FAE];
	_ =	sdelay $0x3  }
0x33: {  	p0 =	seq.s32 s10, $0x1;
	s10 =	sld [smem:$0x3FB0];
	_ =	sdelay $0x3  }
0x34: {  	[smem:$0x3FB0] =	sst s10  }
0x35: {  	s10 =	sld [smem:$0x3FAF];
	_ =	sdelay $0x3  }
0x36: {  	p1 =	seq.s32 s10, $0x1;
	s10 =	sld [smem:$0x3FB0];
	_ =	sdelay $0x3  }
0x37: {  	[smem:$0x3FB0] =	sst s10  }
0x38: {  	s10 =	sld [smem:$0x3FB1]  }
0x39: {  	_ = 	snop;
	(pc) =	sbr.ind lr, $3  }
0x3a: {  	_ = 	snop  }
0x3b: {  	_ = 	snop  }
0x3c: {  	p2 =	seq.s32 s10, $0x1;
	s10 =	sld [smem:$0x3FB0]  }
0x3d: {  	_ =	shalt  }
0x3e: {  	_ =	shalt  }
0x3f: {  	_ =	shalt  }
0x40: {  	_ =	shalt  }
0x41: {  	_ =	shalt  }
0x42: {  	_ =	shalt  }
0x43: {  	_ =	shalt  }
0x44: {  	_ =	shalt  }
0x45: {  	_ =	shalt  }
0x46: {  	_ =	shalt  }
0x47: {  	_ =	shalt  }
0x48: {  	_ =	shalt  }
0x49: {  	_ =	shalt  }
0x4a: {  	_ =	shalt  }
0x4b: {  	_ =	shalt  }
0x4c: {  	_ =	shalt  }
0x4d: {  	_ =	shalt  }
0x4e: {  	_ =	shalt  }
0x4f: {  	_ =	shalt  }
0x50: {  	_ =	shalt  }
0x51: {  	_ =	shalt  }
0x52: {  	_ =	shalt  }
0x53: {  	_ =	shalt  }
0x54: {  	_ =	shalt  }
0x55: {  	_ =	shalt  }
0x56: {  	_ =	shalt  }
0x57: {  	_ =	shalt  }
0x58: {  	_ =	shalt  }
0x59: {  	_ =	shalt  }
0x5a: {  	_ =	shalt  }
0x5b: {  	_ =	shalt  }
0x5c: {  	_ =	shalt  }
0x5d: {  	_ =	shalt  }
0x5e: {  	_ =	shalt  }
0x5f: {  	_ =	shalt  }
0x60: {  	_ =	shalt  }
0x61: {  	_ =	shalt  }
0x62: {  	_ =	shalt  }
0x63: {  	_ =	shalt  }
0x64: {  	_ =	shalt  }
0x65: {  	_ =	shalt  }
0x66: {  	_ =	shalt  }
0x67: {  	_ =	shalt  }
0x68: {  	_ =	shalt  }
0x69: {  	_ =	shalt  }
0x6a: {  	_ =	shalt  }
0x6b: {  	_ =	shalt  }
0x6c: {  	_ =	shalt  }
0x6d: {  	_ =	shalt  }
0x6e: {  	_ =	shalt  }
0x6f: {  	_ =	shalt  }
0x70: {  	_ =	shalt  }
0x71: {  	_ =	shalt  }
0x72: {  	_ =	shalt  }
0x73: {  	_ =	shalt  }
0x74: {  	_ =	shalt  }
0x75: {  	_ =	shalt  }
0x76: {  	_ =	shalt  }
0x77: {  	_ =	shalt  }
0x78: {  	_ =	shalt  }
0x79: {  	_ =	shalt  }
0x7a: {  	_ =	shalt  }
0x7b: {  	_ =	shalt  }
0x7c: {  	_ =	shalt  }
0x7d: {  	_ =	shalt  }
0x7e: {  	_ =	shalt  }
0x7f: {  	_ =	shalt  }
0x80: {  	_ =	shalt  }
0x81: {  	_ =	shalt  }
0x82: {  	_ =	shalt  }
0x83: {  	_ =	shalt  }
0x84: {  	_ =	shalt  }
0x85: {  	_ =	shalt  }
0x86: {  	_ =	shalt  }
0x87: {  	_ =	shalt  }
.Lfunc_end0:
.L_simem_size_0:
called_computation_lowered:
.L_overlay_start_0:
0x88: {  	s0 =	sld [smem:$0x3FD9]  }
0x89: {  	s1 =	sld [smem:$0x3FFE];
	_ =	sdelay $0x3  }
0x8a: {  	s0 =	sadd.s32 s1, s0  }
0x8b: {  	[smem:$0x3FBC] =	sst s0  }
0x8c: {  	_ = 	snop  }
0x8d: {  	s0 =	sld [smem:$0x3FD0];
	_ =	sdelay $0x2  }
0x8e: {  	s13 =	simm.s32 $0xA;
	s2 =	simm.s32 $0x10  }
0x8f: {  	[smem:s2], [sflag:s13] =	dma.local [hbm:s0], $0x1  }
0x90: {  	_ =	swait.eq [sflag:s13], $0x1  }
0x91: {  	[sflag:s13] =	ssyncset.done $0x0  }
0x92: {  	s14 =	sld [smem:$0x10];
	[sflag:s13] =	ssyncadd.s32 $0xFFFFFFFF  }
0x93: {  	s15 =	sld [smem:$0x11];
	(tm) =	ssettm $0x1  }
0x94: {  	s16 =	sld [smem:$0x3FFB];
	_ =	sdelay $0x3  }
0x95: {  	_ =	strace s16  }
0x96: {  	s2 =	sld [smem:$0x3FFC];
	_ =	sdelay $0x3  }
0x97: {  	_ =	strace s2  }
0x98: {  	s2 =	sld [smem:$0x3FFD];
	_ =	sdelay $0x3  }
0x99: {  	_ =	strace s2  }
0x9a: {  	_ =	strace $0x8FFFFFFF  }
0x9b: {  	s17 =	sld [smem:$0x3FDB];
	_ =	sdelay $0x1  }
0x9c: {  	s3 =	simm.s32 $_scs_section_size  }
0x9d: {  	s4 =	simm.s32 $_size__tile_overlayer_lowered;
	s5 =	simm.s32 $_tile_overlayer_lowered  }
0x9e: {  	s20 =	simm.s32 $0x1BFF;
	s19 =	sshll.u32 s5, $0x1;
	s2 =	sadd.s32 s3, s17  }
0x9f: {  	s6 =	simm.s32 $0x0;
	s18 =	sshll.u32 s4, $0x1;
	s4 =	sadd.s32 s19, s2  }
0xa0: {  	[timem:s6], [sflag:s20] =	dma.local [hbm:s4], s18  }
0xa1: {  	_ =	swait.ge [sflag:s20], s18  }
0xa2: {  	s3 =	ssub.s32 $0x0, s18;
	[sflag:s20] =	ssyncset.done $0x0  }
0xa3: {  	[sflag:s20] =	ssyncadd.s32 s3;
	_ =	sdelay $0x1  }
0xa4: {  	s21 =	simm.s32 $0x1B8B  }
0xa5: {  	_ =	swait.ge [sflag:s21], $0x1  }
0xa6: {  	[sflag:s21] =	ssyncset.done $0x0  }
0xa7: {  	s23 =	simm.s32 $0x1B8E;
	s22 =	sld [smem:$0x3FFE];
	[sflag:s21] =	ssyncadd.s32 $0xFFFFFFFF  }
0xa8: {  	s24 =	simm.s32 $execute0_lowered;
	[smem:$0x3FD2] =	sst s23  }
0xa9: {  	s4 =	sshll.u32 s24, $0x1;
	_ =	strace $0x80000046;
	[dreg:$0x1] =	wrdreg $0xFFFFFFFF  }
0xaa: {  	s25 =	simm.s32 $_size_execute0_lowered;
	s2 =	sadd.s32 s2, s4;
	[dreg:$0x0] =	wrdreg $0x0  }
0xab: {  	s4 =	sshll.u32 s25, $0x1;
	[dreg:$0x2] =	wrdreg s2  }
0xac: {  	[dreg:$0x3] =	wrdreg s4  }
0xad: {  	[dreg:$0x4] =	wrdreg $0xC0  }
0xae: {  	_ =	task [dreg:s6], $0x5FFFF  }
0xaf: {  	[dreg:$0x1] =	wrdreg $0xFFFFFFFF  }
0xb0: {  	[dreg:$0x0] =	wrdreg $0x60  }
0xb1: {  	[dreg:$0x2] =	wrdreg s22  }
0xb2: {  	[dreg:$0x3] =	wrdreg s14  }
0xb3: {  	[dreg:$0x4] =	wrdreg s15  }
0xb4: {  	[dreg:$0x5] =	wrdreg $0xC8800  }
0xb5: {  	[dreg:$0x6] =	wrdreg $0xC8900  }
0xb6: {  	[dreg:$0x7] =	wrdreg $0x9  }
0xb7: {  	_ =	task.clear_ibuf [dreg:s6], $0x8FFFF;
	_ =	strace $0x90000046  }
0xb8: {  	s26 =	simm.s32 $0x9;
	_ =	strace $0x80000048  }
0xb9: {  	_ =	swait.ge [sflag:s26], $0x1  }
0xba: {  	[sflag:s26] =	ssyncadd.s32 $0xFFFFFFFF  }
0xbb: {  	_ =	strace $0x90000048  }
0xbc: {  	_ =	sfence  }
0xbd: {  	s28 =	sld [smem:$0x0];
	_ =	sdelay $0x1  }
0xbe: {  	s29 =	srdreg.scid  }
0xbf: {  	s30 =	sshll.u32 s29, $0xD;
	s31 =	sshrl.u32 s29, $0x2  }
0xc0: {  	s1 =	sand.u32 $0x1, s29;
	s2 =	sand.u32 $0x4000, s30;
	s0 =	sadd.s32 s31, s28  }
0xc1: {  	s1 =	sor.u32 s2, s1;
	s0 =	sshll.u32 s0, $0x11  }
0xc2: {  	s0 =	sor.u32 s0, s1  }
0xc3: {  	s0 =	sadd.s32 $0x8F2B, s0  }
0xc4: {  	[sflag:s0] =	ssyncadd.remote.s32 $0x1  }
0xc5: {  	_ =	sfence.sel $0xFFFF  }
0xc6: {  	[dreg:$0x0] =	wrdreg $0xFFFFFFFF;
	(pc) =	sbr.abs _section_cstart, $3  }
0xc7: {  	[dreg:$0x1] =	wrdreg $0xFFFFFFFF  }
0xc8: {  	_ =	task.clear_ibuf [dreg:s6], $0x2FFFF;
	_ =	strace $0x9FFFFFFF  }
0xc9: {  	(tm) =	ssettm $0x7FFFFFFF  }
tec
execute0_lowered:
.L_overlay_start_1:
0x0: {  	(tag) =	ssettag $0x1  }
0x1: {  	s4 =	rddreg [dreg:$0x0]  }
0x2: {  	s3 =	rddreg [dreg:$0x1]  }
0x3: {  	s2 =	rddreg [dreg:$0x2]  }
0x4: {  	s6 =	rddreg [dreg:$0x3]  }
0x5: {  	s5 =	rddreg [dreg:$0x4];
	s7 =	simm.s32 $0x0  }
0x6: {  	[smem:$0x7FF] =	sst s7  }
0x7: {  	s0 =	rddreg [dreg:$0x5];
	v0 =	vimm.f32 $2.047000000e+03;
	_ =	strace $0x80000047  }
0x8: {  	(erf) = vrcp.f32 v0;
	_ =	sdelay $0x3  }
0x9: {  	s1 =	stileid.u32  }
0xa: {  	s8 =	smul.u32 $0x1800, s1;
	_ =	sdelay $0x1  }
0xb: {  	s8 =	sadd.s32 s8, s4  }
0xc: {  	s8 =	sadd.s32 $0xE00, s8  }
0xd: {  	[tilespmem:s7], [sflag:$0x1] =	stream.linear.gather [hbm4b:s8+s7], $0xC000, $0x38;
	v0 =	vpop (erf);
	[tilespmem:$0xC8A0] =	vst v63  }
0xe: {  	s9 =	simm.s32 $0x1;
	[tilespmem:$0x1FDB0] =	vst v0  }
0xf: {  	_ =	swait.ge [sflag:s9], $0xC000  }
0x10: {  	[sflag:s9] =	ssyncset.done $0x0  }
0x11: {  	s28 =	simm.s32 $0xC000;
	[sflag:s9] =	ssyncadd.s32 $0xFFFF4000  }
0x12: {  	[tilespmem:s28], [sflag:$0x1] =	stream.linear.gather [hbm4b:s3+s7], $0x180, $0x38;
	[tilespmem:$0xC8A0] =	vst v63  }
0x13: {  	s29 =	sshll.u32 s1, $0x6;
	_ =	swait.ge [sflag:s9], $0x180  }
0x14: {  	s3 =	sadd.s32 s29, s4;
	[sflag:s9] =	ssyncset.done $0x0  }
0x15: {  	s8 =	simm.s32 $0xC180;
	s3 =	sadd.s32 $0x18E00, s3;
	[sflag:s9] =	ssyncadd.s32 $0xFFFFFE80  }
0x16: {  	[tilespmem:s8], [sflag:$0x1] =	stream.linear.gather [hbm4b:s3+s7], $0x200, $0x38;
	[tilespmem:$0xC8A0] =	vst v63  }
0x17: {  	_ =	swait.ge [sflag:s9], $0x200  }
0x18: {  	[sflag:s9] =	ssyncset.done $0x0  }
0x19: {  	s10 =	simm.s32 $0xC380;
	s30 =	sadd.s32 $0x1A400, s4;
	[sflag:s9] =	ssyncadd.s32 $0xFFFFFE00  }
0x1a: {  	[tilespmem:s10], [sflag:$0x1] =	stream.linear.gather [hbm4b:s30+s7], $0x80, $0x38;
	[tilespmem:$0xC8A0] =	vst v63  }
0x1b: {  	_ =	swait.ge [sflag:s9], $0x80  }
0x1c: {  	[sflag:s9] =	ssyncset.done $0x0  }
0x1d: {  	[sflag:s9] =	ssyncadd.s32 $0xFFFFFF80  }
0x1e: {  	v1 =	vld [tilespmem:$0xC380];
	_ =	sdelay $0x4  }
0x1f: {  	v31 =	vsub.f32 $0.0e+00, v1;
	_ =	sdelay $0x1  }
0x20: {  	v0 =	vmul.f32 $1.442695020e+00, v31;
	_ =	sdelay $0x1  }
0x21: {  	(erf) = vpow2.f32 v0;
	_ =	sdelay $0x1  }
0x22: {  	v32 =	vld [tilespmem:$0xC000]  }
0x23: {  	v33 =	vld [tilespmem:$0xC010]  }
0x24: {  	v50 =	vlaneseq.u32;
	s3 =	sshll.u32 s1, $0x7;
	v34 =	vld [tilespmem:$0xC020]  }
0x25: {  	v53 =	vor.u32 s3, v50;
	v35 =	vld [tilespmem:$0xC030]  }
0x26: {  	[tilespmem:$0x1FF10] =	vst v53;
	v36 =	vld [tilespmem:$0xC040]  }
0x27: {  	v37 =	vld [tilespmem:$0xC050];
	[tilespmem:$0x1FDC0] =	vst v32  }
0x28: {  	v38 =	vld [tilespmem:$0xC060];
	[tilespmem:$0x1FDD0] =	vst v33  }
0x29: {  	v39 =	vld [tilespmem:$0xC070];
	[tilespmem:$0x1FDE0] =	vst v34;
	v0 =	vpop (erf)  }
0x2a: {  	v40 =	vld [tilespmem:$0xC080];
	[tilespmem:$0x1FDF0] =	vst v35;
	v0 =	vadd.f32 $1.000000000e+00, v0  }
0x2b: {  	v41 =	vld [tilespmem:$0xC090];
	[tilespmem:$0x1FE00] =	vst v36  }
0x2c: {  	v42 =	vld [tilespmem:$0xC0A0];
	[tilespmem:$0x1FE10] =	vst v37;
	(erf) = vrcp.f32 v0  }
0x2d: {  	v43 =	vld [tilespmem:$0xC0B0];
	[tilespmem:$0x1FE20] =	vst v38  }
0x2e: {  	v44 =	vld [tilespmem:$0xC0C0];
	[tilespmem:$0x1FE30] =	vst v39  }
0x2f: {  	v45 =	vld [tilespmem:$0xC0D0];
	[tilespmem:$0x1FE40] =	vst v40  }
0x30: {  	v46 =	vld [tilespmem:$0xC0E0];
	[tilespmem:$0x1FE50] =	vst v41  }
0x31: {  	v47 =	vld [tilespmem:$0xC0F0];
	[tilespmem:$0x1FE60] =	vst v42  }
0x32: {  	v3 =	vld [tilespmem:$0xC100];
	[tilespmem:$0x1FE70] =	vst v43  }
0x33: {  	v54 =	vld [tilespmem:$0xC110];
	[tilespmem:$0x1FE80] =	vst v44  }
0x34: {  	[tilespmem:$0x1FE90] =	vst v45  }
0x35: {  	v56 =	vld [tilespmem:$0xC120];
	[tilespmem:$0x1FEA0] =	vst v46;
	v2 =	vpop (erf)  }
0x36: {  	v59 =	vld [tilespmem:$0xC130];
	[tilespmem:$0x1FEB0] =	vst v47;
	(v2sf) =	vpush v2, $0x2  }
0x37: {  	v60 =	vld [tilespmem:$0xC140];
	[tilespmem:$0x1FEE0] =	vst v3  }
0x38: {  	v61 =	vld [tilespmem:$0xC150];
	[tilespmem:$0x1FF20] =	vst v54  }
0x39: {  	v62 =	vld [tilespmem:$0xC160];
	[tilespmem:$0x1FF30] =	vst v1  }
0x3a: {  	v63 =	vld [tilespmem:$0xC170];
	[tilespmem:$0x1FF60] =	vst v56  }
0x3b: {  	[tilespmem:$0x1FFA0] =	vst v59  }
0x3c: {  	[tilespmem:$0x1FFB0] =	vst v60  }
0x3d: {  	[tilespmem:$0x1FFC0] =	vst v61  }
0x3e: {  	v48 =	vbroadcast v1, $0x5;
	[tilespmem:$0x1FFD0] =	vst v62  }
0x3f: {  	v49 =	vbroadcast v1, $0x6;
	[tilespmem:$0x1FFE0] =	vst v63  }
0x40: {  	v51 =	vbroadcast v1, $0x7;
	[tilespmem:$0x1FEC0] =	vst v48  }
0x41: {  	v52 =	vbroadcast v1, $0x8;
	[tilespmem:$0x1FED0] =	vst v49  }
0x42: {  	v1 =	vbroadcast v1, $0x4;
	[tilespmem:$0x1FEF0] =	vst v51  }
0x43: {  	[tilespmem:$0x1FF00] =	vst v52;
	v0 =	vmul.u32 $0x4, v50  }
0x44: {  	vm0 =	vmmov $0x1;
	vm1 =	vmmov $0x3;
	vm2 =	vmmov $0x7;
	[tilespmem:$0x1FF40] =	vst v1  }
0x45: {  	vm3 =	vmmov $0xf;
	vm4 =	vmmov $0x1f;
	[tilespmem:$0x1FFF0] =	vst v0;
	v55 =	vbroadcast v2, $0x0;
	s31 =	spop (v2sf)  }
0x46: {  	vm5 =	vmmov $0x3f;
	vm6 =	vmmov $0x7f;
	[tilespmem:$0x1FF70] =	vst v2;
	v57 =	vbroadcast v2, $0x1;
	s9 =	ssub.f32 $1.000000000e+00, s31  }
0x47: {  	vm7 =	vmmov $0xff;
	vm8 =	vmmov $0x1ff;
	vm9 =	vmmov $0x3ff;
	[tilespmem:$0x1FF50] =	vst v55  }
0x48: {  	vm10 =	vmmov $0x7ff;
	vm11 =	vmmov $0xfff;
	[tilespmem:$0x1FF80] =	vst v57;
	v58 =	vmov s9  }
0x49: {  	vm12 =	vmmov $0x1fff;
	vm13 =	vmmov $0x3fff;
	vm14 =	vmmov $0x7fff;
	s4 =	sadd.s32 $0x19200, s4;
	s9 =	simm.s32 $0x0;
	[tilespmem:$0x1FF90] =	vst v58  }
.LBB2_1:
0x4a: {  	s10 =	smul.u32 $0x6000, s9;
	_ =	sdelay $0x1  }
0x4b: {  	s10 =	sshra.s32 s10, $0x2  }
0x4c: {  	v57 =	vld [tilespmem:s10+$0x0]  }
0x4d: {  	v62 =	vld [tilespmem:s10+$0x10]  }
0x4e: {  	v54 =	vld [tilespmem:s10+$0x20]  }
0x4f: {  	v55 =	vld [tilespmem:s10+$0x30]  }
0x50: {  	v59 =	vld [tilespmem:s10+$0x40]  }
0x51: {  	v63 =	vld [tilespmem:s10+$0x50]  }
0x52: {  	v0 =	vld [tilespmem:s10+$0x60]  }
0x53: {  	v19 =	vld [tilespmem:s10+$0x70]  }
0x54: {  	v23 =	vld [tilespmem:s10+$0x400]  }
0x55: {  	v27 =	vld [tilespmem:s10+$0x410]  }
0x56: {  	v36 =	vld [tilespmem:s10+$0x420]  }
0x57: {  	v39 =	vld [tilespmem:s10+$0x430]  }
0x58: {  	v44 =	vld [tilespmem:s10+$0x440]  }
0x59: {  	v53 =	vld [tilespmem:s10+$0x450]  }
0x5a: {  	v11 =	vld [tilespmem:s10+$0x460]  }
0x5b: {  	v32 =	vld [tilespmem:s10+$0x470]  }
0x5c: {  	v28 =	vld [tilespmem:s10+$0x800]  }
0x5d: {  	v18 =	vld [tilespmem:s10+$0x810]  }
0x5e: {  	v16 =	vld [tilespmem:s10+$0x820]  }
0x5f: {  	v14 =	vld [tilespmem:s10+$0x830]  }
0x60: {  	v13 =	vld [tilespmem:s10+$0x840]  }
0x61: {  	v12 =	vld [tilespmem:s10+$0x850]  }
0x62: {  	v1 =	vld [tilespmem:s10+$0x860]  }
0x63: {  	v43 =	vld [tilespmem:s10+$0x870]  }
0x64: {  	v52 =	vld [tilespmem:s10+$0x80]  }
0x65: {  	v56 =	vld [tilespmem:s10+$0x90]  }
0x66: {  	v51 =	vld [tilespmem:s10+$0xA0]  }
0x67: {  	v50 =	vld [tilespmem:s10+$0xB0]  }
0x68: {  	v47 =	vld [tilespmem:s10+$0xC0]  }
0x69: {  	v58 =	vld [tilespmem:s10+$0xD0]  }
0x6a: {  	v3 =	vld [tilespmem:s10+$0xE0]  }
0x6b: {  	v2 =	vld [tilespmem:s10+$0xF0]  }
0x6c: {  	v20 =	vld [tilespmem:s10+$0x480]  }
0x6d: {  	v26 =	vld [tilespmem:s10+$0x490]  }
0x6e: {  	v49 =	vld [tilespmem:s10+$0x4A0]  }
0x6f: {  	v37 =	vld [tilespmem:s10+$0x4B0]  }
0x70: {  	v42 =	vld [tilespmem:s10+$0x4C0]  }
0x71: {  	v48 =	vld [tilespmem:s10+$0x4D0]  }
0x72: {  	v61 =	vld [tilespmem:s10+$0x4E0]  }
0x73: {  	v45 =	vld [tilespmem:s10+$0x4F0]  }
0x74: {  	v46 =	vld [tilespmem:s10+$0x880]  }
0x75: {  	v60 =	vld [tilespmem:s10+$0x890]  }
0x76: {  	v4 =	vld [tilespmem:s10+$0x8A0]  }
0x77: {  	v5 =	vld [tilespmem:s10+$0x8B0]  }
0x78: {  	v6 =	vld [tilespmem:s10+$0x8C0]  }
0x79: {  	v7 =	vld [tilespmem:s10+$0x8D0]  }
0x7a: {  	v8 =	vld [tilespmem:s10+$0x8E0]  }
0x7b: {  	v9 =	vld [tilespmem:s10+$0x8F0]  }
0x7c: {  	v22 =	vld [tilespmem:s10+$0x120]  }
0x7d: {  	v24 =	vld [tilespmem:s10+$0x130]  }
0x7e: {  	v30 =	vld [tilespmem:s10+$0x140]  }
0x7f: {  	v40 =	vld [tilespmem:s10+$0x150]  }
0x80: {  	v10 =	vld [tilespmem:s10+$0x510]  }
0x81: {  	v15 =	vld [tilespmem:s10+$0x520]  }
0x82: {  	v17 =	vld [tilespmem:s10+$0x530]  }
0x83: {  	v21 =	vld [tilespmem:s10+$0x540]  }
0x84: {  	v25 =	vld [tilespmem:s10+$0x550]  }
0x85: {  	v29 =	vld [tilespmem:s10+$0x560]  }
0x86: {  	v31 =	vld [tilespmem:s10+$0x570]  }
0x87: {  	v33 =	vld [tilespmem:s10+$0x900]  }
0x88: {  	v34 =	vld [tilespmem:s10+$0x910]  }
0x89: {  	v35 =	vld [tilespmem:s10+$0x920]  }
0x8a: {  	v38 =	vld [tilespmem:s10+$0x930]  }
0x8b: {  	v41 =	vld [tilespmem:s10+$0x940]  }
0x8c: {  	[tilespmem:$0x1F360] =	vst v60;
	v60 =	vld [tilespmem:s10+$0x100]  }
0x8d: {  	[tilespmem:$0x1F490] =	vst v1;
	v1 =	vld [tilespmem:s10+$0x110]  }
0x8e: {  	[tilespmem:$0x1F330] =	vst v46;
	v46 =	vld [tilespmem:s10+$0x160]  }
0x8f: {  	[tilespmem:$0x1F310] =	vst v45;
	v45 =	vld [tilespmem:s10+$0x170]  }
0x90: {  	[tilespmem:$0x1F3B0] =	vst v4;
	v4 =	vld [tilespmem:s10+$0x500]  }
0x91: {  	[tilespmem:$0x1F4F0] =	vst v43;
	v43 =	vld [tilespmem:s10+$0x950]  }
0x92: {  	[tilespmem:$0x1F500] =	vst v8;
	v8 =	vld [tilespmem:s10+$0x960]  }
0x93: {  	[tilespmem:$0x1F550] =	vst v9;
	v9 =	vld [tilespmem:s10+$0x970]  }
0x94: {  	[tilespmem:$0x1F4D0] =	vst v38;
	v38 =	vld [tilespmem:s10+$0x180]  }
0x95: {  	[tilespmem:$0x1F510] =	vst v41;
	v41 =	vld [tilespmem:s10+$0x190]  }
0x96: {  	[tilespmem:$0x1F340] =	vst v10;
	v10 =	vld [tilespmem:s10+$0x1B0]  }
0x97: {  	[tilespmem:$0x1F350] =	vst v15;
	v15 =	vld [tilespmem:s10+$0x1C0]  }
0x98: {  	[tilespmem:$0x1F380] =	vst v17;
	v17 =	vld [tilespmem:s10+$0x1D0]  }
0x99: {  	[tilespmem:$0x1F3A0] =	vst v21;
	v21 =	vld [tilespmem:s10+$0x1E0]  }
0x9a: {  	[tilespmem:$0x1F3D0] =	vst v25;
	v25 =	vld [tilespmem:s10+$0x1F0]  }
0x9b: {  	[tilespmem:$0x1F3F0] =	vst v29;
	v29 =	vld [tilespmem:s10+$0x580]  }
0x9c: {  	[tilespmem:$0x1F420] =	vst v31;
	v31 =	vld [tilespmem:s10+$0x590]  }
0x9d: {  	[tilespmem:$0x1F440] =	vst v33;
	v33 =	vld [tilespmem:s10+$0x5A0]  }
0x9e: {  	[tilespmem:$0x1F470] =	vst v34;
	v34 =	vld [tilespmem:s10+$0x5B0]  }
0x9f: {  	[tilespmem:$0x1F4A0] =	vst v35;
	v35 =	vld [tilespmem:s10+$0x5C0]  }
0xa0: {  	[tilespmem:$0x1F4B0] =	vst v7;
	v7 =	vld [tilespmem:$0x1FE30]  }
0xa1: {  	[tilespmem:$0x1F450] =	vst v6;
	v6 =	vld [tilespmem:$0x1FE40]  }
0xa2: {  	[tilespmem:$0x1F400] =	vst v5;
	v5 =	vld [tilespmem:s10+$0x310]  }
0xa3: {  	[tilespmem:$0x1F570] =	vst v43;
	v43 =	vld [tilespmem:s10+$0x1A0]  }
0xa4: {  	[tilespmem:$0x1F5B0] =	vst v8;
	v8 =	vld [tilespmem:s10+$0x5D0]  }
0xa5: {  	[tilespmem:$0x1F610] =	vst v9;
	v9 =	vld [tilespmem:s10+$0x5E0]  }
0xa6: {  	[tilespmem:$0x1F370] =	vst v10;
	v10 =	vld [tilespmem:s10+$0x5F0]  }
0xa7: {  	[tilespmem:$0x1F390] =	vst v15;
	v15 =	vld [tilespmem:s10+$0x980]  }
0xa8: {  	[tilespmem:$0x1F3C0] =	vst v17;
	v17 =	vld [tilespmem:s10+$0x990]  }
0xa9: {  	[tilespmem:$0x1F3E0] =	vst v21;
	v21 =	vld [tilespmem:s10+$0x9A0]  }
0xaa: {  	[tilespmem:$0x1F410] =	vst v25;
	v25 =	vld [tilespmem:s10+$0x9B0]  }
0xab: {  	[tilespmem:$0x1F430] =	vst v29;
	v29 =	vld [tilespmem:s10+$0x9C0]  }
0xac: {  	[tilespmem:$0x1F460] =	vst v31;
	v31 =	vld [tilespmem:s10+$0x9D0]  }
0xad: {  	[tilespmem:$0x1F480] =	vst v33;
	v33 =	vld [tilespmem:s10+$0x9E0]  }
0xae: {  	[tilespmem:$0x1F4C0] =	vst v34;
	v34 =	vld [tilespmem:s10+$0x9F0]  }
0xaf: {  	[tilespmem:$0x1F4E0] =	vst v35;
	v35 =	vld [tilespmem:s10+$0x200]  }
0xb0: {  	[tilespmem:$0x1F320] =	vst v4;
	v4 =	vld [tilespmem:$0x1FE90]  }
0xb1: {  	[tilespmem:$0x1F7E0] =	vst v5;
	v5 =	vld [tilespmem:$0x1FEA0]  }
0xb2: {  	[tilespmem:$0x1F520] =	vst v8;
	v8 =	vld [tilespmem:s10+$0x210]  }
0xb3: {  	[tilespmem:$0x1F540] =	vst v9;
	v9 =	vld [tilespmem:s10+$0x220]  }
0xb4: {  	[tilespmem:$0x1F580] =	vst v10;
	v10 =	vld [tilespmem:s10+$0x230]  }
0xb5: {  	[tilespmem:$0x1F5D0] =	vst v15;
	v15 =	vld [tilespmem:s10+$0x240]  }
0xb6: {  	[tilespmem:$0x1F630] =	vst v17;
	v17 =	vld [tilespmem:s10+$0x250]  }
0xb7: {  	[tilespmem:$0x1F660] =	vst v21;
	v21 =	vld [tilespmem:s10+$0x260]  }
0xb8: {  	[tilespmem:$0x1F6A0] =	vst v25;
	v25 =	vld [tilespmem:s10+$0x270]  }
0xb9: {  	[tilespmem:$0x1F700] =	vst v29;
	v29 =	vld [tilespmem:s10+$0x600]  }
0xba: {  	[tilespmem:$0x1F750] =	vst v31;
	v31 =	vld [tilespmem:s10+$0x610]  }
0xbb: {  	[tilespmem:$0x1F790] =	vst v33;
	v33 =	vld [tilespmem:s10+$0x620]  }
0xbc: {  	[tilespmem:$0x1F7F0] =	vst v34;
	v34 =	vld [tilespmem:s10+$0x630]  }
0xbd: {  	[tilespmem:$0x1F530] =	vst v35;
	v35 =	vld [tilespmem:s10+$0x640]  }
0xbe: {  	[tilespmem:$0x1F560] =	vst v8;
	v8 =	vld [tilespmem:s10+$0x650]  }
0xbf: {  	[tilespmem:$0x1F590] =	vst v9;
	v9 =	vld [tilespmem:s10+$0x660]  }
0xc0: {  	[tilespmem:$0x1F5C0] =	vst v10;
	v10 =	vld [tilespmem:s10+$0x670]  }
0xc1: {  	[tilespmem:$0x1F5F0] =	vst v15;
	v15 =	vld [tilespmem:s10+$0xA00]  }
0xc2: {  	[tilespmem:$0x1F620] =	vst v17;
	v17 =	vld [tilespmem:s10+$0xA10]  }
0xc3: {  	[tilespmem:$0x1F650] =	vst v21;
	v21 =	vld [tilespmem:s10+$0xA20]  }
0xc4: {  	[tilespmem:$0x1F670] =	vst v25;
	v25 =	vld [tilespmem:s10+$0xA30]  }
0xc5: {  	[tilespmem:$0x1F690] =	vst v29;
	v29 =	vld [tilespmem:s10+$0xA40]  }
0xc6: {  	[tilespmem:$0x1F6C0] =	vst v31;
	v31 =	vld [tilespmem:s10+$0xA50]  }
0xc7: {  	[tilespmem:$0x1F6E0] =	vst v33;
	v33 =	vld [tilespmem:s10+$0xA60]  }
0xc8: {  	[tilespmem:$0x1F710] =	vst v34;
	v34 =	vld [tilespmem:s10+$0xA70]  }
0xc9: {  	[tilespmem:$0x1F730] =	vst v35;
	v35 =	vld [tilespmem:s10+$0x280]  }
0xca: {  	[tilespmem:$0x1F810] =	vst v15;
	v15 =	vld [tilespmem:$0x1FDC0]  }
0xcb: {  	[tilespmem:$0x1F830] =	vst v17;
	v17 =	vld [tilespmem:$0x1FDD0]  }
0xcc: {  	[tilespmem:$0x1F850] =	vst v21;
	v21 =	vld [tilespmem:$0x1FDE0]  }
0xcd: {  	[tilespmem:$0x1F760] =	vst v8;
	v8 =	vld [tilespmem:s10+$0x290]  }
0xce: {  	[tilespmem:$0x1F780] =	vst v9;
	v9 =	vld [tilespmem:s10+$0x2A0]  }
0xcf: {  	[tilespmem:$0x1F920] =	vst v33;
	v33 =	vld [tilespmem:s10+$0x2D0]  }
0xd0: {  	[tilespmem:$0x1F8E0] =	vst v31;
	v31 =	vld [tilespmem:$0x1FE00]  }
0xd1: {  	[tilespmem:$0x1F960] =	vst v34;
	v34 =	vld [tilespmem:s10+$0x2E0]  }
0xd2: {  	[tilespmem:$0x1F880] =	vst v25;
	v25 =	vld [tilespmem:$0x1FDF0]  }
0xd3: {  	[tilespmem:$0x1F7B0] =	vst v10;
	v10 =	vld [tilespmem:s10+$0x2B0]  }
0xd4: {  	[tilespmem:$0x1F680] =	vst v33;
	v33 =	vld [tilespmem:$0x1FE10]  }
0xd5: {  	[tilespmem:$0x1F8B0] =	vst v29;
	v29 =	vmul.f32 v59, v31;
	v59 =	vld [tilespmem:s10+$0x680]  }
0xd6: {  	v57 =	vmul.f32 v57, v15;
	[tilespmem:$0x1F6B0] =	vst v34;
	v34 =	vld [tilespmem:$0x1FE20]  }
0xd7: {  	[tilespmem:$0x1F5E0] =	vst v8;
	v8 =	vld [tilespmem:s10+$0x6A0]  }
0xd8: {  	v62 =	vmul.f32 v62, v17;
	[tilespmem:$0x1F640] =	vst v10;
	v10 =	vld [tilespmem:s10+$0x6C0];
	v57 =	vadd.f32 $0.0e+00, v57  }
0xd9: {  	[tilespmem:$0x1F600] =	vst v9;
	v9 =	vld [tilespmem:s10+$0x6B0]  }
0xda: {  	v52 =	vmul.f32 v52, v15;
	v57 =	vadd.f32 v62, v57;
	v62 =	vld [tilespmem:s10+$0x2C0]  }
0xdb: {  	[tilespmem:$0x1F5A0] =	vst v35;
	v35 =	vmul.f32 v63, v33;
	v63 =	vld [tilespmem:s10+$0x690]  }
0xdc: {  	v54 =	vmul.f32 v54, v21;
	v56 =	vmul.f32 v56, v17;
	v52 =	vadd.f32 $0.0e+00, v52;
	[tilespmem:$0x1F6F0] =	vst v59;
	v59 =	vld [tilespmem:s10+$0x6F0]  }
0xdd: {  	v55 =	vmul.f32 v55, v25;
	[tilespmem:$0x1F7A0] =	vst v10;
	v10 =	vld [tilespmem:$0x1FE60]  }
0xde: {  	v51 =	vmul.f32 v51, v21;
	v52 =	vadd.f32 v56, v52;
	[tilespmem:$0x1F740] =	vst v8;
	v8 =	vld [tilespmem:$0x1FE70];
	v54 =	vadd.f32 v54, v57  }
0xdf: {  	[tilespmem:$0x1F770] =	vst v9;
	v9 =	vld [tilespmem:s10+$0xAB0]  }
0xe0: {  	v50 =	vmul.f32 v50, v25;
	v57 =	vld [tilespmem:s10+$0x2F0];
	v51 =	vadd.f32 v51, v52;
	v54 =	vadd.f32 v55, v54  }
0xe1: {  	v52 =	vld [tilespmem:s10+$0x6E0]  }
0xe2: {  	v47 =	vmul.f32 v47, v31;
	v50 =	vadd.f32 v50, v51;
	v54 =	vadd.f32 v29, v54;
	[tilespmem:$0x1F720] =	vst v63;
	v63 =	vld [tilespmem:s10+$0xAA0]  }
0xe3: {  	v0 =	vmul.f32 v0, v34;
	v55 =	vmul.f32 v36, v10;
	v36 =	vld [tilespmem:s10+$0xAD0]  }
0xe4: {  	v51 =	vmul.f32 v58, v33;
	v50 =	vadd.f32 v47, v50;
	[tilespmem:$0x1F8C0] =	vst v9;
	v9 =	vld [tilespmem:$0x1FE80];
	v54 =	vadd.f32 v35, v54  }
0xe5: {  	v19 =	vmul.f32 v19, v7;
	v3 =	vmul.f32 v3, v34;
	v47 =	vld [tilespmem:s10+$0xAF0]  }
0xe6: {  	v29 =	vmul.f32 v23, v6;
	v35 =	vld [tilespmem:s10+$0x6D0];
	v23 =	vadd.f32 v51, v50;
	v0 =	vadd.f32 v0, v54  }
0xe7: {  	[tilespmem:$0x1F6D0] =	vst v57;
	v57 =	vld [tilespmem:s10+$0xA90]  }
0xe8: {  	v2 =	vmul.f32 v2, v7;
	[tilespmem:$0x1F800] =	vst v52;
	v52 =	vld [tilespmem:s10+$0x300];
	v3 =	vadd.f32 v3, v23;
	v0 =	vadd.f32 v19, v0  }
0xe9: {  	v50 =	vld [tilespmem:s10+$0xA80];
	v51 =	vmul.f32 v49, v10  }
0xea: {  	v23 =	vmul.f32 v20, v6;
	v2 =	vadd.f32 v2, v3;
	v0 =	vadd.f32 v29, v0;
	v29 =	vld [tilespmem:$0x1FE50]  }
0xeb: {  	v49 =	vmul.f32 v46, v34;
	v46 =	vld [tilespmem:s10+$0x720];
	[tilespmem:$0x1F7D0] =	vst v35;
	v35 =	vmul.f32 v60, v15  }
0xec: {  	v2 =	vadd.f32 v23, v2;
	v23 =	vld [tilespmem:s10+$0x330]  }
0xed: {  	v1 =	vmul.f32 v1, v17;
	v56 =	vmul.f32 v22, v21;
	[tilespmem:$0x1F9A0] =	vst v47;
	v47 =	vld [tilespmem:s10+$0x320];
	v19 =	vadd.f32 $0.0e+00, v35  }
0xee: {  	v58 =	vmul.f32 v39, v8;
	[tilespmem:$0x1F930] =	vst v36;
	v36 =	vmul.f32 v48, v4;
	v48 =	vld [tilespmem:s10+$0x700]  }
0xef: {  	v39 =	vmul.f32 v44, v9;
	v1 =	vadd.f32 v1, v19;
	v54 =	vmul.f32 v27, v29;
	v27 =	vld [tilespmem:s10+$0xAC0]  }
0xf0: {  	v44 =	vmul.f32 v26, v29;
	v26 =	vmul.f32 v42, v9;
	v42 =	vld [tilespmem:s10+$0x370]  }
0xf1: {  	v60 =	vmul.f32 v24, v25;
	v1 =	vadd.f32 v56, v1;
	[tilespmem:$0x1F820] =	vst v23;
	v23 =	vld [tilespmem:$0x1F370]  }
0xf2: {  	v0 =	vadd.f32 v54, v0;
	v54 =	vld [tilespmem:s10+$0xAE0]  }
0xf3: {  	v35 =	vmul.f32 v30, v31;
	v1 =	vadd.f32 v60, v1;
	v60 =	vld [tilespmem:s10+$0x730]  }
0xf4: {  	v2 =	vadd.f32 v44, v2;
	v0 =	vadd.f32 v55, v0;
	v55 =	vmul.f32 v53, v4;
	v53 =	vld [tilespmem:s10+$0x350]  }
0xf5: {  	v1 =	vadd.f32 v35, v1;
	v35 =	vld [tilespmem:$0x1FEB0]  }
0xf6: {  	v2 =	vadd.f32 v51, v2;
	v51 =	vld [tilespmem:s10+$0x710]  }
0xf7: {  	v40 =	vmul.f32 v40, v33;
	[tilespmem:$0x1F8F0] =	vst v27;
	v27 =	vld [tilespmem:s10+$0x340]  }
0xf8: {  	v0 =	vadd.f32 v58, v0;
	v58 =	vmul.f32 v37, v8;
	v37 =	vld [tilespmem:s10+$0x360]  }
0xf9: {  	v1 =	vadd.f32 v40, v1;
	v40 =	vld [tilespmem:s10+$0x760]  }
0xfa: {  	[tilespmem:$0x1F8D0] =	vst v60;
	v60 =	vld [tilespmem:$0x1F360];
	v0 =	vadd.f32 v39, v0  }
0xfb: {  	v39 =	vmul.f32 v32, v35;
	v32 =	vld [tilespmem:$0x1FEE0]  }
0xfc: {  	v2 =	vadd.f32 v58, v2;
	v0 =	vadd.f32 v55, v0;
	v55 =	vld [tilespmem:$0x1F310]  }
0xfd: {  	v24 =	vmul.f32 v11, v5;
	[tilespmem:$0x1F840] =	vst v27;
	v27 =	vld [tilespmem:$0x1F320]  }
0xfe: {  	v2 =	vadd.f32 v26, v2;
	[tilespmem:$0x1F860] =	vst v37;
	v37 =	vld [tilespmem:$0x1F330]  }
0xff: {  	v0 =	vadd.f32 v24, v0;
	v24 =	vld [tilespmem:s10+$0x740]  }
0x100: {  	v44 =	vmul.f32 v61, v5;
	v2 =	vadd.f32 v36, v2;
	v36 =	vld [tilespmem:s10+$0x750]  }
0x101: {  	[tilespmem:$0x1F7C0] =	vst v52;
	v61 =	vmul.f32 v38, v15;
	v52 =	vmul.f32 v28, v32;
	v28 =	vld [tilespmem:$0x1FF20]  }
0x102: {  	v0 =	vadd.f32 v39, v0;
	v39 =	vmul.f32 v41, v17;
	v41 =	vld [tilespmem:$0x1F340]  }
0x103: {  	[tilespmem:$0x1F890] =	vst v48;
	v3 =	vadd.f32 $0.0e+00, v61;
	v2 =	vadd.f32 v44, v2;
	v44 =	vld [tilespmem:s10+$0x770]  }
0x104: {  	[tilespmem:$0x1F870] =	vst v42;
	v0 =	vadd.f32 v52, v0;
	v52 =	vld [tilespmem:s10+$0xB00]  }
0x105: {  	[tilespmem:$0x1F8A0] =	vst v51;
	v3 =	vadd.f32 v39, v3;
	v39 =	vld [tilespmem:s10+$0xB40]  }
0x106: {  	[tilespmem:$0x1F910] =	vst v36;
	v36 =	vld [tilespmem:s10+$0xB30];
	v26 =	vmul.f32 v18, v28  }
0x107: {  	[tilespmem:$0x1F940] =	vst v40;
	v18 =	vld [tilespmem:$0x1FF60]  }
0x108: {  	[tilespmem:$0x1F900] =	vst v24;
	v0 =	vadd.f32 v26, v0;
	v26 =	vld [tilespmem:s10+$0xB20]  }
0x109: {  	v1 =	vadd.f32 v49, v1;
	v58 =	vmul.f32 v45, v7;
	v49 =	vld [tilespmem:s10+$0xB10];
	[tilespmem:$0x1F950] =	vst v44  }
0x10a: {  	v56 =	vmul.f32 v55, v35;
	v30 =	vmul.f32 v27, v6;
	v27 =	vld [tilespmem:$0x1F380];
	[tilespmem:$0x1F980] =	vst v52  }
0x10b: {  	v1 =	vadd.f32 v58, v1;
	v38 =	vmul.f32 v37, v32;
	v37 =	vld [tilespmem:$0x1F390];
	[tilespmem:$0x1FA20] =	vst v39  }
0x10c: {  	v2 =	vadd.f32 v56, v2;
	v56 =	vld [tilespmem:$0x1F350];
	[tilespmem:$0x1F9F0] =	vst v36  }
0x10d: {  	v1 =	vadd.f32 v30, v1;
	v42 =	vmul.f32 v41, v29;
	v55 =	vmul.f32 v16, v18;
	v16 =	vld [tilespmem:$0x1FFA0];
	[tilespmem:$0x1F9D0] =	vst v26  }
0x10e: {  	v11 =	vld [tilespmem:$0x1F3A0]  }
0x10f: {  	v45 =	vmul.f32 v43, v21;
	v1 =	vadd.f32 v42, v1;
	v42 =	vld [tilespmem:s10+$0xB50]  }
0x110: {  	v43 =	vld [tilespmem:$0x1F3B0]  }
0x111: {  	v3 =	vadd.f32 v45, v3;
	v45 =	vld [tilespmem:$0x1F3C0]  }
0x112: {  	v51 =	vld [tilespmem:s10+$0xB60]  }
0x113: {  	v58 =	vmul.f32 v56, v10;
	v52 =	vld [tilespmem:$0x1F3D0]  }
0x114: {  	v56 =	vld [tilespmem:s10+$0xB70]  }
0x115: {  	v24 =	vmul.f32 v23, v25;
	v1 =	vadd.f32 v58, v1;
	v58 =	vld [tilespmem:$0x1F3E0]  }
0x116: {  	v30 =	vmul.f32 v27, v8;
	v0 =	vadd.f32 v55, v0;
	v27 =	vld [tilespmem:$0x1F400];
	v40 =	vmul.f32 v14, v16  }
0x117: {  	v2 =	vadd.f32 v38, v2;
	v61 =	vmul.f32 v60, v28;
	v14 =	vld [tilespmem:$0x1FFB0]  }
0x118: {  	v3 =	vadd.f32 v24, v3;
	v38 =	vmul.f32 v37, v31;
	v0 =	vadd.f32 v40, v0;
	v40 =	vld [tilespmem:$0x1F410]  }
0x119: {  	v2 =	vadd.f32 v61, v2;
	v41 =	vmul.f32 v11, v9;
	v44 =	vmul.f32 v43, v18;
	v11 =	vld [tilespmem:$0x1F3F0]  }
0x11a: {  	v1 =	vadd.f32 v30, v1;
	v60 =	vmul.f32 v58, v34;
	v58 =	vld [tilespmem:$0x1F450]  }
0x11b: {  	v3 =	vadd.f32 v38, v3;
	v48 =	vmul.f32 v45, v33;
	v2 =	vadd.f32 v44, v2;
	v44 =	vld [tilespmem:$0x1F420]  }
0x11c: {  	v38 =	vld [tilespmem:$0x1F470];
	v55 =	vmul.f32 v52, v4;
	v1 =	vadd.f32 v41, v1  }
0x11d: {  	v3 =	vadd.f32 v48, v3;
	v61 =	vmul.f32 v13, v14;
	v48 =	vld [tilespmem:$0x1F430]  }
0x11e: {  	v19 =	vadd.f32 v55, v1;
	v55 =	vld [tilespmem:$0x1F440];
	v13 =	vmul.f32 v11, v5  }
0x11f: {  	v3 =	vadd.f32 v60, v3;
	v41 =	vmul.f32 v40, v7;
	v0 =	vadd.f32 v61, v0;
	v61 =	vld [tilespmem:$0x1F460]  }
0x120: {  	[tilespmem:$0x1FA60] =	vst v42;
	v60 =	vmul.f32 v58, v14;
	v58 =	vld [tilespmem:$0x1F4C0];
	v42 =	vadd.f32 v13, v19;
	v45 =	vmul.f32 v44, v35  }
0x121: {  	v13 =	vld [tilespmem:$0x1FFC0]  }
0x122: {  	[tilespmem:$0x1FAA0] =	vst v51;
	v3 =	vadd.f32 v41, v3;
	v51 =	vmul.f32 v48, v6;
	v22 =	vadd.f32 v45, v42;
	v42 =	vld [tilespmem:$0x1F480]  }
0x123: {  	v30 =	vmul.f32 v27, v16;
	v45 =	vld [tilespmem:$0x1F490]  }
0x124: {  	[tilespmem:$0x1FAF0] =	vst v56;
	v56 =	vmul.f32 v55, v32;
	v20 =	vadd.f32 v51, v3;
	v51 =	vld [tilespmem:$0x1F4A0]  }
0x125: {  	v2 =	vadd.f32 v30, v2;
	v40 =	vmul.f32 v38, v28;
	v55 =	vld [tilespmem:$0x1F4B0]  }
0x126: {  	v11 =	vmul.f32 v61, v29;
	v61 =	vld [tilespmem:$0x1F4D0];
	v52 =	vmul.f32 v12, v13;
	v12 =	vadd.f32 v56, v22  }
0x127: {  	v2 =	vadd.f32 v60, v2;
	v60 =	vmul.f32 v58, v8;
	v58 =	vld [tilespmem:s10+$0x7D0]  }
0x128: {  	v20 =	vadd.f32 v11, v20;
	v23 =	vadd.f32 v40, v12;
	v12 =	vld [tilespmem:$0x1FFD0]  }
0x129: {  	v0 =	vadd.f32 v52, v0;
	v44 =	vmul.f32 v42, v10;
	v52 =	vmul.f32 v51, v18;
	v51 =	vld [tilespmem:$0x1F4F0]  }
0x12a: {  	v56 =	vmul.f32 v55, v13;
	v55 =	vld [tilespmem:$0x1F500]  }
0x12b: {  	v20 =	vadd.f32 v44, v20;
	v44 =	vld [tilespmem:$0x1F4E0]  }
0x12c: {  	v11 =	vmul.f32 v61, v16;
	v42 =	vld [tilespmem:s10+$0xB80];
	v23 =	vadd.f32 v52, v23  }
0x12d: {  	[tilespmem:$0x1F990] =	vst v58;
	v58 =	vld [tilespmem:s10+$0x7F0]  }
0x12e: {  	v23 =	vadd.f32 v11, v23;
	v11 =	vld [tilespmem:$0x1FFE0]  }
0x12f: {  	v20 =	vadd.f32 v60, v20;
	v60 =	vld [tilespmem:$0x1F510];
	v48 =	vmul.f32 v45, v12  }
0x130: {  	v2 =	vadd.f32 v56, v2;
	v56 =	vmul.f32 v55, v12;
	v55 =	vld [tilespmem:$0x1F530];
	v45 =	vmul.f32 v44, v9  }
0x131: {  	v0 =	vadd.f32 v48, v0;
	v48 =	vld [tilespmem:s10+$0x7C0]  }
0x132: {  	v20 =	vadd.f32 v45, v20;
	v45 =	vld [tilespmem:$0x1F520]  }
0x133: {  	v36 =	vmul.f32 v51, v11;
	v51 =	vld [tilespmem:s10+$0x7E0]  }
0x134: {  	v44 =	vld [tilespmem:$0x1F550]  }
0x135: {  	v2 =	vadd.f32 v56, v2;
	v56 =	vmul.f32 v55, v15;
	v55 =	vld [tilespmem:$0x1F570]  }
0x136: {  	v61 =	vmul.f32 v60, v14;
	v60 =	vld [tilespmem:$0x1F540]  }
0x137: {  	[tilespmem:$0x1F970] =	vst v48;
	v48 =	vmul.f32 v45, v4;
	v45 =	vld [tilespmem:$0x1F560]  }
0x138: {  	[tilespmem:$0x1F9B0] =	vst v51;
	v51 =	vld [tilespmem:s10+$0xB90]  }
0x139: {  	[tilespmem:$0x1F9C0] =	vst v58;
	v58 =	vld [tilespmem:$0x1F580];
	v0 =	vadd.f32 v36, v0  }
0x13a: {  	[tilespmem:$0x1F9E0] =	vst v42;
	v42 =	vld [tilespmem:$0x1F590];
	v23 =	vadd.f32 v61, v23;
	v36 =	vadd.f32 $0.0e+00, v56;
	v56 =	vmul.f32 v55, v13  }
0x13b: {  	v40 =	vmul.f32 v44, v11;
	v44 =	vld [tilespmem:$0x1F600];
	v61 =	vmul.f32 v60, v5  }
0x13c: {  	v20 =	vadd.f32 v48, v20;
	v23 =	vadd.f32 v56, v23;
	v56 =	vld [tilespmem:s10+$0xBC0];
	v48 =	vmul.f32 v45, v17  }
0x13d: {  	[tilespmem:$0x1FA00] =	vst v51;
	v51 =	vld [tilespmem:$0x1F5A0]  }
0x13e: {  	v60 =	vmul.f32 v58, v35;
	v20 =	vadd.f32 v61, v20;
	v36 =	vadd.f32 v48, v36;
	v48 =	vld [tilespmem:s10+$0xBB0]  }
0x13f: {  	v61 =	vld [tilespmem:s10+$0xBA0]  }
0x140: {  	v45 =	vmul.f32 v42, v21;
	v20 =	vadd.f32 v60, v20;
	v60 =	vld [tilespmem:$0x1F5C0]  }
0x141: {  	v42 =	vld [tilespmem:s10+$0xBF0]  }
0x142: {  	v36 =	vadd.f32 v45, v36;
	v45 =	vld [tilespmem:s10+$0xBD0];
	v55 =	vmul.f32 v51, v15  }
0x143: {  	[tilespmem:$0x1FA70] =	vst v48;
	v48 =	vld [tilespmem:$0x1F5D0]  }
0x144: {  	v38 =	vadd.f32 $0.0e+00, v55;
	v55 =	vld [tilespmem:$0x1F5E0]  }
0x145: {  	[tilespmem:$0x1FA30] =	vst v61;
	v61 =	vmul.f32 v60, v25;
	v60 =	vld [tilespmem:$0x1F5F0]  }
0x146: {  	[tilespmem:$0x1FB50] =	vst v42;
	v42 =	vld [tilespmem:$0x1F630]  }
0x147: {  	[tilespmem:$0x1FB00] =	vst v45;
	v45 =	vmul.f32 v44, v21;
	v44 =	vld [tilespmem:$0x1F640]  }
0x148: {  	v51 =	vmul.f32 v48, v32;
	v48 =	vld [tilespmem:$0x1F610]  }
0x149: {  	v58 =	vld [tilespmem:$0x1F5B0];
	[tilespmem:$0x1FAC0] =	vst v56;
	v56 =	vmul.f32 v55, v17  }
0x14a: {  	v36 =	vadd.f32 v61, v36;
	v61 =	vmul.f32 v60, v31;
	v60 =	vld [tilespmem:$0x1F620]  }
0x14b: {  	(xrf2) =	vadd.scan.msk.f32 $0xffff, v0;
	v0 =	vadd.f32 v51, v20;
	v20 =	vadd.f32 v56, v38;
	v38 =	vmul.f32 v42, v28;
	v42 =	vld [tilespmem:$0x1F660]  }
0x14c: {  	v2 =	vadd.f32 v40, v2  }
0x14d: {  	v20 =	vadd.f32 v45, v20;
	v45 =	vmul.f32 v44, v25;
	v51 =	vmul.f32 v48, v11;
	v48 =	vld [tilespmem:$0x1F650]  }
0x14e: {  	v40 =	vmul.f32 v58, v12  }
0x14f: {  	(xrf2) =	vadd.scan.msk.f32 $0xffff, v2;
	v2 =	vadd.f32 v61, v36;
	v61 =	vmul.f32 v60, v33;
	v20 =	vadd.f32 v45, v20;
	v45 =	vld [tilespmem:$0x1F670]  }
0x150: {  	v23 =	vadd.f32 v40, v23;
	v0 =	vadd.f32 v38, v0;
	v44 =	vmul.f32 v42, v18  }
0x151: {  	v2 =	vadd.f32 v61, v2  }
0x152: {  	v23 =	vadd.f32 v51, v23;
	v0 =	vadd.f32 v44, v0;
	v44 =	vld [tilespmem:$0x1F690];
	v51 =	vmul.f32 v48, v34  }
0x153: {  	v38 =	vld [tilespmem:$0x1F680]  }
0x154: {  	v48 =	vmul.f32 v45, v7;
	v2 =	vadd.f32 v51, v2  }
0x155: {  	v26 =	vld [tilespmem:s10+$0x380]  }
0x156: {  	v40 =	vmul.f32 v62, v31;
	v2 =	vadd.f32 v48, v2;
	v48 =	vld [tilespmem:s10+$0xC70]  }
0x157: {  	v45 =	vmul.f32 v44, v6;
	v44 =	vld [tilespmem:$0x1F6C0]  }
0x158: {  	v20 =	vadd.f32 v40, v20;
	v40 =	vmul.f32 v38, v33;
	v38 =	vld [tilespmem:$0x1F6B0]  }
0x159: {  	v42 =	vld [tilespmem:s10+$0xC60]  }
0x15a: {  	v37 =	vld [tilespmem:s10+$0x3B0]  }
0x15b: {  	[tilespmem:$0x1FA40] =	vst v48;
	v48 =	vld [tilespmem:s10+$0x1010]  }
0x15c: {  	(xrf2) =	vadd.scan.msk.f32 $0xffff, v23;
	v23 =	vmul.f32 v44, v29;
	v44 =	vld [tilespmem:s10+$0x1020]  }
0x15d: {  	v36 =	vld [tilespmem:$0x1F6A0];
	v20 =	vadd.f32 v40, v20;
	v40 =	vmul.f32 v38, v34  }
0x15e: {  	[tilespmem:$0x1FA10] =	vst v42;
	v42 =	vld [tilespmem:s10+$0x1000]  }
0x15f: {  	v20 =	vadd.f32 v40, v20;
	v40 =	vld [tilespmem:$0x1F6D0]  }
0x160: {  	[tilespmem:$0x1FA80] =	vst v48;
	v48 =	vld [tilespmem:$0x1F6E0]  }
0x161: {  	[tilespmem:$0x1FA90] =	vst v44;
	v44 =	vld [tilespmem:s10+$0x1030]  }
0x162: {  	v39 =	vld [tilespmem:s10+$0x3E0]  }
0x163: {  	v24 =	vld [tilespmem:s10+$0x780];
	v36 =	vmul.f32 v36, v16  }
0x164: {  	v43 =	vld [tilespmem:s10+$0x390]  }
0x165: {  	v0 =	vadd.f32 v36, v0;
	[tilespmem:$0x1FA50] =	vst v42;
	v42, _, _ =	vpop (xrf2);
	v36 =	vmul.f32 v40, v7;
	v38 =	vmul.f32 v48, v10;
	v48 =	vld [tilespmem:$0x1F6F0]  }
0x166: {  	v51 =	vmov v7;
	v2 =	vadd.f32 v45, v2;
	v7, _, _ =	vpop (xrf2);
	[tilespmem:$0x1FAD0] =	vst v44;
	v44 =	vld [tilespmem:$0x1F710]  }
0x167: {  	v20 =	vadd.f32 v36, v20;
	v36 =	vbroadcast v7, $0xF;
	v7 =	vld [tilespmem:s10+$0x1040]  }
0x168: {  	v2 =	vadd.f32 v23, v2;
	v23 =	vbroadcast v42, $0xF;
	v42 =	vld [tilespmem:$0x1F700]  }
0x169: {  	v27 =	vld [tilespmem:s10+$0x790]  }
0x16a: {  	v23 =	vsel vm0, v23, v36;
	v36 =	vld [tilespmem:$0x1F720]  }
0x16b: {  	v40 =	vmul.f32 v48, v6;
	v48 =	vmul.f32 v44, v8;
	v44 =	vld [tilespmem:$0x1F730]  }
0x16c: {  	[tilespmem:$0x1FAE0] =	vst v7;
	v7 =	vld [tilespmem:s10+$0x1050]  }
0x16d: {  	v2 =	vadd.f32 v38, v2;
	v38 =	vmul.f32 v42, v14;
	v42 =	vld [tilespmem:$0x1F740]  }
0x16e: {  	v20 =	vadd.f32 v40, v20;
	v40 =	vld [tilespmem:s10+$0x1060]  }
0x16f: {  	v1 =	vld [tilespmem:s10+$0x3A0]  }
0x170: {  	v2 =	vadd.f32 v48, v2;
	v48 =	vmul.f32 v44, v9;
	v44 =	vld [tilespmem:s10+$0x1400]  }
0x171: {  	v30 =	vld [tilespmem:s10+$0x7A0];
	v36 =	vmul.f32 v36, v29  }
0x172: {  	[tilespmem:$0x1FB10] =	vst v7;
	v7, _, _ =	vpop (xrf2);
	v2 =	vadd.f32 v48, v2;
	v48 =	vld [tilespmem:$0x1F750]  }
0x173: {  	v20 =	vadd.f32 v36, v20;
	v36 =	vbroadcast v7, $0xF;
	v7 =	vld [tilespmem:$0x1F760];
	[tilespmem:$0x1FB20] =	vst v40;
	v40 =	vmul.f32 v42, v10  }
0x174: {  	v45 =	vmov v29;
	v29 =	vld [tilespmem:s10+$0x1070]  }
0x175: {  	v20 =	vadd.f32 v40, v20;
	v40 =	vld [tilespmem:s10+$0x1420];
	[tilespmem:$0x1FB60] =	vst v44;
	v44 =	vsel vm1, v23, v36  }
0x176: {  	[tilespmem:$0x1FDA0] =	vst v44;
	v44 =	vld [tilespmem:$0x1F780]  }
0x177: {  	v0 =	vadd.f32 v38, v0;
	v38 =	vmul.f32 v48, v13;
	v48 =	vld [tilespmem:$0x1F770]  }
0x178: {  	v41 =	vld [tilespmem:s10+$0x3D0];
	v42 =	vmul.f32 v7, v4  }
0x179: {  	[tilespmem:$0x1FB40] =	vst v29;
	v29 =	vmov v10;
	v10 =	vld [tilespmem:s10+$0x1410]  }
0x17a: {  	v2 =	vadd.f32 v42, v2;
	v42 =	vld [tilespmem:$0x1F7A0]  }
0x17b: {  	v0 =	vadd.f32 v38, v0;
	v38 =	vld [tilespmem:s10+$0x1430]  }
0x17c: {  	[tilespmem:$0x1FB90] =	vst v40;
	v40 =	vld [tilespmem:$0x1F790];
	v7 =	vmul.f32 v48, v8;
	v48 =	vmul.f32 v44, v5  }
0x17d: {  	v44 =	vld [tilespmem:s10+$0x1440]  }
0x17e: {  	v2 =	vadd.f32 v48, v2;
	v48 =	vld [tilespmem:$0x1F7B0]  }
0x17f: {  	[tilespmem:$0x1FB80] =	vst v10;
	v20 =	vadd.f32 v7, v20;
	v7 =	vld [tilespmem:$0x1F7C0]  }
0x180: {  	v10 =	vmov v8;
	v8 =	vmov v9;
	[tilespmem:$0x1FBB0] =	vst v38;
	v38 =	vmul.f32 v42, v9;
	v9 =	vld [tilespmem:s10+$0x1450]  }
0x181: {  	v19 =	vld [tilespmem:s10+$0x3C0]  }
0x182: {  	[tilespmem:$0x1FBE0] =	vst v44;
	v44 =	vld [tilespmem:$0x1F7D0]  }
0x183: {  	v23 =	vmul.f32 v40, v12;
	v42 =	vadd.f32 v38, v20;
	v38 =	vld [tilespmem:$0x1F7E0]  }
0x184: {  	v3 =	vld [tilespmem:s10+$0xC80];
	v36 =	vmul.f32 v48, v35;
	v40 =	vmul.f32 v7, v15  }
0x185: {  	[tilespmem:$0x1FC00] =	vst v9;
	v9 =	vld [tilespmem:s10+$0x1460]  }
0x186: {  	v36 =	vadd.f32 v36, v2;
	v2 =	vadd.f32 $0.0e+00, v40;
	v40 =	vld [tilespmem:s10+$0x1470]  }
0x187: {  	v48 =	vmul.f32 v44, v4;
	v44 =	vld [tilespmem:$0x1F800]  }
0x188: {  	v7 =	vmov v4;
	v38 =	vmul.f32 v38, v17;
	v4 =	vld [tilespmem:$0x1F810]  }
0x189: {  	v20 =	vadd.f32 v48, v42;
	v42 =	vld [tilespmem:$0x1F7F0]  }
0x18a: {  	v47 =	vmul.f32 v47, v21;
	v22 =	vld [tilespmem:s10+$0x3F0];
	v38 =	vadd.f32 v38, v2  }
0x18b: {  	v58 =	vld [tilespmem:s10+$0xBE0]  }
0x18c: {  	v52 =	vld [tilespmem:s10+$0x7B0];
	v38 =	vadd.f32 v47, v38;
	v47 =	vmul.f32 v26, v15  }
0x18d: {  	[tilespmem:$0x1FC30] =	vst v9;
	v9 =	vmov v5;
	v48 =	vmul.f32 v44, v5;
	v5 =	vmul.f32 v4, v32;
	v4 =	vld [tilespmem:$0x1F820]  }
0x18e: {  	v62 =	vld [tilespmem:s10+$0xC40];
	v23 =	vadd.f32 v23, v0;
	[tilespmem:$0x1FC50] =	vst v40;
	v40 =	vmul.f32 v42, v11  }
0x18f: {  	v0 =	vmul.f32 v43, v17;
	v44 =	vmul.f32 v50, v32;
	v50 =	vld [tilespmem:$0x1F840];
	v47 =	vadd.f32 $0.0e+00, v47  }
0x190: {  	v59 =	vmul.f32 v59, v35;
	[tilespmem:$0x1FB30] =	vst v58;
	v58 =	vld [tilespmem:s10+$0xC20];
	v48 =	vadd.f32 v48, v20;
	v40 =	vadd.f32 v40, v23  }
0x191: {  	v1 =	vmul.f32 v1, v21;
	v55 =	vld [tilespmem:s10+$0xC10];
	v47 =	vadd.f32 v0, v47  }
0x192: {  	v36 =	vadd.f32 v5, v36;
	v5 =	vmul.f32 v4, v25;
	[tilespmem:$0x1FD40] =	vst v40;
	v40 =	vadd.f32 v59, v48;
	v48 =	vld [tilespmem:$0x1F830]  }
0x193: {  	v37 =	vmul.f32 v37, v25;
	v43 =	vmul.f32 v53, v33;
	v53 =	vld [tilespmem:s10+$0x1080];
	v1 =	vadd.f32 v1, v47  }
0x194: {  	v59 =	vmul.f32 v50, v31;
	v50 =	vld [tilespmem:$0x1F850];
	v38 =	vadd.f32 v5, v38  }
0x195: {  	v1 =	vadd.f32 v37, v1;
	v37 =	vld [tilespmem:$0x1F880]  }
0x196: {  	v4 =	vadd.f32 v59, v38;
	v59 =	vld [tilespmem:$0x1F860]  }
0x197: {  	v56 =	vld [tilespmem:s10+$0xC00];
	v42 =	vmul.f32 v48, v28  }
0x198: {  	[tilespmem:$0x1FAB0] =	vst v53;
	v53 =	vmul.f32 v57, v28;
	v57 =	vld [tilespmem:$0x1F870]  }
0x199: {  	v60 =	vld [tilespmem:s10+$0xC30];
	v50 =	vmul.f32 v50, v18;
	v42 =	vadd.f32 v42, v36  }
0x19a: {  	v61 =	vld [tilespmem:s10+$0xC50];
	v48 =	vadd.f32 v43, v4  }
0x19b: {  	v2 =	vld [tilespmem:s10+$0xC90];
	v43 =	vmul.f32 v37, v16;
	v4 =	vmul.f32 v59, v34;
	v59 =	vadd.f32 v50, v42  }
0x19c: {  	v19 =	vmul.f32 v19, v31;
	v26 =	vld [tilespmem:s10+$0xCC0]  }
0x19d: {  	v48 =	vadd.f32 v4, v48;
	v4 =	vmul.f32 v57, v51;
	v37 =	vadd.f32 v43, v59;
	v43 =	vld [tilespmem:s10+$0x10E0]  }
0x19e: {  	v44 =	vadd.f32 v44, v40;
	v50 =	vld [tilespmem:$0x1F8A0]  }
0x19f: {  	v1 =	vadd.f32 v19, v1;
	v19 =	vmul.f32 v41, v33;
	v57 =	vadd.f32 v4, v48;
	v4 =	vld [tilespmem:$0x1F890]  }
0x1a0: {  	v20 =	vld [tilespmem:s10+$0xCA0]  }
0x1a1: {  	v63 =	vmul.f32 v63, v18;
	v53 =	vadd.f32 v53, v44;
	v1 =	vadd.f32 v19, v1;
	v19 =	vld [tilespmem:$0x1F8B0]  }
0x1a2: {  	[tilespmem:$0x1FB70] =	vst v43;
	v43 =	vld [tilespmem:s10+$0x1480]  }
0x1a3: {  	v41 =	vadd.f32 v63, v53;
	v53 =	vmul.f32 v50, v45;
	v50 =	vld [tilespmem:$0x1F8C0]  }
0x1a4: {  	v23 =	vld [tilespmem:s10+$0xCB0];
	v0 =	vmul.f32 v4, v6  }
0x1a5: {  	v47 =	vld [tilespmem:s10+$0x10C0]  }
0x1a6: {  	v5 =	vld [tilespmem:s10+$0xCD0];
	v0 =	vadd.f32 v0, v57  }
0x1a7: {  	[tilespmem:$0x1FBA0] =	vst v43;
	v43 =	vld [tilespmem:s10+$0x1490]  }
0x1a8: {  	v40 =	vld [tilespmem:s10+$0x1090];
	v19 =	vmul.f32 v19, v14;
	v0 =	vadd.f32 v53, v0;
	v53 =	vmul.f32 v50, v16  }
0x1a9: {  	v46 =	vmul.f32 v46, v29;
	v50 =	vld [tilespmem:s10+$0x14A0]  }
0x1aa: {  	v19 =	vadd.f32 v19, v37;
	v37 =	vadd.f32 v53, v41;
	v53 =	vld [tilespmem:$0x1F8D0]  }
0x1ab: {  	v39 =	vmul.f32 v39, v34;
	v0 =	vadd.f32 v46, v0;
	v46 =	vld [tilespmem:$0x1F8F0]  }
0x1ac: {  	[tilespmem:$0x1FBC0] =	vst v43;
	v43 =	vld [tilespmem:s10+$0x14C0]  }
0x1ad: {  	v22 =	vmul.f32 v22, v51;
	v38 =	vld [tilespmem:s10+$0xCF0];
	v1 =	vadd.f32 v39, v1  }
0x1ae: {  	v44 =	vld [tilespmem:s10+$0x10B0]  }
0x1af: {  	v24 =	vmul.f32 v24, v6;
	v1 =	vadd.f32 v22, v1;
	v59 =	vld [tilespmem:s10+$0x14B0]  }
0x1b0: {  	v41 =	vld [tilespmem:$0x1F8E0];
	[tilespmem:$0x1FBF0] =	vst v50;
	v57 =	vmul.f32 v53, v10  }
0x1b1: {  	v1 =	vadd.f32 v24, v1;
	v50 =	vmul.f32 v46, v14;
	v53 =	vld [tilespmem:$0x1F900];
	[tilespmem:$0x1FC40] =	vst v43;
	v43 =	vmul.f32 v27, v45  }
0x1b2: {  	v46 =	vld [tilespmem:s10+$0x14E0]  }
0x1b3: {  	v24 =	vadd.f32 v50, v37;
	v37 =	vadd.f32 v43, v1;
	v43 =	vld [tilespmem:$0x1F920]  }
0x1b4: {  	[tilespmem:$0x1FC10] =	vst v59;
	v59 =	vld [tilespmem:s10+$0x14D0]  }
0x1b5: {  	v22 =	vmul.f32 v41, v13;
	v41 =	vld [tilespmem:s10+$0x14F0]  }
0x1b6: {  	v50 =	vld [tilespmem:$0x1F910]  }
0x1b7: {  	v63 =	vld [tilespmem:s10+$0x10F0];
	v0 =	vadd.f32 v57, v0;
	v57 =	vmul.f32 v53, v8  }
0x1b8: {  	[tilespmem:$0x1FC70] =	vst v46;
	v46 =	vmul.f32 v43, v12;
	v43 =	vld [tilespmem:$0x1F960]  }
0x1b9: {  	v30 =	vmul.f32 v30, v29;
	[tilespmem:$0x1FC60] =	vst v59;
	v0 =	vadd.f32 v57, v0;
	v57 =	vld [tilespmem:$0x1F940]  }
0x1ba: {  	v59 =	vmov v29;
	v29 =	vmul.f32 v52, v10;
	[tilespmem:$0x1FC90] =	vst v41;
	v41 =	vld [tilespmem:$0x1F950]  }
0x1bb: {  	v22 =	vadd.f32 v22, v19;
	v53 =	vmul.f32 v50, v7;
	v50 =	vld [tilespmem:$0x1F930];
	v30 =	vadd.f32 v30, v37  }
0x1bc: {  	v36 =	vld [tilespmem:s10+$0xCE0]  }
0x1bd: {  	v37 =	vadd.f32 v29, v30;
	v30 =	vld [tilespmem:$0x1F980];
	v39 =	vadd.f32 v46, v22;
	v52 =	vmul.f32 v43, v11  }
0x1be: {  	v0 =	vadd.f32 v53, v0;
	v29 =	vld [tilespmem:$0x1F9A0];
	v4 =	vmul.f32 v57, v9  }
0x1bf: {  	v57 =	vld [tilespmem:$0x1F990];
	v39 =	vadd.f32 v52, v39  }
0x1c0: {  	v41 =	vmul.f32 v41, v35;
	v53 =	vmul.f32 v50, v13;
	v50 =	vld [tilespmem:$0x1F970];
	v0 =	vadd.f32 v4, v0  }
0x1c1: {  	[tilespmem:$0x1FD50] =	vst v39;
	v39 =	vld [tilespmem:$0x1F9B0]  }
0x1c2: {  	v42 =	vld [tilespmem:s10+$0x10A0];
	v46 =	vadd.f32 v53, v24;
	v0 =	vadd.f32 v41, v0;
	v41 =	vmul.f32 v54, v12  }
0x1c3: {  	v48 =	vld [tilespmem:s10+$0x10D0]  }
0x1c4: {  	v19 =	vld [tilespmem:s10+$0xD10];
	v54 =	vmul.f32 v29, v11;
	v4 =	vmul.f32 v57, v7;
	v57 =	vadd.f32 v41, v46  }
0x1c5: {  	v27 =	vld [tilespmem:s10+$0xD40];
	v53 =	vmul.f32 v50, v8  }
0x1c6: {  	v43 =	vmul.f32 v30, v32;
	v46 =	vmul.f32 v39, v9;
	v39 =	vadd.f32 v54, v57;
	v57 =	vld [tilespmem:$0x1F9C0]  }
0x1c7: {  	v29 =	vld [tilespmem:s10+$0x1110];
	v50 =	vadd.f32 v53, v37  }
0x1c8: {  	v0 =	vadd.f32 v43, v0;
	v43 =	vmul.f32 v56, v15;
	[tilespmem:$0x1FD60] =	vst v39;
	v39 =	vld [tilespmem:$0x1F9D0]  }
0x1c9: {  	v1 =	vld [tilespmem:s10+$0xD00];
	v52 =	vadd.f32 v4, v50  }
0x1ca: {  	v55 =	vmul.f32 v55, v17;
	v22 =	vld [tilespmem:s10+$0xD20];
	v43 =	vadd.f32 $0.0e+00, v43  }
0x1cb: {  	v24 =	vld [tilespmem:s10+$0xD30];
	v46 =	vadd.f32 v46, v52;
	v4 =	vmul.f32 v57, v35  }
0x1cc: {  	v49 =	vmul.f32 v49, v28;
	v30 =	vld [tilespmem:s10+$0xD50];
	[tilespmem:$0x1FBD0] =	vst v29;
	v29 =	vmul.f32 v58, v21;
	v43 =	vadd.f32 v55, v43  }
0x1cd: {  	v3 =	vmul.f32 v3, v15;
	v54 =	vadd.f32 v4, v46;
	v46 =	vmul.f32 v39, v18;
	v39 =	vld [tilespmem:s10+$0x1150]  }
0x1ce: {  	v60 =	vmul.f32 v60, v25;
	v41 =	vld [tilespmem:s10+$0xD70];
	v49 =	vadd.f32 v49, v0;
	v43 =	vadd.f32 v29, v43  }
0x1cf: {  	v3 =	vadd.f32 $0.0e+00, v3;
	v2 =	vmul.f32 v2, v17;
	v56 =	vld [tilespmem:s10+$0x1140]  }
0x1d0: {  	v37 =	vld [tilespmem:s10+$0xD60];
	v43 =	vadd.f32 v60, v43;
	v58 =	vadd.f32 v46, v49;
	v46 =	vmul.f32 v62, v31  }
0x1d1: {  	v61 =	vmul.f32 v61, v33;
	v50 =	vld [tilespmem:s10+$0x1100]  }
0x1d2: {  	v2 =	vadd.f32 v2, v3;
	v4 =	vld [tilespmem:$0x1F9E0];
	v43 =	vadd.f32 v46, v43;
	[tilespmem:$0x1FC20] =	vst v39;
	v39 =	vmul.f32 v20, v21  }
0x1d3: {  	v46 =	vld [tilespmem:$0x1FA00]  }
0x1d4: {  	v2 =	vadd.f32 v39, v2;
	v39 =	vadd.f32 v61, v43;
	v43 =	vld [tilespmem:$0x1FA10]  }
0x1d5: {  	v55 =	vld [tilespmem:s10+$0x1500]  }
0x1d6: {  	v52 =	vld [tilespmem:s10+$0x1120]  }
0x1d7: {  	v60 =	vld [tilespmem:$0x1FA30]  }
0x1d8: {  	v57 =	vld [tilespmem:s10+$0x1130];
	v29 =	vmul.f32 v4, v32  }
0x1d9: {  	v49 =	vld [tilespmem:s10+$0x1160];
	v53 =	vmul.f32 v46, v28;
	v46 =	vmul.f32 v43, v34  }
0x1da: {  	v0 =	vadd.f32 v29, v54;
	v29 =	vld [tilespmem:$0x1F9F0]  }
0x1db: {  	v61 =	vadd.f32 v46, v39;
	v46 =	vld [tilespmem:$0x1FA40]  }
0x1dc: {  	v62 =	vmul.f32 v60, v18;
	v60 =	vld [tilespmem:s10+$0x1560]  }
0x1dd: {  	v20 =	vld [tilespmem:s10+$0x1510]  }
0x1de: {  	v54 =	vld [tilespmem:s10+$0x1170]  }
0x1df: {  	v0 =	vadd.f32 v53, v0;
	v53 =	vld [tilespmem:$0x1FA20];
	v3 =	vmul.f32 v29, v16  }
0x1e0: {  	v39 =	vld [tilespmem:s10+$0x1570];
	v4 =	vmul.f32 v46, v51  }
0x1e1: {  	v3 =	vadd.f32 v3, v58;
	v58 =	vld [tilespmem:s10+$0x1540]  }
0x1e2: {  	v4 =	vadd.f32 v4, v61;
	v61 =	vld [tilespmem:$0x1FA50]  }
0x1e3: {  	v23 =	vmul.f32 v23, v25;
	[tilespmem:$0x1FCE0] =	vst v60;
	v60 =	vld [tilespmem:$0x1FA90]  }
0x1e4: {  	v29 =	vld [tilespmem:s10+$0x1520]  }
0x1e5: {  	v26 =	vmul.f32 v26, v31;
	v2 =	vadd.f32 v23, v2;
	[tilespmem:$0x1FD00] =	vst v39;
	v39 =	vld [tilespmem:$0x1FA80]  }
0x1e6: {  	v23 =	vmul.f32 v53, v14;
	v53 =	vld [tilespmem:s10+$0x1550];
	[tilespmem:$0x1FCB0] =	vst v58;
	v58 =	vmul.f32 v5, v33  }
0x1e7: {  	v2 =	vadd.f32 v26, v2;
	v0 =	vadd.f32 v62, v0;
	v46 =	vld [tilespmem:$0x1FA60];
	v62 =	vmul.f32 v61, v6  }
0x1e8: {  	[tilespmem:$0x1FC80] =	vst v20;
	v20 =	vmul.f32 v36, v34;
	v36 =	vld [tilespmem:s10+$0xD80]  }
0x1e9: {  	v2 =	vadd.f32 v58, v2;
	v4 =	vadd.f32 v62, v4;
	v62 =	vmul.f32 v60, v59;
	v60 =	vld [tilespmem:$0x1FAB0]  }
0x1ea: {  	v26 =	vld [tilespmem:$0x1FA70];
	v58 =	vmov v45;
	v45 =	vmul.f32 v39, v45  }
0x1eb: {  	v43 =	vld [tilespmem:s10+$0x1530];
	[tilespmem:$0x1FCA0] =	vst v29;
	v2 =	vadd.f32 v20, v2  }
0x1ec: {  	v29 =	vld [tilespmem:s10+$0xDA0];
	[tilespmem:$0x1FCC0] =	vst v53;
	v53 =	vmul.f32 v46, v13;
	v46 =	vmul.f32 v38, v51;
	v4 =	vadd.f32 v45, v4  }
0x1ed: {  	v20 =	vld [tilespmem:$0x1FAD0]  }
0x1ee: {  	v2 =	vadd.f32 v46, v2;
	v4 =	vadd.f32 v62, v4;
	v62 =	vld [tilespmem:$0x1FAC0];
	v45 =	vmul.f32 v60, v6  }
0x1ef: {  	v38 =	vld [tilespmem:s10+$0xDB0]  }
0x1f0: {  	v39 =	vmov v59;
	v40 =	vmul.f32 v40, v58;
	v59 =	vld [tilespmem:$0x1FAA0];
	v2 =	vadd.f32 v45, v2  }
0x1f1: {  	v26 =	vmul.f32 v26, v16;
	v61 =	vld [tilespmem:s10+$0xD90]  }
0x1f2: {  	v3 =	vadd.f32 v23, v3;
	v2 =	vadd.f32 v40, v2;
	v40 =	vld [tilespmem:$0x1FAF0]  }
0x1f3: {  	v0 =	vadd.f32 v26, v0;
	v46 =	vld [tilespmem:$0x1FB00];
	v26 =	vmul.f32 v62, v14  }
0x1f4: {  	v3 =	vadd.f32 v53, v3;
	v53 =	vmov v51;
	v51 =	vld [tilespmem:s10+$0xDC0]  }
0x1f5: {  	v23 =	vmul.f32 v59, v12;
	v0 =	vadd.f32 v26, v0;
	v26 =	vld [tilespmem:$0x1FAE0]  }
0x1f6: {  	v5 =	vmul.f32 v20, v10;
	v20 =	vld [tilespmem:$0x1FB10]  }
0x1f7: {  	v59 =	vmov v6;
	v6 =	vld [tilespmem:s10+$0xDD0];
	v3 =	vadd.f32 v23, v3;
	v23 =	vmul.f32 v40, v11  }
0x1f8: {  	v45 =	vld [tilespmem:s10+$0xDE0]  }
0x1f9: {  	v60 =	vmovc v10;
	v40 =	vmul.f32 v42, v39;
	v3 =	vadd.f32 v23, v3;
	v23 =	vmul.f32 v44, v10;
	v10 =	vld [tilespmem:$0x1FB20]  }
0x1fa: {  	v4 =	vadd.f32 v5, v4;
	v42 =	vld [tilespmem:s10+$0x1180];
	v5 =	vmul.f32 v26, v8  }
0x1fb: {  	v26 =	vld [tilespmem:s10+$0xDF0];
	v2 =	vadd.f32 v40, v2  }
0x1fc: {  	v62 =	vmov v8;
	v44 =	vld [tilespmem:s10+$0x11A0];
	v4 =	vadd.f32 v5, v4;
	v5 =	vmul.f32 v46, v13  }
0x1fd: {  	v40 =	vmul.f32 v47, v62;
	v2 =	vadd.f32 v23, v2;
	v23 =	vld [tilespmem:$0x1FB30]  }
0x1fe: {  	v8 =	vmovc v39;
	v39 =	vmovc v9;
	v46 =	vmov v7;
	v0 =	vadd.f32 v5, v0;
	v5 =	vmul.f32 v10, v9;
	v9 =	vld [tilespmem:$0x1FB40]  }
0x1ff: {  	v7 =	vmul.f32 v20, v46;
	v2 =	vadd.f32 v40, v2;
	v10 =	vmul.f32 v48, v46;
	v48 =	vld [tilespmem:$0x1FB50]  }
0x200: {  	v47 =	vld [tilespmem:s10+$0x11C0]  }
0x201: {  	v4 =	vadd.f32 v7, v4;
	v2 =	vadd.f32 v10, v2;
	v10 =	vld [tilespmem:$0x1FB60]  }
0x202: {  	[tilespmem:$0x1FD70] =	vst v3;
	v20 =	vld [tilespmem:s10+$0x1190];
	v3 =	vmul.f32 v23, v12  }
0x203: {  	v40 =	vld [tilespmem:s10+$0x11F0];
	v4 =	vadd.f32 v5, v4  }
0x204: {  	v0 =	vadd.f32 v3, v0;
	v5 =	vmul.f32 v9, v35;
	v3 =	vmul.f32 v48, v11;
	v48 =	vld [tilespmem:$0x1FB70]  }
0x205: {  	v1 =	vmul.f32 v1, v15;
	v7 =	vld [tilespmem:s10+$0x11B0]  }
0x206: {  	v23 =	vld [tilespmem:s10+$0x11E0];
	v4 =	vadd.f32 v5, v4;
	v10 =	vmul.f32 v10, v32  }
0x207: {  	v19 =	vmul.f32 v19, v17;
	v9 =	vld [tilespmem:s10+$0x11D0];
	v5 =	vadd.f32 $0.0e+00, v1  }
0x208: {  	v0 =	vadd.f32 v3, v0;
	v3 =	vadd.f32 v10, v4;
	v10 =	vmul.f32 v36, v15;
	v36 =	vld [tilespmem:$0x1FB80]  }
0x209: {  	v1 =	vld [tilespmem:s10+$0x1580];
	v5 =	vadd.f32 v19, v5;
	v19 =	vmul.f32 v48, v39  }
0x20a: {  	v22 =	vmul.f32 v22, v21;
	[tilespmem:$0x1FD80] =	vst v0;
	v0 =	vld [tilespmem:s10+$0x15A0]  }
0x20b: {  	v4 =	vld [tilespmem:s10+$0x15B0];
	v10 =	vadd.f32 $0.0e+00, v10;
	v19 =	vadd.f32 v19, v2  }
0x20c: {  	v48 =	vld [tilespmem:s10+$0x1590];
	v2 =	vadd.f32 v22, v5;
	v5 =	vmul.f32 v24, v25;
	v24 =	vmul.f32 v61, v17  }
0x20d: {  	v61 =	vld [tilespmem:s10+$0x15C0];
	v22 =	vmul.f32 v36, v28  }
0x20e: {  	v36 =	vmul.f32 v63, v35;
	v10 =	vadd.f32 v24, v10;
	v63 =	vmul.f32 v29, v21;
	v29 =	vld [tilespmem:s10+$0x15E0]  }
0x20f: {  	v27 =	vmul.f32 v27, v31;
	v5 =	vadd.f32 v5, v2;
	v2 =	vld [tilespmem:s10+$0xE70]  }
0x210: {  	v10 =	vadd.f32 v63, v10;
	v63 =	vld [tilespmem:$0x1FB90]  }
0x211: {  	v3 =	vadd.f32 v22, v3;
	v24 =	vadd.f32 v27, v5;
	v27 =	vld [tilespmem:$0x1FBA0]  }
0x212: {  	v19 =	vadd.f32 v36, v19;
	v36 =	vmul.f32 v30, v33;
	v22 =	vmul.f32 v51, v31;
	v51 =	vld [tilespmem:s10+$0xE20]  }
0x213: {  	v30 =	vmul.f32 v38, v25;
	v38 =	vld [tilespmem:s10+$0xE30];
	[tilespmem:$0x1FCD0] =	vst v61  }
0x214: {  	v61 =	vld [tilespmem:s10+$0x15D0];
	v24 =	vadd.f32 v36, v24;
	[tilespmem:$0x1FD10] =	vst v29;
	v29 =	vmul.f32 v37, v34  }
0x215: {  	v36 =	vmul.f32 v50, v59;
	v50 =	vmul.f32 v45, v34;
	v45 =	vld [tilespmem:$0x1FBF0]  }
0x216: {  	v5 =	vmul.f32 v63, v18;
	v24 =	vadd.f32 v29, v24;
	v29 =	vld [tilespmem:$0x1FBC0]  }
0x217: {  	v37 =	vld [tilespmem:s10+$0xE40]  }
0x218: {  	v10 =	vadd.f32 v30, v10;
	v3 =	vadd.f32 v5, v3;
	v5 =	vld [tilespmem:$0x1FBB0]  }
0x219: {  	v41 =	vmul.f32 v41, v53;
	v27 =	vmul.f32 v27, v32;
	[tilespmem:$0x1FCF0] =	vst v61;
	v61 =	vld [tilespmem:s10+$0x15F0]  }
0x21a: {  	v10 =	vadd.f32 v22, v10;
	v63 =	vld [tilespmem:s10+$0xE10]  }
0x21b: {  	v19 =	vadd.f32 v27, v19;
	v24 =	vadd.f32 v41, v24;
	v22 =	vmul.f32 v29, v28;
	v29 =	vld [tilespmem:$0x1FBD0]  }
0x21c: {  	v6 =	vmul.f32 v6, v33;
	v41 =	vld [tilespmem:s10+$0xE50]  }
0x21d: {  	v30 =	vmul.f32 v5, v16;
	v19 =	vadd.f32 v22, v19;
	v22 =	vadd.f32 v36, v24;
	v36 =	vld [tilespmem:$0x1FBE0]  }
0x21e: {  	[tilespmem:$0x1FD20] =	vst v61;
	v61 =	vld [tilespmem:s10+$0xE00]  }
0x21f: {  	v5 =	vld [tilespmem:s10+$0x1210];
	v30 =	vadd.f32 v30, v3;
	v3 =	vadd.f32 v6, v10  }
0x220: {  	v52 =	vmul.f32 v52, v8;
	v10 =	vld [tilespmem:s10+$0xE60];
	v24 =	vmul.f32 v29, v58  }
0x221: {  	v26 =	vmul.f32 v26, v53;
	v29 =	vld [tilespmem:s10+$0x1200];
	v6 =	vadd.f32 v50, v3;
	v50 =	vmul.f32 v45, v18  }
0x222: {  	v45 =	vmul.f32 v42, v59;
	v42 =	vld [tilespmem:s10+$0x1230];
	v27 =	vmul.f32 v36, v14;
	v22 =	vadd.f32 v24, v22  }
0x223: {  	v19 =	vadd.f32 v50, v19;
	v50 =	vmul.f32 v57, v60;
	v57 =	vmul.f32 v20, v58;
	v20 =	vld [tilespmem:$0x1FC10]  }
0x224: {  	v30 =	vadd.f32 v27, v30;
	v27 =	vld [tilespmem:s10+$0x1220]  }
0x225: {  	v3 =	vmov v8;
	v6 =	vadd.f32 v26, v6;
	v22 =	vadd.f32 v52, v22;
	v52 =	vld [tilespmem:$0x1FC00]  }
0x226: {  	v8 =	vmul.f32 v44, v3;
	v44 =	vld [tilespmem:s10+$0x1610]  }
0x227: {  	v6 =	vadd.f32 v45, v6;
	v22 =	vadd.f32 v50, v22;
	v50 =	vmul.f32 v56, v62;
	v56 =	vld [tilespmem:$0x1FC20]  }
0x228: {  	v45 =	vld [tilespmem:s10+$0x1240]  }
0x229: {  	v6 =	vadd.f32 v57, v6;
	v24 =	vadd.f32 v50, v22;
	v22 =	vld [tilespmem:s10+$0x1270]  }
0x22a: {  	v50 =	vld [tilespmem:$0x1FC30]  }
0x22b: {  	v7 =	vmul.f32 v7, v60;
	v36 =	vmul.f32 v52, v13;
	v52 =	vld [tilespmem:s10+$0x1250];
	v6 =	vadd.f32 v8, v6  }
0x22c: {  	v26 =	vmul.f32 v20, v16;
	v57 =	vmul.f32 v56, v46;
	v56 =	vld [tilespmem:$0x1FC40]  }
0x22d: {  	v47 =	vmul.f32 v47, v62;
	v20 =	vld [tilespmem:$0x1FC60];
	v6 =	vadd.f32 v7, v6  }
0x22e: {  	v19 =	vadd.f32 v26, v19;
	v26 =	vld [tilespmem:s10+$0x1600]  }
0x22f: {  	v9 =	vmul.f32 v9, v46;
	v30 =	vadd.f32 v36, v30;
	v36 =	vld [tilespmem:s10+$0x1260];
	v47 =	vadd.f32 v47, v6  }
0x230: {  	v24 =	vadd.f32 v57, v24;
	v57 =	vld [tilespmem:$0x1FC50];
	[tilespmem:$0x1FD30] =	vst v52;
	v52 =	vmul.f32 v50, v12  }
0x231: {  	v23 =	vmul.f32 v23, v39;
	v7 =	vld [tilespmem:s10+$0x1620];
	v9 =	vadd.f32 v9, v47;
	v8 =	vmul.f32 v56, v14  }
0x232: {  	v49 =	vmul.f32 v49, v39;
	v50 =	vadd.f32 v52, v30;
	v30 =	vld [tilespmem:s10+$0x1630]  }
0x233: {  	v9 =	vadd.f32 v23, v9;
	v23 =	vld [tilespmem:s10+$0xEA0];
	v8 =	vadd.f32 v8, v19  }
0x234: {  	v19 =	vadd.f32 v49, v24;
	v49 =	vmul.f32 v54, v35;
	v24 =	vld [tilespmem:s10+$0x1640];
	v54 =	vmul.f32 v20, v13  }
0x235: {  	v52 =	vmul.f32 v57, v11;
	v57 =	vmul.f32 v40, v35;
	v40 =	vld [tilespmem:s10+$0xE80]  }
0x236: {  	v55 =	vmul.f32 v55, v32;
	v56 =	vadd.f32 v49, v19;
	v8 =	vadd.f32 v54, v8;
	v54 =	vld [tilespmem:$0x1FC70]  }
0x237: {  	v1 =	vmul.f32 v1, v32;
	v9 =	vadd.f32 v57, v9;
	v57 =	vld [tilespmem:$0x1FCA0]  }
0x238: {  	v52 =	vadd.f32 v52, v50;
	v50 =	vadd.f32 v55, v56;
	v56 =	vld [tilespmem:$0x1FC80]  }
0x239: {  	v19 =	vld [tilespmem:s10+$0x1650];
	v1 =	vadd.f32 v1, v9;
	v9 =	vmul.f32 v48, v28  }
0x23a: {  	v49 =	vld [tilespmem:s10+$0x1660]  }
0x23b: {  	v0 =	vmul.f32 v0, v18;
	v4 =	vmul.f32 v4, v16;
	[tilespmem:$0x1FD90] =	vst v52;
	v52 =	vld [tilespmem:s10+$0x1670];
	v1 =	vadd.f32 v9, v1  }
0x23c: {  	v55 =	vld [tilespmem:s10+$0xE90];
	v47 =	vmul.f32 v54, v12;
	v54 =	vmul.f32 v61, v15  }
0x23d: {  	v61 =	vmul.f32 v57, v18;
	v57 =	vld [tilespmem:s10+$0xEB0];
	v0 =	vadd.f32 v0, v1;
	v20 =	vmul.f32 v56, v28  }
0x23e: {  	v56 =	vld [tilespmem:$0x1FC90];
	v54 =	vadd.f32 $0.0e+00, v54  }
0x23f: {  	v63 =	vmul.f32 v63, v17;
	v0 =	vadd.f32 v4, v0;
	v4 =	vld [tilespmem:s10+$0x1690];
	v20 =	vadd.f32 v20, v50  }
0x240: {  	v50 =	vld [tilespmem:s10+$0xEF0]  }
0x241: {  	v20 =	vadd.f32 v61, v20;
	v61 =	vadd.f32 v63, v54;
	v63 =	vmul.f32 v51, v21;
	v51 =	vld [tilespmem:s10+$0xED0]  }
0x242: {  	v6 =	vmul.f32 v43, v16;
	v54 =	vld [tilespmem:$0x1FCC0]  }
0x243: {  	v8 =	vadd.f32 v47, v8;
	v47 =	vmul.f32 v56, v11;
	v56 =	vmul.f32 v40, v15;
	v40 =	vld [tilespmem:s10+$0xEE0]  }
0x244: {  	v48 =	vadd.f32 v63, v61;
	v61 =	vmul.f32 v55, v17;
	v55 =	vld [tilespmem:s10+$0x1280]  }
0x245: {  	v38 =	vmul.f32 v38, v25;
	v20 =	vadd.f32 v6, v20;
	v6 =	vld [tilespmem:$0x1FCE0]  }
0x246: {  	v37 =	vmul.f32 v37, v31;
	v8 =	vadd.f32 v47, v8;
	v47 =	vld [tilespmem:s10+$0xEC0]  }
0x247: {  	v9 =	vadd.f32 $0.0e+00, v56;
	v56 =	vmul.f32 v41, v33;
	v41 =	vld [tilespmem:s10+$0x12B0];
	v63 =	vadd.f32 v38, v48  }
0x248: {  	v48 =	vld [tilespmem:$0x1FCB0]  }
0x249: {  	v38 =	vld [tilespmem:s10+$0x1290];
	v1 =	vadd.f32 v37, v63  }
0x24a: {  	v23 =	vmul.f32 v23, v21;
	v9 =	vadd.f32 v61, v9;
	v63 =	vmul.f32 v10, v34;
	v10 =	vld [tilespmem:s10+$0x12D0]  }
0x24b: {  	v1 =	vadd.f32 v56, v1;
	v56 =	vld [tilespmem:$0x1FCD0]  }
0x24c: {  	v61 =	vmul.f32 v57, v25;
	v9 =	vadd.f32 v23, v9;
	v23 =	vmul.f32 v47, v31;
	v47 =	vld [tilespmem:s10+$0x12E0]  }
0x24d: {  	v43 =	vmul.f32 v48, v14;
	v48 =	vld [tilespmem:s10+$0x12A0]  }
0x24e: {  	v37 =	vmul.f32 v54, v13;
	v9 =	vadd.f32 v61, v9;
	v61 =	vld [tilespmem:s10+$0x12F0]  }
0x24f: {  	v1 =	vadd.f32 v63, v1;
	v63 =	vmul.f32 v51, v33;
	v20 =	vadd.f32 v43, v20;
	v43 =	vld [tilespmem:s10+$0x12C0]  }
0x250: {  	v9 =	vadd.f32 v23, v9;
	v23 =	vmul.f32 v55, v59;
	v55 =	vld [tilespmem:$0x1FD10];
	v54 =	vmul.f32 v56, v14  }
0x251: {  	v57 =	vmul.f32 v2, v53;
	v20 =	vadd.f32 v37, v20;
	v37 =	vld [tilespmem:s10+$0x1680]  }
0x252: {  	v9 =	vadd.f32 v63, v9;
	v63 =	vld [tilespmem:$0x1FCF0];
	v51 =	vadd.f32 v54, v0  }
0x253: {  	v0 =	vadd.f32 v57, v1;
	v57 =	vmul.f32 v29, v59;
	v54 =	vmul.f32 v6, v12;
	v6 =	vld [tilespmem:s10+$0x16A0]  }
0x254: {  	v29 =	vmul.f32 v40, v34;
	v40 =	vmul.f32 v27, v3;
	v27 =	vld [tilespmem:s10+$0x16E0]  }
0x255: {  	v56 =	vmov v3;
	v3 =	vmul.f32 v41, v60;
	v41 =	vld [tilespmem:s10+$0xFA0]  }
0x256: {  	v20 =	vadd.f32 v54, v20;
	v54 =	vld [tilespmem:$0x1FD00]  }
0x257: {  	v1 =	vadd.f32 v57, v0;
	v0 =	vld [tilespmem:s10+$0x16B0]  }
0x258: {  	v5 =	vmul.f32 v5, v58;
	v2 =	vmul.f32 v63, v13;
	v63 =	vld [tilespmem:s10+$0x16C0]  }
0x259: {  	v9 =	vadd.f32 v29, v9;
	v29 =	vmul.f32 v50, v53;
	v57 =	vmovc v58;
	v58 =	vmov v53;
	v53 =	vld [tilespmem:s10+$0xF00]  }
0x25a: {  	v50 =	vadd.f32 v2, v51;
	v2 =	vadd.f32 v5, v1;
	v1 =	vld [tilespmem:s10+$0x16D0];
	v5 =	vmul.f32 v55, v12  }
0x25b: {  	v9 =	vadd.f32 v29, v9;
	v55 =	vmul.f32 v48, v56;
	v48 =	vld [tilespmem:s10+$0xF20];
	v51 =	vmul.f32 v54, v11  }
0x25c: {  	v42 =	vmul.f32 v42, v60;
	v40 =	vadd.f32 v40, v2;
	v54 =	vld [tilespmem:$0x1FD20]  }
0x25d: {  	v9 =	vadd.f32 v23, v9;
	v2 =	vadd.f32 v51, v20;
	v51 =	vmul.f32 v38, v57;
	v38 =	vld [tilespmem:s10+$0xF10]  }
0x25e: {  	v29 =	vadd.f32 v42, v40;
	v40 =	vmul.f32 v45, v62;
	v45 =	vld [tilespmem:s10+$0xF80]  }
0x25f: {  	v9 =	vadd.f32 v51, v9;
	v51 =	vld [tilespmem:$0x1FD30]  }
0x260: {  	v23 =	vadd.f32 v5, v50;
	v50 =	vld [tilespmem:s10+$0xF90]  }
0x261: {  	v20 =	vld [tilespmem:s10+$0xF30];
	v5 =	vmul.f32 v54, v11;
	v55 =	vadd.f32 v55, v9  }
0x262: {  	v36 =	vmul.f32 v36, v39;
	v29 =	vadd.f32 v40, v29;
	v54 =	vmul.f32 v53, v15;
	v9 =	vld [tilespmem:s10+$0xF50]  }
0x263: {  	v23 =	vadd.f32 v5, v23;
	v5 =	vadd.f32 v3, v55;
	v55 =	vmul.f32 v45, v15;
	v45 =	vld [tilespmem:s10+$0xFB0]  }
0x264: {  	v38 =	vmul.f32 v38, v17;
	v40 =	vmul.f32 v51, v46;
	v51 =	vadd.f32 $0.0e+00, v54;
	v54 =	vld [tilespmem:s10+$0xF40]  }
0x265: {  	v53 =	vmul.f32 v43, v62;
	v17 =	vmul.f32 v50, v17;
	v43 =	vadd.f32 $0.0e+00, v55;
	v55 =	vld [tilespmem:s10+$0xFD0]  }
0x266: {  	v15 =	vmul.f32 v48, v21;
	v29 =	vadd.f32 v40, v29;
	v38 =	vadd.f32 v38, v51;
	v40 =	vld [tilespmem:s10+$0xFC0]  }
0x267: {  	v10 =	vmul.f32 v10, v46;
	v41 =	vmul.f32 v41, v21;
	v5 =	vadd.f32 v53, v5;
	v51 =	vld [tilespmem:s10+$0xF60]  }
0x268: {  	v20 =	vmul.f32 v20, v25;
	v50 =	vadd.f32 v17, v43;
	v38 =	vadd.f32 v15, v38;
	v15 =	vld [tilespmem:s10+$0xF70]  }
0x269: {  	v29 =	vadd.f32 v36, v29;
	v17 =	vmul.f32 v45, v25;
	v25 =	vmul.f32 v47, v39;
	v47 =	vld [tilespmem:s10+$0xFE0]  }
0x26a: {  	v54 =	vmul.f32 v54, v31;
	v36 =	vadd.f32 v41, v50;
	v50 =	vld [tilespmem:s10+$0x1300];
	v53 =	vadd.f32 v20, v38  }
0x26b: {  	v9 =	vmul.f32 v9, v33;
	v38 =	vmul.f32 v55, v33;
	v33 =	vld [tilespmem:s10+$0x1320]  }
0x26c: {  	v5 =	vadd.f32 v10, v5;
	v10 =	vadd.f32 v54, v53;
	v53 =	vld [tilespmem:s10+$0xFF0]  }
0x26d: {  	v22 =	vmul.f32 v22, v35;
	v55 =	vmul.f32 v61, v35;
	v54 =	vld [tilespmem:s10+$0x1310]  }
0x26e: {  	v48 =	vadd.f32 v17, v36;
	v40 =	vmul.f32 v40, v31;
	v61 =	vmul.f32 v15, v58;
	v15 =	vld [tilespmem:s10+$0x1380]  }
0x26f: {  	v5 =	vadd.f32 v25, v5;
	v20 =	vmul.f32 v47, v34;
	v47 =	vld [tilespmem:s10+$0x1390]  }
0x270: {  	v22 =	vadd.f32 v22, v29;
	v29 =	vadd.f32 v40, v48;
	v40 =	vld [tilespmem:s10+$0x13D0]  }
0x271: {  	v37 =	vmul.f32 v37, v32;
	v5 =	vadd.f32 v55, v5;
	v48 =	vmul.f32 v44, v28;
	v44 =	vld [tilespmem:s10+$0x13E0]  }
0x272: {  	v26 =	vmul.f32 v26, v32;
	v45 =	vmul.f32 v50, v59;
	v50 =	vld [tilespmem:s10+$0x1330]  }
0x273: {  	v51 =	vmul.f32 v51, v34;
	v9 =	vadd.f32 v9, v10;
	v5 =	vadd.f32 v37, v5;
	v37 =	vld [tilespmem:s10+$0x1740]  }
0x274: {  	v22 =	vadd.f32 v26, v22;
	v42 =	vmul.f32 v53, v58;
	v53 =	vld [tilespmem:s10+$0x13A0]  }
0x275: {  	v17 =	vadd.f32 v38, v29;
	v9 =	vadd.f32 v51, v9;
	v51 =	vmul.f32 v54, v57;
	v54 =	vld [tilespmem:s10+$0x1340]  }
0x276: {  	v7 =	vmul.f32 v7, v18;
	v22 =	vadd.f32 v48, v22;
	v58 =	vld [tilespmem:s10+$0x13B0]  }
0x277: {  	v20 =	vadd.f32 v20, v17;
	v17 =	vld [tilespmem:s10+$0x1360]  }
0x278: {  	v7 =	vadd.f32 v7, v22;
	v22 =	vld [tilespmem:$0x1FFF0];
	v9 =	vadd.f32 v61, v9  }
0x279: {  	v41 =	vmul.f32 v15, v59;
	v59 =	vld [tilespmem:s10+$0x1350]  }
0x27a: {  	v4 =	vmul.f32 v4, v28;
	v15 =	vld [tilespmem:s10+$0x13C0];
	v9 =	vadd.f32 v45, v9  }
0x27b: {  	v55 =	vmul.f32 v33, v56;
	v10 =	vmul.f32 v40, v46;
	v40 =	vld [tilespmem:s10+$0x17B0];
	v20 =	vadd.f32 v42, v20  }
0x27c: {  	v4 =	vadd.f32 v4, v5;
	v61 =	vmul.f32 v50, v60;
	v50 =	vld [tilespmem:s10+$0x13F0];
	v9 =	vadd.f32 v51, v9  }
0x27d: {  	v36 =	vmul.f32 v47, v57;
	v42 =	vmul.f32 v6, v18;
	v45 =	vld [tilespmem:s10+$0x1700];
	v20 =	vadd.f32 v41, v20  }
0x27e: {  	v41 =	vld [tilespmem:s10+$0x1370];
	v9 =	vadd.f32 v55, v9  }
0x27f: {  	v3 =	vadd.f32 v42, v4;
	v42 =	vld [tilespmem:s10+$0x1750];
	v25 =	vmul.f32 v53, v56;
	v20 =	vadd.f32 v36, v20  }
0x280: {  	v30 =	vmul.f32 v30, v16;
	v34 =	vmul.f32 v54, v62;
	v53 =	vld [tilespmem:s10+$0x1710];
	v33 =	vadd.f32 v61, v9  }
0x281: {  	v0 =	vmul.f32 v0, v16;
	v29 =	vmul.f32 v58, v60;
	v56 =	vld [tilespmem:s10+$0x1720];
	v20 =	vadd.f32 v25, v20  }
0x282: {  	v1 =	vmul.f32 v1, v13;
	v60 =	vld [tilespmem:s10+$0x1790];
	v43 =	vmul.f32 v59, v46;
	v5 =	vadd.f32 v34, v33  }
0x283: {  	v57 =	vmul.f32 v44, v39;
	v26 =	vmul.f32 v15, v62;
	v62 =	vld [tilespmem:s10+$0x1730];
	v20 =	vadd.f32 v29, v20  }
0x284: {  	v7 =	vadd.f32 v30, v7;
	v48 =	vmul.f32 v17, v39;
	v46 =	vld [tilespmem:$0x1FD50];
	v47 =	vadd.f32 v43, v5  }
0x285: {  	v51 =	vmul.f32 v24, v14;
	v0 =	vadd.f32 v0, v3;
	v55 =	vld [tilespmem:s10+$0x1780];
	v20 =	vadd.f32 v26, v20  }
0x286: {  	s11 =	sshll.u32 s9, $0x4;
	v59 =	vmul.f32 v45, v32;
	v45 =	vld [tilespmem:s10+$0x17C0];
	v54 =	vmul.f32 v41, v35;
	v4 =	vadd.f32 v48, v47  }
0x287: {  	v15 =	vmov s11;
	v9 =	vmul.f32 v50, v35;
	v35 =	vld [tilespmem:s10+$0x17A0];
	v10 =	vadd.f32 v10, v20  }
0x288: {  	v7 =	vadd.f32 v51, v7;
	v41 =	vmul.f32 v49, v12;
	v49 =	vld [tilespmem:$0x1FD60];
	v58 =	vadd.f32 v54, v4  }
0x289: {  	v51 =	vmul.f32 v37, v14;
	v61 =	vmul.f32 v19, v13;
	v43 =	vld [tilespmem:$0x1FD40];
	v10 =	vadd.f32 v57, v10  }
0x28a: {  	v39 =	vmul.f32 v56, v18;
	v34 =	vmul.f32 v53, v28;
	v53 =	vld [tilespmem:s10+$0x1760];
	v3 =	vadd.f32 v59, v58  }
0x28b: {  	v6 =	vadd.f32 v61, v7;
	v61 =	vld [tilespmem:s10+$0x1770];
	v38 =	vmul.f32 v55, v32;
	v36 =	vadd.f32 v9, v10  }
0x28c: {  	v56 =	vmul.f32 v40, v16;
	v33 =	vmul.f32 v63, v14;
	v54 =	vld [tilespmem:$0x1FD70];
	v3 =	vadd.f32 v34, v3  }
0x28d: {  	v44 =	vmul.f32 v62, v16;
	v5 =	vmul.f32 v60, v28;
	v58 =	vld [tilespmem:$0x1FD80];
	v7 =	vadd.f32 v38, v36  }
0x28e: {  	v62 =	vld [tilespmem:$0x1FD90];
	v55 =	vmul.f32 v52, v11;
	v0 =	vadd.f32 v33, v0;
	(xrf2) =	vadd.scan.msk.f32 $0xffff, v43;
	v3 =	vadd.f32 v39, v3  }
0x28f: {  	v6 =	vadd.f32 v41, v6;
	v48 =	vmul.f32 v35, v18;
	v57 =	vld [tilespmem:s10+$0x17D0];
	(xrf2) =	vadd.scan.msk.f32 $0xffff, v46;
	v5 =	vadd.f32 v5, v7  }
0x290: {  	v60 =	vmul.f32 v42, v13;
	v63 =	vmul.f32 v45, v14;
	v47 =	vld [tilespmem:s10+$0x16F0];
	(xrf2) =	vadd.scan.msk.f32 $0xffff, v49;
	v50 =	vadd.f32 v44, v3  }
0x291: {  	v14 =	vld [tilespmem:s10+$0x17E0];
	v0 =	vadd.f32 v1, v0;
	v59 =	vmul.f32 v27, v12;
	(xrf2) =	vadd.scan.msk.f32 $0xffff, v54;
	v5 =	vadd.f32 v48, v5  }
0x292: {  	v6 =	vadd.f32 v55, v6;
	v16 =	vmul.f32 v53, v12;
	(xrf2) =	vadd.scan.msk.f32 $0xffff, v58;
	v1 =	vadd.f32 v51, v50  }
0x293: {  	v24 =	vmul.f32 v61, v11;
	v0 =	vadd.f32 v59, v0;
	(xrf2) =	vadd.scan.msk.f32 $0xffff, v62;
	v5 =	vadd.f32 v56, v5  }
0x294: {  	v18 =	vld [tilespmem:s10+$0x17F0];
	v21 =	vmul.f32 v57, v13;
	v3 =	vshll.u32 v15, $0x2;
	(xrf2) =	vadd.scan.msk.f32 $0xffff, v8;
	v1 =	vadd.f32 v60, v1  }
0x295: {  	v7 =	vmul.f32 v47, v11;
	v3 =	vor.u32 v22, v3;
	(xrf2) =	vadd.scan.msk.f32 $0xffff, v2;
	v17 =	vadd.f32 v63, v5  }
0x296: {  	v32 =	vld [tilespmem:$0x1FDA0];
	v26 =	vmul.f32 v14, v12;
	v9 =	vor.u32 $0x1, v3;
	(xrf2) =	vadd.scan.msk.f32 $0xffff, v23;
	v1 =	vadd.f32 v16, v1  }
0x297: {  	v45 =	vld [tilespmem:$0x1FEC0];
	v0 =	vadd.f32 v7, v0;
	v29 =	vor.u32 $0x2, v3;
	v4 =	vadd.f32 v21, v17  }
0x298: {  	v46 =	vld [tilespmem:$0x1FED0];
	v25, _, _ =	vpop (xrf2);
	(xrf2) =	vadd.scan.msk.f32 $0xffff, v6;
	v1 =	vadd.f32 v24, v1  }
0x299: {  	v49 =	vld [tilespmem:$0x1FEF0];
	v5 =	vmul.f32 v18, v11;
	v27 =	vbroadcast v25, $0xF;
	v28, _, _ =	vpop (xrf2);
	(xrf2) =	vadd.scan.msk.f32 $0xffff, v0;
	v4 =	vadd.f32 v26, v4  }
0x29a: {  	v30, _, _ =	vpop (xrf2);
	v31 =	vbroadcast v28, $0xF;
	v34 =	vld.idx.msk [tilespmem:v3+s8+$0x0], $0xffff;
	v3 =	vor.u32 $0x3, v3;
	(xrf2) =	vadd.scan.msk.f32 $0xffff, v1  }
0x29b: {  	v7 =	vsel vm2, v32, v27;
	v6 =	vbroadcast v30, $0xF;
	v33, _, _ =	vpop (xrf2);
	v37 =	vld.idx.msk [tilespmem:v9+s8+$0x0], $0xffff;
	v4 =	vadd.f32 v5, v4  }
0x29c: {  	v0 =	vsel vm3, v7, v31;
	v2 =	vld.idx.msk [tilespmem:v29+s8+$0x0], $0xffff;
	v36 =	vbroadcast v33, $0xF;
	v35, _, _ =	vpop (xrf2)  }
0x29d: {  	v50 =	vld [tilespmem:$0x1FF10];
	v0 =	vsel vm4, v0, v6;
	v38, _, _ =	vpop (xrf2);
	v39 =	vbroadcast v35, $0xF;
	(xrf2) =	vadd.scan.msk.f32 $0xffff, v4  }
0x29e: {  	v55 =	vld [tilespmem:$0x1FF00];
	v0 =	vsel vm5, v0, v36;
	v40 =	vbroadcast v38, $0xF;
	v41, _, _ =	vpop (xrf2)  }
0x29f: {  	v3 =	vld.idx.msk [tilespmem:v3+s8+$0x0], $0xffff;
	v1 =	vmul.f32 v34, v45;
	v42, _, _ =	vpop (xrf2);
	v0 =	vsel vm6, v0, v39;
	v43 =	vbroadcast v41, $0xF  }
0x2a0: {  	v57 =	vld [tilespmem:$0x1FDB0];
	v5 =	vmul.f32 v37, v46;
	v0 =	vsel vm7, v0, v40;
	v4 =	vbroadcast v42, $0xF;
	v44, _, _ =	vpop (xrf2)  }
0x2a1: {  	v2 =	vmul.f32 v2, v49;
	v0 =	vsel vm8, v0, v43;
	v47 =	vbroadcast v44, $0xF  }
0x2a2: {  	v59 =	vld [tilespmem:$0x1FF50];
	v48, _, _ =	vpop (xrf2);
	v1 =	vadd.f32 v5, v1;
	v5 =	vor.u32 s11, v50;
	v0 =	vsel vm9, v0, v4  }
0x2a3: {  	v51, _, _ =	vpop (xrf2);
	v52 =	vbroadcast v48, $0xF;
	v5 =	vcvt.s32.f32 v5;
	v0 =	vsel vm10, v0, v47  }
0x2a4: {  	v60 =	vld [tilespmem:$0x1FF40];
	v1 =	vadd.f32 v2, v1;
	v54 =	vbroadcast v51, $0xF;
	v3 =	vmul.f32 v3, v55;
	v53, _, _ =	vpop (xrf2)  }
0x2a5: {  	v0 =	vsel vm11, v0, v52;
	v5 =	vmul.f32 v5, v57;
	v56 =	vbroadcast v53, $0xF  }
0x2a6: {  	v62 =	vld [tilespmem:$0x1FF80];
	v0 =	vsel vm12, v0, v54  }
0x2a7: {  	v1 =	vadd.f32 v3, v1;
	v3 =	vmul.f32 v5, v59;
	v58, _, _ =	vpop (xrf2);
	v0 =	vsel vm13, v0, v56  }
0x2a8: {  	v61 =	vsub.f32 $1.000000000e+00, v5;
	v0 =	vsel vm14, v0, v58  }
0x2a9: {  	v1 =	vadd.f32 v1, v60;
	v0 =	vadd.f32 v0, v3  }
0x2aa: {  	v63 =	vld [tilespmem:$0x1FF90]  }
0x2ab: {  	v0 =	vadd.f32 v1, v0;
	v1 =	vmul.f32 v61, v62;
	_ =	sdelay $0x1  }
0x2ac: {  	v0 =	vsub.f32 v0, v1;
	_ =	sdelay $0x1  }
0x2ad: {  	v0 =	vmul.f32 v0, v63;
	_ =	sdelay $0x1  }
0x2ae: {  	v0 =	vsub.f32 $0.0e+00, v0;
	_ =	sdelay $0x1  }
0x2af: {  	v0 =	vmul.f32 $1.442695020e+00, v0;
	_ =	sdelay $0x1  }
0x2b0: {  	(erf) = vpow2.f32 v0;
	_ =	sdelay $0x8  }
0x2b1: {  	v0 =	vpop (erf)  }
0x2b2: {  	v0 =	vadd.f32 $1.000000000e+00, v0;
	_ =	sdelay $0x1  }
0x2b3: {  	(erf) = vrcp.f32 v0;
	_ =	sdelay $0x5  }
0x2b4: {  	p0 =	sne.s32 s9, $0x7  }
.Ltmp0:
0x2b5: {  	_ = 	snop;
	(pc) =	sbr.rel @p0 .LBB2_1-.Ltmp0, $4  }
0x2b6: {  	_ = 	snop  }
0x2b7: {  	v0 =	vpop (erf)  }
0x2b8: {  	[tilespmem:s11+$0xC400] =	vst v0  }
0x2b9: {  	s9 =	sadd.s32 $0x1, s9;
	[tilespmem:s11+$0xC480] =	vst v0  }
0x2ba: {  	v1 =	vimm.f32 $-1.000000000e+00;
	v2 =	vlaneseq.u32  }
0x2bb: {  	v0 =	vimm.s32 $0x40000000;
	v10 =	vor.u32 $0x80000070, v2;
	v9 =	vor.u32 $0x80000060, v2  }
0x2bc: {  	v8 =	vor.u32 $0x80000050, v2;
	v7 =	vor.u32 $0x80000040, v2;
	v6 =	vor.u32 $0x80000030, v2  }
0x2bd: {  	s8 =	simm.s32 $0x1;
	v11 =	vld [tilespmem:$0xC480];
	s9 =	simm.s32 $0x1;
	v5 =	vor.u32 $0x80000020, v2;
	v3 =	vor.u32 $0x80000010, v2;
	v4 =	vor.u32 $0x80000000, v2  }
.LBB2_3:
0x2be: {  	p0 =	sne.s32 s9, $0x9;
	v12 =	vld [tilespmem:$0xC490]  }
0x2bf: {  	v13 =	vld [tilespmem:$0xC4A0]  }
0x2c0: {  	v14 =	vld [tilespmem:$0xC4B0]  }
0x2c1: {  	v15 =	vld [tilespmem:$0xC4C0]  }
0x2c2: {  	v16 =	vmax.f32 v11, $-2.000000000e+00;
	v17 =	vld [tilespmem:$0xC4D0]  }
0x2c3: {  	v16 =	vmax.f32 v16, v12;
	v18 =	vld [tilespmem:$0xC4E0]  }
0x2c4: {  	v16 =	vmax.f32 v16, v13;
	v19 =	vld [tilespmem:$0xC4F0]  }
0x2c5: {  	v16 =	vmax.f32 v16, v14  }
0x2c6: {  	v16 =	vmax.f32 v16, v15  }
0x2c7: {  	v16 =	vmax.f32 v16, v17  }
0x2c8: {  	v16 =	vmax.f32 v16, v18  }
0x2c9: {  	v16 =	vmax.f32 v16, v19  }
0x2ca: {  	(xrf0) =	vmax.scan.msk.f32 $0xffff, v16;
	_ =	sdelay $0x5  }
0x2cb: {  	v16, _, _ =	vpop (xrf0)  }
0x2cc: {  	v20 =	vmov s7;
	s7 =	smov.u32 s9;
	v16 =	vbroadcast v16, $0xF  }
0x2cd: {  	vm0 =	veq.s32 v20, v2  }
0x2ce: {  	vm1 =	veq.f32 v19, v16;
	v1 =	vsel vm0, v16, v1  }
0x2cf: {  	vm2 =	veq.f32 v18, v16;
	v18 =	vnsel vm1, $0xC0000000, v10  }
0x2d0: {  	vm1 =	veq.f32 v17, v16;
	v17 =	vsel vm2, v9, v18  }
0x2d1: {  	vm2 =	veq.f32 v15, v16;
	v15 =	vsel vm1, v8, v17  }
0x2d2: {  	vm1 =	veq.f32 v14, v16;
	v14 =	vsel vm2, v7, v15  }
0x2d3: {  	vm2 =	veq.f32 v13, v16;
	v13 =	vsel vm1, v6, v14  }
0x2d4: {  	vm1 =	veq.f32 v12, v16;
	v12 =	vsel vm2, v5, v13  }
0x2d5: {  	vm2 =	veq.f32 v11, v16;
	v11 =	vsel vm1, v3, v12  }
0x2d6: {  	v11 =	vsel vm2, v4, v11  }
0x2d7: {  	(xrf0) =	vmin.scan.msk.u32 $0xffff, v11;
	_ =	sdelay $0x5  }
0x2d8: {  	v11, _, _ =	vpop (xrf0)  }
0x2d9: {  	(v2sf) =	vpush v11, $0xF;
	_ =	sdelay $0xe  }
0x2da: {  	s10 =	spop (v2sf)  }
0x2db: {  	s11 =	sxor.u32 $0x80000000, s10  }
0x2dc: {  	p2 =	sgt.s32 s10, $0xFFFFFFFF;
	s10 =	sand.u32 $0xF, s10;
	p1 =	slt.s32 s11, $0x1  }
0x2dd: {  	s12 =	sshra.s32 s11, $0x1F;
	p1 =	por p2, p1;
	p2 =	sne.s32 s10, $0x0  }
0x2de: {  	s10 =	sadd.s32 s3, s11;
	s12 =	sshrl.u32 s12, $0x1C;
	p1 =	por !p2, !p1  }
0x2df: {  	v0 =	vsel vm0, s10, v0;
	s10 =	sadd.s32 s12, s11;
	s12 =	simm.s32 $0x1;
	p1 =	por !p1, !p1  }
0x2e0: {  	s10 =	sshrl.u32 s10, $0x4;
	s12 =	simm.s32 @!p1 $0x0  }
0x2e1: {  	s10 =	ssub.s32 s10, s12  }
0x2e2: {  	s10 =	sshll.u32 s10, $0x4  }
0x2e3: {  	v11 =	vld [tilespmem:s10+$0xC480];
	_ =	sdelay $0x1  }
0x2e4: {  	s11 =	ssub.s32 s11, s10  }
.Ltmp1:
0x2e5: {  	v12 =	vmov s11;
	(pc) =	sbr.rel @p0 .LBB2_3-.Ltmp1, $4  }
0x2e6: {  	vm0 =	veq.s32 v12, v2  }
0x2e7: {  	v11 =	vsel vm0, $0xBF800000, v11  }
0x2e8: {  	[tilespmem:s10+$0xC480] =	vst v11  }
0x2e9: {  	s9 =	sadd.s32 $0x1, s9;
	v11 =	vld [tilespmem:$0xC480]  }
0x2ea: {  	v12 =	vld [tilespmem:$0xC490]  }
0x2eb: {  	v13 =	vld [tilespmem:$0xC4A0]  }
0x2ec: {  	v14 =	vld [tilespmem:$0xC4B0]  }
0x2ed: {  	v15 =	vld [tilespmem:$0xC4C0]  }
0x2ee: {  	v17 =	vld [tilespmem:$0xC4D0];
	v16 =	vmax.f32 v11, $-2.000000000e+00  }
0x2ef: {  	v18 =	vld [tilespmem:$0xC4E0];
	v16 =	vmax.f32 v16, v12  }
0x2f0: {  	v19 =	vld [tilespmem:$0xC4F0];
	v16 =	vmax.f32 v16, v13  }
0x2f1: {  	v16 =	vmax.f32 v16, v14  }
0x2f2: {  	v16 =	vmax.f32 v16, v15  }
0x2f3: {  	v16 =	vmax.f32 v16, v17  }
0x2f4: {  	v16 =	vmax.f32 v16, v18  }
0x2f5: {  	v16 =	vmax.f32 v16, v19  }
0x2f6: {  	(xrf0) =	vmax.scan.msk.f32 $0xffff, v16;
	_ =	sdelay $0x5  }
0x2f7: {  	v16, _, _ =	vpop (xrf0)  }
0x2f8: {  	v16 =	vbroadcast v16, $0xF;
	_ =	sdelay $0x1  }
0x2f9: {  	vm0 =	veq.f32 v19, v16  }
0x2fa: {  	vm1 =	veq.f32 v18, v16;
	v10 =	vnsel vm0, $0xC0000000, v10  }
0x2fb: {  	vm11 =	veq.f32 v17, v16;
	v9 =	vsel vm1, v9, v10  }
0x2fc: {  	vm12 =	veq.f32 v15, v16;
	v8 =	vsel vm11, v8, v9  }
0x2fd: {  	vm13 =	veq.f32 v14, v16;
	v7 =	vsel vm12, v7, v8  }
0x2fe: {  	vm14 =	veq.f32 v13, v16;
	v6 =	vsel vm13, v6, v7  }
0x2ff: {  	vm15 =	veq.f32 v12, v16;
	v5 =	vsel vm14, v5, v6  }
0x300: {  	vm4 =	veq.f32 v11, v16;
	v3 =	vsel vm15, v3, v5  }
0x301: {  	v3 =	vsel vm4, v4, v3  }
0x302: {  	(xrf0) =	vmin.scan.msk.u32 $0xffff, v3;
	_ =	sdelay $0x5  }
0x303: {  	v3, _, _ =	vpop (xrf0)  }
0x304: {  	(v2sf) =	vpush v3, $0xF;
	_ =	sdelay $0xa  }
0x305: {  	v3 =	vld [tilespmem:$0x1FF70];
	_ =	sdelay $0x3  }
0x306: {  	s9 =	spop (v2sf)  }
0x307: {  	(v2sf) =	vpush v3, $0x3;
	v3 =	vld [tilespmem:$0x1FF30];
	s10 =	sxor.u32 $0x80000000, s9  }
0x308: {  	p1 =	sgt.s32 s9, $0xFFFFFFFF;
	s9 =	sand.u32 $0xF, s9;
	p0 =	slt.s32 s10, $0x1  }
0x309: {  	s11 =	sshra.s32 s10, $0x1F;
	p4 =	sne.s32 s9, $0x0;
	p0 =	por p1, p0  }
0x30a: {  	s17 =	sshrl.u32 s11, $0x1C;
	p0 =	por !p4, !p0  }
0x30b: {  	s9 =	sadd.s32 s17, s10;
	p0 =	por !p0, !p0  }
0x30c: {  	(v2sf) =	vpush v3, $0x9;
	s9 =	sshrl.u32 s9, $0x4;
	s8 =	simm.s32 @!p0 $0x0  }
0x30d: {  	(v2sf) =	vpush v3, $0xA;
	s8 =	ssub.s32 s9, s8  }
0x30e: {  	s8 =	sshll.u32 s8, $0x4  }
0x30f: {  	v3 =	vld [tilespmem:s8+$0xC480];
	_ =	sdelay $0x1  }
0x310: {  	s18 =	ssub.s32 s10, s8  }
0x311: {  	v43 =	vmov s18  }
0x312: {  	v44 =	vmov s7;
	vm5 =	veq.s32 v43, v2  }
0x313: {  	vm6 =	veq.s32 v44, v2;
	v2 =	vsel vm5, $0xBF800000, v3  }
0x314: {  	v1 =	vsel vm6, v16, v1;
	s19 =	sadd.s32 s3, s10;
	[tilespmem:s8+$0xC480] =	vst v2  }
0x315: {  	v0 =	vsel vm6, s19, v0;
	[tilespmem:$0xC500] =	vst v1  }
0x316: {  	[tilespmem:$0xC580] =	vst v0;
	v0 =	vimm.f32 $-1.000000000e+00  }
0x317: {  	s7 =	sshll.u32 s1, $0x4;
	[tilespmem:$0xC510] =	vst v0;
	v0 =	vimm.s32 $0x40000000  }
0x318: {  	s21 =	simm.s32 $0xC500;
	s20 =	sadd.s32 s7, s6;
	s9 =	spop (v2sf);
	[tilespmem:$0xC590] =	vst v0  }
0x319: {  	[spmem:s20] =	stream.linear.scatter [tilespmem:s21], [sflag:$0x1], $0x10, $0x38;
	[tilespmem:$0xC8A0] =	vst v63  }
0x31a: {  	s12 =	spop (v2sf)  }
0x31b: {  	s8 =	simm.s32 $0x1;
	s22 =	spop (v2sf)  }
0x31c: {  	_ =	swait.ge [sflag:s8], $0x10  }
0x31d: {  	[sflag:s8] =	ssyncset.done $0x0  }
0x31e: {  	s13 =	simm.s32 $0xC580;
	s23 =	sadd.s32 s7, s5;
	[sflag:s8] =	ssyncadd.s32 $0xFFFFFFF0  }
0x31f: {  	[spmem:s23] =	stream.linear.scatter [tilespmem:s13], [sflag:$0x1], $0x10, $0x38;
	[tilespmem:$0xC8A0] =	vst v63  }
0x320: {  	_ =	swait.ge [sflag:s8], $0x10  }
0x321: {  	[sflag:s8] =	ssyncset.done $0x0  }
0x322: {  	[sflag:s8] =	ssyncadd.s32 $0xFFFFFFF0  }
0x323: {  	s24 =	simm.s32 $0xC600;
	[bflag:$0x0] =	sbarrier.arrive $0xFFFF  }
0x324: {  	[tilespmem:s24], [sflag:$0x1] =	stream.linear.gather [spmem:s6], $0x100, $0x38;
	[tilespmem:$0xC8A0] =	vst v63  }
0x325: {  	_ =	swait.ge [sflag:s8], $0x100  }
0x326: {  	[sflag:s8] =	ssyncset.done $0x0  }
0x327: {  	s25 =	simm.s32 $0xC700;
	[sflag:s8] =	ssyncadd.s32 $0xFFFFFF00  }
0x328: {  	[tilespmem:s25], [sflag:$0x1] =	stream.linear.gather [spmem:s5], $0x100, $0x38;
	[tilespmem:$0xC8A0] =	vst v63  }
0x329: {  	_ =	swait.ge [sflag:s8], $0x100  }
0x32a: {  	[sflag:s8] =	ssyncset.done $0x0  }
0x32b: {  	v0 =	vimm.s32 $0x0;
	[sflag:s8] =	ssyncadd.s32 $0xFFFFFF00  }
0x32c: {  	[tilespmem:$0xC800] =	vst v0  }
0x32d: {  	[tilespmem:$0xC810] =	vst v0;
	v45 =	vld [tilespmem:$0xC620]  }
0x32e: {  	[tilespmem:$0xC820] =	vst v0;
	v47 =	vld [tilespmem:$0xC650]  }
0x32f: {  	[tilespmem:$0xC830] =	vst v0;
	v48 =	vld [tilespmem:$0xC630]  }
0x330: {  	[tilespmem:$0xC840] =	vst v0;
	v49 =	vld [tilespmem:$0xC610]  }
0x331: {  	[tilespmem:$0xC850] =	vst v0;
	v50 =	vld [tilespmem:$0xC600]  }
0x332: {  	[tilespmem:$0xC860] =	vst v0;
	v51 =	vld [tilespmem:$0xC730]  }
0x333: {  	s26 =	simm.s32 $0x0;
	[tilespmem:$0xC870] =	vst v0;
	v52 =	vld [tilespmem:$0xC700]  }
0x334: {  	v3 =	vld [tilespmem:s26+$0xC500]  }
0x335: {  	v46 =	vld [tilespmem:s26+$0xC580]  }
0x336: {  	v53 =	vld [tilespmem:$0xC720]  }
0x337: {  	v54 =	vld [tilespmem:$0xC750]  }
0x338: {  	v55 =	vld [tilespmem:$0xC660]  }
0x339: {  	v56 =	vld [tilespmem:$0xC760];
	v2 =	vbroadcast v3, $0x0  }
0x33a: {  	v58 =	vld [tilespmem:$0xC780];
	v1 =	vbroadcast v46, $0x0;
	(v2sf) =	vpush v46, $0x0  }
0x33b: {  	v60 =	vld [tilespmem:$0xC680];
	(v2sf) =	vpush v3, $0x0;
	vm7 =	vgt.f32 v50, v2  }
0x33c: {  	v61 =	vld [tilespmem:$0xC710];
	vm8 =	vgt.f32 v45, v2;
	vm3 =	vlt.s32 v51, v1;
	vm9 =	veq.f32 v50, v2  }
0x33d: {  	v63 =	vld [tilespmem:$0xC690];
	vm2 =	vlt.s32 v52, v1;
	vm4 =	vgt.f32 v49, v2;
	vm10 =	veq.f32 v47, v2  }
0x33e: {  	v24 =	vld [tilespmem:$0xC640];
	vm11 =	vlt.s32 v54, v1;
	vm12 =	veq.f32 v45, v2;
	vm13 =	vlt.s32 v53, v1  }
0x33f: {  	v21 =	vld [tilespmem:$0xC790];
	vm5 =	veq.f32 v55, v2;
	vm6 =	vlt.s32 v56, v1;
	vm14 =	vlt.s32 v58, v1  }
0x340: {  	v22 =	vld [tilespmem:$0xC740];
	vm15 =	veq.f32 v60, v2;
	v57 =	vsel vm7, $0x1, v0;
	v59 =	vsel vm8, $0x1, v0  }
0x341: {  	vm0 =	vmand vm9, vm2;
	vm1 =	vmand vm10, vm11;
	vm7 =	veq.f32 v48, v2  }
0x342: {  	v36 =	vld [tilespmem:$0xC6A0];
	vm2 =	vmand vm5, vm6;
	vm9 =	veq.f32 v49, v2;
	vm10 =	vlt.s32 v61, v1  }
0x343: {  	v27 =	vsel vm4, $0x1, v0;
	vm11 =	veq.f32 v63, v2;
	vm8 =	vgt.f32 v24, v2  }
0x344: {  	v62 =	vsel vm0, $0x1, v0;
	vm0 =	vmand vm12, vm13;
	vm5 =	vmand vm7, vm3  }
0x345: {  	v25 =	vld [tilespmem:$0xC770];
	vm3 =	vmand vm15, vm14;
	vm12 =	vlt.s32 v21, v1;
	vm13 =	vlt.s32 v22, v1  }
0x346: {  	v28 =	vld [tilespmem:$0xC7B0];
	v32 =	vsel vm1, $0x1, v0;
	vm14 =	veq.f32 v24, v2;
	vm15 =	vgt.f32 v48, v2  }
0x347: {  	v33 =	vld [tilespmem:$0xC670];
	v35 =	vsel vm8, $0x1, v0;
	vm8 =	veq.f32 v36, v2;
	v41 =	vsel vm2, $0x1, v0  }
0x348: {  	v23 =	vsel vm0, $0x1, v0;
	vm0 =	vmand vm9, vm10;
	v26 =	vadd.s32 v57, v62  }
0x349: {  	vm1 =	vmand vm14, vm13;
	v29 =	vsel vm0, $0x1, v0;
	v30 =	vadd.s32 v27, v26  }
0x34a: {  	v7 =	vsel vm15, $0x1, v0;
	v34 =	vsel vm5, $0x1, v0;
	v4 =	vadd.s32 v29, v30  }
0x34b: {  	v46 =	vld [tilespmem:$0xC6D0];
	vm9 =	vlt.s32 v25, v1;
	vm10 =	vlt.s32 v28, v1;
	v4 =	vadd.s32 v59, v4  }
0x34c: {  	v31 =	vld [tilespmem:$0xC6B0];
	vm13 =	vgt.f32 v33, v2;
	v39 =	vsel vm3, $0x1, v0;
	v4 =	vadd.s32 v23, v4  }
0x34d: {  	v38 =	vld [tilespmem:$0xC7A0];
	vm14 =	veq.f32 v33, v2;
	vm15 =	vgt.f32 v55, v2;
	v4 =	vadd.s32 v7, v4  }
0x34e: {  	v43 =	vld [tilespmem:$0xC6C0];
	vm5 =	vgt.f32 v36, v2;
	vm0 =	vmand vm11, vm12;
	v4 =	vadd.s32 v34, v4  }
0x34f: {  	v44 =	vld [tilespmem:$0xC7C0];
	v37 =	vsel vm1, $0x1, v0;
	vm12 =	vgt.f32 v47, v2;
	v4 =	vadd.s32 v35, v4  }
0x350: {  	vm6 =	veq.f32 v46, v2;
	v6 =	vsel vm12, $0x1, v0;
	v4 =	vadd.s32 v37, v4  }
0x351: {  	vm11 =	veq.f32 v31, v2;
	vm3 =	vmand vm14, vm9;
	v4 =	vadd.s32 v6, v4  }
0x352: {  	v40 =	vsel vm15, $0x1, v0;
	vm9 =	vlt.s32 v38, v1;
	v4 =	vadd.s32 v32, v4  }
0x353: {  	v42 =	vsel vm13, $0x1, v0;
	vm13 =	veq.f32 v43, v2;
	v4 =	vadd.s32 v40, v4  }
0x354: {  	vm14 =	vlt.s32 v44, v1;
	vm1 =	vmand vm11, vm10;
	v4 =	vadd.s32 v41, v4  }
0x355: {  	v51 =	vld [tilespmem:$0xC6E0];
	vm10 =	vgt.f32 v60, v2;
	v47 =	vsel vm3, $0x1, v0;
	v4 =	vadd.s32 v42, v4  }
0x356: {  	v56 =	vld [tilespmem:$0xC6F0];
	v55 =	vsel vm5, $0x1, v0;
	v48 =	vsel vm10, $0x1, v0;
	v4 =	vadd.s32 v47, v4  }
0x357: {  	vm2 =	vmand vm8, vm9;
	vm12 =	vgt.f32 v63, v2;
	v4 =	vadd.s32 v48, v4  }
0x358: {  	v49 =	vld [tilespmem:$0xC7D0];
	vm11 =	vgt.f32 v31, v2;
	v52 =	vsel vm12, $0x1, v0;
	v4 =	vadd.s32 v39, v4  }
0x359: {  	v53 =	vld [tilespmem:$0xC7E0];
	v54 =	vsel vm0, $0x1, v0;
	vm15 =	vmand vm13, vm14;
	v4 =	vadd.s32 v52, v4  }
0x35a: {  	vm8 =	vgt.f32 v43, v2;
	vm9 =	veq.f32 v51, v2;
	v4 =	vadd.s32 v54, v4  }
0x35b: {  	vm13 =	vgt.f32 v56, v2;
	v45 =	vsel vm2, $0x1, v0;
	v4 =	vadd.s32 v55, v4  }
0x35c: {  	vm14 =	veq.f32 v56, v2;
	v50 =	vsel vm11, $0x1, v0;
	v4 =	vadd.s32 v45, v4  }
0x35d: {  	vm7 =	vlt.s32 v49, v1;
	v57 =	vsel vm1, $0x1, v0;
	v4 =	vadd.s32 v50, v4  }
0x35e: {  	v3 =	vld [tilespmem:$0xC7F0];
	v58 =	vsel vm8, $0x1, v0;
	vm10 =	vlt.s32 v53, v1;
	v4 =	vadd.s32 v57, v4  }
0x35f: {  	v59 =	vsel vm15, $0x1, v0;
	vm11 =	vgt.f32 v46, v2;
	v4 =	vadd.s32 v58, v4  }
0x360: {  	vm2 =	vmand vm6, vm7;
	v60 =	vsel vm11, $0x1, v0;
	v4 =	vadd.s32 v59, v4  }
0x361: {  	vm12 =	vgt.f32 v51, v2;
	v61 =	vsel vm2, $0x1, v0;
	v4 =	vadd.s32 v60, v4  }
0x362: {  	vm1 =	vmand vm9, vm10;
	v62 =	vsel vm12, $0x1, v0;
	v2 =	vadd.s32 v61, v4  }
0x363: {  	vm15 =	vlt.s32 v3, v1;
	v63 =	vsel vm1, $0x1, v0;
	v1 =	vadd.s32 v62, v2  }
0x364: {  	vm0 =	vmand vm14, vm15;
	v2 =	vsel vm13, $0x1, v0;
	v1 =	vadd.s32 v63, v1  }
0x365: {  	v3 =	vsel vm0, $0x1, v0;
	v1 =	vadd.s32 v2, v1  }
0x366: {  	s28 =	spop (v2sf);
	v1 =	vadd.s32 v3, v1  }
0x367: {  	s6 =	simm.s32 $0x1;
	s11 =	ssub.s32 s28, s3;
	p0 =	sne.s32 s28, s3;
	(xrf0) =	vadd.scan.msk.s32 $0xffff, v1  }
0x368: {  	s29 =	sshra.s32 s11, $0x1F;
	s6 =	simm.s32 @!p0 $0x0  }
0x369: {  	s5 =	sand.u32 $0xF, s28;
	s6 =	sor.u32 s6, s29  }
0x36a: {  	p6 =	sne.s32 s5, $0x0;
	p5 =	sne.s32 s6, $0x1  }
0x36b: {  	s10 =	simm.s32 $0x4;
	s30 =	sshrl.u32 s29, $0x1C;
	p0 =	por !p6, !p5  }
0x36c: {  	s13 =	simm.s32 $0x1;
	s31 =	sadd.s32 s30, s11;
	p0 =	por !p0, !p0  }
0x36d: {  	s5 =	scvt.f32.s32 s12;
	s12 =	sshrl.u32 s31, $0x4;
	s13 =	simm.s32 @!p0 $0x0;
	v2, _, _ =	vpop (xrf0)  }
0x36e: {  	s6 =	scvt.f32.s32 s22;
	s12 =	ssub.s32 s12, s13;
	s13 =	spop (v2sf);
	v1 =	vlaneseq.u32;
	(v2sf) =	vpush v2, $0xF  }
.LBB2_5:
0x36f: {  	_ =	sdelay $0xd  }
0x370: {  	p1 =	sgt.f32 s13, s9;
	s12 =	sshll.u32 s12, $0x4;
	s25 =	spop (v2sf)  }
0x371: {  	v2 =	vld [tilespmem:s12+$0xC800];
	p2 =	slt.s32 s25, s5  }
0x372: {  	p1 =	por !p1, !p2  }
0x373: {  	s11 =	ssub.s32 s11, s12;
	p4 =	slt.s32 s25, s6;
	p1 =	por !p1, !p1  }
0x374: {  	v3 =	vmov s11;
	s11 =	simm.s32 $0x1;
	p1 =	por p4, p1  }
0x375: {  	vm0 =	veq.s32 v3, v1;
	s11 =	simm.s32 @!p1 $0x0  }
0x376: {  	v2 =	vsel vm0, s11, v2  }
0x377: {  	s14 =	smov.u32 s10;
	[tilespmem:s12+$0xC800] =	vst v2  }
0x378: {  	s26 =	sshra.s32 s14, $0x2;
	v7 =	vld [tilespmem:$0xC620]  }
0x379: {  	v2 =	vld [tilespmem:s26+$0xC580]  }
0x37a: {  	v8 =	vld [tilespmem:$0xC650]  }
0x37b: {  	v9 =	vld [tilespmem:$0xC630]  }
0x37c: {  	v10 =	vld [tilespmem:$0xC610]  }
0x37d: {  	v12 =	vld [tilespmem:$0xC700]  }
0x37e: {  	v4 =	vld [tilespmem:$0xC6C0]  }
0x37f: {  	v13 =	vld [tilespmem:$0xC600]  }
0x380: {  	v14 =	vld [tilespmem:s26+$0xC500]  }
0x381: {  	v15 =	vld [tilespmem:$0xC730]  }
0x382: {  	v16 =	vld [tilespmem:$0xC720]  }
0x383: {  	v17 =	vld [tilespmem:$0xC740]  }
0x384: {  	v6 =	vld [tilespmem:$0xC660]  }
0x385: {  	v55 =	vld [tilespmem:$0xC750];
	(v2sf) =	vpush v2, $0x0;
	v3 =	vbroadcast v14, $0x0;
	v2 =	vbroadcast v2, $0x0  }
0x386: {  	v57 =	vimm.s32 $0x0;
	v19 =	vimm.s32 $0x0;
	v58 =	vld [tilespmem:$0xC760];
	(v2sf) =	vpush v14, $0x0  }
0x387: {  	v11 =	vld [tilespmem:$0xC710];
	vm15 =	vgt.f32 v13, v3;
	vm2 =	vgt.f32 v7, v3;
	vm5 =	vlt.s32 v15, v2  }
0x388: {  	v56 =	vld [tilespmem:$0xC690];
	vm4 =	vgt.f32 v10, v3;
	vm8 =	vlt.s32 v17, v2;
	vm9 =	veq.f32 v13, v3  }
0x389: {  	v60 =	vld [tilespmem:$0xC670];
	vm3 =	vlt.s32 v12, v2;
	vm7 =	veq.f32 v10, v3;
	vm1 =	veq.f32 v4, v3  }
0x38a: {  	v63 =	vld [tilespmem:$0xC640];
	vm11 =	veq.f32 v9, v3;
	vm10 =	veq.f32 v8, v3;
	vm12 =	vlt.s32 v55, v2  }
0x38b: {  	v20 =	vld [tilespmem:$0xC780];
	vm13 =	veq.f32 v6, v3;
	vm14 =	vlt.s32 v58, v2;
	vm6 =	vlt.s32 v16, v2  }
0x38c: {  	v61 =	vld [tilespmem:$0xC770];
	v18 =	vsel vm15, $0x1, v0;
	v17 =	vsel vm8, $0xFFFFFFFF, v57;
	v59 =	vsel vm2, $0x1, v0  }
0x38d: {  	v21 =	vld [tilespmem:$0xC680];
	vm0 =	vmand vm9, vm3;
	v19 =	vsel vm1, $0xFFFFFFFF, v19;
	vm9 =	vlt.s32 v11, v2  }
0x38e: {  	v23 =	vld [tilespmem:$0xC790];
	vm8 =	vmand vm10, vm12;
	vm15 =	veq.f32 v7, v3;
	vm2 =	vmand vm13, vm14  }
0x38f: {  	v30 =	vld [tilespmem:$0xC6B0];
	vm12 =	vgt.f32 v9, v3;
	vm3 =	vgt.f32 v60, v3;
	vm1 =	veq.f32 v63, v3  }
0x390: {  	vm14 =	vlt.s32 v20, v2;
	vm13 =	vgt.f32 v8, v3;
	v27 =	vsel vm4, $0x1, v0  }
0x391: {  	v62 =	vsel vm0, $0x1, v0;
	vm10 =	vmand vm15, vm6;
	vm6 =	vlt.s32 v61, v2  }
0x392: {  	v22 =	vld [tilespmem:$0xC6A0];
	vm0 =	veq.f32 v56, v3;
	vm15 =	vmand vm11, vm5;
	vm5 =	vgt.f32 v21, v3  }
0x393: {  	vm11 =	veq.f32 v21, v3;
	vm7 =	vmand vm7, vm9;
	vm9 =	vlt.s32 v23, v2  }
0x394: {  	[tilespmem:$0x1F2F0] =	vst v17;
	v31 =	vsel vm8, $0x1, v0;
	v33 =	vsel vm12, $0x1, v0;
	vm12 =	veq.f32 v30, v3  }
0x395: {  	v38 =	vsel vm13, $0x1, v0;
	v42 =	vsel vm2, $0x1, v0;
	v18 =	vadd.s32 v18, v62;
	v32 =	vld [tilespmem:$0x1F2F0]  }
0x396: {  	v43 =	vsel vm3, $0x1, v0;
	v29 =	vsel vm7, $0x1, v0;
	v28 =	vadd.s32 v27, v18  }
0x397: {  	vm2 =	vgt.f32 v4, v3;
	vm13 =	vgt.f32 v22, v3;
	v9 =	vadd.s32 v29, v28  }
0x398: {  	v25 =	vld [tilespmem:$0xC7A0];
	v24 =	vsel vm10, $0x1, v0;
	vm10 =	veq.f32 v60, v3;
	v9 =	vadd.s32 v59, v9  }
0x399: {  	vm4 =	vmand vm0, vm9;
	vm0 =	vgt.f32 v63, v3;
	v9 =	vadd.s32 v24, v9  }
0x39a: {  	v35 =	vsel vm15, $0x1, v0;
	vm8 =	vnez.u8 v32;
	v34 =	vadd.s32 v33, v9  }
0x39b: {  	v36 =	vsel vm0, $0x1, v0;
	vm1 =	vmand vm1, vm8;
	v8 =	vadd.s32 v35, v34  }
0x39c: {  	v50 =	vld [tilespmem:$0xC7D0];
	vm14 =	vmand vm11, vm14;
	v8 =	vadd.s32 v36, v8;
	v37 =	vsel vm1, $0x1, v0  }
0x39d: {  	vm11 =	veq.f32 v22, v3;
	vm7 =	vlt.s32 v25, v2;
	v8 =	vadd.s32 v37, v8  }
0x39e: {  	v39 =	vsel vm14, $0x1, v0;
	vm14 =	vgt.f32 v6, v3;
	v8 =	vadd.s32 v38, v8  }
0x39f: {  	v5 =	vld [tilespmem:$0xC7C0];
	vm15 =	vgt.f32 v56, v3;
	v41 =	vsel vm14, $0x1, v0;
	v40 =	vadd.s32 v31, v8  }
0x3a0: {  	v45 =	vld [tilespmem:$0xC6D0];
	v49 =	vsel vm5, $0x1, v0;
	v56 =	vsel vm13, $0x1, v0;
	v6 =	vadd.s32 v41, v40  }
0x3a1: {  	vm9 =	vlt.s32 v50, v2;
	vm6 =	vmand vm10, vm6;
	v6 =	vadd.s32 v42, v6  }
0x3a2: {  	v48 =	vld [tilespmem:$0xC6E0];
	v60 =	vsel vm2, $0x1, v0;
	v46 =	vsel vm6, $0x1, v0;
	v6 =	vadd.s32 v43, v6  }
0x3a3: {  	v26 =	vld [tilespmem:$0xC7B0];
	vm0 =	vgt.f32 v30, v3;
	vm10 =	vmand vm11, vm7;
	v6 =	vadd.s32 v46, v6  }
0x3a4: {  	v58 =	vld [tilespmem:$0xC7F0];
	[tilespmem:$0x1F300] =	vst v19;
	vm11 =	vlt.s32 v5, v2;
	v53 =	vsel vm15, $0x1, v0;
	v6 =	vadd.s32 v49, v6  }
0x3a5: {  	v51 =	vld [tilespmem:$0x1F300];
	v55 =	vsel vm4, $0x1, v0;
	vm15 =	veq.f32 v45, v3;
	v52 =	vadd.s32 v39, v6  }
0x3a6: {  	v57 =	vld [tilespmem:$0xC6F0];
	v44 =	vsel vm10, $0x1, v0;
	v47 =	vsel vm0, $0x1, v0;
	v4 =	vadd.s32 v53, v52  }
0x3a7: {  	vm14 =	vgt.f32 v45, v3;
	vm10 =	vgt.f32 v48, v3;
	v4 =	vadd.s32 v55, v4  }
0x3a8: {  	vm3 =	vmand vm15, vm9;
	vm8 =	vlt.s32 v26, v2;
	v4 =	vadd.s32 v56, v4  }
0x3a9: {  	v54 =	vld [tilespmem:$0xC7E0];
	vm15 =	vlt.s32 v58, v2;
	vm1 =	vmand vm12, vm8;
	v4 =	vadd.s32 v44, v4  }
0x3aa: {  	vm12 =	vnez.u8 v51;
	v59 =	vsel vm1, $0x1, v0;
	v4 =	vadd.s32 v47, v4  }
0x3ab: {  	vm13 =	vgt.f32 v57, v3;
	vm0 =	vmand vm12, vm11;
	v4 =	vadd.s32 v59, v4  }
0x3ac: {  	v62 =	vsel vm14, $0x1, v0;
	v61 =	vsel vm0, $0x1, v0;
	v4 =	vadd.s32 v60, v4  }
0x3ad: {  	vm14 =	veq.f32 v57, v3;
	v63 =	vsel vm3, $0x1, v0;
	v4 =	vadd.s32 v61, v4  }
0x3ae: {  	vm11 =	veq.f32 v48, v3;
	vm12 =	vlt.s32 v54, v2;
	v3 =	vadd.s32 v62, v4  }
0x3af: {  	vm1 =	vmand vm11, vm12;
	v2 =	vadd.s32 v63, v3;
	v3 =	vsel vm10, $0x1, v0  }
0x3b0: {  	v2 =	vadd.s32 v3, v2;
	v3 =	vsel vm1, $0x1, v0  }
0x3b1: {  	vm2 =	vmand vm14, vm15;
	v2 =	vadd.s32 v3, v2;
	v3 =	vsel vm13, $0x1, v0  }
0x3b2: {  	v2 =	vadd.s32 v3, v2;
	v3 =	vsel vm2, $0x1, v0  }
0x3b3: {  	s28 =	spop (v2sf);
	v2 =	vadd.s32 v3, v2  }
0x3b4: {  	s14 =	simm.s32 $0x1;
	s11 =	ssub.s32 s28, s3;
	p1 =	sne.s32 s28, s3;
	(xrf0) =	vadd.scan.msk.s32 $0xffff, v2  }
0x3b5: {  	s29 =	sshra.s32 s11, $0x1F;
	s14 =	simm.s32 @!p1 $0x0  }
0x3b6: {  	p0 =	sne.s32 s10, $0x24;
	s12 =	sand.u32 $0xF, s28;
	s13 =	sor.u32 s14, s29  }
.Ltmp2:
0x3b7: {  	p6 =	sne.s32 s12, $0x0;
	p5 =	sne.s32 s13, $0x1;
	(pc) =	sbr.rel @p0 .LBB2_5-.Ltmp2, $4  }
0x3b8: {  	s15 =	sshrl.u32 s29, $0x1C;
	p1 =	por !p6, !p5  }
0x3b9: {  	s30 =	sadd.s32 s15, s11;
	s13 =	simm.s32 $0x1;
	p1 =	por !p1, !p1  }
0x3ba: {  	s31 =	sshrl.u32 s30, $0x4;
	s13 =	simm.s32 @!p1 $0x0;
	v2, _, _ =	vpop (xrf0)  }
0x3bb: {  	s10 =	sadd.s32 $0x4, s10;
	s12 =	ssub.s32 s31, s13;
	s13 =	spop (v2sf);
	(v2sf) =	vpush v2, $0xF  }
0x3bc: {  	_ =	sdelay $0xd  }
0x3bd: {  	p0 =	sgt.f32 s13, s9;
	s3 =	sshll.u32 s12, $0x4;
	s24 =	spop (v2sf)  }
0x3be: {  	v0 =	vld [tilespmem:s3+$0xC800];
	p1 =	slt.s32 s24, s5  }
0x3bf: {  	p0 =	por !p0, !p1  }
0x3c0: {  	s25 =	ssub.s32 s11, s3;
	p6 =	slt.s32 s24, s6;
	p0 =	por !p0, !p0  }
0x3c1: {  	v2 =	vmov s25;
	p0 =	por p6, p0  }
0x3c2: {  	vm0 =	veq.s32 v2, v1;
	s8 =	simm.s32 @!p0 $0x0  }
0x3c3: {  	s26 =	sadd.s32 s4, s7;
	v0 =	vsel vm0, s8, v0  }
0x3c4: {  	s28 =	simm.s32 $0x0;
	s29 =	simm.s32 $0xC800;
	s30 =	simm.s32 $0x1;
	[tilespmem:s3+$0xC800] =	vst v0  }
0x3c5: {  	[hbm4b:s26+s28] =	stream.linear.scatter [tilespmem:s29], [sflag:$0x1], $0x80, $0x38;
	[tilespmem:$0xC8A0] =	vst v63  }
0x3c6: {  	_ =	swait.ge [sflag:s30], $0x80  }
0x3c7: {  	[sflag:s30] =	ssyncset.done $0x0  }
0x3c8: {  	s2 =	sadd.s32 s2, s7;
	s31 =	simm.s32 $0xC400;
	[sflag:s30] =	ssyncadd.s32 $0xFFFFFF80  }
0x3c9: {  	[hbm4b:s2+s28] =	stream.linear.scatter [tilespmem:s31], [sflag:$0x1], $0x80, $0x38;
	[tilespmem:$0xC8A0] =	vst v63  }
0x3ca: {  	_ =	swait.ge [sflag:s30], $0x80  }
0x3cb: {  	[sflag:s30] =	ssyncset.done $0x0  }
0x3cc: {  	[sflag:s30] =	ssyncadd.s32 $0xFFFFFF80  }
0x3cd: {  	_ =	sfence.sel $0x180000  }
0x3ce: {  	[bflag:$0x0] =	sbarrier.arrive $0xFFFF  }
0x3cf: {  	p0 =	sne.s32 s1, $0x0;
	_ =	strace $0x90000047  }
0x3d0: {  	s0 =	sadd.s32 @!p0 $0x100000, s0;
	[bflag:$0x2] =	sbarrier.arrive $0xFFFF  }
0x3d1: {  	[sflag:s0] =	ssyncadd.tile.s32 @!p0 $0x1;
	_ =	shalt  }
.Lfunc_end2:
_tile_overlayer_lowered:
.L_overlay_start_2:
0x3d2: {  	(tag) =	ssettag $0x2  }
0x3d3: {  	s0 =	rddreg [dreg:$0x0];
	s2 =	stileid.u32  }
0x3d4: {  	s1 =	rddreg [dreg:$0x1];
	p0 =	sne.s32 s2, $0x0  }
0x3d5: {  	s3 =	rddreg [dreg:$0x2];
	[bflag:$0x3] =	sbarrier.arrive $0xFFFF;
	s2 =	simm.s32 @!p0 $0x1C01  }
0x3d6: {  	[timem:s3], [sflag:s2] =	dma.local @!p0 [hbm:s0], s1  }
0x3d7: {  	s0 =	simm.s32 @!p0 $0x1  }
0x3d8: {  	_ =	swait.ge @!p0 [sflag:s0], s1  }
0x3d9: {  	s1 =	ssub.s32 @!p0 $0x0, s1;
	[sflag:s0] =	ssyncset.done @!p0 $0x0  }
0x3da: {  	[sflag:s0] =	ssyncadd.s32 @!p0 s1  }
0x3db: {  	[bflag:$0x3] =	sbarrier.arrive $0xFFFF  }
0x3dc: {  	_ =	shalt  }

</sc_bundles>
